<compile_context>
chip_gen: v7x
topology: tpu7x:2x2x1
jax: 0.10.2.dev20260603
libtpu: 0.0.44.dev20260713+nightly
codegen_flags: <defaults>
</compile_context>

<pallas_src>
import functools

import jax
import jax.numpy as jnp
from jax import lax
from jax.experimental import pallas as pl
from jax.experimental.pallas import tpu as pltpu
from jax.experimental.pallas import tpu_sc as plsc

L = 16
D = 128
K = 128
NC = 2
NS = 16
NW = NC * NS


def _agg_kernel(NP, NCH):
    ZR = NP // NS
    mesh = plsc.VectorSubcoreMesh(core_axis_name="c", subcore_axis_name="s")

    @functools.partial(
        pl.kernel,
        out_type=jax.ShapeDtypeStruct((NC, NP, D), jnp.float32),
        mesh=mesh,
        compiler_params=pltpu.CompilerParams(needs_layout_passes=False, use_tc_tiling_on_sc=False),
        scratch_types=[
            pltpu.VMEM((NP,), jnp.float32),
            pltpu.VMEM((K,), jnp.int32),
            pltpu.VMEM((K,), jnp.int32),
            pltpu.VMEM((K,), jnp.float32),
            pltpu.VMEM((K, D), jnp.float32),
            pltpu.VMEM_SHARED((NP, D), jnp.float32),
            pltpu.SemaphoreType.DMA,
        ],
    )
    def k(xw_hbm, dis_hbm, src_hbm, dst_hbm, ew_hbm, out_hbm,
          dis_v, src_v, dst_v, ew_v, rows, acc, sem):
        cid = lax.axis_index("c")
        sid = lax.axis_index("s")
        wid = cid * NS + sid
        zero = jnp.zeros((L,), jnp.float32)

        def zrow(i, _):
            for j in range(D // L):
                rows[i, pl.ds(j * L, L)] = zero
            return 0
        lax.fori_loop(0, K, zrow, 0)
        for c in range(ZR // K):
            pltpu.sync_copy(rows, acc.at[pl.ds(sid * ZR + c * K, K)])

        pltpu.sync_copy(dis_hbm.at[0], dis_v)
        plsc.subcore_barrier()

        def chunk(i, _):
            base = (wid * NCH + i) * K
            pltpu.sync_copy(src_hbm.at[pl.ds(base, K)], src_v)
            pltpu.sync_copy(dst_hbm.at[pl.ds(base, K)], dst_v)
            pltpu.sync_copy(ew_hbm.at[pl.ds(base, K)], ew_v)
            pltpu.async_copy(xw_hbm.at[src_v], rows, sem).wait()

            def grp(g, _):
                sl = pl.ds(g * L, L)
                s = src_v[sl]
                d = dst_v[sl]
                w = ew_v[sl]
                nvec = plsc.load_gather(dis_v, [s]) * w * plsc.load_gather(dis_v, [d])
                for e in range(L):
                    sc = nvec[e]
                    row = g * L + e
                    for j in range(D // L):
                        rj = pl.ds(j * L, L)
                        rows[row, rj] = rows[row, rj] * sc
                return 0
            lax.fori_loop(0, K // L, grp, 0)

            pltpu.sync_copy(rows, acc.at[dst_v], add=True)
            return 0
        lax.fori_loop(0, NCH, chunk, 0)

        plsc.subcore_barrier()
        pltpu.sync_copy(acc.at[pl.ds(sid * ZR, ZR)],
                        out_hbm.at[cid, pl.ds(sid * ZR, ZR)])

    return k


def _deg_kernel(NP, NCH):
    ZR = NP // NS
    mesh = plsc.VectorSubcoreMesh(core_axis_name="c", subcore_axis_name="s")

    @functools.partial(
        pl.kernel,
        out_type=jax.ShapeDtypeStruct((NC, NP, L), jnp.float32),
        mesh=mesh,
        compiler_params=pltpu.CompilerParams(needs_layout_passes=False, use_tc_tiling_on_sc=False),
        scratch_types=[
            pltpu.VMEM((K,), jnp.int32),
            pltpu.VMEM((K,), jnp.float32),
            pltpu.VMEM((K, L), jnp.float32),
            pltpu.VMEM((ZR, L), jnp.float32),
            pltpu.VMEM_SHARED((NP, L), jnp.float32),
        ],
    )
    def k(dst_hbm, ew_hbm, degp_hbm, dst_v, ew_v, msg, zbuf, deg_sp):
        cid = lax.axis_index("c")
        sid = lax.axis_index("s")
        wid = cid * NS + sid
        zero = jnp.zeros((L,), jnp.float32)

        def zz(i, _):
            zbuf[i] = zero
            return 0
        lax.fori_loop(0, ZR, zz, 0)
        pltpu.sync_copy(zbuf, deg_sp.at[pl.ds(sid * ZR, ZR)])
        plsc.subcore_barrier()

        def chunk(i, _):
            base = (wid * NCH + i) * K
            pltpu.sync_copy(dst_hbm.at[pl.ds(base, K)], dst_v)
            pltpu.sync_copy(ew_hbm.at[pl.ds(base, K)], ew_v)

            def grp(g, _):
                w = ew_v[pl.ds(g * L, L)]
                for e in range(L):
                    msg[g * L + e] = jnp.broadcast_to(w[e], (L,))
                return 0
            lax.fori_loop(0, K // L, grp, 0)

            pltpu.sync_copy(msg, deg_sp.at[dst_v], add=True)
            return 0
        lax.fori_loop(0, NCH, chunk, 0)

        plsc.subcore_barrier()
        pltpu.sync_copy(deg_sp.at[pl.ds(sid * ZR, ZR)],
                        degp_hbm.at[cid, pl.ds(sid * ZR, ZR)])

    return k


def _dis_tc(degp, NP):
    def body(degp_ref, dis_ref):
        dd = degp_ref[...]
        d = dd[0, :, 0] + dd[1, :, 0]
        d = d.reshape(1, -1)
        dis_ref[...] = jnp.where(d > 0, lax.rsqrt(jnp.maximum(d, 1e-12)), 0.0)
    return pl.pallas_call(
        body,
        out_shape=jax.ShapeDtypeStruct((1, NP), jnp.float32),
    )(degp)


def _mm_tc(x, w, NP):
    BM = 1024
    def body(x_ref, w_ref, o_ref):
        o_ref[...] = jnp.dot(x_ref[...], w_ref[...],
                             preferred_element_type=jnp.float32)
    return pl.pallas_call(
        body,
        grid=(NP // BM,),
        in_specs=[pl.BlockSpec((BM, D), lambda i: (i, 0)),
                  pl.BlockSpec((D, D), lambda i: (0, 0))],
        out_specs=pl.BlockSpec((BM, D), lambda i: (i, 0)),
        out_shape=jax.ShapeDtypeStruct((NP, D), jnp.float32),
    )(x, w)


def _mid_tc(pa, pb, b1, w2, NP):
    BM = 1024
    def body(pa_ref, pb_ref, b_ref, w_ref, xemb_ref, xw2_ref):
        xe = pa_ref[...] + pb_ref[...] + b_ref[...]
        xemb_ref[...] = xe
        h = jnp.maximum(xe, 0.0)
        xw2_ref[...] = jnp.dot(h, w_ref[...], preferred_element_type=jnp.float32)
    return pl.pallas_call(
        body,
        grid=(NP // BM,),
        in_specs=[pl.BlockSpec((BM, D), lambda i: (i, 0)),
                  pl.BlockSpec((BM, D), lambda i: (i, 0)),
                  pl.BlockSpec((1, D), lambda i: (0, 0)),
                  pl.BlockSpec((D, D), lambda i: (0, 0))],
        out_specs=[pl.BlockSpec((BM, D), lambda i: (i, 0)),
                   pl.BlockSpec((BM, D), lambda i: (i, 0))],
        out_shape=[jax.ShapeDtypeStruct((NP, D), jnp.float32),
                   jax.ShapeDtypeStruct((NP, D), jnp.float32)],
    )(pa, pb, b1, w2)


def _fin_tc(pa, pb, b2, NP):
    BM = 1024
    def body(pa_ref, pb_ref, b_ref, o_ref):
        o_ref[...] = pa_ref[...] + pb_ref[...] + b_ref[...]
    return pl.pallas_call(
        body,
        grid=(NP // BM,),
        in_specs=[pl.BlockSpec((BM, D), lambda i: (i, 0)),
                  pl.BlockSpec((BM, D), lambda i: (i, 0)),
                  pl.BlockSpec((1, D), lambda i: (0, 0))],
        out_specs=pl.BlockSpec((BM, D), lambda i: (i, 0)),
        out_shape=jax.ShapeDtypeStruct((NP, D), jnp.float32),
    )(pa, pb, b2)


def kernel(x, edge_index, edge_attr, W1, b1, W2, b2):
    n = x.shape[0]
    e = edge_index.shape[1]
    etot = e + n
    NP = ((n + NW * L - 1) // (NW * L)) * (NW * L)
    NCH = (etot + NW * K - 1) // (NW * K)
    EP = NCH * NW * K

    loop = jnp.arange(n, dtype=edge_index.dtype)
    src = jnp.concatenate([edge_index[0], loop])
    dst = jnp.concatenate([edge_index[1], loop])
    ew = jnp.concatenate([edge_attr, jnp.ones((n,), dtype=edge_attr.dtype)])
    src = jnp.pad(src, (0, EP - etot))
    dst = jnp.pad(dst, (0, EP - etot))
    ew = jnp.pad(ew, (0, EP - etot))
    xp = jnp.pad(x, ((0, NP - n), (0, 0)))
    b1r = b1.reshape(1, D)
    b2r = b2.reshape(1, D)

    degp = _deg_kernel(NP, NCH)(dst, ew)
    dis = _dis_tc(degp, NP)
    xw1 = _mm_tc(xp, W1, NP)
    p1 = _agg_kernel(NP, NCH)(xw1, dis, src, dst, ew)
    x_emb_p, xw2 = _mid_tc(p1[0], p1[1], b1r, W2, NP)
    p2 = _agg_kernel(NP, NCH)(xw2, dis, src, dst, ew)
    out_p = _fin_tc(p2[0], p2[1], b2r, NP)

    return (out_p[:n], x_emb_p[:n])

# --- scband reference (transcript-rebuilt; emitter-appended) ---
"""Pipeline reference for scband-supreme-40699110097618 (READ-ONLY COPY).

The authoritative reference and input builder live on the scoring server;
editing this copy changes nothing except your own understanding.
"""

import jax, jax.numpy as jnp
import numpy as np

N = 10000
E = 320000
D_IN = 128
D_HID = 128
D_OUT = 128


def setup_inputs(seed: int = 0) -> dict:
    key = jax.random.key(seed)
    ks = jax.random.split(key, 8)
    x = jax.random.normal(ks[0], (N, D_IN), dtype=jnp.float32)
    edge_index = jax.random.randint(ks[1], (2, E), 0, N, dtype=jnp.int32)
    edge_attr = jax.random.uniform(ks[2], (E,), dtype=jnp.float32)
    W1 = jax.random.normal(ks[3], (D_IN, D_HID), dtype=jnp.float32) * (1.0 / np.sqrt(D_IN))
    b1 = jnp.zeros((D_HID,), dtype=jnp.float32)
    W2 = jax.random.normal(ks[4], (D_HID, D_OUT), dtype=jnp.float32) * (1.0 / np.sqrt(D_HID))
    b2 = jnp.zeros((D_OUT,), dtype=jnp.float32)
    return {"x": x, "edge_index": edge_index, "edge_attr": edge_attr, "W1": W1, "b1": b1, "W2": W2, "b2": b2}


def _gcn_conv(x, src, dst, ew, W, b, n):
    # GCNConv: symmetric normalization D^{-1/2} A D^{-1/2} with edge weights,
    # self-loops already appended by caller (PyG default add_self_loops=True).
    deg = jnp.zeros((n,), dtype=x.dtype).at[dst].add(ew)
    deg_inv_sqrt = jnp.where(deg > 0, jax.lax.rsqrt(jnp.maximum(deg, 1e-12)), 0.0)
    norm = deg_inv_sqrt[src] * ew * deg_inv_sqrt[dst]
    xw = x @ W
    msg = norm[:, None] * jnp.take(xw, src, axis=0)
    out = jnp.zeros((n, W.shape[1]), dtype=x.dtype).at[dst].add(msg)
    return out + b


def reference(x, edge_index, edge_attr, W1, b1, W2, b2):
    n = x.shape[0]
    loop = jnp.arange(n, dtype=edge_index.dtype)
    src = jnp.concatenate([edge_index[0], loop])
    dst = jnp.concatenate([edge_index[1], loop])
    ew = jnp.concatenate([edge_attr, jnp.ones((n,), dtype=edge_attr.dtype)])
    x_emb = _gcn_conv(x, src, dst, ew, W1, b1, n)
    h = jax.nn.relu(x_emb)
    # drop_out=False -> no dropout; eval-mode dropout is identity anyway
    out = _gcn_conv(h, src, dst, ew, W2, b2, n)
    return (out, x_emb)

if __name__ == "__main__":
    import jax
    _d = setup_inputs()
    print(jax.jit(kernel)(*tuple(_d.values())))

</pallas_src>

<mosaic_0001>
#map = affine_map<(d0, d1) -> (0)>
#map1 = affine_map<(d0, d1) -> (0, 0, 0)>
module attributes {stable_mosaic.version = 14 : i64} {
  func.func @k(%arg0: i32, %arg1: i32, %arg2: memref<331776xi32, #tpu.memory_space<hbm>>, %arg3: memref<331776xf32, #tpu.memory_space<hbm>>, %arg4: memref<2x10240x16xf32, #tpu.memory_space<hbm>>, %arg5: memref<128xi32, #tpu.memory_space<vmem>>, %arg6: memref<128xf32, #tpu.memory_space<vmem>>, %arg7: memref<128x16xf32, #tpu.memory_space<vmem>>, %arg8: memref<640x16xf32, #tpu.memory_space<vmem>>, %arg9: memref<10240x16xf32, #tpu.memory_space<vmem_shared>>) attributes {dimension_semantics = [#tpu.dimension_semantics<core_parallel>, #tpu.dimension_semantics<subcore_parallel>], iteration_bounds = array<i64: 2, 16>, scalar_prefetch = 0 : i64, scratch_operands = 5 : i64, tpu.core_type = #tpu.core_type<sc_vector_subcore>, window_params = [{transform_indices = #map}, {transform_indices = #map}, {transform_indices = #map1}]} {
    %mul3A = arith.constant 16 : i32
    %mul3A_0 = arith.muli %arg0, %mul3A : i32
    %add3A = arith.addi %mul3A_0, %arg1 : i32
    %broadcast_in_dim3A = arith.constant 0.000000e+00 : f32
    %broadcast_in_dim3A_1 = vector.broadcast %broadcast_in_dim3A : f32 to vector<16xf32>
    %scan3A = arith.constant 0 : i32
    %scan3A_2 = arith.constant 0 : i32
    %scan3A_3 = arith.constant 640 : i32
    %scan3A_4 = arith.addi %scan3A_2, %scan3A_3 : i32
    %scan3A_5 = arith.constant 1 : i32
    %scan3A_6 = scf.for %scan3A_22 = %scan3A_2 to %scan3A_4 step %scan3A_5 iter_args(%scan3A_23 = %scan3A) -> (i32)  : i32 {
      %swap3A = arith.index_cast %scan3A_22 : i32 to index
      %swap3A_24 = arith.constant 0 : index
      %swap3A_25 = tpu.vector_load %arg8[%swap3A, %swap3A_24] {strides = array<i32>} : memref<640x16xf32, #tpu.memory_space<vmem>>, vector<16xf32>,
      tpu.vector_store %arg8[%swap3A, %swap3A_24], %broadcast_in_dim3A_1 {strides = array<i32>} : memref<640x16xf32, #tpu.memory_space<vmem>>, vector<16xf32>,
      %scan3A_26 = arith.constant 0 : i32
      scf.yield %scan3A_26 : i32
    }
    %scan3A_7 = arith.constant 640 : i32
    %mul3A_8 = arith.constant 640 : i32
    %mul3A_9 = arith.muli %arg1, %mul3A_8 : i32
    "tpu.region"() ({
      %run_scoped3A = tpu.sem_alloc : memref<!tpu.dma_semaphore, #tpu.memory_space<semaphore_mem>>
      %dma_start3A = arith.constant 0 : i32
      %dma_start3A_22 = tpu.memref_slice %arg9[%mul3A_9, %dma_start3A] : memref<10240x16xf32, #tpu.memory_space<vmem_shared>> -> memref<640x16xf32, #tpu.memory_space<vmem_shared>>
      %dma_start3A_23 = arith.constant 0 : i32
      %dma_start3A_24 = tpu.memref_slice %arg9[%mul3A_9, %dma_start3A_23] : memref<10240x16xf32, #tpu.memory_space<vmem_shared>> -> memref<640x16xf32, #tpu.memory_space<vmem_shared>>
      tpu.enqueue_dma source(%arg8 : memref<640x16xf32, #tpu.memory_space<vmem>>) target(%dma_start3A_24 : memref<640x16xf32, #tpu.memory_space<vmem_shared>>) target_semaphore(%run_scoped3A : memref<!tpu.dma_semaphore, #tpu.memory_space<semaphore_mem>>)
      %dma_wait3A = arith.constant 0 : i32
      %dma_wait3A_25 = tpu.memref_slice %arg9[%mul3A_9, %dma_wait3A] : memref<10240x16xf32, #tpu.memory_space<vmem_shared>> -> memref<640x16xf32, #tpu.memory_space<vmem_shared>>
      %dma_wait3A_26 = arith.constant 0 : i32
      %dma_wait3A_27 = tpu.memref_slice %arg9[%mul3A_9, %dma_wait3A_26] : memref<10240x16xf32, #tpu.memory_space<vmem_shared>> -> memref<640x16xf32, #tpu.memory_space<vmem_shared>>
      tpu.wait_dma2 semaphore(%run_scoped3A : memref<!tpu.dma_semaphore, #tpu.memory_space<semaphore_mem>>) src(%arg8 : memref<640x16xf32, #tpu.memory_space<vmem>>) dst(%dma_wait3A_27 : memref<640x16xf32, #tpu.memory_space<vmem_shared>>)
      tpu.yield
    }) : () -> ()
    %barrier3A = arith.constant 0 : index
    tpu.barrier barrier_id(%barrier3A)
    %scan3A_10 = arith.constant 0 : i32
    %scan3A_11 = arith.constant 0 : i32
    %scan3A_12 = arith.constant 81 : i32
    %scan3A_13 = arith.addi %scan3A_11, %scan3A_12 : i32
    %scan3A_14 = arith.constant 1 : i32
    %scan3A_15 = scf.for %scan3A_22 = %scan3A_11 to %scan3A_13 step %scan3A_14 iter_args(%scan3A_23 = %scan3A_10) -> (i32)  : i32 {
      %mul3A_24 = arith.constant 81 : i32
      %mul3A_25 = arith.muli %add3A, %mul3A_24 : i32
      %add3A_26 = arith.addi %mul3A_25, %scan3A_22 : i32
      %mul3A_27 = arith.constant 128 : i32
      %mul3A_28 = arith.muli %add3A_26, %mul3A_27 : i32
      "tpu.region"() ({
        %run_scoped3A = tpu.sem_alloc : memref<!tpu.dma_semaphore, #tpu.memory_space<semaphore_mem>>
        %dma_start3A = tpu.memref_slice %arg2[%mul3A_28] : memref<331776xi32, #tpu.memory_space<hbm>> -> memref<128xi32, #tpu.memory_space<hbm>>
        %dma_start3A_37 = tpu.memref_slice %arg2[%mul3A_28] : memref<331776xi32, #tpu.memory_space<hbm>> -> memref<128xi32, #tpu.memory_space<hbm>>
        tpu.enqueue_dma source(%dma_start3A_37 : memref<128xi32, #tpu.memory_space<hbm>>) target(%arg5 : memref<128xi32, #tpu.memory_space<vmem>>) target_semaphore(%run_scoped3A : memref<!tpu.dma_semaphore, #tpu.memory_space<semaphore_mem>>)
        %dma_wait3A = tpu.memref_slice %arg2[%mul3A_28] : memref<331776xi32, #tpu.memory_space<hbm>> -> memref<128xi32, #tpu.memory_space<hbm>>
        %dma_wait3A_38 = tpu.memref_slice %arg2[%mul3A_28] : memref<331776xi32, #tpu.memory_space<hbm>> -> memref<128xi32, #tpu.memory_space<hbm>>
        tpu.wait_dma2 semaphore(%run_scoped3A : memref<!tpu.dma_semaphore, #tpu.memory_space<semaphore_mem>>) src(%dma_wait3A_38 : memref<128xi32, #tpu.memory_space<hbm>>) dst(%arg5 : memref<128xi32, #tpu.memory_space<vmem>>)
        tpu.yield
      }) : () -> ()
      "tpu.region"() ({
        %run_scoped3A = tpu.sem_alloc : memref<!tpu.dma_semaphore, #tpu.memory_space<semaphore_mem>>
        %dma_start3A = tpu.memref_slice %arg3[%mul3A_28] : memref<331776xf32, #tpu.memory_space<hbm>> -> memref<128xf32, #tpu.memory_space<hbm>>
        %dma_start3A_37 = tpu.memref_slice %arg3[%mul3A_28] : memref<331776xf32, #tpu.memory_space<hbm>> -> memref<128xf32, #tpu.memory_space<hbm>>
        tpu.enqueue_dma source(%dma_start3A_37 : memref<128xf32, #tpu.memory_space<hbm>>) target(%arg6 : memref<128xf32, #tpu.memory_space<vmem>>) target_semaphore(%run_scoped3A : memref<!tpu.dma_semaphore, #tpu.memory_space<semaphore_mem>>)
        %dma_wait3A = tpu.memref_slice %arg3[%mul3A_28] : memref<331776xf32, #tpu.memory_space<hbm>> -> memref<128xf32, #tpu.memory_space<hbm>>
        %dma_wait3A_38 = tpu.memref_slice %arg3[%mul3A_28] : memref<331776xf32, #tpu.memory_space<hbm>> -> memref<128xf32, #tpu.memory_space<hbm>>
        tpu.wait_dma2 semaphore(%run_scoped3A : memref<!tpu.dma_semaphore, #tpu.memory_space<semaphore_mem>>) src(%dma_wait3A_38 : memref<128xf32, #tpu.memory_space<hbm>>) dst(%arg6 : memref<128xf32, #tpu.memory_space<vmem>>)
        tpu.yield
      }) : () -> ()
      %scan3A_29 = arith.constant 0 : i32
      %scan3A_30 = arith.constant 0 : i32
      %scan3A_31 = arith.constant 8 : i32
      %scan3A_32 = arith.addi %scan3A_30, %scan3A_31 : i32
      %scan3A_33 = arith.constant 1 : i32
      %scan3A_34 = scf.for %scan3A_37 = %scan3A_30 to %scan3A_32 step %scan3A_33 iter_args(%scan3A_38 = %scan3A_29) -> (i32)  : i32 {
        %mul3A_39 = arith.constant 16 : i32
        %mul3A_40 = arith.muli %scan3A_37, %mul3A_39 : i32
        %get3A = arith.index_cast %mul3A_40 : i32 to index
        %get3A_41 = tpu.vector_load %arg6[%get3A] {strides = array<i32>} : memref<128xf32, #tpu.memory_space<vmem>>, vector<16xf32>,
        %slice3A = vector.extract_strided_slice %get3A_41 {offsets = [0], sizes = [1], strides = [1]} : vector<16xf32> to vector<1xf32>
        %squeeze3A = vector.extract %slice3A[0] : f32 from vector<1xf32>
        %broadcast_in_dim3A_42 = vector.broadcast %squeeze3A : f32 to vector<16xf32>
        %mul3A_43 = arith.constant 16 : i32
        %mul3A_44 = arith.muli %scan3A_37, %mul3A_43 : i32
        %add3A_45 = arith.constant 0 : i32
        %add3A_46 = arith.addi %mul3A_44, %add3A_45 : i32
        %swap3A = arith.index_cast %add3A_46 : i32 to index
        %swap3A_47 = arith.constant 0 : index
        %swap3A_48 = tpu.vector_load %arg7[%swap3A, %swap3A_47] {strides = array<i32>} : memref<128x16xf32, #tpu.memory_space<vmem>>, vector<16xf32>,
        tpu.vector_store %arg7[%swap3A, %swap3A_47], %broadcast_in_dim3A_42 {strides = array<i32>} : memref<128x16xf32, #tpu.memory_space<vmem>>, vector<16xf32>,
        %slice3A_49 = vector.extract_strided_slice %get3A_41 {offsets = [1], sizes = [1], strides = [1]} : vector<16xf32> to vector<1xf32>
        %squeeze3A_50 = vector.extract %slice3A_49[0] : f32 from vector<1xf32>
        %broadcast_in_dim3A_51 = vector.broadcast %squeeze3A_50 : f32 to vector<16xf32>
        %mul3A_52 = arith.constant 16 : i32
        %mul3A_53 = arith.muli %scan3A_37, %mul3A_52 : i32
        %add3A_54 = arith.constant 1 : i32
        %add3A_55 = arith.addi %mul3A_53, %add3A_54 : i32
        %swap3A_56 = arith.index_cast %add3A_55 : i32 to index
        %swap3A_57 = arith.constant 0 : index
        %swap3A_58 = tpu.vector_load %arg7[%swap3A_56, %swap3A_57] {strides = array<i32>} : memref<128x16xf32, #tpu.memory_space<vmem>>, vector<16xf32>,
        tpu.vector_store %arg7[%swap3A_56, %swap3A_57], %broadcast_in_dim3A_51 {strides = array<i32>} : memref<128x16xf32, #tpu.memory_space<vmem>>, vector<16xf32>,
        %slice3A_59 = vector.extract_strided_slice %get3A_41 {offsets = [2], sizes = [1], strides = [1]} : vector<16xf32> to vector<1xf32>
        %squeeze3A_60 = vector.extract %slice3A_59[0] : f32 from vector<1xf32>
        %broadcast_in_dim3A_61 = vector.broadcast %squeeze3A_60 : f32 to vector<16xf32>
        %mul3A_62 = arith.constant 16 : i32
        %mul3A_63 = arith.muli %scan3A_37, %mul3A_62 : i32
        %add3A_64 = arith.constant 2 : i32
        %add3A_65 = arith.addi %mul3A_63, %add3A_64 : i32
        %swap3A_66 = arith.index_cast %add3A_65 : i32 to index
        %swap3A_67 = arith.constant 0 : index
        %swap3A_68 = tpu.vector_load %arg7[%swap3A_66, %swap3A_67] {strides = array<i32>} : memref<128x16xf32, #tpu.memory_space<vmem>>, vector<16xf32>,
        tpu.vector_store %arg7[%swap3A_66, %swap3A_67], %broadcast_in_dim3A_61 {strides = array<i32>} : memref<128x16xf32, #tpu.memory_space<vmem>>, vector<16xf32>,
        %slice3A_69 = vector.extract_strided_slice %get3A_41 {offsets = [3], sizes = [1], strides = [1]} : vector<16xf32> to vector<1xf32>
        %squeeze3A_70 = vector.extract %slice3A_69[0] : f32 from vector<1xf32>
        %broadcast_in_dim3A_71 = vector.broadcast %squeeze3A_70 : f32 to vector<16xf32>
        %mul3A_72 = arith.constant 16 : i32
        %mul3A_73 = arith.muli %scan3A_37, %mul3A_72 : i32
        %add3A_74 = arith.constant 3 : i32
        %add3A_75 = arith.addi %mul3A_73, %add3A_74 : i32
        %swap3A_76 = arith.index_cast %add3A_75 : i32 to index
        %swap3A_77 = arith.constant 0 : index
        %swap3A_78 = tpu.vector_load %arg7[%swap3A_76, %swap3A_77] {strides = array<i32>} : memref<128x16xf32, #tpu.memory_space<vmem>>, vector<16xf32>,
        tpu.vector_store %arg7[%swap3A_76, %swap3A_77], %broadcast_in_dim3A_71 {strides = array<i32>} : memref<128x16xf32, #tpu.memory_space<vmem>>, vector<16xf32>,
        %slice3A_79 = vector.extract_strided_slice %get3A_41 {offsets = [4], sizes = [1], strides = [1]} : vector<16xf32> to vector<1xf32>
        %squeeze3A_80 = vector.extract %slice3A_79[0] : f32 from vector<1xf32>
        %broadcast_in_dim3A_81 = vector.broadcast %squeeze3A_80 : f32 to vector<16xf32>
        %mul3A_82 = arith.constant 16 : i32
        %mul3A_83 = arith.muli %scan3A_37, %mul3A_82 : i32
        %add3A_84 = arith.constant 4 : i32
        %add3A_85 = arith.addi %mul3A_83, %add3A_84 : i32
        %swap3A_86 = arith.index_cast %add3A_85 : i32 to index
        %swap3A_87 = arith.constant 0 : index
        %swap3A_88 = tpu.vector_load %arg7[%swap3A_86, %swap3A_87] {strides = array<i32>} : memref<128x16xf32, #tpu.memory_space<vmem>>, vector<16xf32>,
        tpu.vector_store %arg7[%swap3A_86, %swap3A_87], %broadcast_in_dim3A_81 {strides = array<i32>} : memref<128x16xf32, #tpu.memory_space<vmem>>, vector<16xf32>,
        %slice3A_89 = vector.extract_strided_slice %get3A_41 {offsets = [5], sizes = [1], strides = [1]} : vector<16xf32> to vector<1xf32>
        %squeeze3A_90 = vector.extract %slice3A_89[0] : f32 from vector<1xf32>
        %broadcast_in_dim3A_91 = vector.broadcast %squeeze3A_90 : f32 to vector<16xf32>
        %mul3A_92 = arith.constant 16 : i32
        %mul3A_93 = arith.muli %scan3A_37, %mul3A_92 : i32
        %add3A_94 = arith.constant 5 : i32
        %add3A_95 = arith.addi %mul3A_93, %add3A_94 : i32
        %swap3A_96 = arith.index_cast %add3A_95 : i32 to index
        %swap3A_97 = arith.constant 0 : index
        %swap3A_98 = tpu.vector_load %arg7[%swap3A_96, %swap3A_97] {strides = array<i32>} : memref<128x16xf32, #tpu.memory_space<vmem>>, vector<16xf32>,
        tpu.vector_store %arg7[%swap3A_96, %swap3A_97], %broadcast_in_dim3A_91 {strides = array<i32>} : memref<128x16xf32, #tpu.memory_space<vmem>>, vector<16xf32>,
        %slice3A_99 = vector.extract_strided_slice %get3A_41 {offsets = [6], sizes = [1], strides = [1]} : vector<16xf32> to vector<1xf32>
        %squeeze3A_100 = vector.extract %slice3A_99[0] : f32 from vector<1xf32>
        %broadcast_in_dim3A_101 = vector.broadcast %squeeze3A_100 : f32 to vector<16xf32>
        %mul3A_102 = arith.constant 16 : i32
        %mul3A_103 = arith.muli %scan3A_37, %mul3A_102 : i32
        %add3A_104 = arith.constant 6 : i32
        %add3A_105 = arith.addi %mul3A_103, %add3A_104 : i32
        %swap3A_106 = arith.index_cast %add3A_105 : i32 to index
        %swap3A_107 = arith.constant 0 : index
        %swap3A_108 = tpu.vector_load %arg7[%swap3A_106, %swap3A_107] {strides = array<i32>} : memref<128x16xf32, #tpu.memory_space<vmem>>, vector<16xf32>,
        tpu.vector_store %arg7[%swap3A_106, %swap3A_107], %broadcast_in_dim3A_101 {strides = array<i32>} : memref<128x16xf32, #tpu.memory_space<vmem>>, vector<16xf32>,
        %slice3A_109 = vector.extract_strided_slice %get3A_41 {offsets = [7], sizes = [1], strides = [1]} : vector<16xf32> to vector<1xf32>
        %squeeze3A_110 = vector.extract %slice3A_109[0] : f32 from vector<1xf32>
        %broadcast_in_dim3A_111 = vector.broadcast %squeeze3A_110 : f32 to vector<16xf32>
        %mul3A_112 = arith.constant 16 : i32
        %mul3A_113 = arith.muli %scan3A_37, %mul3A_112 : i32
        %add3A_114 = arith.constant 7 : i32
        %add3A_115 = arith.addi %mul3A_113, %add3A_114 : i32
        %swap3A_116 = arith.index_cast %add3A_115 : i32 to index
        %swap3A_117 = arith.constant 0 : index
        %swap3A_118 = tpu.vector_load %arg7[%swap3A_116, %swap3A_117] {strides = array<i32>} : memref<128x16xf32, #tpu.memory_space<vmem>>, vector<16xf32>,
        tpu.vector_store %arg7[%swap3A_116, %swap3A_117], %broadcast_in_dim3A_111 {strides = array<i32>} : memref<128x16xf32, #tpu.memory_space<vmem>>, vector<16xf32>,
        %slice3A_119 = vector.extract_strided_slice %get3A_41 {offsets = [8], sizes = [1], strides = [1]} : vector<16xf32> to vector<1xf32>
        %squeeze3A_120 = vector.extract %slice3A_119[0] : f32 from vector<1xf32>
        %broadcast_in_dim3A_121 = vector.broadcast %squeeze3A_120 : f32 to vector<16xf32>
        %mul3A_122 = arith.constant 16 : i32
        %mul3A_123 = arith.muli %scan3A_37, %mul3A_122 : i32
        %add3A_124 = arith.constant 8 : i32
        %add3A_125 = arith.addi %mul3A_123, %add3A_124 : i32
        %swap3A_126 = arith.index_cast %add3A_125 : i32 to index
        %swap3A_127 = arith.constant 0 : index
        %swap3A_128 = tpu.vector_load %arg7[%swap3A_126, %swap3A_127] {strides = array<i32>} : memref<128x16xf32, #tpu.memory_space<vmem>>, vector<16xf32>,
        tpu.vector_store %arg7[%swap3A_126, %swap3A_127], %broadcast_in_dim3A_121 {strides = array<i32>} : memref<128x16xf32, #tpu.memory_space<vmem>>, vector<16xf32>,
        %slice3A_129 = vector.extract_strided_slice %get3A_41 {offsets = [9], sizes = [1], strides = [1]} : vector<16xf32> to vector<1xf32>
        %squeeze3A_130 = vector.extract %slice3A_129[0] : f32 from vector<1xf32>
        %broadcast_in_dim3A_131 = vector.broadcast %squeeze3A_130 : f32 to vector<16xf32>
        %mul3A_132 = arith.constant 16 : i32
        %mul3A_133 = arith.muli %scan3A_37, %mul3A_132 : i32
        %add3A_134 = arith.constant 9 : i32
        %add3A_135 = arith.addi %mul3A_133, %add3A_134 : i32
        %swap3A_136 = arith.index_cast %add3A_135 : i32 to index
        %swap3A_137 = arith.constant 0 : index
        %swap3A_138 = tpu.vector_load %arg7[%swap3A_136, %swap3A_137] {strides = array<i32>} : memref<128x16xf32, #tpu.memory_space<vmem>>, vector<16xf32>,
        tpu.vector_store %arg7[%swap3A_136, %swap3A_137], %broadcast_in_dim3A_131 {strides = array<i32>} : memref<128x16xf32, #tpu.memory_space<vmem>>, vector<16xf32>,
        %slice3A_139 = vector.extract_strided_slice %get3A_41 {offsets = [10], sizes = [1], strides = [1]} : vector<16xf32> to vector<1xf32>
        %squeeze3A_140 = vector.extract %slice3A_139[0] : f32 from vector<1xf32>
        %broadcast_in_dim3A_141 = vector.broadcast %squeeze3A_140 : f32 to vector<16xf32>
        %mul3A_142 = arith.constant 16 : i32
        %mul3A_143 = arith.muli %scan3A_37, %mul3A_142 : i32
        %add3A_144 = arith.constant 10 : i32
        %add3A_145 = arith.addi %mul3A_143, %add3A_144 : i32
        %swap3A_146 = arith.index_cast %add3A_145 : i32 to index
        %swap3A_147 = arith.constant 0 : index
        %swap3A_148 = tpu.vector_load %arg7[%swap3A_146, %swap3A_147] {strides = array<i32>} : memref<128x16xf32, #tpu.memory_space<vmem>>, vector<16xf32>,
        tpu.vector_store %arg7[%swap3A_146, %swap3A_147], %broadcast_in_dim3A_141 {strides = array<i32>} : memref<128x16xf32, #tpu.memory_space<vmem>>, vector<16xf32>,
        %slice3A_149 = vector.extract_strided_slice %get3A_41 {offsets = [11], sizes = [1], strides = [1]} : vector<16xf32> to vector<1xf32>
        %squeeze3A_150 = vector.extract %slice3A_149[0] : f32 from vector<1xf32>
        %broadcast_in_dim3A_151 = vector.broadcast %squeeze3A_150 : f32 to vector<16xf32>
        %mul3A_152 = arith.constant 16 : i32
        %mul3A_153 = arith.muli %scan3A_37, %mul3A_152 : i32
        %add3A_154 = arith.constant 11 : i32
        %add3A_155 = arith.addi %mul3A_153, %add3A_154 : i32
        %swap3A_156 = arith.index_cast %add3A_155 : i32 to index
        %swap3A_157 = arith.constant 0 : index
        %swap3A_158 = tpu.vector_load %arg7[%swap3A_156, %swap3A_157] {strides = array<i32>} : memref<128x16xf32, #tpu.memory_space<vmem>>, vector<16xf32>,
        tpu.vector_store %arg7[%swap3A_156, %swap3A_157], %broadcast_in_dim3A_151 {strides = array<i32>} : memref<128x16xf32, #tpu.memory_space<vmem>>, vector<16xf32>,
        %slice3A_159 = vector.extract_strided_slice %get3A_41 {offsets = [12], sizes = [1], strides = [1]} : vector<16xf32> to vector<1xf32>
        %squeeze3A_160 = vector.extract %slice3A_159[0] : f32 from vector<1xf32>
        %broadcast_in_dim3A_161 = vector.broadcast %squeeze3A_160 : f32 to vector<16xf32>
        %mul3A_162 = arith.constant 16 : i32
        %mul3A_163 = arith.muli %scan3A_37, %mul3A_162 : i32
        %add3A_164 = arith.constant 12 : i32
        %add3A_165 = arith.addi %mul3A_163, %add3A_164 : i32
        %swap3A_166 = arith.index_cast %add3A_165 : i32 to index
        %swap3A_167 = arith.constant 0 : index
        %swap3A_168 = tpu.vector_load %arg7[%swap3A_166, %swap3A_167] {strides = array<i32>} : memref<128x16xf32, #tpu.memory_space<vmem>>, vector<16xf32>,
        tpu.vector_store %arg7[%swap3A_166, %swap3A_167], %broadcast_in_dim3A_161 {strides = array<i32>} : memref<128x16xf32, #tpu.memory_space<vmem>>, vector<16xf32>,
        %slice3A_169 = vector.extract_strided_slice %get3A_41 {offsets = [13], sizes = [1], strides = [1]} : vector<16xf32> to vector<1xf32>
        %squeeze3A_170 = vector.extract %slice3A_169[0] : f32 from vector<1xf32>
        %broadcast_in_dim3A_171 = vector.broadcast %squeeze3A_170 : f32 to vector<16xf32>
        %mul3A_172 = arith.constant 16 : i32
        %mul3A_173 = arith.muli %scan3A_37, %mul3A_172 : i32
        %add3A_174 = arith.constant 13 : i32
        %add3A_175 = arith.addi %mul3A_173, %add3A_174 : i32
        %swap3A_176 = arith.index_cast %add3A_175 : i32 to index
        %swap3A_177 = arith.constant 0 : index
        %swap3A_178 = tpu.vector_load %arg7[%swap3A_176, %swap3A_177] {strides = array<i32>} : memref<128x16xf32, #tpu.memory_space<vmem>>, vector<16xf32>,
        tpu.vector_store %arg7[%swap3A_176, %swap3A_177], %broadcast_in_dim3A_171 {strides = array<i32>} : memref<128x16xf32, #tpu.memory_space<vmem>>, vector<16xf32>,
        %slice3A_179 = vector.extract_strided_slice %get3A_41 {offsets = [14], sizes = [1], strides = [1]} : vector<16xf32> to vector<1xf32>
        %squeeze3A_180 = vector.extract %slice3A_179[0] : f32 from vector<1xf32>
        %broadcast_in_dim3A_181 = vector.broadcast %squeeze3A_180 : f32 to vector<16xf32>
        %mul3A_182 = arith.constant 16 : i32
        %mul3A_183 = arith.muli %scan3A_37, %mul3A_182 : i32
        %add3A_184 = arith.constant 14 : i32
        %add3A_185 = arith.addi %mul3A_183, %add3A_184 : i32
        %swap3A_186 = arith.index_cast %add3A_185 : i32 to index
        %swap3A_187 = arith.constant 0 : index
        %swap3A_188 = tpu.vector_load %arg7[%swap3A_186, %swap3A_187] {strides = array<i32>} : memref<128x16xf32, #tpu.memory_space<vmem>>, vector<16xf32>,
        tpu.vector_store %arg7[%swap3A_186, %swap3A_187], %broadcast_in_dim3A_181 {strides = array<i32>} : memref<128x16xf32, #tpu.memory_space<vmem>>, vector<16xf32>,
        %slice3A_189 = vector.extract_strided_slice %get3A_41 {offsets = [15], sizes = [1], strides = [1]} : vector<16xf32> to vector<1xf32>
        %squeeze3A_190 = vector.extract %slice3A_189[0] : f32 from vector<1xf32>
        %broadcast_in_dim3A_191 = vector.broadcast %squeeze3A_190 : f32 to vector<16xf32>
        %mul3A_192 = arith.constant 16 : i32
        %mul3A_193 = arith.muli %scan3A_37, %mul3A_192 : i32
        %add3A_194 = arith.constant 15 : i32
        %add3A_195 = arith.addi %mul3A_193, %add3A_194 : i32
        %swap3A_196 = arith.index_cast %add3A_195 : i32 to index
        %swap3A_197 = arith.constant 0 : index
        %swap3A_198 = tpu.vector_load %arg7[%swap3A_196, %swap3A_197] {strides = array<i32>} : memref<128x16xf32, #tpu.memory_space<vmem>>, vector<16xf32>,
        tpu.vector_store %arg7[%swap3A_196, %swap3A_197], %broadcast_in_dim3A_191 {strides = array<i32>} : memref<128x16xf32, #tpu.memory_space<vmem>>, vector<16xf32>,
        %scan3A_199 = arith.constant 0 : i32
        scf.yield %scan3A_199 : i32
      }
      %scan3A_35 = arith.constant 8 : i32
      "tpu.region"() ({
        %run_scoped3A = tpu.sem_alloc : memref<!tpu.dma_semaphore, #tpu.memory_space<semaphore_mem>>
        %dma_start3A = arith.constant 0 : i32
        %dma_start3A_37 = arith.constant 0 : i32
        %dma_start3A_38 = tpu.memref_slice %arg9[%dma_start3A, %dma_start3A_37] : memref<10240x16xf32, #tpu.memory_space<vmem_shared>> -> memref<10240x16xf32, #tpu.memory_space<vmem_shared>>
        tpu.enqueue_indirect_dma source(%arg7 : memref<128x16xf32, #tpu.memory_space<vmem>>) target(%dma_start3A_38 : memref<10240x16xf32, #tpu.memory_space<vmem_shared>>) offsets(%arg5 : memref<128xi32, #tpu.memory_space<vmem>>) semaphore(%run_scoped3A : memref<!tpu.dma_semaphore, #tpu.memory_space<semaphore_mem>>) {add = true}
        %dma_wait3A = arith.constant 0 : i32
        %dma_wait3A_39 = arith.constant 0 : i32
        %dma_wait3A_40 = tpu.memref_slice %arg9[%dma_wait3A, %dma_wait3A_39] : memref<10240x16xf32, #tpu.memory_space<vmem_shared>> -> memref<10240x16xf32, #tpu.memory_space<vmem_shared>>
        tpu.wait_indirect_dma semaphore(%run_scoped3A : memref<!tpu.dma_semaphore, #tpu.memory_space<semaphore_mem>>) src(%arg7 : memref<128x16xf32, #tpu.memory_space<vmem>>) dst(%dma_wait3A_40 : memref<10240x16xf32, #tpu.memory_space<vmem_shared>>)
        tpu.yield
      }) : () -> ()
      %scan3A_36 = arith.constant 0 : i32
      scf.yield %scan3A_36 : i32
    }
    %scan3A_16 = arith.constant 81 : i32
    %barrier3A_17 = arith.constant 0 : index
    tpu.barrier barrier_id(%barrier3A_17)
    %mul3A_18 = arith.constant 640 : i32
    %mul3A_19 = arith.muli %arg1, %mul3A_18 : i32
    %mul3A_20 = arith.constant 640 : i32
    %mul3A_21 = arith.muli %arg1, %mul3A_20 : i32
    "tpu.region"() ({
      %run_scoped3A = tpu.sem_alloc : memref<!tpu.dma_semaphore, #tpu.memory_space<semaphore_mem>>
      %dma_start3A = arith.constant 0 : i32
      %dma_start3A_22 = tpu.memref_slice %arg4[%arg0, %mul3A_21, %dma_start3A] : memref<2x10240x16xf32, #tpu.memory_space<hbm>> -> memref<1x640x16xf32, #tpu.memory_space<hbm>>
      %dma_start3A_23 = tpu.memref_squeeze %dma_start3A_22 : memref<1x640x16xf32, #tpu.memory_space<hbm>> -> memref<640x16xf32, #tpu.memory_space<hbm>>
      %dma_start3A_24 = arith.constant 0 : i32
      %dma_start3A_25 = tpu.memref_slice %arg9[%mul3A_19, %dma_start3A_24] : memref<10240x16xf32, #tpu.memory_space<vmem_shared>> -> memref<640x16xf32, #tpu.memory_space<vmem_shared>>
      tpu.enqueue_dma source(%dma_start3A_25 : memref<640x16xf32, #tpu.memory_space<vmem_shared>>) target(%dma_start3A_23 : memref<640x16xf32, #tpu.memory_space<hbm>>) target_semaphore(%run_scoped3A : memref<!tpu.dma_semaphore, #tpu.memory_space<semaphore_mem>>)
      %dma_wait3A = arith.constant 0 : i32
      %dma_wait3A_26 = tpu.memref_slice %arg4[%arg0, %mul3A_21, %dma_wait3A] : memref<2x10240x16xf32, #tpu.memory_space<hbm>> -> memref<1x640x16xf32, #tpu.memory_space<hbm>>
      %dma_wait3A_27 = tpu.memref_squeeze %dma_wait3A_26 : memref<1x640x16xf32, #tpu.memory_space<hbm>> -> memref<640x16xf32, #tpu.memory_space<hbm>>
      %dma_wait3A_28 = arith.constant 0 : i32
      %dma_wait3A_29 = tpu.memref_slice %arg9[%mul3A_19, %dma_wait3A_28] : memref<10240x16xf32, #tpu.memory_space<vmem_shared>> -> memref<640x16xf32, #tpu.memory_space<vmem_shared>>
      tpu.wait_dma2 semaphore(%run_scoped3A : memref<!tpu.dma_semaphore, #tpu.memory_space<semaphore_mem>>) src(%dma_wait3A_29 : memref<640x16xf32, #tpu.memory_space<vmem_shared>>) dst(%dma_wait3A_27 : memref<640x16xf32, #tpu.memory_space<hbm>>)
      tpu.yield
    }) : () -> ()
    return
  }
}

#map = affine_map<(d0, d1) -> (0, 0)>
#map1 = affine_map<(d0, d1) -> (0)>
#map2 = affine_map<(d0, d1) -> (0, 0, 0)>
module attributes {stable_mosaic.version = 14 : i64} {
  func.func @k(%arg0: i32, %arg1: i32, %arg2: memref<10240x128xf32, #tpu.memory_space<hbm>>, %arg3: memref<1x10240xf32, #tpu.memory_space<hbm>>, %arg4: memref<331776xi32, #tpu.memory_space<hbm>>, %arg5: memref<331776xi32, #tpu.memory_space<hbm>>, %arg6: memref<331776xf32, #tpu.memory_space<hbm>>, %arg7: memref<2x10240x128xf32, #tpu.memory_space<hbm>>, %arg8: memref<10240xf32, #tpu.memory_space<vmem>>, %arg9: memref<128xi32, #tpu.memory_space<vmem>>, %arg10: memref<128xi32, #tpu.memory_space<vmem>>, %arg11: memref<128xf32, #tpu.memory_space<vmem>>, %arg12: memref<128x128xf32, #tpu.memory_space<vmem>>, %arg13: memref<10240x128xf32, #tpu.memory_space<vmem_shared>>, %arg14: memref<!tpu.dma_semaphore, #tpu.memory_space<semaphore_mem>>) attributes {dimension_semantics = [#tpu.dimension_semantics<core_parallel>, #tpu.dimension_semantics<subcore_parallel>], iteration_bounds = array<i64: 2, 16>, scalar_prefetch = 0 : i64, scratch_operands = 7 : i64, tpu.core_type = #tpu.core_type<sc_vector_subcore>, window_params = [{transform_indices = #map}, {transform_indices = #map}, {transform_indices = #map1}, {transform_indices = #map1}, {transform_indices = #map1}, {transform_indices = #map2}]} {
    %mul3A = arith.constant 16 : i32
    %mul3A_0 = arith.muli %arg0, %mul3A : i32
    %add3A = arith.addi %mul3A_0, %arg1 : i32
    %broadcast_in_dim3A = arith.constant 0.000000e+00 : f32
    %broadcast_in_dim3A_1 = vector.broadcast %broadcast_in_dim3A : f32 to vector<16xf32>
    %scan3A = arith.constant 0 : i32
    %scan3A_2 = arith.constant 0 : i32
    %scan3A_3 = arith.constant 128 : i32
    %scan3A_4 = arith.addi %scan3A_2, %scan3A_3 : i32
    %scan3A_5 = arith.constant 1 : i32
    %scan3A_6 = scf.for %scan3A_40 = %scan3A_2 to %scan3A_4 step %scan3A_5 iter_args(%scan3A_41 = %scan3A) -> (i32)  : i32 {
      %swap3A = arith.index_cast %scan3A_40 : i32 to index
      %swap3A_42 = arith.constant 0 : index
      %swap3A_43 = tpu.vector_load %arg12[%swap3A, %swap3A_42] {strides = array<i32>} : memref<128x128xf32, #tpu.memory_space<vmem>>, vector<16xf32>,
      tpu.vector_store %arg12[%swap3A, %swap3A_42], %broadcast_in_dim3A_1 {strides = array<i32>} : memref<128x128xf32, #tpu.memory_space<vmem>>, vector<16xf32>,
      %swap3A_44 = arith.index_cast %scan3A_40 : i32 to index
      %swap3A_45 = arith.constant 16 : index
      %swap3A_46 = tpu.vector_load %arg12[%swap3A_44, %swap3A_45] {strides = array<i32>} : memref<128x128xf32, #tpu.memory_space<vmem>>, vector<16xf32>,
      tpu.vector_store %arg12[%swap3A_44, %swap3A_45], %broadcast_in_dim3A_1 {strides = array<i32>} : memref<128x128xf32, #tpu.memory_space<vmem>>, vector<16xf32>,
      %swap3A_47 = arith.index_cast %scan3A_40 : i32 to index
      %swap3A_48 = arith.constant 32 : index
      %swap3A_49 = tpu.vector_load %arg12[%swap3A_47, %swap3A_48] {strides = array<i32>} : memref<128x128xf32, #tpu.memory_space<vmem>>, vector<16xf32>,
      tpu.vector_store %arg12[%swap3A_47, %swap3A_48], %broadcast_in_dim3A_1 {strides = array<i32>} : memref<128x128xf32, #tpu.memory_space<vmem>>, vector<16xf32>,
      %swap3A_50 = arith.index_cast %scan3A_40 : i32 to index
      %swap3A_51 = arith.constant 48 : index
      %swap3A_52 = tpu.vector_load %arg12[%swap3A_50, %swap3A_51] {strides = array<i32>} : memref<128x128xf32, #tpu.memory_space<vmem>>, vector<16xf32>,
      tpu.vector_store %arg12[%swap3A_50, %swap3A_51], %broadcast_in_dim3A_1 {strides = array<i32>} : memref<128x128xf32, #tpu.memory_space<vmem>>, vector<16xf32>,
      %swap3A_53 = arith.index_cast %scan3A_40 : i32 to index
      %swap3A_54 = arith.constant 64 : index
      %swap3A_55 = tpu.vector_load %arg12[%swap3A_53, %swap3A_54] {strides = array<i32>} : memref<128x128xf32, #tpu.memory_space<vmem>>, vector<16xf32>,
      tpu.vector_store %arg12[%swap3A_53, %swap3A_54], %broadcast_in_dim3A_1 {strides = array<i32>} : memref<128x128xf32, #tpu.memory_space<vmem>>, vector<16xf32>,
      %swap3A_56 = arith.index_cast %scan3A_40 : i32 to index
      %swap3A_57 = arith.constant 80 : index
      %swap3A_58 = tpu.vector_load %arg12[%swap3A_56, %swap3A_57] {strides = array<i32>} : memref<128x128xf32, #tpu.memory_space<vmem>>, vector<16xf32>,
      tpu.vector_store %arg12[%swap3A_56, %swap3A_57], %broadcast_in_dim3A_1 {strides = array<i32>} : memref<128x128xf32, #tpu.memory_space<vmem>>, vector<16xf32>,
      %swap3A_59 = arith.index_cast %scan3A_40 : i32 to index
      %swap3A_60 = arith.constant 96 : index
      %swap3A_61 = tpu.vector_load %arg12[%swap3A_59, %swap3A_60] {strides = array<i32>} : memref<128x128xf32, #tpu.memory_space<vmem>>, vector<16xf32>,
      tpu.vector_store %arg12[%swap3A_59, %swap3A_60], %broadcast_in_dim3A_1 {strides = array<i32>} : memref<128x128xf32, #tpu.memory_space<vmem>>, vector<16xf32>,
      %swap3A_62 = arith.index_cast %scan3A_40 : i32 to index
      %swap3A_63 = arith.constant 112 : index
      %swap3A_64 = tpu.vector_load %arg12[%swap3A_62, %swap3A_63] {strides = array<i32>} : memref<128x128xf32, #tpu.memory_space<vmem>>, vector<16xf32>,
      tpu.vector_store %arg12[%swap3A_62, %swap3A_63], %broadcast_in_dim3A_1 {strides = array<i32>} : memref<128x128xf32, #tpu.memory_space<vmem>>, vector<16xf32>,
      %scan3A_65 = arith.constant 0 : i32
      scf.yield %scan3A_65 : i32
    }
    %scan3A_7 = arith.constant 128 : i32
    %mul3A_8 = arith.constant 640 : i32
    %mul3A_9 = arith.muli %arg1, %mul3A_8 : i32
    %add3A_10 = arith.constant 0 : i32
    %add3A_11 = arith.addi %mul3A_9, %add3A_10 : i32
    "tpu.region"() ({
      %run_scoped3A_40 = tpu.sem_alloc : memref<!tpu.dma_semaphore, #tpu.memory_space<semaphore_mem>>
      %dma_start3A = arith.constant 0 : i32
      %dma_start3A_41 = tpu.memref_slice %arg13[%add3A_11, %dma_start3A] : memref<10240x128xf32, #tpu.memory_space<vmem_shared>> -> memref<128x128xf32, #tpu.memory_space<vmem_shared>>
      %dma_start3A_42 = arith.constant 0 : i32
      %dma_start3A_43 = tpu.memref_slice %arg13[%add3A_11, %dma_start3A_42] : memref<10240x128xf32, #tpu.memory_space<vmem_shared>> -> memref<128x128xf32, #tpu.memory_space<vmem_shared>>
      tpu.enqueue_dma source(%arg12 : memref<128x128xf32, #tpu.memory_space<vmem>>) target(%dma_start3A_43 : memref<128x128xf32, #tpu.memory_space<vmem_shared>>) target_semaphore(%run_scoped3A_40 : memref<!tpu.dma_semaphore, #tpu.memory_space<semaphore_mem>>)
      %dma_wait3A = arith.constant 0 : i32
      %dma_wait3A_44 = tpu.memref_slice %arg13[%add3A_11, %dma_wait3A] : memref<10240x128xf32, #tpu.memory_space<vmem_shared>> -> memref<128x128xf32, #tpu.memory_space<vmem_shared>>
      %dma_wait3A_45 = arith.constant 0 : i32
      %dma_wait3A_46 = tpu.memref_slice %arg13[%add3A_11, %dma_wait3A_45] : memref<10240x128xf32, #tpu.memory_space<vmem_shared>> -> memref<128x128xf32, #tpu.memory_space<vmem_shared>>
      tpu.wait_dma2 semaphore(%run_scoped3A_40 : memref<!tpu.dma_semaphore, #tpu.memory_space<semaphore_mem>>) src(%arg12 : memref<128x128xf32, #tpu.memory_space<vmem>>) dst(%dma_wait3A_46 : memref<128x128xf32, #tpu.memory_space<vmem_shared>>)
      tpu.yield
    }) : () -> ()
    %mul3A_12 = arith.constant 640 : i32
    %mul3A_13 = arith.muli %arg1, %mul3A_12 : i32
    %add3A_14 = arith.constant 128 : i32
    %add3A_15 = arith.addi %mul3A_13, %add3A_14 : i32
    "tpu.region"() ({
      %run_scoped3A_40 = tpu.sem_alloc : memref<!tpu.dma_semaphore, #tpu.memory_space<semaphore_mem>>
      %dma_start3A = arith.constant 0 : i32
      %dma_start3A_41 = tpu.memref_slice %arg13[%add3A_15, %dma_start3A] : memref<10240x128xf32, #tpu.memory_space<vmem_shared>> -> memref<128x128xf32, #tpu.memory_space<vmem_shared>>
      %dma_start3A_42 = arith.constant 0 : i32
      %dma_start3A_43 = tpu.memref_slice %arg13[%add3A_15, %dma_start3A_42] : memref<10240x128xf32, #tpu.memory_space<vmem_shared>> -> memref<128x128xf32, #tpu.memory_space<vmem_shared>>
      tpu.enqueue_dma source(%arg12 : memref<128x128xf32, #tpu.memory_space<vmem>>) target(%dma_start3A_43 : memref<128x128xf32, #tpu.memory_space<vmem_shared>>) target_semaphore(%run_scoped3A_40 : memref<!tpu.dma_semaphore, #tpu.memory_space<semaphore_mem>>)
      %dma_wait3A = arith.constant 0 : i32
      %dma_wait3A_44 = tpu.memref_slice %arg13[%add3A_15, %dma_wait3A] : memref<10240x128xf32, #tpu.memory_space<vmem_shared>> -> memref<128x128xf32, #tpu.memory_space<vmem_shared>>
      %dma_wait3A_45 = arith.constant 0 : i32
      %dma_wait3A_46 = tpu.memref_slice %arg13[%add3A_15, %dma_wait3A_45] : memref<10240x128xf32, #tpu.memory_space<vmem_shared>> -> memref<128x128xf32, #tpu.memory_space<vmem_shared>>
      tpu.wait_dma2 semaphore(%run_scoped3A_40 : memref<!tpu.dma_semaphore, #tpu.memory_space<semaphore_mem>>) src(%arg12 : memref<128x128xf32, #tpu.memory_space<vmem>>) dst(%dma_wait3A_46 : memref<128x128xf32, #tpu.memory_space<vmem_shared>>)
      tpu.yield
    }) : () -> ()
    %mul3A_16 = arith.constant 640 : i32
    %mul3A_17 = arith.muli %arg1, %mul3A_16 : i32
    %add3A_18 = arith.constant 256 : i32
    %add3A_19 = arith.addi %mul3A_17, %add3A_18 : i32
    "tpu.region"() ({
      %run_scoped3A_40 = tpu.sem_alloc : memref<!tpu.dma_semaphore, #tpu.memory_space<semaphore_mem>>
      %dma_start3A = arith.constant 0 : i32
      %dma_start3A_41 = tpu.memref_slice %arg13[%add3A_19, %dma_start3A] : memref<10240x128xf32, #tpu.memory_space<vmem_shared>> -> memref<128x128xf32, #tpu.memory_space<vmem_shared>>
      %dma_start3A_42 = arith.constant 0 : i32
      %dma_start3A_43 = tpu.memref_slice %arg13[%add3A_19, %dma_start3A_42] : memref<10240x128xf32, #tpu.memory_space<vmem_shared>> -> memref<128x128xf32, #tpu.memory_space<vmem_shared>>
      tpu.enqueue_dma source(%arg12 : memref<128x128xf32, #tpu.memory_space<vmem>>) target(%dma_start3A_43 : memref<128x128xf32, #tpu.memory_space<vmem_shared>>) target_semaphore(%run_scoped3A_40 : memref<!tpu.dma_semaphore, #tpu.memory_space<semaphore_mem>>)
      %dma_wait3A = arith.constant 0 : i32
      %dma_wait3A_44 = tpu.memref_slice %arg13[%add3A_19, %dma_wait3A] : memref<10240x128xf32, #tpu.memory_space<vmem_shared>> -> memref<128x128xf32, #tpu.memory_space<vmem_shared>>
      %dma_wait3A_45 = arith.constant 0 : i32
      %dma_wait3A_46 = tpu.memref_slice %arg13[%add3A_19, %dma_wait3A_45] : memref<10240x128xf32, #tpu.memory_space<vmem_shared>> -> memref<128x128xf32, #tpu.memory_space<vmem_shared>>
      tpu.wait_dma2 semaphore(%run_scoped3A_40 : memref<!tpu.dma_semaphore, #tpu.memory_space<semaphore_mem>>) src(%arg12 : memref<128x128xf32, #tpu.memory_space<vmem>>) dst(%dma_wait3A_46 : memref<128x128xf32, #tpu.memory_space<vmem_shared>>)
      tpu.yield
    }) : () -> ()
    %mul3A_20 = arith.constant 640 : i32
    %mul3A_21 = arith.muli %arg1, %mul3A_20 : i32
    %add3A_22 = arith.constant 384 : i32
    %add3A_23 = arith.addi %mul3A_21, %add3A_22 : i32
    "tpu.region"() ({
      %run_scoped3A_40 = tpu.sem_alloc : memref<!tpu.dma_semaphore, #tpu.memory_space<semaphore_mem>>
      %dma_start3A = arith.constant 0 : i32
      %dma_start3A_41 = tpu.memref_slice %arg13[%add3A_23, %dma_start3A] : memref<10240x128xf32, #tpu.memory_space<vmem_shared>> -> memref<128x128xf32, #tpu.memory_space<vmem_shared>>
      %dma_start3A_42 = arith.constant 0 : i32
      %dma_start3A_43 = tpu.memref_slice %arg13[%add3A_23, %dma_start3A_42] : memref<10240x128xf32, #tpu.memory_space<vmem_shared>> -> memref<128x128xf32, #tpu.memory_space<vmem_shared>>
      tpu.enqueue_dma source(%arg12 : memref<128x128xf32, #tpu.memory_space<vmem>>) target(%dma_start3A_43 : memref<128x128xf32, #tpu.memory_space<vmem_shared>>) target_semaphore(%run_scoped3A_40 : memref<!tpu.dma_semaphore, #tpu.memory_space<semaphore_mem>>)
      %dma_wait3A = arith.constant 0 : i32
      %dma_wait3A_44 = tpu.memref_slice %arg13[%add3A_23, %dma_wait3A] : memref<10240x128xf32, #tpu.memory_space<vmem_shared>> -> memref<128x128xf32, #tpu.memory_space<vmem_shared>>
      %dma_wait3A_45 = arith.constant 0 : i32
      %dma_wait3A_46 = tpu.memref_slice %arg13[%add3A_23, %dma_wait3A_45] : memref<10240x128xf32, #tpu.memory_space<vmem_shared>> -> memref<128x128xf32, #tpu.memory_space<vmem_shared>>
      tpu.wait_dma2 semaphore(%run_scoped3A_40 : memref<!tpu.dma_semaphore, #tpu.memory_space<semaphore_mem>>) src(%arg12 : memref<128x128xf32, #tpu.memory_space<vmem>>) dst(%dma_wait3A_46 : memref<128x128xf32, #tpu.memory_space<vmem_shared>>)
      tpu.yield
    }) : () -> ()
    %mul3A_24 = arith.constant 640 : i32
    %mul3A_25 = arith.muli %arg1, %mul3A_24 : i32
    %add3A_26 = arith.constant 512 : i32
    %add3A_27 = arith.addi %mul3A_25, %add3A_26 : i32
    "tpu.region"() ({
      %run_scoped3A_40 = tpu.sem_alloc : memref<!tpu.dma_semaphore, #tpu.memory_space<semaphore_mem>>
      %dma_start3A = arith.constant 0 : i32
      %dma_start3A_41 = tpu.memref_slice %arg13[%add3A_27, %dma_start3A] : memref<10240x128xf32, #tpu.memory_space<vmem_shared>> -> memref<128x128xf32, #tpu.memory_space<vmem_shared>>
      %dma_start3A_42 = arith.constant 0 : i32
      %dma_start3A_43 = tpu.memref_slice %arg13[%add3A_27, %dma_start3A_42] : memref<10240x128xf32, #tpu.memory_space<vmem_shared>> -> memref<128x128xf32, #tpu.memory_space<vmem_shared>>
      tpu.enqueue_dma source(%arg12 : memref<128x128xf32, #tpu.memory_space<vmem>>) target(%dma_start3A_43 : memref<128x128xf32, #tpu.memory_space<vmem_shared>>) target_semaphore(%run_scoped3A_40 : memref<!tpu.dma_semaphore, #tpu.memory_space<semaphore_mem>>)
      %dma_wait3A = arith.constant 0 : i32
      %dma_wait3A_44 = tpu.memref_slice %arg13[%add3A_27, %dma_wait3A] : memref<10240x128xf32, #tpu.memory_space<vmem_shared>> -> memref<128x128xf32, #tpu.memory_space<vmem_shared>>
      %dma_wait3A_45 = arith.constant 0 : i32
      %dma_wait3A_46 = tpu.memref_slice %arg13[%add3A_27, %dma_wait3A_45] : memref<10240x128xf32, #tpu.memory_space<vmem_shared>> -> memref<128x128xf32, #tpu.memory_space<vmem_shared>>
      tpu.wait_dma2 semaphore(%run_scoped3A_40 : memref<!tpu.dma_semaphore, #tpu.memory_space<semaphore_mem>>) src(%arg12 : memref<128x128xf32, #tpu.memory_space<vmem>>) dst(%dma_wait3A_46 : memref<128x128xf32, #tpu.memory_space<vmem_shared>>)
      tpu.yield
    }) : () -> ()
    %run_scoped3A = arith.constant 0 : i32
    "tpu.region"() ({
      %run_scoped3A_40 = tpu.sem_alloc : memref<!tpu.dma_semaphore, #tpu.memory_space<semaphore_mem>>
      %dma_start3A = arith.constant 0 : i32
      %dma_start3A_41 = tpu.memref_slice %arg3[%run_scoped3A, %dma_start3A] : memref<1x10240xf32, #tpu.memory_space<hbm>> -> memref<1x10240xf32, #tpu.memory_space<hbm>>
      %dma_start3A_42 = tpu.memref_squeeze %dma_start3A_41 : memref<1x10240xf32, #tpu.memory_space<hbm>> -> memref<10240xf32, #tpu.memory_space<hbm>>
      %dma_start3A_43 = arith.constant 0 : i32
      %dma_start3A_44 = tpu.memref_slice %arg3[%run_scoped3A, %dma_start3A_43] : memref<1x10240xf32, #tpu.memory_space<hbm>> -> memref<1x10240xf32, #tpu.memory_space<hbm>>
      %dma_start3A_45 = tpu.memref_squeeze %dma_start3A_44 : memref<1x10240xf32, #tpu.memory_space<hbm>> -> memref<10240xf32, #tpu.memory_space<hbm>>
      tpu.enqueue_dma source(%dma_start3A_45 : memref<10240xf32, #tpu.memory_space<hbm>>) target(%arg8 : memref<10240xf32, #tpu.memory_space<vmem>>) target_semaphore(%run_scoped3A_40 : memref<!tpu.dma_semaphore, #tpu.memory_space<semaphore_mem>>)
      %dma_wait3A = arith.constant 0 : i32
      %dma_wait3A_46 = tpu.memref_slice %arg3[%run_scoped3A, %dma_wait3A] : memref<1x10240xf32, #tpu.memory_space<hbm>> -> memref<1x10240xf32, #tpu.memory_space<hbm>>
      %dma_wait3A_47 = tpu.memref_squeeze %dma_wait3A_46 : memref<1x10240xf32, #tpu.memory_space<hbm>> -> memref<10240xf32, #tpu.memory_space<hbm>>
      %dma_wait3A_48 = arith.constant 0 : i32
      %dma_wait3A_49 = tpu.memref_slice %arg3[%run_scoped3A, %dma_wait3A_48] : memref<1x10240xf32, #tpu.memory_space<hbm>> -> memref<1x10240xf32, #tpu.memory_space<hbm>>
      %dma_wait3A_50 = tpu.memref_squeeze %dma_wait3A_49 : memref<1x10240xf32, #tpu.memory_space<hbm>> -> memref<10240xf32, #tpu.memory_space<hbm>>
      tpu.wait_dma2 semaphore(%run_scoped3A_40 : memref<!tpu.dma_semaphore, #tpu.memory_space<semaphore_mem>>) src(%dma_wait3A_50 : memref<10240xf32, #tpu.memory_space<hbm>>) dst(%arg8 : memref<10240xf32, #tpu.memory_space<vmem>>)
      tpu.yield
    }) : () -> ()
    %barrier3A = arith.constant 0 : index
    tpu.barrier barrier_id(%barrier3A)
    %scan3A_28 = arith.constant 0 : i32
    %scan3A_29 = arith.constant 0 : i32
    %scan3A_30 = arith.constant 81 : i32
    %scan3A_31 = arith.addi %scan3A_29, %scan3A_30 : i32
    %scan3A_32 = arith.constant 1 : i32
    %scan3A_33 = scf.for %scan3A_40 = %scan3A_29 to %scan3A_31 step %scan3A_32 iter_args(%scan3A_41 = %scan3A_28) -> (i32)  : i32 {
      %mul3A_42 = arith.constant 81 : i32
      %mul3A_43 = arith.muli %add3A, %mul3A_42 : i32
      %add3A_44 = arith.addi %mul3A_43, %scan3A_40 : i32
      %mul3A_45 = arith.constant 128 : i32
      %mul3A_46 = arith.muli %add3A_44, %mul3A_45 : i32
      "tpu.region"() ({
        %run_scoped3A_59 = tpu.sem_alloc : memref<!tpu.dma_semaphore, #tpu.memory_space<semaphore_mem>>
        %dma_start3A_60 = tpu.memref_slice %arg4[%mul3A_46] : memref<331776xi32, #tpu.memory_space<hbm>> -> memref<128xi32, #tpu.memory_space<hbm>>
        %dma_start3A_61 = tpu.memref_slice %arg4[%mul3A_46] : memref<331776xi32, #tpu.memory_space<hbm>> -> memref<128xi32, #tpu.memory_space<hbm>>
        tpu.enqueue_dma source(%dma_start3A_61 : memref<128xi32, #tpu.memory_space<hbm>>) target(%arg9 : memref<128xi32, #tpu.memory_space<vmem>>) target_semaphore(%run_scoped3A_59 : memref<!tpu.dma_semaphore, #tpu.memory_space<semaphore_mem>>)
        %dma_wait3A_62 = tpu.memref_slice %arg4[%mul3A_46] : memref<331776xi32, #tpu.memory_space<hbm>> -> memref<128xi32, #tpu.memory_space<hbm>>
        %dma_wait3A_63 = tpu.memref_slice %arg4[%mul3A_46] : memref<331776xi32, #tpu.memory_space<hbm>> -> memref<128xi32, #tpu.memory_space<hbm>>
        tpu.wait_dma2 semaphore(%run_scoped3A_59 : memref<!tpu.dma_semaphore, #tpu.memory_space<semaphore_mem>>) src(%dma_wait3A_63 : memref<128xi32, #tpu.memory_space<hbm>>) dst(%arg9 : memref<128xi32, #tpu.memory_space<vmem>>)
        tpu.yield
      }) : () -> ()
      "tpu.region"() ({
        %run_scoped3A_59 = tpu.sem_alloc : memref<!tpu.dma_semaphore, #tpu.memory_space<semaphore_mem>>
        %dma_start3A_60 = tpu.memref_slice %arg5[%mul3A_46] : memref<331776xi32, #tpu.memory_space<hbm>> -> memref<128xi32, #tpu.memory_space<hbm>>
        %dma_start3A_61 = tpu.memref_slice %arg5[%mul3A_46] : memref<331776xi32, #tpu.memory_space<hbm>> -> memref<128xi32, #tpu.memory_space<hbm>>
        tpu.enqueue_dma source(%dma_start3A_61 : memref<128xi32, #tpu.memory_space<hbm>>) target(%arg10 : memref<128xi32, #tpu.memory_space<vmem>>) target_semaphore(%run_scoped3A_59 : memref<!tpu.dma_semaphore, #tpu.memory_space<semaphore_mem>>)
        %dma_wait3A_62 = tpu.memref_slice %arg5[%mul3A_46] : memref<331776xi32, #tpu.memory_space<hbm>> -> memref<128xi32, #tpu.memory_space<hbm>>
        %dma_wait3A_63 = tpu.memref_slice %arg5[%mul3A_46] : memref<331776xi32, #tpu.memory_space<hbm>> -> memref<128xi32, #tpu.memory_space<hbm>>
        tpu.wait_dma2 semaphore(%run_scoped3A_59 : memref<!tpu.dma_semaphore, #tpu.memory_space<semaphore_mem>>) src(%dma_wait3A_63 : memref<128xi32, #tpu.memory_space<hbm>>) dst(%arg10 : memref<128xi32, #tpu.memory_space<vmem>>)
        tpu.yield
      }) : () -> ()
      "tpu.region"() ({
        %run_scoped3A_59 = tpu.sem_alloc : memref<!tpu.dma_semaphore, #tpu.memory_space<semaphore_mem>>
        %dma_start3A_60 = tpu.memref_slice %arg6[%mul3A_46] : memref<331776xf32, #tpu.memory_space<hbm>> -> memref<128xf32, #tpu.memory_space<hbm>>
        %dma_start3A_61 = tpu.memref_slice %arg6[%mul3A_46] : memref<331776xf32, #tpu.memory_space<hbm>> -> memref<128xf32, #tpu.memory_space<hbm>>
        tpu.enqueue_dma source(%dma_start3A_61 : memref<128xf32, #tpu.memory_space<hbm>>) target(%arg11 : memref<128xf32, #tpu.memory_space<vmem>>) target_semaphore(%run_scoped3A_59 : memref<!tpu.dma_semaphore, #tpu.memory_space<semaphore_mem>>)
        %dma_wait3A_62 = tpu.memref_slice %arg6[%mul3A_46] : memref<331776xf32, #tpu.memory_space<hbm>> -> memref<128xf32, #tpu.memory_space<hbm>>
        %dma_wait3A_63 = tpu.memref_slice %arg6[%mul3A_46] : memref<331776xf32, #tpu.memory_space<hbm>> -> memref<128xf32, #tpu.memory_space<hbm>>
        tpu.wait_dma2 semaphore(%run_scoped3A_59 : memref<!tpu.dma_semaphore, #tpu.memory_space<semaphore_mem>>) src(%dma_wait3A_63 : memref<128xf32, #tpu.memory_space<hbm>>) dst(%arg11 : memref<128xf32, #tpu.memory_space<vmem>>)
        tpu.yield
      }) : () -> ()
      %dma_start3A = arith.constant 0 : i32
      %dma_start3A_47 = arith.constant 0 : i32
      %dma_start3A_48 = tpu.memref_slice %arg2[%dma_start3A, %dma_start3A_47] : memref<10240x128xf32, #tpu.memory_space<hbm>> -> memref<10240x128xf32, #tpu.memory_space<hbm>>
      tpu.enqueue_indirect_dma source(%dma_start3A_48 : memref<10240x128xf32, #tpu.memory_space<hbm>>) target(%arg12 : memref<128x128xf32, #tpu.memory_space<vmem>>) offsets(%arg9 : memref<128xi32, #tpu.memory_space<vmem>>) semaphore(%arg14 : memref<!tpu.dma_semaphore, #tpu.memory_space<semaphore_mem>>)
      %dma_wait3A = arith.constant 0 : i32
      %dma_wait3A_49 = arith.constant 0 : i32
      %dma_wait3A_50 = tpu.memref_slice %arg2[%dma_wait3A, %dma_wait3A_49] : memref<10240x128xf32, #tpu.memory_space<hbm>> -> memref<10240x128xf32, #tpu.memory_space<hbm>>
      tpu.wait_indirect_dma semaphore(%arg14 : memref<!tpu.dma_semaphore, #tpu.memory_space<semaphore_mem>>) src(%dma_wait3A_50 : memref<10240x128xf32, #tpu.memory_space<hbm>>) dst(%arg12 : memref<128x128xf32, #tpu.memory_space<vmem>>)
      %scan3A_51 = arith.constant 0 : i32
      %scan3A_52 = arith.constant 0 : i32
      %scan3A_53 = arith.constant 8 : i32
      %scan3A_54 = arith.addi %scan3A_52, %scan3A_53 : i32
      %scan3A_55 = arith.constant 1 : i32
      %scan3A_56 = scf.for %scan3A_59 = %scan3A_52 to %scan3A_54 step %scan3A_55 iter_args(%scan3A_60 = %scan3A_51) -> (i32)  : i32 {
        %mul3A_61 = arith.constant 16 : i32
        %mul3A_62 = arith.muli %scan3A_59, %mul3A_61 : i32
        %get3A = arith.index_cast %mul3A_62 : i32 to index
        %get3A_63 = tpu.vector_load %arg9[%get3A] {strides = array<i32>} : memref<128xi32, #tpu.memory_space<vmem>>, vector<16xi32>,
        %get3A_64 = arith.index_cast %mul3A_62 : i32 to index
        %get3A_65 = tpu.vector_load %arg10[%get3A_64] {strides = array<i32>} : memref<128xi32, #tpu.memory_space<vmem>>, vector<16xi32>,
        %get3A_66 = arith.index_cast %mul3A_62 : i32 to index
        %get3A_67 = tpu.vector_load %arg11[%get3A_66] {strides = array<i32>} : memref<128xf32, #tpu.memory_space<vmem>>, vector<16xf32>,
        %gather3A = tpu.vector_load_idx %arg8[%get3A_63] : memref<10240xf32, #tpu.memory_space<vmem>>[vector<16xi32>], vector<16xf32>,
        %mul3A_68 = arith.mulf %gather3A, %get3A_67 : vector<16xf32>
        %gather3A_69 = tpu.vector_load_idx %arg8[%get3A_65] : memref<10240xf32, #tpu.memory_space<vmem>>[vector<16xi32>], vector<16xf32>,
        %mul3A_70 = arith.mulf %mul3A_68, %gather3A_69 : vector<16xf32>
        %slice3A = vector.extract_strided_slice %mul3A_70 {offsets = [0], sizes = [1], strides = [1]} : vector<16xf32> to vector<1xf32>
        %squeeze3A = vector.extract %slice3A[0] : f32 from vector<1xf32>
        %mul3A_71 = arith.constant 16 : i32
        %mul3A_72 = arith.muli %scan3A_59, %mul3A_71 : i32
        %add3A_73 = arith.constant 0 : i32
        %add3A_74 = arith.addi %mul3A_72, %add3A_73 : i32
        %get3A_75 = arith.index_cast %add3A_74 : i32 to index
        %get3A_76 = arith.constant 0 : index
        %get3A_77 = tpu.vector_load %arg12[%get3A_75, %get3A_76] {strides = array<i32>} : memref<128x128xf32, #tpu.memory_space<vmem>>, vector<16xf32>,
        %mul3A_78 = vector.broadcast %squeeze3A : f32 to vector<16xf32>
        %mul3A_79 = arith.mulf %get3A_77, %mul3A_78 : vector<16xf32>
        %swap3A = arith.index_cast %add3A_74 : i32 to index
        %swap3A_80 = arith.constant 0 : index
        %swap3A_81 = tpu.vector_load %arg12[%swap3A, %swap3A_80] {strides = array<i32>} : memref<128x128xf32, #tpu.memory_space<vmem>>, vector<16xf32>,
        tpu.vector_store %arg12[%swap3A, %swap3A_80], %mul3A_79 {strides = array<i32>} : memref<128x128xf32, #tpu.memory_space<vmem>>, vector<16xf32>,
        %get3A_82 = arith.index_cast %add3A_74 : i32 to index
        %get3A_83 = arith.constant 16 : index
        %get3A_84 = tpu.vector_load %arg12[%get3A_82, %get3A_83] {strides = array<i32>} : memref<128x128xf32, #tpu.memory_space<vmem>>, vector<16xf32>,
        %mul3A_85 = vector.broadcast %squeeze3A : f32 to vector<16xf32>
        %mul3A_86 = arith.mulf %get3A_84, %mul3A_85 : vector<16xf32>
        %swap3A_87 = arith.index_cast %add3A_74 : i32 to index
        %swap3A_88 = arith.constant 16 : index
        %swap3A_89 = tpu.vector_load %arg12[%swap3A_87, %swap3A_88] {strides = array<i32>} : memref<128x128xf32, #tpu.memory_space<vmem>>, vector<16xf32>,
        tpu.vector_store %arg12[%swap3A_87, %swap3A_88], %mul3A_86 {strides = array<i32>} : memref<128x128xf32, #tpu.memory_space<vmem>>, vector<16xf32>,
        %get3A_90 = arith.index_cast %add3A_74 : i32 to index
        %get3A_91 = arith.constant 32 : index
        %get3A_92 = tpu.vector_load %arg12[%get3A_90, %get3A_91] {strides = array<i32>} : memref<128x128xf32, #tpu.memory_space<vmem>>, vector<16xf32>,
        %mul3A_93 = vector.broadcast %squeeze3A : f32 to vector<16xf32>
        %mul3A_94 = arith.mulf %get3A_92, %mul3A_93 : vector<16xf32>
        %swap3A_95 = arith.index_cast %add3A_74 : i32 to index
        %swap3A_96 = arith.constant 32 : index
        %swap3A_97 = tpu.vector_load %arg12[%swap3A_95, %swap3A_96] {strides = array<i32>} : memref<128x128xf32, #tpu.memory_space<vmem>>, vector<16xf32>,
        tpu.vector_store %arg12[%swap3A_95, %swap3A_96], %mul3A_94 {strides = array<i32>} : memref<128x128xf32, #tpu.memory_space<vmem>>, vector<16xf32>,
        %get3A_98 = arith.index_cast %add3A_74 : i32 to index
        %get3A_99 = arith.constant 48 : index
        %get3A_100 = tpu.vector_load %arg12[%get3A_98, %get3A_99] {strides = array<i32>} : memref<128x128xf32, #tpu.memory_space<vmem>>, vector<16xf32>,
        %mul3A_101 = vector.broadcast %squeeze3A : f32 to vector<16xf32>
        %mul3A_102 = arith.mulf %get3A_100, %mul3A_101 : vector<16xf32>
        %swap3A_103 = arith.index_cast %add3A_74 : i32 to index
        %swap3A_104 = arith.constant 48 : index
        %swap3A_105 = tpu.vector_load %arg12[%swap3A_103, %swap3A_104] {strides = array<i32>} : memref<128x128xf32, #tpu.memory_space<vmem>>, vector<16xf32>,
        tpu.vector_store %arg12[%swap3A_103, %swap3A_104], %mul3A_102 {strides = array<i32>} : memref<128x128xf32, #tpu.memory_space<vmem>>, vector<16xf32>,
        %get3A_106 = arith.index_cast %add3A_74 : i32 to index
        %get3A_107 = arith.constant 64 : index
        %get3A_108 = tpu.vector_load %arg12[%get3A_106, %get3A_107] {strides = array<i32>} : memref<128x128xf32, #tpu.memory_space<vmem>>, vector<16xf32>,
        %mul3A_109 = vector.broadcast %squeeze3A : f32 to vector<16xf32>
        %mul3A_110 = arith.mulf %get3A_108, %mul3A_109 : vector<16xf32>
        %swap3A_111 = arith.index_cast %add3A_74 : i32 to index
        %swap3A_112 = arith.constant 64 : index
        %swap3A_113 = tpu.vector_load %arg12[%swap3A_111, %swap3A_112] {strides = array<i32>} : memref<128x128xf32, #tpu.memory_space<vmem>>, vector<16xf32>,
        tpu.vector_store %arg12[%swap3A_111, %swap3A_112], %mul3A_110 {strides = array<i32>} : memref<128x128xf32, #tpu.memory_space<vmem>>, vector<16xf32>,
        %get3A_114 = arith.index_cast %add3A_74 : i32 to index
        %get3A_115 = arith.constant 80 : index
        %get3A_116 = tpu.vector_load %arg12[%get3A_114, %get3A_115] {strides = array<i32>} : memref<128x128xf32, #tpu.memory_space<vmem>>, vector<16xf32>,
        %mul3A_117 = vector.broadcast %squeeze3A : f32 to vector<16xf32>
        %mul3A_118 = arith.mulf %get3A_116, %mul3A_117 : vector<16xf32>
        %swap3A_119 = arith.index_cast %add3A_74 : i32 to index
        %swap3A_120 = arith.constant 80 : index
        %swap3A_121 = tpu.vector_load %arg12[%swap3A_119, %swap3A_120] {strides = array<i32>} : memref<128x128xf32, #tpu.memory_space<vmem>>, vector<16xf32>,
        tpu.vector_store %arg12[%swap3A_119, %swap3A_120], %mul3A_118 {strides = array<i32>} : memref<128x128xf32, #tpu.memory_space<vmem>>, vector<16xf32>,
        %get3A_122 = arith.index_cast %add3A_74 : i32 to index
        %get3A_123 = arith.constant 96 : index
        %get3A_124 = tpu.vector_load %arg12[%get3A_122, %get3A_123] {strides = array<i32>} : memref<128x128xf32, #tpu.memory_space<vmem>>, vector<16xf32>,
        %mul3A_125 = vector.broadcast %squeeze3A : f32 to vector<16xf32>
        %mul3A_126 = arith.mulf %get3A_124, %mul3A_125 : vector<16xf32>
        %swap3A_127 = arith.index_cast %add3A_74 : i32 to index
        %swap3A_128 = arith.constant 96 : index
        %swap3A_129 = tpu.vector_load %arg12[%swap3A_127, %swap3A_128] {strides = array<i32>} : memref<128x128xf32, #tpu.memory_space<vmem>>, vector<16xf32>,
        tpu.vector_store %arg12[%swap3A_127, %swap3A_128], %mul3A_126 {strides = array<i32>} : memref<128x128xf32, #tpu.memory_space<vmem>>, vector<16xf32>,
        %get3A_130 = arith.index_cast %add3A_74 : i32 to index
        %get3A_131 = arith.constant 112 : index
        %get3A_132 = tpu.vector_load %arg12[%get3A_130, %get3A_131] {strides = array<i32>} : memref<128x128xf32, #tpu.memory_space<vmem>>, vector<16xf32>,
        %mul3A_133 = vector.broadcast %squeeze3A : f32 to vector<16xf32>
        %mul3A_134 = arith.mulf %get3A_132, %mul3A_133 : vector<16xf32>
        %swap3A_135 = arith.index_cast %add3A_74 : i32 to index
        %swap3A_136 = arith.constant 112 : index
        %swap3A_137 = tpu.vector_load %arg12[%swap3A_135, %swap3A_136] {strides = array<i32>} : memref<128x128xf32, #tpu.memory_space<vmem>>, vector<16xf32>,
        tpu.vector_store %arg12[%swap3A_135, %swap3A_136], %mul3A_134 {strides = array<i32>} : memref<128x128xf32, #tpu.memory_space<vmem>>, vector<16xf32>,
        %slice3A_138 = vector.extract_strided_slice %mul3A_70 {offsets = [1], sizes = [1], strides = [1]} : vector<16xf32> to vector<1xf32>
        %squeeze3A_139 = vector.extract %slice3A_138[0] : f32 from vector<1xf32>
        %mul3A_140 = arith.constant 16 : i32
        %mul3A_141 = arith.muli %scan3A_59, %mul3A_140 : i32
        %add3A_142 = arith.constant 1 : i32
        %add3A_143 = arith.addi %mul3A_141, %add3A_142 : i32
        %get3A_144 = arith.index_cast %add3A_143 : i32 to index
        %get3A_145 = arith.constant 0 : index
        %get3A_146 = tpu.vector_load %arg12[%get3A_144, %get3A_145] {strides = array<i32>} : memref<128x128xf32, #tpu.memory_space<vmem>>, vector<16xf32>,
        %mul3A_147 = vector.broadcast %squeeze3A_139 : f32 to vector<16xf32>
        %mul3A_148 = arith.mulf %get3A_146, %mul3A_147 : vector<16xf32>
        %swap3A_149 = arith.index_cast %add3A_143 : i32 to index
        %swap3A_150 = arith.constant 0 : index
        %swap3A_151 = tpu.vector_load %arg12[%swap3A_149, %swap3A_150] {strides = array<i32>} : memref<128x128xf32, #tpu.memory_space<vmem>>, vector<16xf32>,
        tpu.vector_store %arg12[%swap3A_149, %swap3A_150], %mul3A_148 {strides = array<i32>} : memref<128x128xf32, #tpu.memory_space<vmem>>, vector<16xf32>,
        %get3A_152 = arith.index_cast %add3A_143 : i32 to index
        %get3A_153 = arith.constant 16 : index
        %get3A_154 = tpu.vector_load %arg12[%get3A_152, %get3A_153] {strides = array<i32>} : memref<128x128xf32, #tpu.memory_space<vmem>>, vector<16xf32>,
        %mul3A_155 = vector.broadcast %squeeze3A_139 : f32 to vector<16xf32>
        %mul3A_156 = arith.mulf %get3A_154, %mul3A_155 : vector<16xf32>
        %swap3A_157 = arith.index_cast %add3A_143 : i32 to index
        %swap3A_158 = arith.constant 16 : index
        %swap3A_159 = tpu.vector_load %arg12[%swap3A_157, %swap3A_158] {strides = array<i32>} : memref<128x128xf32, #tpu.memory_space<vmem>>, vector<16xf32>,
        tpu.vector_store %arg12[%swap3A_157, %swap3A_158], %mul3A_156 {strides = array<i32>} : memref<128x128xf32, #tpu.memory_space<vmem>>, vector<16xf32>,
        %get3A_160 = arith.index_cast %add3A_143 : i32 to index
        %get3A_161 = arith.constant 32 : index
        %get3A_162 = tpu.vector_load %arg12[%get3A_160, %get3A_161] {strides = array<i32>} : memref<128x128xf32, #tpu.memory_space<vmem>>, vector<16xf32>,
        %mul3A_163 = vector.broadcast %squeeze3A_139 : f32 to vector<16xf32>
        %mul3A_164 = arith.mulf %get3A_162, %mul3A_163 : vector<16xf32>
        %swap3A_165 = arith.index_cast %add3A_143 : i32 to index
        %swap3A_166 = arith.constant 32 : index
        %swap3A_167 = tpu.vector_load %arg12[%swap3A_165, %swap3A_166] {strides = array<i32>} : memref<128x128xf32, #tpu.memory_space<vmem>>, vector<16xf32>,
        tpu.vector_store %arg12[%swap3A_165, %swap3A_166], %mul3A_164 {strides = array<i32>} : memref<128x128xf32, #tpu.memory_space<vmem>>, vector<16xf32>,
        %get3A_168 = arith.index_cast %add3A_143 : i32 to index
        %get3A_169 = arith.constant 48 : index
        %get3A_170 = tpu.vector_load %arg12[%get3A_168, %get3A_169] {strides = array<i32>} : memref<128x128xf32, #tpu.memory_space<vmem>>, vector<16xf32>,
        %mul3A_171 = vector.broadcast %squeeze3A_139 : f32 to vector<16xf32>
        %mul3A_172 = arith.mulf %get3A_170, %mul3A_171 : vector<16xf32>
        %swap3A_173 = arith.index_cast %add3A_143 : i32 to index
        %swap3A_174 = arith.constant 48 : index
        %swap3A_175 = tpu.vector_load %arg12[%swap3A_173, %swap3A_174] {strides = array<i32>} : memref<128x128xf32, #tpu.memory_space<vmem>>, vector<16xf32>,
        tpu.vector_store %arg12[%swap3A_173, %swap3A_174], %mul3A_172 {strides = array<i32>} : memref<128x128xf32, #tpu.memory_space<vmem>>, vector<16xf32>,
        %get3A_176 = arith.index_cast %add3A_143 : i32 to index
        %get3A_177 = arith.constant 64 : index
        %get3A_178 = tpu.vector_load %arg12[%get3A_176, %get3A_177] {strides = array<i32>} : memref<128x128xf32, #tpu.memory_space<vmem>>, vector<16xf32>,
        %mul3A_179 = vector.broadcast %squeeze3A_139 : f32 to vector<16xf32>
        %mul3A_180 = arith.mulf %get3A_178, %mul3A_179 : vector<16xf32>
        %swap3A_181 = arith.index_cast %add3A_143 : i32 to index
        %swap3A_182 = arith.constant 64 : index
        %swap3A_183 = tpu.vector_load %arg12[%swap3A_181, %swap3A_182] {strides = array<i32>} : memref<128x128xf32, #tpu.memory_space<vmem>>, vector<16xf32>,
        tpu.vector_store %arg12[%swap3A_181, %swap3A_182], %mul3A_180 {strides = array<i32>} : memref<128x128xf32, #tpu.memory_space<vmem>>, vector<16xf32>,
        %get3A_184 = arith.index_cast %add3A_143 : i32 to index
        %get3A_185 = arith.constant 80 : index
        %get3A_186 = tpu.vector_load %arg12[%get3A_184, %get3A_185] {strides = array<i32>} : memref<128x128xf32, #tpu.memory_space<vmem>>, vector<16xf32>,
        %mul3A_187 = vector.broadcast %squeeze3A_139 : f32 to vector<16xf32>
        %mul3A_188 = arith.mulf %get3A_186, %mul3A_187 : vector<16xf32>
        %swap3A_189 = arith.index_cast %add3A_143 : i32 to index
        %swap3A_190 = arith.constant 80 : index
        %swap3A_191 = tpu.vector_load %arg12[%swap3A_189, %swap3A_190] {strides = array<i32>} : memref<128x128xf32, #tpu.memory_space<vmem>>, vector<16xf32>,
        tpu.vector_store %arg12[%swap3A_189, %swap3A_190], %mul3A_188 {strides = array<i32>} : memref<128x128xf32, #tpu.memory_space<vmem>>, vector<16xf32>,
        %get3A_192 = arith.index_cast %add3A_143 : i32 to index
        %get3A_193 = arith.constant 96 : index
        %get3A_194 = tpu.vector_load %arg12[%get3A_192, %get3A_193] {strides = array<i32>} : memref<128x128xf32, #tpu.memory_space<vmem>>, vector<16xf32>,
        %mul3A_195 = vector.broadcast %squeeze3A_139 : f32 to vector<16xf32>
        %mul3A_196 = arith.mulf %get3A_194, %mul3A_195 : vector<16xf32>
        %swap3A_197 = arith.index_cast %add3A_143 : i32 to index
        %swap3A_198 = arith.constant 96 : index
        %swap3A_199 = tpu.vector_load %arg12[%swap3A_197, %swap3A_198] {strides = array<i32>} : memref<128x128xf32, #tpu.memory_space<vmem>>, vector<16xf32>,
        tpu.vector_store %arg12[%swap3A_197, %swap3A_198], %mul3A_196 {strides = array<i32>} : memref<128x128xf32, #tpu.memory_space<vmem>>, vector<16xf32>,
        %get3A_200 = arith.index_cast %add3A_143 : i32 to index
        %get3A_201 = arith.constant 112 : index
        %get3A_202 = tpu.vector_load %arg12[%get3A_200, %get3A_201] {strides = array<i32>} : memref<128x128xf32, #tpu.memory_space<vmem>>, vector<16xf32>,
        %mul3A_203 = vector.broadcast %squeeze3A_139 : f32 to vector<16xf32>
        %mul3A_204 = arith.mulf %get3A_202, %mul3A_203 : vector<16xf32>
        %swap3A_205 = arith.index_cast %add3A_143 : i32 to index
        %swap3A_206 = arith.constant 112 : index
        %swap3A_207 = tpu.vector_load %arg12[%swap3A_205, %swap3A_206] {strides = array<i32>} : memref<128x128xf32, #tpu.memory_space<vmem>>, vector<16xf32>,
        tpu.vector_store %arg12[%swap3A_205, %swap3A_206], %mul3A_204 {strides = array<i32>} : memref<128x128xf32, #tpu.memory_space<vmem>>, vector<16xf32>,
        %slice3A_208 = vector.extract_strided_slice %mul3A_70 {offsets = [2], sizes = [1], strides = [1]} : vector<16xf32> to vector<1xf32>
        %squeeze3A_209 = vector.extract %slice3A_208[0] : f32 from vector<1xf32>
        %mul3A_210 = arith.constant 16 : i32
        %mul3A_211 = arith.muli %scan3A_59, %mul3A_210 : i32
        %add3A_212 = arith.constant 2 : i32
        %add3A_213 = arith.addi %mul3A_211, %add3A_212 : i32
        %get3A_214 = arith.index_cast %add3A_213 : i32 to index
        %get3A_215 = arith.constant 0 : index
        %get3A_216 = tpu.vector_load %arg12[%get3A_214, %get3A_215] {strides = array<i32>} : memref<128x128xf32, #tpu.memory_space<vmem>>, vector<16xf32>,
        %mul3A_217 = vector.broadcast %squeeze3A_209 : f32 to vector<16xf32>
        %mul3A_218 = arith.mulf %get3A_216, %mul3A_217 : vector<16xf32>
        %swap3A_219 = arith.index_cast %add3A_213 : i32 to index
        %swap3A_220 = arith.constant 0 : index
        %swap3A_221 = tpu.vector_load %arg12[%swap3A_219, %swap3A_220] {strides = array<i32>} : memref<128x128xf32, #tpu.memory_space<vmem>>, vector<16xf32>,
        tpu.vector_store %arg12[%swap3A_219, %swap3A_220], %mul3A_218 {strides = array<i32>} : memref<128x128xf32, #tpu.memory_space<vmem>>, vector<16xf32>,
        %get3A_222 = arith.index_cast %add3A_213 : i32 to index
        %get3A_223 = arith.constant 16 : index
        %get3A_224 = tpu.vector_load %arg12[%get3A_222, %get3A_223] {strides = array<i32>} : memref<128x128xf32, #tpu.memory_space<vmem>>, vector<16xf32>,
        %mul3A_225 = vector.broadcast %squeeze3A_209 : f32 to vector<16xf32>
        %mul3A_226 = arith.mulf %get3A_224, %mul3A_225 : vector<16xf32>
        %swap3A_227 = arith.index_cast %add3A_213 : i32 to index
        %swap3A_228 = arith.constant 16 : index
        %swap3A_229 = tpu.vector_load %arg12[%swap3A_227, %swap3A_228] {strides = array<i32>} : memref<128x128xf32, #tpu.memory_space<vmem>>, vector<16xf32>,
        tpu.vector_store %arg12[%swap3A_227, %swap3A_228], %mul3A_226 {strides = array<i32>} : memref<128x128xf32, #tpu.memory_space<vmem>>, vector<16xf32>,
        %get3A_230 = arith.index_cast %add3A_213 : i32 to index
        %get3A_231 = arith.constant 32 : index
        %get3A_232 = tpu.vector_load %arg12[%get3A_230, %get3A_231] {strides = array<i32>} : memref<128x128xf32, #tpu.memory_space<vmem>>, vector<16xf32>,
        %mul3A_233 = vector.broadcast %squeeze3A_209 : f32 to vector<16xf32>
        %mul3A_234 = arith.mulf %get3A_232, %mul3A_233 : vector<16xf32>
        %swap3A_235 = arith.index_cast %add3A_213 : i32 to index
        %swap3A_236 = arith.constant 32 : index
        %swap3A_237 = tpu.vector_load %arg12[%swap3A_235, %swap3A_236] {strides = array<i32>} : memref<128x128xf32, #tpu.memory_space<vmem>>, vector<16xf32>,
        tpu.vector_store %arg12[%swap3A_235, %swap3A_236], %mul3A_234 {strides = array<i32>} : memref<128x128xf32, #tpu.memory_space<vmem>>, vector<16xf32>,
        %get3A_238 = arith.index_cast %add3A_213 : i32 to index
        %get3A_239 = arith.constant 48 : index
        %get3A_240 = tpu.vector_load %arg12[%get3A_238, %get3A_239] {strides = array<i32>} : memref<128x128xf32, #tpu.memory_space<vmem>>, vector<16xf32>,
        %mul3A_241 = vector.broadcast %squeeze3A_209 : f32 to vector<16xf32>
        %mul3A_242 = arith.mulf %get3A_240, %mul3A_241 : vector<16xf32>
        %swap3A_243 = arith.index_cast %add3A_213 : i32 to index
        %swap3A_244 = arith.constant 48 : index
        %swap3A_245 = tpu.vector_load %arg12[%swap3A_243, %swap3A_244] {strides = array<i32>} : memref<128x128xf32, #tpu.memory_space<vmem>>, vector<16xf32>,
        tpu.vector_store %arg12[%swap3A_243, %swap3A_244], %mul3A_242 {strides = array<i32>} : memref<128x128xf32, #tpu.memory_space<vmem>>, vector<16xf32>,
        %get3A_246 = arith.index_cast %add3A_213 : i32 to index
        %get3A_247 = arith.constant 64 : index
        %get3A_248 = tpu.vector_load %arg12[%get3A_246, %get3A_247] {strides = array<i32>} : memref<128x128xf32, #tpu.memory_space<vmem>>, vector<16xf32>,
        %mul3A_249 = vector.broadcast %squeeze3A_209 : f32 to vector<16xf32>
        %mul3A_250 = arith.mulf %get3A_248, %mul3A_249 : vector<16xf32>
        %swap3A_251 = arith.index_cast %add3A_213 : i32 to index
        %swap3A_252 = arith.constant 64 : index
        %swap3A_253 = tpu.vector_load %arg12[%swap3A_251, %swap3A_252] {strides = array<i32>} : memref<128x128xf32, #tpu.memory_space<vmem>>, vector<16xf32>,
        tpu.vector_store %arg12[%swap3A_251, %swap3A_252], %mul3A_250 {strides = array<i32>} : memref<128x128xf32, #tpu.memory_space<vmem>>, vector<16xf32>,
        %get3A_254 = arith.index_cast %add3A_213 : i32 to index
        %get3A_255 = arith.constant 80 : index
        %get3A_256 = tpu.vector_load %arg12[%get3A_254, %get3A_255] {strides = array<i32>} : memref<128x128xf32, #tpu.memory_space<vmem>>, vector<16xf32>,
        %mul3A_257 = vector.broadcast %squeeze3A_209 : f32 to vector<16xf32>
        %mul3A_258 = arith.mulf %get3A_256, %mul3A_257 : vector<16xf32>
        %swap3A_259 = arith.index_cast %add3A_213 : i32 to index
        %swap3A_260 = arith.constant 80 : index
        %swap3A_261 = tpu.vector_load %arg12[%swap3A_259, %swap3A_260] {strides = array<i32>} : memref<128x128xf32, #tpu.memory_space<vmem>>, vector<16xf32>,
        tpu.vector_store %arg12[%swap3A_259, %swap3A_260], %mul3A_258 {strides = array<i32>} : memref<128x128xf32, #tpu.memory_space<vmem>>, vector<16xf32>,
        %get3A_262 = arith.index_cast %add3A_213 : i32 to index
        %get3A_263 = arith.constant 96 : index
        %get3A_264 = tpu.vector_load %arg12[%get3A_262, %get3A_263] {strides = array<i32>} : memref<128x128xf32, #tpu.memory_space<vmem>>, vector<16xf32>,
        %mul3A_265 = vector.broadcast %squeeze3A_209 : f32 to vector<16xf32>
        %mul3A_266 = arith.mulf %get3A_264, %mul3A_265 : vector<16xf32>
        %swap3A_267 = arith.index_cast %add3A_213 : i32 to index
        %swap3A_268 = arith.constant 96 : index
        %swap3A_269 = tpu.vector_load %arg12[%swap3A_267, %swap3A_268] {strides = array<i32>} : memref<128x128xf32, #tpu.memory_space<vmem>>, vector<16xf32>,
        tpu.vector_store %arg12[%swap3A_267, %swap3A_268], %mul3A_266 {strides = array<i32>} : memref<128x128xf32, #tpu.memory_space<vmem>>, vector<16xf32>,
        %get3A_270 = arith.index_cast %add3A_213 : i32 to index
        %get3A_271 = arith.constant 112 : index
        %get3A_272 = tpu.vector_load %arg12[%get3A_270, %get3A_271] {strides = array<i32>} : memref<128x128xf32, #tpu.memory_space<vmem>>, vector<16xf32>,
        %mul3A_273 = vector.broadcast %squeeze3A_209 : f32 to vector<16xf32>
        %mul3A_274 = arith.mulf %get3A_272, %mul3A_273 : vector<16xf32>
        %swap3A_275 = arith.index_cast %add3A_213 : i32 to index
        %swap3A_276 = arith.constant 112 : index
        %swap3A_277 = tpu.vector_load %arg12[%swap3A_275, %swap3A_276] {strides = array<i32>} : memref<128x128xf32, #tpu.memory_space<vmem>>, vector<16xf32>,
        tpu.vector_store %arg12[%swap3A_275, %swap3A_276], %mul3A_274 {strides = array<i32>} : memref<128x128xf32, #tpu.memory_space<vmem>>, vector<16xf32>,
        %slice3A_278 = vector.extract_strided_slice %mul3A_70 {offsets = [3], sizes = [1], strides = [1]} : vector<16xf32> to vector<1xf32>
        %squeeze3A_279 = vector.extract %slice3A_278[0] : f32 from vector<1xf32>
        %mul3A_280 = arith.constant 16 : i32
        %mul3A_281 = arith.muli %scan3A_59, %mul3A_280 : i32
        %add3A_282 = arith.constant 3 : i32
        %add3A_283 = arith.addi %mul3A_281, %add3A_282 : i32
        %get3A_284 = arith.index_cast %add3A_283 : i32 to index
        %get3A_285 = arith.constant 0 : index
        %get3A_286 = tpu.vector_load %arg12[%get3A_284, %get3A_285] {strides = array<i32>} : memref<128x128xf32, #tpu.memory_space<vmem>>, vector<16xf32>,
        %mul3A_287 = vector.broadcast %squeeze3A_279 : f32 to vector<16xf32>
        %mul3A_288 = arith.mulf %get3A_286, %mul3A_287 : vector<16xf32>
        %swap3A_289 = arith.index_cast %add3A_283 : i32 to index
        %swap3A_290 = arith.constant 0 : index
        %swap3A_291 = tpu.vector_load %arg12[%swap3A_289, %swap3A_290] {strides = array<i32>} : memref<128x128xf32, #tpu.memory_space<vmem>>, vector<16xf32>,
        tpu.vector_store %arg12[%swap3A_289, %swap3A_290], %mul3A_288 {strides = array<i32>} : memref<128x128xf32, #tpu.memory_space<vmem>>, vector<16xf32>,
        %get3A_292 = arith.index_cast %add3A_283 : i32 to index
        %get3A_293 = arith.constant 16 : index
        %get3A_294 = tpu.vector_load %arg12[%get3A_292, %get3A_293] {strides = array<i32>} : memref<128x128xf32, #tpu.memory_space<vmem>>, vector<16xf32>,
        %mul3A_295 = vector.broadcast %squeeze3A_279 : f32 to vector<16xf32>
        %mul3A_296 = arith.mulf %get3A_294, %mul3A_295 : vector<16xf32>
        %swap3A_297 = arith.index_cast %add3A_283 : i32 to index
        %swap3A_298 = arith.constant 16 : index
        %swap3A_299 = tpu.vector_load %arg12[%swap3A_297, %swap3A_298] {strides = array<i32>} : memref<128x128xf32, #tpu.memory_space<vmem>>, vector<16xf32>,
        tpu.vector_store %arg12[%swap3A_297, %swap3A_298], %mul3A_296 {strides = array<i32>} : memref<128x128xf32, #tpu.memory_space<vmem>>, vector<16xf32>,
        %get3A_300 = arith.index_cast %add3A_283 : i32 to index
        %get3A_301 = arith.constant 32 : index
        %get3A_302 = tpu.vector_load %arg12[%get3A_300, %get3A_301] {strides = array<i32>} : memref<128x128xf32, #tpu.memory_space<vmem>>, vector<16xf32>,
        %mul3A_303 = vector.broadcast %squeeze3A_279 : f32 to vector<16xf32>
        %mul3A_304 = arith.mulf %get3A_302, %mul3A_303 : vector<16xf32>
        %swap3A_305 = arith.index_cast %add3A_283 : i32 to index
        %swap3A_306 = arith.constant 32 : index
        %swap3A_307 = tpu.vector_load %arg12[%swap3A_305, %swap3A_306] {strides = array<i32>} : memref<128x128xf32, #tpu.memory_space<vmem>>, vector<16xf32>,
        tpu.vector_store %arg12[%swap3A_305, %swap3A_306], %mul3A_304 {strides = array<i32>} : memref<128x128xf32, #tpu.memory_space<vmem>>, vector<16xf32>,
        %get3A_308 = arith.index_cast %add3A_283 : i32 to index
        %get3A_309 = arith.constant 48 : index
        %get3A_310 = tpu.vector_load %arg12[%get3A_308, %get3A_309] {strides = array<i32>} : memref<128x128xf32, #tpu.memory_space<vmem>>, vector<16xf32>,
        %mul3A_311 = vector.broadcast %squeeze3A_279 : f32 to vector<16xf32>
        %mul3A_312 = arith.mulf %get3A_310, %mul3A_311 : vector<16xf32>
        %swap3A_313 = arith.index_cast %add3A_283 : i32 to index
        %swap3A_314 = arith.constant 48 : index
        %swap3A_315 = tpu.vector_load %arg12[%swap3A_313, %swap3A_314] {strides = array<i32>} : memref<128x128xf32, #tpu.memory_space<vmem>>, vector<16xf32>,
        tpu.vector_store %arg12[%swap3A_313, %swap3A_314], %mul3A_312 {strides = array<i32>} : memref<128x128xf32, #tpu.memory_space<vmem>>, vector<16xf32>,
        %get3A_316 = arith.index_cast %add3A_283 : i32 to index
        %get3A_317 = arith.constant 64 : index
        %get3A_318 = tpu.vector_load %arg12[%get3A_316, %get3A_317] {strides = array<i32>} : memref<128x128xf32, #tpu.memory_space<vmem>>, vector<16xf32>,
        %mul3A_319 = vector.broadcast %squeeze3A_279 : f32 to vector<16xf32>
        %mul3A_320 = arith.mulf %get3A_318, %mul3A_319 : vector<16xf32>
        %swap3A_321 = arith.index_cast %add3A_283 : i32 to index
        %swap3A_322 = arith.constant 64 : index
        %swap3A_323 = tpu.vector_load %arg12[%swap3A_321, %swap3A_322] {strides = array<i32>} : memref<128x128xf32, #tpu.memory_space<vmem>>, vector<16xf32>,
        tpu.vector_store %arg12[%swap3A_321, %swap3A_322], %mul3A_320 {strides = array<i32>} : memref<128x128xf32, #tpu.memory_space<vmem>>, vector<16xf32>,
        %get3A_324 = arith.index_cast %add3A_283 : i32 to index
        %get3A_325 = arith.constant 80 : index
        %get3A_326 = tpu.vector_load %arg12[%get3A_324, %get3A_325] {strides = array<i32>} : memref<128x128xf32, #tpu.memory_space<vmem>>, vector<16xf32>,
        %mul3A_327 = vector.broadcast %squeeze3A_279 : f32 to vector<16xf32>
        %mul3A_328 = arith.mulf %get3A_326, %mul3A_327 : vector<16xf32>
        %swap3A_329 = arith.index_cast %add3A_283 : i32 to index
        %swap3A_330 = arith.constant 80 : index
        %swap3A_331 = tpu.vector_load %arg12[%swap3A_329, %swap3A_330] {strides = array<i32>} : memref<128x128xf32, #tpu.memory_space<vmem>>, vector<16xf32>,
        tpu.vector_store %arg12[%swap3A_329, %swap3A_330], %mul3A_328 {strides = array<i32>} : memref<128x128xf32, #tpu.memory_space<vmem>>, vector<16xf32>,
        %get3A_332 = arith.index_cast %add3A_283 : i32 to index
        %get3A_333 = arith.constant 96 : index
        %get3A_334 = tpu.vector_load %arg12[%get3A_332, %get3A_333] {strides = array<i32>} : memref<128x128xf32, #tpu.memory_space<vmem>>, vector<16xf32>,
        %mul3A_335 = vector.broadcast %squeeze3A_279 : f32 to vector<16xf32>
        %mul3A_336 = arith.mulf %get3A_334, %mul3A_335 : vector<16xf32>
        %swap3A_337 = arith.index_cast %add3A_283 : i32 to index
        %swap3A_338 = arith.constant 96 : index
        %swap3A_339 = tpu.vector_load %arg12[%swap3A_337, %swap3A_338] {strides = array<i32>} : memref<128x128xf32, #tpu.memory_space<vmem>>, vector<16xf32>,
        tpu.vector_store %arg12[%swap3A_337, %swap3A_338], %mul3A_336 {strides = array<i32>} : memref<128x128xf32, #tpu.memory_space<vmem>>, vector<16xf32>,
        %get3A_340 = arith.index_cast %add3A_283 : i32 to index
        %get3A_341 = arith.constant 112 : index
        %get3A_342 = tpu.vector_load %arg12[%get3A_340, %get3A_341] {strides = array<i32>} : memref<128x128xf32, #tpu.memory_space<vmem>>, vector<16xf32>,
        %mul3A_343 = vector.broadcast %squeeze3A_279 : f32 to vector<16xf32>
        %mul3A_344 = arith.mulf %get3A_342, %mul3A_343 : vector<16xf32>
        %swap3A_345 = arith.index_cast %add3A_283 : i32 to index
        %swap3A_346 = arith.constant 112 : index
        %swap3A_347 = tpu.vector_load %arg12[%swap3A_345, %swap3A_346] {strides = array<i32>} : memref<128x128xf32, #tpu.memory_space<vmem>>, vector<16xf32>,
        tpu.vector_store %arg12[%swap3A_345, %swap3A_346], %mul3A_344 {strides = array<i32>} : memref<128x128xf32, #tpu.memory_space<vmem>>, vector<16xf32>,
        %slice3A_348 = vector.extract_strided_slice %mul3A_70 {offsets = [4], sizes = [1], strides = [1]} : vector<16xf32> to vector<1xf32>
        %squeeze3A_349 = vector.extract %slice3A_348[0] : f32 from vector<1xf32>
        %mul3A_350 = arith.constant 16 : i32
        %mul3A_351 = arith.muli %scan3A_59, %mul3A_350 : i32
        %add3A_352 = arith.constant 4 : i32
        %add3A_353 = arith.addi %mul3A_351, %add3A_352 : i32
        %get3A_354 = arith.index_cast %add3A_353 : i32 to index
        %get3A_355 = arith.constant 0 : index
        %get3A_356 = tpu.vector_load %arg12[%get3A_354, %get3A_355] {strides = array<i32>} : memref<128x128xf32, #tpu.memory_space<vmem>>, vector<16xf32>,
        %mul3A_357 = vector.broadcast %squeeze3A_349 : f32 to vector<16xf32>
        %mul3A_358 = arith.mulf %get3A_356, %mul3A_357 : vector<16xf32>
        %swap3A_359 = arith.index_cast %add3A_353 : i32 to index
        %swap3A_360 = arith.constant 0 : index
        %swap3A_361 = tpu.vector_load %arg12[%swap3A_359, %swap3A_360] {strides = array<i32>} : memref<128x128xf32, #tpu.memory_space<vmem>>, vector<16xf32>,
        tpu.vector_store %arg12[%swap3A_359, %swap3A_360], %mul3A_358 {strides = array<i32>} : memref<128x128xf32, #tpu.memory_space<vmem>>, vector<16xf32>,
        %get3A_362 = arith.index_cast %add3A_353 : i32 to index
        %get3A_363 = arith.constant 16 : index
        %get3A_364 = tpu.vector_load %arg12[%get3A_362, %get3A_363] {strides = array<i32>} : memref<128x128xf32, #tpu.memory_space<vmem>>, vector<16xf32>,
        %mul3A_365 = vector.broadcast %squeeze3A_349 : f32 to vector<16xf32>
        %mul3A_366 = arith.mulf %get3A_364, %mul3A_365 : vector<16xf32>
        %swap3A_367 = arith.index_cast %add3A_353 : i32 to index
        %swap3A_368 = arith.constant 16 : index
        %swap3A_369 = tpu.vector_load %arg12[%swap3A_367, %swap3A_368] {strides = array<i32>} : memref<128x128xf32, #tpu.memory_space<vmem>>, vector<16xf32>,
        tpu.vector_store %arg12[%swap3A_367, %swap3A_368], %mul3A_366 {strides = array<i32>} : memref<128x128xf32, #tpu.memory_space<vmem>>, vector<16xf32>,
        %get3A_370 = arith.index_cast %add3A_353 : i32 to index
        %get3A_371 = arith.constant 32 : index
        %get3A_372 = tpu.vector_load %arg12[%get3A_370, %get3A_371] {strides = array<i32>} : memref<128x128xf32, #tpu.memory_space<vmem>>, vector<16xf32>,
        %mul3A_373 = vector.broadcast %squeeze3A_349 : f32 to vector<16xf32>
        %mul3A_374 = arith.mulf %get3A_372, %mul3A_373 : vector<16xf32>
        %swap3A_375 = arith.index_cast %add3A_353 : i32 to index
        %swap3A_376 = arith.constant 32 : index
        %swap3A_377 = tpu.vector_load %arg12[%swap3A_375, %swap3A_376] {strides = array<i32>} : memref<128x128xf32, #tpu.memory_space<vmem>>, vector<16xf32>,
        tpu.vector_store %arg12[%swap3A_375, %swap3A_376], %mul3A_374 {strides = array<i32>} : memref<128x128xf32, #tpu.memory_space<vmem>>, vector<16xf32>,
        %get3A_378 = arith.index_cast %add3A_353 : i32 to index
        %get3A_379 = arith.constant 48 : index
        %get3A_380 = tpu.vector_load %arg12[%get3A_378, %get3A_379] {strides = array<i32>} : memref<128x128xf32, #tpu.memory_space<vmem>>, vector<16xf32>,
        %mul3A_381 = vector.broadcast %squeeze3A_349 : f32 to vector<16xf32>
        %mul3A_382 = arith.mulf %get3A_380, %mul3A_381 : vector<16xf32>
        %swap3A_383 = arith.index_cast %add3A_353 : i32 to index
        %swap3A_384 = arith.constant 48 : index
        %swap3A_385 = tpu.vector_load %arg12[%swap3A_383, %swap3A_384] {strides = array<i32>} : memref<128x128xf32, #tpu.memory_space<vmem>>, vector<16xf32>,
        tpu.vector_store %arg12[%swap3A_383, %swap3A_384], %mul3A_382 {strides = array<i32>} : memref<128x128xf32, #tpu.memory_space<vmem>>, vector<16xf32>,
        %get3A_386 = arith.index_cast %add3A_353 : i32 to index
        %get3A_387 = arith.constant 64 : index
        %get3A_388 = tpu.vector_load %arg12[%get3A_386, %get3A_387] {strides = array<i32>} : memref<128x128xf32, #tpu.memory_space<vmem>>, vector<16xf32>,
        %mul3A_389 = vector.broadcast %squeeze3A_349 : f32 to vector<16xf32>
        %mul3A_390 = arith.mulf %get3A_388, %mul3A_389 : vector<16xf32>
        %swap3A_391 = arith.index_cast %add3A_353 : i32 to index
        %swap3A_392 = arith.constant 64 : index
        %swap3A_393 = tpu.vector_load %arg12[%swap3A_391, %swap3A_392] {strides = array<i32>} : memref<128x128xf32, #tpu.memory_space<vmem>>, vector<16xf32>,
        tpu.vector_store %arg12[%swap3A_391, %swap3A_392], %mul3A_390 {strides = array<i32>} : memref<128x128xf32, #tpu.memory_space<vmem>>, vector<16xf32>,
        %get3A_394 = arith.index_cast %add3A_353 : i32 to index
        %get3A_395 = arith.constant 80 : index
        %get3A_396 = tpu.vector_load %arg12[%get3A_394, %get3A_395] {strides = array<i32>} : memref<128x128xf32, #tpu.memory_space<vmem>>, vector<16xf32>,
        %mul3A_397 = vector.broadcast %squeeze3A_349 : f32 to vector<16xf32>
        %mul3A_398 = arith.mulf %get3A_396, %mul3A_397 : vector<16xf32>
        %swap3A_399 = arith.index_cast %add3A_353 : i32 to index
        %swap3A_400 = arith.constant 80 : index
        %swap3A_401 = tpu.vector_load %arg12[%swap3A_399, %swap3A_400] {strides = array<i32>} : memref<128x128xf32, #tpu.memory_space<vmem>>, vector<16xf32>,
        tpu.vector_store %arg12[%swap3A_399, %swap3A_400], %mul3A_398 {strides = array<i32>} : memref<128x128xf32, #tpu.memory_space<vmem>>, vector<16xf32>,
        %get3A_402 = arith.index_cast %add3A_353 : i32 to index
        %get3A_403 = arith.constant 96 : index
        %get3A_404 = tpu.vector_load %arg12[%get3A_402, %get3A_403] {strides = array<i32>} : memref<128x128xf32, #tpu.memory_space<vmem>>, vector<16xf32>,
        %mul3A_405 = vector.broadcast %squeeze3A_349 : f32 to vector<16xf32>
        %mul3A_406 = arith.mulf %get3A_404, %mul3A_405 : vector<16xf32>
        %swap3A_407 = arith.index_cast %add3A_353 : i32 to index
        %swap3A_408 = arith.constant 96 : index
        %swap3A_409 = tpu.vector_load %arg12[%swap3A_407, %swap3A_408] {strides = array<i32>} : memref<128x128xf32, #tpu.memory_space<vmem>>, vector<16xf32>,
        tpu.vector_store %arg12[%swap3A_407, %swap3A_408], %mul3A_406 {strides = array<i32>} : memref<128x128xf32, #tpu.memory_space<vmem>>, vector<16xf32>,
        %get3A_410 = arith.index_cast %add3A_353 : i32 to index
        %get3A_411 = arith.constant 112 : index
        %get3A_412 = tpu.vector_load %arg12[%get3A_410, %get3A_411] {strides = array<i32>} : memref<128x128xf32, #tpu.memory_space<vmem>>, vector<16xf32>,
        %mul3A_413 = vector.broadcast %squeeze3A_349 : f32 to vector<16xf32>
        %mul3A_414 = arith.mulf %get3A_412, %mul3A_413 : vector<16xf32>
        %swap3A_415 = arith.index_cast %add3A_353 : i32 to index
        %swap3A_416 = arith.constant 112 : index
        %swap3A_417 = tpu.vector_load %arg12[%swap3A_415, %swap3A_416] {strides = array<i32>} : memref<128x128xf32, #tpu.memory_space<vmem>>, vector<16xf32>,
        tpu.vector_store %arg12[%swap3A_415, %swap3A_416], %mul3A_414 {strides = array<i32>} : memref<128x128xf32, #tpu.memory_space<vmem>>, vector<16xf32>,
        %slice3A_418 = vector.extract_strided_slice %mul3A_70 {offsets = [5], sizes = [1], strides = [1]} : vector<16xf32> to vector<1xf32>
        %squeeze3A_419 = vector.extract %slice3A_418[0] : f32 from vector<1xf32>
        %mul3A_420 = arith.constant 16 : i32
        %mul3A_421 = arith.muli %scan3A_59, %mul3A_420 : i32
        %add3A_422 = arith.constant 5 : i32
        %add3A_423 = arith.addi %mul3A_421, %add3A_422 : i32
        %get3A_424 = arith.index_cast %add3A_423 : i32 to index
        %get3A_425 = arith.constant 0 : index
        %get3A_426 = tpu.vector_load %arg12[%get3A_424, %get3A_425] {strides = array<i32>} : memref<128x128xf32, #tpu.memory_space<vmem>>, vector<16xf32>,
        %mul3A_427 = vector.broadcast %squeeze3A_419 : f32 to vector<16xf32>
        %mul3A_428 = arith.mulf %get3A_426, %mul3A_427 : vector<16xf32>
        %swap3A_429 = arith.index_cast %add3A_423 : i32 to index
        %swap3A_430 = arith.constant 0 : index
        %swap3A_431 = tpu.vector_load %arg12[%swap3A_429, %swap3A_430] {strides = array<i32>} : memref<128x128xf32, #tpu.memory_space<vmem>>, vector<16xf32>,
        tpu.vector_store %arg12[%swap3A_429, %swap3A_430], %mul3A_428 {strides = array<i32>} : memref<128x128xf32, #tpu.memory_space<vmem>>, vector<16xf32>,
        %get3A_432 = arith.index_cast %add3A_423 : i32 to index
        %get3A_433 = arith.constant 16 : index
        %get3A_434 = tpu.vector_load %arg12[%get3A_432, %get3A_433] {strides = array<i32>} : memref<128x128xf32, #tpu.memory_space<vmem>>, vector<16xf32>,
        %mul3A_435 = vector.broadcast %squeeze3A_419 : f32 to vector<16xf32>
        %mul3A_436 = arith.mulf %get3A_434, %mul3A_435 : vector<16xf32>
        %swap3A_437 = arith.index_cast %add3A_423 : i32 to index
        %swap3A_438 = arith.constant 16 : index
        %swap3A_439 = tpu.vector_load %arg12[%swap3A_437, %swap3A_438] {strides = array<i32>} : memref<128x128xf32, #tpu.memory_space<vmem>>, vector<16xf32>,
        tpu.vector_store %arg12[%swap3A_437, %swap3A_438], %mul3A_436 {strides = array<i32>} : memref<128x128xf32, #tpu.memory_space<vmem>>, vector<16xf32>,
        %get3A_440 = arith.index_cast %add3A_423 : i32 to index
        %get3A_441 = arith.constant 32 : index
        %get3A_442 = tpu.vector_load %arg12[%get3A_440, %get3A_441] {strides = array<i32>} : memref<128x128xf32, #tpu.memory_space<vmem>>, vector<16xf32>,
        %mul3A_443 = vector.broadcast %squeeze3A_419 : f32 to vector<16xf32>
        %mul3A_444 = arith.mulf %get3A_442, %mul3A_443 : vector<16xf32>
        %swap3A_445 = arith.index_cast %add3A_423 : i32 to index
        %swap3A_446 = arith.constant 32 : index
        %swap3A_447 = tpu.vector_load %arg12[%swap3A_445, %swap3A_446] {strides = array<i32>} : memref<128x128xf32, #tpu.memory_space<vmem>>, vector<16xf32>,
        tpu.vector_store %arg12[%swap3A_445, %swap3A_446], %mul3A_444 {strides = array<i32>} : memref<128x128xf32, #tpu.memory_space<vmem>>, vector<16xf32>,
        %get3A_448 = arith.index_cast %add3A_423 : i32 to index
        %get3A_449 = arith.constant 48 : index
        %get3A_450 = tpu.vector_load %arg12[%get3A_448, %get3A_449] {strides = array<i32>} : memref<128x128xf32, #tpu.memory_space<vmem>>, vector<16xf32>,
        %mul3A_451 = vector.broadcast %squeeze3A_419 : f32 to vector<16xf32>
        %mul3A_452 = arith.mulf %get3A_450, %mul3A_451 : vector<16xf32>
        %swap3A_453 = arith.index_cast %add3A_423 : i32 to index
        %swap3A_454 = arith.constant 48 : index
        %swap3A_455 = tpu.vector_load %arg12[%swap3A_453, %swap3A_454] {strides = array<i32>} : memref<128x128xf32, #tpu.memory_space<vmem>>, vector<16xf32>,
        tpu.vector_store %arg12[%swap3A_453, %swap3A_454], %mul3A_452 {strides = array<i32>} : memref<128x128xf32, #tpu.memory_space<vmem>>, vector<16xf32>,
        %get3A_456 = arith.index_cast %add3A_423 : i32 to index
        %get3A_457 = arith.constant 64 : index
        %get3A_458 = tpu.vector_load %arg12[%get3A_456, %get3A_457] {strides = array<i32>} : memref<128x128xf32, #tpu.memory_space<vmem>>, vector<16xf32>,
        %mul3A_459 = vector.broadcast %squeeze3A_419 : f32 to vector<16xf32>
        %mul3A_460 = arith.mulf %get3A_458, %mul3A_459 : vector<16xf32>
        %swap3A_461 = arith.index_cast %add3A_423 : i32 to index
        %swap3A_462 = arith.constant 64 : index
        %swap3A_463 = tpu.vector_load %arg12[%swap3A_461, %swap3A_462] {strides = array<i32>} : memref<128x128xf32, #tpu.memory_space<vmem>>, vector<16xf32>,
        tpu.vector_store %arg12[%swap3A_461, %swap3A_462], %mul3A_460 {strides = array<i32>} : memref<128x128xf32, #tpu.memory_space<vmem>>, vector<16xf32>,
        %get3A_464 = arith.index_cast %add3A_423 : i32 to index
        %get3A_465 = arith.constant 80 : index
        %get3A_466 = tpu.vector_load %arg12[%get3A_464, %get3A_465] {strides = array<i32>} : memref<128x128xf32, #tpu.memory_space<vmem>>, vector<16xf32>,
        %mul3A_467 = vector.broadcast %squeeze3A_419 : f32 to vector<16xf32>
        %mul3A_468 = arith.mulf %get3A_466, %mul3A_467 : vector<16xf32>
        %swap3A_469 = arith.index_cast %add3A_423 : i32 to index
        %swap3A_470 = arith.constant 80 : index
        %swap3A_471 = tpu.vector_load %arg12[%swap3A_469, %swap3A_470] {strides = array<i32>} : memref<128x128xf32, #tpu.memory_space<vmem>>, vector<16xf32>,
        tpu.vector_store %arg12[%swap3A_469, %swap3A_470], %mul3A_468 {strides = array<i32>} : memref<128x128xf32, #tpu.memory_space<vmem>>, vector<16xf32>,
        %get3A_472 = arith.index_cast %add3A_423 : i32 to index
        %get3A_473 = arith.constant 96 : index
        %get3A_474 = tpu.vector_load %arg12[%get3A_472, %get3A_473] {strides = array<i32>} : memref<128x128xf32, #tpu.memory_space<vmem>>, vector<16xf32>,
        %mul3A_475 = vector.broadcast %squeeze3A_419 : f32 to vector<16xf32>
        %mul3A_476 = arith.mulf %get3A_474, %mul3A_475 : vector<16xf32>
        %swap3A_477 = arith.index_cast %add3A_423 : i32 to index
        %swap3A_478 = arith.constant 96 : index
        %swap3A_479 = tpu.vector_load %arg12[%swap3A_477, %swap3A_478] {strides = array<i32>} : memref<128x128xf32, #tpu.memory_space<vmem>>, vector<16xf32>,
        tpu.vector_store %arg12[%swap3A_477, %swap3A_478], %mul3A_476 {strides = array<i32>} : memref<128x128xf32, #tpu.memory_space<vmem>>, vector<16xf32>,
        %get3A_480 = arith.index_cast %add3A_423 : i32 to index
        %get3A_481 = arith.constant 112 : index
        %get3A_482 = tpu.vector_load %arg12[%get3A_480, %get3A_481] {strides = array<i32>} : memref<128x128xf32, #tpu.memory_space<vmem>>, vector<16xf32>,
        %mul3A_483 = vector.broadcast %squeeze3A_419 : f32 to vector<16xf32>
        %mul3A_484 = arith.mulf %get3A_482, %mul3A_483 : vector<16xf32>
        %swap3A_485 = arith.index_cast %add3A_423 : i32 to index
        %swap3A_486 = arith.constant 112 : index
        %swap3A_487 = tpu.vector_load %arg12[%swap3A_485, %swap3A_486] {strides = array<i32>} : memref<128x128xf32, #tpu.memory_space<vmem>>, vector<16xf32>,
        tpu.vector_store %arg12[%swap3A_485, %swap3A_486], %mul3A_484 {strides = array<i32>} : memref<128x128xf32, #tpu.memory_space<vmem>>, vector<16xf32>,
        %slice3A_488 = vector.extract_strided_slice %mul3A_70 {offsets = [6], sizes = [1], strides = [1]} : vector<16xf32> to vector<1xf32>
        %squeeze3A_489 = vector.extract %slice3A_488[0] : f32 from vector<1xf32>
        %mul3A_490 = arith.constant 16 : i32
        %mul3A_491 = arith.muli %scan3A_59, %mul3A_490 : i32
        %add3A_492 = arith.constant 6 : i32
        %add3A_493 = arith.addi %mul3A_491, %add3A_492 : i32
        %get3A_494 = arith.index_cast %add3A_493 : i32 to index
        %get3A_495 = arith.constant 0 : index
        %get3A_496 = tpu.vector_load %arg12[%get3A_494, %get3A_495] {strides = array<i32>} : memref<128x128xf32, #tpu.memory_space<vmem>>, vector<16xf32>,
        %mul3A_497 = vector.broadcast %squeeze3A_489 : f32 to vector<16xf32>
        %mul3A_498 = arith.mulf %get3A_496, %mul3A_497 : vector<16xf32>
        %swap3A_499 = arith.index_cast %add3A_493 : i32 to index
        %swap3A_500 = arith.constant 0 : index
        %swap3A_501 = tpu.vector_load %arg12[%swap3A_499, %swap3A_500] {strides = array<i32>} : memref<128x128xf32, #tpu.memory_space<vmem>>, vector<16xf32>,
        tpu.vector_store %arg12[%swap3A_499, %swap3A_500], %mul3A_498 {strides = array<i32>} : memref<128x128xf32, #tpu.memory_space<vmem>>, vector<16xf32>,
        %get3A_502 = arith.index_cast %add3A_493 : i32 to index
        %get3A_503 = arith.constant 16 : index
        %get3A_504 = tpu.vector_load %arg12[%get3A_502, %get3A_503] {strides = array<i32>} : memref<128x128xf32, #tpu.memory_space<vmem>>, vector<16xf32>,
        %mul3A_505 = vector.broadcast %squeeze3A_489 : f32 to vector<16xf32>
        %mul3A_506 = arith.mulf %get3A_504, %mul3A_505 : vector<16xf32>
        %swap3A_507 = arith.index_cast %add3A_493 : i32 to index
        %swap3A_508 = arith.constant 16 : index
        %swap3A_509 = tpu.vector_load %arg12[%swap3A_507, %swap3A_508] {strides = array<i32>} : memref<128x128xf32, #tpu.memory_space<vmem>>, vector<16xf32>,
        tpu.vector_store %arg12[%swap3A_507, %swap3A_508], %mul3A_506 {strides = array<i32>} : memref<128x128xf32, #tpu.memory_space<vmem>>, vector<16xf32>,
        %get3A_510 = arith.index_cast %add3A_493 : i32 to index
        %get3A_511 = arith.constant 32 : index
        %get3A_512 = tpu.vector_load %arg12[%get3A_510, %get3A_511] {strides = array<i32>} : memref<128x128xf32, #tpu.memory_space<vmem>>, vector<16xf32>,
        %mul3A_513 = vector.broadcast %squeeze3A_489 : f32 to vector<16xf32>
        %mul3A_514 = arith.mulf %get3A_512, %mul3A_513 : vector<16xf32>
        %swap3A_515 = arith.index_cast %add3A_493 : i32 to index
        %swap3A_516 = arith.constant 32 : index
        %swap3A_517 = tpu.vector_load %arg12[%swap3A_515, %swap3A_516] {strides = array<i32>} : memref<128x128xf32, #tpu.memory_space<vmem>>, vector<16xf32>,
        tpu.vector_store %arg12[%swap3A_515, %swap3A_516], %mul3A_514 {strides = array<i32>} : memref<128x128xf32, #tpu.memory_space<vmem>>, vector<16xf32>,
        %get3A_518 = arith.index_cast %add3A_493 : i32 to index
        %get3A_519 = arith.constant 48 : index
        %get3A_520 = tpu.vector_load %arg12[%get3A_518, %get3A_519] {strides = array<i32>} : memref<128x128xf32, #tpu.memory_space<vmem>>, vector<16xf32>,
        %mul3A_521 = vector.broadcast %squeeze3A_489 : f32 to vector<16xf32>
        %mul3A_522 = arith.mulf %get3A_520, %mul3A_521 : vector<16xf32>
        %swap3A_523 = arith.index_cast %add3A_493 : i32 to index
        %swap3A_524 = arith.constant 48 : index
        %swap3A_525 = tpu.vector_load %arg12[%swap3A_523, %swap3A_524] {strides = array<i32>} : memref<128x128xf32, #tpu.memory_space<vmem>>, vector<16xf32>,
        tpu.vector_store %arg12[%swap3A_523, %swap3A_524], %mul3A_522 {strides = array<i32>} : memref<128x128xf32, #tpu.memory_space<vmem>>, vector<16xf32>,
        %get3A_526 = arith.index_cast %add3A_493 : i32 to index
        %get3A_527 = arith.constant 64 : index
        %get3A_528 = tpu.vector_load %arg12[%get3A_526, %get3A_527] {strides = array<i32>} : memref<128x128xf32, #tpu.memory_space<vmem>>, vector<16xf32>,
        %mul3A_529 = vector.broadcast %squeeze3A_489 : f32 to vector<16xf32>
        %mul3A_530 = arith.mulf %get3A_528, %mul3A_529 : vector<16xf32>
        %swap3A_531 = arith.index_cast %add3A_493 : i32 to index
        %swap3A_532 = arith.constant 64 : index
        %swap3A_533 = tpu.vector_load %arg12[%swap3A_531, %swap3A_532] {strides = array<i32>} : memref<128x128xf32, #tpu.memory_space<vmem>>, vector<16xf32>,
        tpu.vector_store %arg12[%swap3A_531, %swap3A_532], %mul3A_530 {strides = array<i32>} : memref<128x128xf32, #tpu.memory_space<vmem>>, vector<16xf32>,
        %get3A_534 = arith.index_cast %add3A_493 : i32 to index
        %get3A_535 = arith.constant 80 : index
        %get3A_536 = tpu.vector_load %arg12[%get3A_534, %get3A_535] {strides = array<i32>} : memref<128x128xf32, #tpu.memory_space<vmem>>, vector<16xf32>,
        %mul3A_537 = vector.broadcast %squeeze3A_489 : f32 to vector<16xf32>
        %mul3A_538 = arith.mulf %get3A_536, %mul3A_537 : vector<16xf32>
        %swap3A_539 = arith.index_cast %add3A_493 : i32 to index
        %swap3A_540 = arith.constant 80 : index
        %swap3A_541 = tpu.vector_load %arg12[%swap3A_539, %swap3A_540] {strides = array<i32>} : memref<128x128xf32, #tpu.memory_space<vmem>>, vector<16xf32>,
        tpu.vector_store %arg12[%swap3A_539, %swap3A_540], %mul3A_538 {strides = array<i32>} : memref<128x128xf32, #tpu.memory_space<vmem>>, vector<16xf32>,
        %get3A_542 = arith.index_cast %add3A_493 : i32 to index
        %get3A_543 = arith.constant 96 : index
        %get3A_544 = tpu.vector_load %arg12[%get3A_542, %get3A_543] {strides = array<i32>} : memref<128x128xf32, #tpu.memory_space<vmem>>, vector<16xf32>,
        %mul3A_545 = vector.broadcast %squeeze3A_489 : f32 to vector<16xf32>
        %mul3A_546 = arith.mulf %get3A_544, %mul3A_545 : vector<16xf32>
        %swap3A_547 = arith.index_cast %add3A_493 : i32 to index
        %swap3A_548 = arith.constant 96 : index
        %swap3A_549 = tpu.vector_load %arg12[%swap3A_547, %swap3A_548] {strides = array<i32>} : memref<128x128xf32, #tpu.memory_space<vmem>>, vector<16xf32>,
        tpu.vector_store %arg12[%swap3A_547, %swap3A_548], %mul3A_546 {strides = array<i32>} : memref<128x128xf32, #tpu.memory_space<vmem>>, vector<16xf32>,
        %get3A_550 = arith.index_cast %add3A_493 : i32 to index
        %get3A_551 = arith.constant 112 : index
        %get3A_552 = tpu.vector_load %arg12[%get3A_550, %get3A_551] {strides = array<i32>} : memref<128x128xf32, #tpu.memory_space<vmem>>, vector<16xf32>,
        %mul3A_553 = vector.broadcast %squeeze3A_489 : f32 to vector<16xf32>
        %mul3A_554 = arith.mulf %get3A_552, %mul3A_553 : vector<16xf32>
        %swap3A_555 = arith.index_cast %add3A_493 : i32 to index
        %swap3A_556 = arith.constant 112 : index
        %swap3A_557 = tpu.vector_load %arg12[%swap3A_555, %swap3A_556] {strides = array<i32>} : memref<128x128xf32, #tpu.memory_space<vmem>>, vector<16xf32>,
        tpu.vector_store %arg12[%swap3A_555, %swap3A_556], %mul3A_554 {strides = array<i32>} : memref<128x128xf32, #tpu.memory_space<vmem>>, vector<16xf32>,
        %slice3A_558 = vector.extract_strided_slice %mul3A_70 {offsets = [7], sizes = [1], strides = [1]} : vector<16xf32> to vector<1xf32>
        %squeeze3A_559 = vector.extract %slice3A_558[0] : f32 from vector<1xf32>
        %mul3A_560 = arith.constant 16 : i32
        %mul3A_561 = arith.muli %scan3A_59, %mul3A_560 : i32
        %add3A_562 = arith.constant 7 : i32
        %add3A_563 = arith.addi %mul3A_561, %add3A_562 : i32
        %get3A_564 = arith.index_cast %add3A_563 : i32 to index
        %get3A_565 = arith.constant 0 : index
        %get3A_566 = tpu.vector_load %arg12[%get3A_564, %get3A_565] {strides = array<i32>} : memref<128x128xf32, #tpu.memory_space<vmem>>, vector<16xf32>,
        %mul3A_567 = vector.broadcast %squeeze3A_559 : f32 to vector<16xf32>
        %mul3A_568 = arith.mulf %get3A_566, %mul3A_567 : vector<16xf32>
        %swap3A_569 = arith.index_cast %add3A_563 : i32 to index
        %swap3A_570 = arith.constant 0 : index
        %swap3A_571 = tpu.vector_load %arg12[%swap3A_569, %swap3A_570] {strides = array<i32>} : memref<128x128xf32, #tpu.memory_space<vmem>>, vector<16xf32>,
        tpu.vector_store %arg12[%swap3A_569, %swap3A_570], %mul3A_568 {strides = array<i32>} : memref<128x128xf32, #tpu.memory_space<vmem>>, vector<16xf32>,
        %get3A_572 = arith.index_cast %add3A_563 : i32 to index
        %get3A_573 = arith.constant 16 : index
        %get3A_574 = tpu.vector_load %arg12[%get3A_572, %get3A_573] {strides = array<i32>} : memref<128x128xf32, #tpu.memory_space<vmem>>, vector<16xf32>,
        %mul3A_575 = vector.broadcast %squeeze3A_559 : f32 to vector<16xf32>
        %mul3A_576 = arith.mulf %get3A_574, %mul3A_575 : vector<16xf32>
        %swap3A_577 = arith.index_cast %add3A_563 : i32 to index
        %swap3A_578 = arith.constant 16 : index
        %swap3A_579 = tpu.vector_load %arg12[%swap3A_577, %swap3A_578] {strides = array<i32>} : memref<128x128xf32, #tpu.memory_space<vmem>>, vector<16xf32>,
        tpu.vector_store %arg12[%swap3A_577, %swap3A_578], %mul3A_576 {strides = array<i32>} : memref<128x128xf32, #tpu.memory_space<vmem>>, vector<16xf32>,
        %get3A_580 = arith.index_cast %add3A_563 : i32 to index
        %get3A_581 = arith.constant 32 : index
        %get3A_582 = tpu.vector_load %arg12[%get3A_580, %get3A_581] {strides = array<i32>} : memref<128x128xf32, #tpu.memory_space<vmem>>, vector<16xf32>,
        %mul3A_583 = vector.broadcast %squeeze3A_559 : f32 to vector<16xf32>
        %mul3A_584 = arith.mulf %get3A_582, %mul3A_583 : vector<16xf32>
        %swap3A_585 = arith.index_cast %add3A_563 : i32 to index
        %swap3A_586 = arith.constant 32 : index
        %swap3A_587 = tpu.vector_load %arg12[%swap3A_585, %swap3A_586] {strides = array<i32>} : memref<128x128xf32, #tpu.memory_space<vmem>>, vector<16xf32>,
        tpu.vector_store %arg12[%swap3A_585, %swap3A_586], %mul3A_584 {strides = array<i32>} : memref<128x128xf32, #tpu.memory_space<vmem>>, vector<16xf32>,
        %get3A_588 = arith.index_cast %add3A_563 : i32 to index
        %get3A_589 = arith.constant 48 : index
        %get3A_590 = tpu.vector_load %arg12[%get3A_588, %get3A_589] {strides = array<i32>} : memref<128x128xf32, #tpu.memory_space<vmem>>, vector<16xf32>,
        %mul3A_591 = vector.broadcast %squeeze3A_559 : f32 to vector<16xf32>
        %mul3A_592 = arith.mulf %get3A_590, %mul3A_591 : vector<16xf32>
        %swap3A_593 = arith.index_cast %add3A_563 : i32 to index
        %swap3A_594 = arith.constant 48 : index
        %swap3A_595 = tpu.vector_load %arg12[%swap3A_593, %swap3A_594] {strides = array<i32>} : memref<128x128xf32, #tpu.memory_space<vmem>>, vector<16xf32>,
        tpu.vector_store %arg12[%swap3A_593, %swap3A_594], %mul3A_592 {strides = array<i32>} : memref<128x128xf32, #tpu.memory_space<vmem>>, vector<16xf32>,
        %get3A_596 = arith.index_cast %add3A_563 : i32 to index
        %get3A_597 = arith.constant 64 : index
        %get3A_598 = tpu.vector_load %arg12[%get3A_596, %get3A_597] {strides = array<i32>} : memref<128x128xf32, #tpu.memory_space<vmem>>, vector<16xf32>,
        %mul3A_599 = vector.broadcast %squeeze3A_559 : f32 to vector<16xf32>
        %mul3A_600 = arith.mulf %get3A_598, %mul3A_599 : vector<16xf32>
        %swap3A_601 = arith.index_cast %add3A_563 : i32 to index
        %swap3A_602 = arith.constant 64 : index
        %swap3A_603 = tpu.vector_load %arg12[%swap3A_601, %swap3A_602] {strides = array<i32>} : memref<128x128xf32, #tpu.memory_space<vmem>>, vector<16xf32>,
        tpu.vector_store %arg12[%swap3A_601, %swap3A_602], %mul3A_600 {strides = array<i32>} : memref<128x128xf32, #tpu.memory_space<vmem>>, vector<16xf32>,
        %get3A_604 = arith.index_cast %add3A_563 : i32 to index
        %get3A_605 = arith.constant 80 : index
        %get3A_606 = tpu.vector_load %arg12[%get3A_604, %get3A_605] {strides = array<i32>} : memref<128x128xf32, #tpu.memory_space<vmem>>, vector<16xf32>,
        %mul3A_607 = vector.broadcast %squeeze3A_559 : f32 to vector<16xf32>
        %mul3A_608 = arith.mulf %get3A_606, %mul3A_607 : vector<16xf32>
        %swap3A_609 = arith.index_cast %add3A_563 : i32 to index
        %swap3A_610 = arith.constant 80 : index
        %swap3A_611 = tpu.vector_load %arg12[%swap3A_609, %swap3A_610] {strides = array<i32>} : memref<128x128xf32, #tpu.memory_space<vmem>>, vector<16xf32>,
        tpu.vector_store %arg12[%swap3A_609, %swap3A_610], %mul3A_608 {strides = array<i32>} : memref<128x128xf32, #tpu.memory_space<vmem>>, vector<16xf32>,
        %get3A_612 = arith.index_cast %add3A_563 : i32 to index
        %get3A_613 = arith.constant 96 : index
        %get3A_614 = tpu.vector_load %arg12[%get3A_612, %get3A_613] {strides = array<i32>} : memref<128x128xf32, #tpu.memory_space<vmem>>, vector<16xf32>,
        %mul3A_615 = vector.broadcast %squeeze3A_559 : f32 to vector<16xf32>
        %mul3A_616 = arith.mulf %get3A_614, %mul3A_615 : vector<16xf32>
        %swap3A_617 = arith.index_cast %add3A_563 : i32 to index
        %swap3A_618 = arith.constant 96 : index
        %swap3A_619 = tpu.vector_load %arg12[%swap3A_617, %swap3A_618] {strides = array<i32>} : memref<128x128xf32, #tpu.memory_space<vmem>>, vector<16xf32>,
        tpu.vector_store %arg12[%swap3A_617, %swap3A_618], %mul3A_616 {strides = array<i32>} : memref<128x128xf32, #tpu.memory_space<vmem>>, vector<16xf32>,
        %get3A_620 = arith.index_cast %add3A_563 : i32 to index
        %get3A_621 = arith.constant 112 : index
        %get3A_622 = tpu.vector_load %arg12[%get3A_620, %get3A_621] {strides = array<i32>} : memref<128x128xf32, #tpu.memory_space<vmem>>, vector<16xf32>,
        %mul3A_623 = vector.broadcast %squeeze3A_559 : f32 to vector<16xf32>
        %mul3A_624 = arith.mulf %get3A_622, %mul3A_623 : vector<16xf32>
        %swap3A_625 = arith.index_cast %add3A_563 : i32 to index
        %swap3A_626 = arith.constant 112 : index
        %swap3A_627 = tpu.vector_load %arg12[%swap3A_625, %swap3A_626] {strides = array<i32>} : memref<128x128xf32, #tpu.memory_space<vmem>>, vector<16xf32>,
        tpu.vector_store %arg12[%swap3A_625, %swap3A_626], %mul3A_624 {strides = array<i32>} : memref<128x128xf32, #tpu.memory_space<vmem>>, vector<16xf32>,
        %slice3A_628 = vector.extract_strided_slice %mul3A_70 {offsets = [8], sizes = [1], strides = [1]} : vector<16xf32> to vector<1xf32>
        %squeeze3A_629 = vector.extract %slice3A_628[0] : f32 from vector<1xf32>
        %mul3A_630 = arith.constant 16 : i32
        %mul3A_631 = arith.muli %scan3A_59, %mul3A_630 : i32
        %add3A_632 = arith.constant 8 : i32
        %add3A_633 = arith.addi %mul3A_631, %add3A_632 : i32
        %get3A_634 = arith.index_cast %add3A_633 : i32 to index
        %get3A_635 = arith.constant 0 : index
        %get3A_636 = tpu.vector_load %arg12[%get3A_634, %get3A_635] {strides = array<i32>} : memref<128x128xf32, #tpu.memory_space<vmem>>, vector<16xf32>,
        %mul3A_637 = vector.broadcast %squeeze3A_629 : f32 to vector<16xf32>
        %mul3A_638 = arith.mulf %get3A_636, %mul3A_637 : vector<16xf32>
        %swap3A_639 = arith.index_cast %add3A_633 : i32 to index
        %swap3A_640 = arith.constant 0 : index
        %swap3A_641 = tpu.vector_load %arg12[%swap3A_639, %swap3A_640] {strides = array<i32>} : memref<128x128xf32, #tpu.memory_space<vmem>>, vector<16xf32>,
        tpu.vector_store %arg12[%swap3A_639, %swap3A_640], %mul3A_638 {strides = array<i32>} : memref<128x128xf32, #tpu.memory_space<vmem>>, vector<16xf32>,
        %get3A_642 = arith.index_cast %add3A_633 : i32 to index
        %get3A_643 = arith.constant 16 : index
        %get3A_644 = tpu.vector_load %arg12[%get3A_642, %get3A_643] {strides = array<i32>} : memref<128x128xf32, #tpu.memory_space<vmem>>, vector<16xf32>,
        %mul3A_645 = vector.broadcast %squeeze3A_629 : f32 to vector<16xf32>
        %mul3A_646 = arith.mulf %get3A_644, %mul3A_645 : vector<16xf32>
        %swap3A_647 = arith.index_cast %add3A_633 : i32 to index
        %swap3A_648 = arith.constant 16 : index
        %swap3A_649 = tpu.vector_load %arg12[%swap3A_647, %swap3A_648] {strides = array<i32>} : memref<128x128xf32, #tpu.memory_space<vmem>>, vector<16xf32>,
        tpu.vector_store %arg12[%swap3A_647, %swap3A_648], %mul3A_646 {strides = array<i32>} : memref<128x128xf32, #tpu.memory_space<vmem>>, vector<16xf32>,
        %get3A_650 = arith.index_cast %add3A_633 : i32 to index
        %get3A_651 = arith.constant 32 : index
        %get3A_652 = tpu.vector_load %arg12[%get3A_650, %get3A_651] {strides = array<i32>} : memref<128x128xf32, #tpu.memory_space<vmem>>, vector<16xf32>,
        %mul3A_653 = vector.broadcast %squeeze3A_629 : f32 to vector<16xf32>
        %mul3A_654 = arith.mulf %get3A_652, %mul3A_653 : vector<16xf32>
        %swap3A_655 = arith.index_cast %add3A_633 : i32 to index
        %swap3A_656 = arith.constant 32 : index
        %swap3A_657 = tpu.vector_load %arg12[%swap3A_655, %swap3A_656] {strides = array<i32>} : memref<128x128xf32, #tpu.memory_space<vmem>>, vector<16xf32>,
        tpu.vector_store %arg12[%swap3A_655, %swap3A_656], %mul3A_654 {strides = array<i32>} : memref<128x128xf32, #tpu.memory_space<vmem>>, vector<16xf32>,
        %get3A_658 = arith.index_cast %add3A_633 : i32 to index
        %get3A_659 = arith.constant 48 : index
        %get3A_660 = tpu.vector_load %arg12[%get3A_658, %get3A_659] {strides = array<i32>} : memref<128x128xf32, #tpu.memory_space<vmem>>, vector<16xf32>,
        %mul3A_661 = vector.broadcast %squeeze3A_629 : f32 to vector<16xf32>
        %mul3A_662 = arith.mulf %get3A_660, %mul3A_661 : vector<16xf32>
        %swap3A_663 = arith.index_cast %add3A_633 : i32 to index
        %swap3A_664 = arith.constant 48 : index
        %swap3A_665 = tpu.vector_load %arg12[%swap3A_663, %swap3A_664] {strides = array<i32>} : memref<128x128xf32, #tpu.memory_space<vmem>>, vector<16xf32>,
        tpu.vector_store %arg12[%swap3A_663, %swap3A_664], %mul3A_662 {strides = array<i32>} : memref<128x128xf32, #tpu.memory_space<vmem>>, vector<16xf32>,
        %get3A_666 = arith.index_cast %add3A_633 : i32 to index
        %get3A_667 = arith.constant 64 : index
        %get3A_668 = tpu.vector_load %arg12[%get3A_666, %get3A_667] {strides = array<i32>} : memref<128x128xf32, #tpu.memory_space<vmem>>, vector<16xf32>,
        %mul3A_669 = vector.broadcast %squeeze3A_629 : f32 to vector<16xf32>
        %mul3A_670 = arith.mulf %get3A_668, %mul3A_669 : vector<16xf32>
        %swap3A_671 = arith.index_cast %add3A_633 : i32 to index
        %swap3A_672 = arith.constant 64 : index
        %swap3A_673 = tpu.vector_load %arg12[%swap3A_671, %swap3A_672] {strides = array<i32>} : memref<128x128xf32, #tpu.memory_space<vmem>>, vector<16xf32>,
        tpu.vector_store %arg12[%swap3A_671, %swap3A_672], %mul3A_670 {strides = array<i32>} : memref<128x128xf32, #tpu.memory_space<vmem>>, vector<16xf32>,
        %get3A_674 = arith.index_cast %add3A_633 : i32 to index
        %get3A_675 = arith.constant 80 : index
        %get3A_676 = tpu.vector_load %arg12[%get3A_674, %get3A_675] {strides = array<i32>} : memref<128x128xf32, #tpu.memory_space<vmem>>, vector<16xf32>,
        %mul3A_677 = vector.broadcast %squeeze3A_629 : f32 to vector<16xf32>
        %mul3A_678 = arith.mulf %get3A_676, %mul3A_677 : vector<16xf32>
        %swap3A_679 = arith.index_cast %add3A_633 : i32 to index
        %swap3A_680 = arith.constant 80 : index
        %swap3A_681 = tpu.vector_load %arg12[%swap3A_679, %swap3A_680] {strides = array<i32>} : memref<128x128xf32, #tpu.memory_space<vmem>>, vector<16xf32>,
        tpu.vector_store %arg12[%swap3A_679, %swap3A_680], %mul3A_678 {strides = array<i32>} : memref<128x128xf32, #tpu.memory_space<vmem>>, vector<16xf32>,
        %get3A_682 = arith.index_cast %add3A_633 : i32 to index
        %get3A_683 = arith.constant 96 : index
        %get3A_684 = tpu.vector_load %arg12[%get3A_682, %get3A_683] {strides = array<i32>} : memref<128x128xf32, #tpu.memory_space<vmem>>, vector<16xf32>,
        %mul3A_685 = vector.broadcast %squeeze3A_629 : f32 to vector<16xf32>
        %mul3A_686 = arith.mulf %get3A_684, %mul3A_685 : vector<16xf32>
        %swap3A_687 = arith.index_cast %add3A_633 : i32 to index
        %swap3A_688 = arith.constant 96 : index
        %swap3A_689 = tpu.vector_load %arg12[%swap3A_687, %swap3A_688] {strides = array<i32>} : memref<128x128xf32, #tpu.memory_space<vmem>>, vector<16xf32>,
        tpu.vector_store %arg12[%swap3A_687, %swap3A_688], %mul3A_686 {strides = array<i32>} : memref<128x128xf32, #tpu.memory_space<vmem>>, vector<16xf32>,
        %get3A_690 = arith.index_cast %add3A_633 : i32 to index
        %get3A_691 = arith.constant 112 : index
        %get3A_692 = tpu.vector_load %arg12[%get3A_690, %get3A_691] {strides = array<i32>} : memref<128x128xf32, #tpu.memory_space<vmem>>, vector<16xf32>,
        %mul3A_693 = vector.broadcast %squeeze3A_629 : f32 to vector<16xf32>
        %mul3A_694 = arith.mulf %get3A_692, %mul3A_693 : vector<16xf32>
        %swap3A_695 = arith.index_cast %add3A_633 : i32 to index
        %swap3A_696 = arith.constant 112 : index
        %swap3A_697 = tpu.vector_load %arg12[%swap3A_695, %swap3A_696] {strides = array<i32>} : memref<128x128xf32, #tpu.memory_space<vmem>>, vector<16xf32>,
        tpu.vector_store %arg12[%swap3A_695, %swap3A_696], %mul3A_694 {strides = array<i32>} : memref<128x128xf32, #tpu.memory_space<vmem>>, vector<16xf32>,
        %slice3A_698 = vector.extract_strided_slice %mul3A_70 {offsets = [9], sizes = [1], strides = [1]} : vector<16xf32> to vector<1xf32>
        %squeeze3A_699 = vector.extract %slice3A_698[0] : f32 from vector<1xf32>
        %mul3A_700 = arith.constant 16 : i32
        %mul3A_701 = arith.muli %scan3A_59, %mul3A_700 : i32
        %add3A_702 = arith.constant 9 : i32
        %add3A_703 = arith.addi %mul3A_701, %add3A_702 : i32
        %get3A_704 = arith.index_cast %add3A_703 : i32 to index
        %get3A_705 = arith.constant 0 : index
        %get3A_706 = tpu.vector_load %arg12[%get3A_704, %get3A_705] {strides = array<i32>} : memref<128x128xf32, #tpu.memory_space<vmem>>, vector<16xf32>,
        %mul3A_707 = vector.broadcast %squeeze3A_699 : f32 to vector<16xf32>
        %mul3A_708 = arith.mulf %get3A_706, %mul3A_707 : vector<16xf32>
        %swap3A_709 = arith.index_cast %add3A_703 : i32 to index
        %swap3A_710 = arith.constant 0 : index
        %swap3A_711 = tpu.vector_load %arg12[%swap3A_709, %swap3A_710] {strides = array<i32>} : memref<128x128xf32, #tpu.memory_space<vmem>>, vector<16xf32>,
        tpu.vector_store %arg12[%swap3A_709, %swap3A_710], %mul3A_708 {strides = array<i32>} : memref<128x128xf32, #tpu.memory_space<vmem>>, vector<16xf32>,
        %get3A_712 = arith.index_cast %add3A_703 : i32 to index
        %get3A_713 = arith.constant 16 : index
        %get3A_714 = tpu.vector_load %arg12[%get3A_712, %get3A_713] {strides = array<i32>} : memref<128x128xf32, #tpu.memory_space<vmem>>, vector<16xf32>,
        %mul3A_715 = vector.broadcast %squeeze3A_699 : f32 to vector<16xf32>
        %mul3A_716 = arith.mulf %get3A_714, %mul3A_715 : vector<16xf32>
        %swap3A_717 = arith.index_cast %add3A_703 : i32 to index
        %swap3A_718 = arith.constant 16 : index
        %swap3A_719 = tpu.vector_load %arg12[%swap3A_717, %swap3A_718] {strides = array<i32>} : memref<128x128xf32, #tpu.memory_space<vmem>>, vector<16xf32>,
        tpu.vector_store %arg12[%swap3A_717, %swap3A_718], %mul3A_716 {strides = array<i32>} : memref<128x128xf32, #tpu.memory_space<vmem>>, vector<16xf32>,
        %get3A_720 = arith.index_cast %add3A_703 : i32 to index
        %get3A_721 = arith.constant 32 : index
        %get3A_722 = tpu.vector_load %arg12[%get3A_720, %get3A_721] {strides = array<i32>} : memref<128x128xf32, #tpu.memory_space<vmem>>, vector<16xf32>,
        %mul3A_723 = vector.broadcast %squeeze3A_699 : f32 to vector<16xf32>
        %mul3A_724 = arith.mulf %get3A_722, %mul3A_723 : vector<16xf32>
        %swap3A_725 = arith.index_cast %add3A_703 : i32 to index
        %swap3A_726 = arith.constant 32 : index
        %swap3A_727 = tpu.vector_load %arg12[%swap3A_725, %swap3A_726] {strides = array<i32>} : memref<128x128xf32, #tpu.memory_space<vmem>>, vector<16xf32>,
        tpu.vector_store %arg12[%swap3A_725, %swap3A_726], %mul3A_724 {strides = array<i32>} : memref<128x128xf32, #tpu.memory_space<vmem>>, vector<16xf32>,
        %get3A_728 = arith.index_cast %add3A_703 : i32 to index
        %get3A_729 = arith.constant 48 : index
        %get3A_730 = tpu.vector_load %arg12[%get3A_728, %get3A_729] {strides = array<i32>} : memref<128x128xf32, #tpu.memory_space<vmem>>, vector<16xf32>,
        %mul3A_731 = vector.broadcast %squeeze3A_699 : f32 to vector<16xf32>
        %mul3A_732 = arith.mulf %get3A_730, %mul3A_731 : vector<16xf32>
        %swap3A_733 = arith.index_cast %add3A_703 : i32 to index
        %swap3A_734 = arith.constant 48 : index
        %swap3A_735 = tpu.vector_load %arg12[%swap3A_733, %swap3A_734] {strides = array<i32>} : memref<128x128xf32, #tpu.memory_space<vmem>>, vector<16xf32>,
        tpu.vector_store %arg12[%swap3A_733, %swap3A_734], %mul3A_732 {strides = array<i32>} : memref<128x128xf32, #tpu.memory_space<vmem>>, vector<16xf32>,
        %get3A_736 = arith.index_cast %add3A_703 : i32 to index
        %get3A_737 = arith.constant 64 : index
        %get3A_738 = tpu.vector_load %arg12[%get3A_736, %get3A_737] {strides = array<i32>} : memref<128x128xf32, #tpu.memory_space<vmem>>, vector<16xf32>,
        %mul3A_739 = vector.broadcast %squeeze3A_699 : f32 to vector<16xf32>
        %mul3A_740 = arith.mulf %get3A_738, %mul3A_739 : vector<16xf32>
        %swap3A_741 = arith.index_cast %add3A_703 : i32 to index
        %swap3A_742 = arith.constant 64 : index
        %swap3A_743 = tpu.vector_load %arg12[%swap3A_741, %swap3A_742] {strides = array<i32>} : memref<128x128xf32, #tpu.memory_space<vmem>>, vector<16xf32>,
        tpu.vector_store %arg12[%swap3A_741, %swap3A_742], %mul3A_740 {strides = array<i32>} : memref<128x128xf32, #tpu.memory_space<vmem>>, vector<16xf32>,
        %get3A_744 = arith.index_cast %add3A_703 : i32 to index
        %get3A_745 = arith.constant 80 : index
        %get3A_746 = tpu.vector_load %arg12[%get3A_744, %get3A_745] {strides = array<i32>} : memref<128x128xf32, #tpu.memory_space<vmem>>, vector<16xf32>,
        %mul3A_747 = vector.broadcast %squeeze3A_699 : f32 to vector<16xf32>
        %mul3A_748 = arith.mulf %get3A_746, %mul3A_747 : vector<16xf32>
        %swap3A_749 = arith.index_cast %add3A_703 : i32 to index
        %swap3A_750 = arith.constant 80 : index
        %swap3A_751 = tpu.vector_load %arg12[%swap3A_749, %swap3A_750] {strides = array<i32>} : memref<128x128xf32, #tpu.memory_space<vmem>>, vector<16xf32>,
        tpu.vector_store %arg12[%swap3A_749, %swap3A_750], %mul3A_748 {strides = array<i32>} : memref<128x128xf32, #tpu.memory_space<vmem>>, vector<16xf32>,
        %get3A_752 = arith.index_cast %add3A_703 : i32 to index
        %get3A_753 = arith.constant 96 : index
        %get3A_754 = tpu.vector_load %arg12[%get3A_752, %get3A_753] {strides = array<i32>} : memref<128x128xf32, #tpu.memory_space<vmem>>, vector<16xf32>,
        %mul3A_755 = vector.broadcast %squeeze3A_699 : f32 to vector<16xf32>
        %mul3A_756 = arith.mulf %get3A_754, %mul3A_755 : vector<16xf32>
        %swap3A_757 = arith.index_cast %add3A_703 : i32 to index
        %swap3A_758 = arith.constant 96 : index
        %swap3A_759 = tpu.vector_load %arg12[%swap3A_757, %swap3A_758] {strides = array<i32>} : memref<128x128xf32, #tpu.memory_space<vmem>>, vector<16xf32>,
        tpu.vector_store %arg12[%swap3A_757, %swap3A_758], %mul3A_756 {strides = array<i32>} : memref<128x128xf32, #tpu.memory_space<vmem>>, vector<16xf32>,
        %get3A_760 = arith.index_cast %add3A_703 : i32 to index
        %get3A_761 = arith.constant 112 : index
        %get3A_762 = tpu.vector_load %arg12[%get3A_760, %get3A_761] {strides = array<i32>} : memref<128x128xf32, #tpu.memory_space<vmem>>, vector<16xf32>,
        %mul3A_763 = vector.broadcast %squeeze3A_699 : f32 to vector<16xf32>
        %mul3A_764 = arith.mulf %get3A_762, %mul3A_763 : vector<16xf32>
        %swap3A_765 = arith.index_cast %add3A_703 : i32 to index
        %swap3A_766 = arith.constant 112 : index
        %swap3A_767 = tpu.vector_load %arg12[%swap3A_765, %swap3A_766] {strides = array<i32>} : memref<128x128xf32, #tpu.memory_space<vmem>>, vector<16xf32>,
        tpu.vector_store %arg12[%swap3A_765, %swap3A_766], %mul3A_764 {strides = array<i32>} : memref<128x128xf32, #tpu.memory_space<vmem>>, vector<16xf32>,
        %slice3A_768 = vector.extract_strided_slice %mul3A_70 {offsets = [10], sizes = [1], strides = [1]} : vector<16xf32> to vector<1xf32>
        %squeeze3A_769 = vector.extract %slice3A_768[0] : f32 from vector<1xf32>
        %mul3A_770 = arith.constant 16 : i32
        %mul3A_771 = arith.muli %scan3A_59, %mul3A_770 : i32
        %add3A_772 = arith.constant 10 : i32
        %add3A_773 = arith.addi %mul3A_771, %add3A_772 : i32
        %get3A_774 = arith.index_cast %add3A_773 : i32 to index
        %get3A_775 = arith.constant 0 : index
        %get3A_776 = tpu.vector_load %arg12[%get3A_774, %get3A_775] {strides = array<i32>} : memref<128x128xf32, #tpu.memory_space<vmem>>, vector<16xf32>,
        %mul3A_777 = vector.broadcast %squeeze3A_769 : f32 to vector<16xf32>
        %mul3A_778 = arith.mulf %get3A_776, %mul3A_777 : vector<16xf32>
        %swap3A_779 = arith.index_cast %add3A_773 : i32 to index
        %swap3A_780 = arith.constant 0 : index
        %swap3A_781 = tpu.vector_load %arg12[%swap3A_779, %swap3A_780] {strides = array<i32>} : memref<128x128xf32, #tpu.memory_space<vmem>>, vector<16xf32>,
        tpu.vector_store %arg12[%swap3A_779, %swap3A_780], %mul3A_778 {strides = array<i32>} : memref<128x128xf32, #tpu.memory_space<vmem>>, vector<16xf32>,
        %get3A_782 = arith.index_cast %add3A_773 : i32 to index
        %get3A_783 = arith.constant 16 : index
        %get3A_784 = tpu.vector_load %arg12[%get3A_782, %get3A_783] {strides = array<i32>} : memref<128x128xf32, #tpu.memory_space<vmem>>, vector<16xf32>,
        %mul3A_785 = vector.broadcast %squeeze3A_769 : f32 to vector<16xf32>
        %mul3A_786 = arith.mulf %get3A_784, %mul3A_785 : vector<16xf32>
        %swap3A_787 = arith.index_cast %add3A_773 : i32 to index
        %swap3A_788 = arith.constant 16 : index
        %swap3A_789 = tpu.vector_load %arg12[%swap3A_787, %swap3A_788] {strides = array<i32>} : memref<128x128xf32, #tpu.memory_space<vmem>>, vector<16xf32>,
        tpu.vector_store %arg12[%swap3A_787, %swap3A_788], %mul3A_786 {strides = array<i32>} : memref<128x128xf32, #tpu.memory_space<vmem>>, vector<16xf32>,
        %get3A_790 = arith.index_cast %add3A_773 : i32 to index
        %get3A_791 = arith.constant 32 : index
        %get3A_792 = tpu.vector_load %arg12[%get3A_790, %get3A_791] {strides = array<i32>} : memref<128x128xf32, #tpu.memory_space<vmem>>, vector<16xf32>,
        %mul3A_793 = vector.broadcast %squeeze3A_769 : f32 to vector<16xf32>
        %mul3A_794 = arith.mulf %get3A_792, %mul3A_793 : vector<16xf32>
        %swap3A_795 = arith.index_cast %add3A_773 : i32 to index
        %swap3A_796 = arith.constant 32 : index
        %swap3A_797 = tpu.vector_load %arg12[%swap3A_795, %swap3A_796] {strides = array<i32>} : memref<128x128xf32, #tpu.memory_space<vmem>>, vector<16xf32>,
        tpu.vector_store %arg12[%swap3A_795, %swap3A_796], %mul3A_794 {strides = array<i32>} : memref<128x128xf32, #tpu.memory_space<vmem>>, vector<16xf32>,
        %get3A_798 = arith.index_cast %add3A_773 : i32 to index
        %get3A_799 = arith.constant 48 : index
        %get3A_800 = tpu.vector_load %arg12[%get3A_798, %get3A_799] {strides = array<i32>} : memref<128x128xf32, #tpu.memory_space<vmem>>, vector<16xf32>,
        %mul3A_801 = vector.broadcast %squeeze3A_769 : f32 to vector<16xf32>
        %mul3A_802 = arith.mulf %get3A_800, %mul3A_801 : vector<16xf32>
        %swap3A_803 = arith.index_cast %add3A_773 : i32 to index
        %swap3A_804 = arith.constant 48 : index
        %swap3A_805 = tpu.vector_load %arg12[%swap3A_803, %swap3A_804] {strides = array<i32>} : memref<128x128xf32, #tpu.memory_space<vmem>>, vector<16xf32>,
        tpu.vector_store %arg12[%swap3A_803, %swap3A_804], %mul3A_802 {strides = array<i32>} : memref<128x128xf32, #tpu.memory_space<vmem>>, vector<16xf32>,
        %get3A_806 = arith.index_cast %add3A_773 : i32 to index
        %get3A_807 = arith.constant 64 : index
        %get3A_808 = tpu.vector_load %arg12[%get3A_806, %get3A_807] {strides = array<i32>} : memref<128x128xf32, #tpu.memory_space<vmem>>, vector<16xf32>,
        %mul3A_809 = vector.broadcast %squeeze3A_769 : f32 to vector<16xf32>
        %mul3A_810 = arith.mulf %get3A_808, %mul3A_809 : vector<16xf32>
        %swap3A_811 = arith.index_cast %add3A_773 : i32 to index
        %swap3A_812 = arith.constant 64 : index
        %swap3A_813 = tpu.vector_load %arg12[%swap3A_811, %swap3A_812] {strides = array<i32>} : memref<128x128xf32, #tpu.memory_space<vmem>>, vector<16xf32>,
        tpu.vector_store %arg12[%swap3A_811, %swap3A_812], %mul3A_810 {strides = array<i32>} : memref<128x128xf32, #tpu.memory_space<vmem>>, vector<16xf32>,
        %get3A_814 = arith.index_cast %add3A_773 : i32 to index
        %get3A_815 = arith.constant 80 : index
        %get3A_816 = tpu.vector_load %arg12[%get3A_814, %get3A_815] {strides = array<i32>} : memref<128x128xf32, #tpu.memory_space<vmem>>, vector<16xf32>,
        %mul3A_817 = vector.broadcast %squeeze3A_769 : f32 to vector<16xf32>
        %mul3A_818 = arith.mulf %get3A_816, %mul3A_817 : vector<16xf32>
        %swap3A_819 = arith.index_cast %add3A_773 : i32 to index
        %swap3A_820 = arith.constant 80 : index
        %swap3A_821 = tpu.vector_load %arg12[%swap3A_819, %swap3A_820] {strides = array<i32>} : memref<128x128xf32, #tpu.memory_space<vmem>>, vector<16xf32>,
        tpu.vector_store %arg12[%swap3A_819, %swap3A_820], %mul3A_818 {strides = array<i32>} : memref<128x128xf32, #tpu.memory_space<vmem>>, vector<16xf32>,
        %get3A_822 = arith.index_cast %add3A_773 : i32 to index
        %get3A_823 = arith.constant 96 : index
        %get3A_824 = tpu.vector_load %arg12[%get3A_822, %get3A_823] {strides = array<i32>} : memref<128x128xf32, #tpu.memory_space<vmem>>, vector<16xf32>,
        %mul3A_825 = vector.broadcast %squeeze3A_769 : f32 to vector<16xf32>
        %mul3A_826 = arith.mulf %get3A_824, %mul3A_825 : vector<16xf32>
        %swap3A_827 = arith.index_cast %add3A_773 : i32 to index
        %swap3A_828 = arith.constant 96 : index
        %swap3A_829 = tpu.vector_load %arg12[%swap3A_827, %swap3A_828] {strides = array<i32>} : memref<128x128xf32, #tpu.memory_space<vmem>>, vector<16xf32>,
        tpu.vector_store %arg12[%swap3A_827, %swap3A_828], %mul3A_826 {strides = array<i32>} : memref<128x128xf32, #tpu.memory_space<vmem>>, vector<16xf32>,
        %get3A_830 = arith.index_cast %add3A_773 : i32 to index
        %get3A_831 = arith.constant 112 : index
        %get3A_832 = tpu.vector_load %arg12[%get3A_830, %get3A_831] {strides = array<i32>} : memref<128x128xf32, #tpu.memory_space<vmem>>, vector<16xf32>,
        %mul3A_833 = vector.broadcast %squeeze3A_769 : f32 to vector<16xf32>
        %mul3A_834 = arith.mulf %get3A_832, %mul3A_833 : vector<16xf32>
        %swap3A_835 = arith.index_cast %add3A_773 : i32 to index
        %swap3A_836 = arith.constant 112 : index
        %swap3A_837 = tpu.vector_load %arg12[%swap3A_835, %swap3A_836] {strides = array<i32>} : memref<128x128xf32, #tpu.memory_space<vmem>>, vector<16xf32>,
        tpu.vector_store %arg12[%swap3A_835, %swap3A_836], %mul3A_834 {strides = array<i32>} : memref<128x128xf32, #tpu.memory_space<vmem>>, vector<16xf32>,
        %slice3A_838 = vector.extract_strided_slice %mul3A_70 {offsets = [11], sizes = [1], strides = [1]} : vector<16xf32> to vector<1xf32>
        %squeeze3A_839 = vector.extract %slice3A_838[0] : f32 from vector<1xf32>
        %mul3A_840 = arith.constant 16 : i32
        %mul3A_841 = arith.muli %scan3A_59, %mul3A_840 : i32
        %add3A_842 = arith.constant 11 : i32
        %add3A_843 = arith.addi %mul3A_841, %add3A_842 : i32
        %get3A_844 = arith.index_cast %add3A_843 : i32 to index
        %get3A_845 = arith.constant 0 : index
        %get3A_846 = tpu.vector_load %arg12[%get3A_844, %get3A_845] {strides = array<i32>} : memref<128x128xf32, #tpu.memory_space<vmem>>, vector<16xf32>,
        %mul3A_847 = vector.broadcast %squeeze3A_839 : f32 to vector<16xf32>
        %mul3A_848 = arith.mulf %get3A_846, %mul3A_847 : vector<16xf32>
        %swap3A_849 = arith.index_cast %add3A_843 : i32 to index
        %swap3A_850 = arith.constant 0 : index
        %swap3A_851 = tpu.vector_load %arg12[%swap3A_849, %swap3A_850] {strides = array<i32>} : memref<128x128xf32, #tpu.memory_space<vmem>>, vector<16xf32>,
        tpu.vector_store %arg12[%swap3A_849, %swap3A_850], %mul3A_848 {strides = array<i32>} : memref<128x128xf32, #tpu.memory_space<vmem>>, vector<16xf32>,
        %get3A_852 = arith.index_cast %add3A_843 : i32 to index
        %get3A_853 = arith.constant 16 : index
        %get3A_854 = tpu.vector_load %arg12[%get3A_852, %get3A_853] {strides = array<i32>} : memref<128x128xf32, #tpu.memory_space<vmem>>, vector<16xf32>,
        %mul3A_855 = vector.broadcast %squeeze3A_839 : f32 to vector<16xf32>
        %mul3A_856 = arith.mulf %get3A_854, %mul3A_855 : vector<16xf32>
        %swap3A_857 = arith.index_cast %add3A_843 : i32 to index
        %swap3A_858 = arith.constant 16 : index
        %swap3A_859 = tpu.vector_load %arg12[%swap3A_857, %swap3A_858] {strides = array<i32>} : memref<128x128xf32, #tpu.memory_space<vmem>>, vector<16xf32>,
        tpu.vector_store %arg12[%swap3A_857, %swap3A_858], %mul3A_856 {strides = array<i32>} : memref<128x128xf32, #tpu.memory_space<vmem>>, vector<16xf32>,
        %get3A_860 = arith.index_cast %add3A_843 : i32 to index
        %get3A_861 = arith.constant 32 : index
        %get3A_862 = tpu.vector_load %arg12[%get3A_860, %get3A_861] {strides = array<i32>} : memref<128x128xf32, #tpu.memory_space<vmem>>, vector<16xf32>,
        %mul3A_863 = vector.broadcast %squeeze3A_839 : f32 to vector<16xf32>
        %mul3A_864 = arith.mulf %get3A_862, %mul3A_863 : vector<16xf32>
        %swap3A_865 = arith.index_cast %add3A_843 : i32 to index
        %swap3A_866 = arith.constant 32 : index
        %swap3A_867 = tpu.vector_load %arg12[%swap3A_865, %swap3A_866] {strides = array<i32>} : memref<128x128xf32, #tpu.memory_space<vmem>>, vector<16xf32>,
        tpu.vector_store %arg12[%swap3A_865, %swap3A_866], %mul3A_864 {strides = array<i32>} : memref<128x128xf32, #tpu.memory_space<vmem>>, vector<16xf32>,
        %get3A_868 = arith.index_cast %add3A_843 : i32 to index
        %get3A_869 = arith.constant 48 : index
        %get3A_870 = tpu.vector_load %arg12[%get3A_868, %get3A_869] {strides = array<i32>} : memref<128x128xf32, #tpu.memory_space<vmem>>, vector<16xf32>,
        %mul3A_871 = vector.broadcast %squeeze3A_839 : f32 to vector<16xf32>
        %mul3A_872 = arith.mulf %get3A_870, %mul3A_871 : vector<16xf32>
        %swap3A_873 = arith.index_cast %add3A_843 : i32 to index
        %swap3A_874 = arith.constant 48 : index
        %swap3A_875 = tpu.vector_load %arg12[%swap3A_873, %swap3A_874] {strides = array<i32>} : memref<128x128xf32, #tpu.memory_space<vmem>>, vector<16xf32>,
        tpu.vector_store %arg12[%swap3A_873, %swap3A_874], %mul3A_872 {strides = array<i32>} : memref<128x128xf32, #tpu.memory_space<vmem>>, vector<16xf32>,
        %get3A_876 = arith.index_cast %add3A_843 : i32 to index
        %get3A_877 = arith.constant 64 : index
        %get3A_878 = tpu.vector_load %arg12[%get3A_876, %get3A_877] {strides = array<i32>} : memref<128x128xf32, #tpu.memory_space<vmem>>, vector<16xf32>,
        %mul3A_879 = vector.broadcast %squeeze3A_839 : f32 to vector<16xf32>
        %mul3A_880 = arith.mulf %get3A_878, %mul3A_879 : vector<16xf32>
        %swap3A_881 = arith.index_cast %add3A_843 : i32 to index
        %swap3A_882 = arith.constant 64 : index
        %swap3A_883 = tpu.vector_load %arg12[%swap3A_881, %swap3A_882] {strides = array<i32>} : memref<128x128xf32, #tpu.memory_space<vmem>>, vector<16xf32>,
        tpu.vector_store %arg12[%swap3A_881, %swap3A_882], %mul3A_880 {strides = array<i32>} : memref<128x128xf32, #tpu.memory_space<vmem>>, vector<16xf32>,
        %get3A_884 = arith.index_cast %add3A_843 : i32 to index
        %get3A_885 = arith.constant 80 : index
        %get3A_886 = tpu.vector_load %arg12[%get3A_884, %get3A_885] {strides = array<i32>} : memref<128x128xf32, #tpu.memory_space<vmem>>, vector<16xf32>,
        %mul3A_887 = vector.broadcast %squeeze3A_839 : f32 to vector<16xf32>
        %mul3A_888 = arith.mulf %get3A_886, %mul3A_887 : vector<16xf32>
        %swap3A_889 = arith.index_cast %add3A_843 : i32 to index
        %swap3A_890 = arith.constant 80 : index
        %swap3A_891 = tpu.vector_load %arg12[%swap3A_889, %swap3A_890] {strides = array<i32>} : memref<128x128xf32, #tpu.memory_space<vmem>>, vector<16xf32>,
        tpu.vector_store %arg12[%swap3A_889, %swap3A_890], %mul3A_888 {strides = array<i32>} : memref<128x128xf32, #tpu.memory_space<vmem>>, vector<16xf32>,
        %get3A_892 = arith.index_cast %add3A_843 : i32 to index
        %get3A_893 = arith.constant 96 : index
        %get3A_894 = tpu.vector_load %arg12[%get3A_892, %get3A_893] {strides = array<i32>} : memref<128x128xf32, #tpu.memory_space<vmem>>, vector<16xf32>,
        %mul3A_895 = vector.broadcast %squeeze3A_839 : f32 to vector<16xf32>
        %mul3A_896 = arith.mulf %get3A_894, %mul3A_895 : vector<16xf32>
        %swap3A_897 = arith.index_cast %add3A_843 : i32 to index
        %swap3A_898 = arith.constant 96 : index
        %swap3A_899 = tpu.vector_load %arg12[%swap3A_897, %swap3A_898] {strides = array<i32>} : memref<128x128xf32, #tpu.memory_space<vmem>>, vector<16xf32>,
        tpu.vector_store %arg12[%swap3A_897, %swap3A_898], %mul3A_896 {strides = array<i32>} : memref<128x128xf32, #tpu.memory_space<vmem>>, vector<16xf32>,
        %get3A_900 = arith.index_cast %add3A_843 : i32 to index
        %get3A_901 = arith.constant 112 : index
        %get3A_902 = tpu.vector_load %arg12[%get3A_900, %get3A_901] {strides = array<i32>} : memref<128x128xf32, #tpu.memory_space<vmem>>, vector<16xf32>,
        %mul3A_903 = vector.broadcast %squeeze3A_839 : f32 to vector<16xf32>
        %mul3A_904 = arith.mulf %get3A_902, %mul3A_903 : vector<16xf32>
        %swap3A_905 = arith.index_cast %add3A_843 : i32 to index
        %swap3A_906 = arith.constant 112 : index
        %swap3A_907 = tpu.vector_load %arg12[%swap3A_905, %swap3A_906] {strides = array<i32>} : memref<128x128xf32, #tpu.memory_space<vmem>>, vector<16xf32>,
        tpu.vector_store %arg12[%swap3A_905, %swap3A_906], %mul3A_904 {strides = array<i32>} : memref<128x128xf32, #tpu.memory_space<vmem>>, vector<16xf32>,
        %slice3A_908 = vector.extract_strided_slice %mul3A_70 {offsets = [12], sizes = [1], strides = [1]} : vector<16xf32> to vector<1xf32>
        %squeeze3A_909 = vector.extract %slice3A_908[0] : f32 from vector<1xf32>
        %mul3A_910 = arith.constant 16 : i32
        %mul3A_911 = arith.muli %scan3A_59, %mul3A_910 : i32
        %add3A_912 = arith.constant 12 : i32
        %add3A_913 = arith.addi %mul3A_911, %add3A_912 : i32
        %get3A_914 = arith.index_cast %add3A_913 : i32 to index
        %get3A_915 = arith.constant 0 : index
        %get3A_916 = tpu.vector_load %arg12[%get3A_914, %get3A_915] {strides = array<i32>} : memref<128x128xf32, #tpu.memory_space<vmem>>, vector<16xf32>,
        %mul3A_917 = vector.broadcast %squeeze3A_909 : f32 to vector<16xf32>
        %mul3A_918 = arith.mulf %get3A_916, %mul3A_917 : vector<16xf32>
        %swap3A_919 = arith.index_cast %add3A_913 : i32 to index
        %swap3A_920 = arith.constant 0 : index
        %swap3A_921 = tpu.vector_load %arg12[%swap3A_919, %swap3A_920] {strides = array<i32>} : memref<128x128xf32, #tpu.memory_space<vmem>>, vector<16xf32>,
        tpu.vector_store %arg12[%swap3A_919, %swap3A_920], %mul3A_918 {strides = array<i32>} : memref<128x128xf32, #tpu.memory_space<vmem>>, vector<16xf32>,
        %get3A_922 = arith.index_cast %add3A_913 : i32 to index
        %get3A_923 = arith.constant 16 : index
        %get3A_924 = tpu.vector_load %arg12[%get3A_922, %get3A_923] {strides = array<i32>} : memref<128x128xf32, #tpu.memory_space<vmem>>, vector<16xf32>,
        %mul3A_925 = vector.broadcast %squeeze3A_909 : f32 to vector<16xf32>
        %mul3A_926 = arith.mulf %get3A_924, %mul3A_925 : vector<16xf32>
        %swap3A_927 = arith.index_cast %add3A_913 : i32 to index
        %swap3A_928 = arith.constant 16 : index
        %swap3A_929 = tpu.vector_load %arg12[%swap3A_927, %swap3A_928] {strides = array<i32>} : memref<128x128xf32, #tpu.memory_space<vmem>>, vector<16xf32>,
        tpu.vector_store %arg12[%swap3A_927, %swap3A_928], %mul3A_926 {strides = array<i32>} : memref<128x128xf32, #tpu.memory_space<vmem>>, vector<16xf32>,
        %get3A_930 = arith.index_cast %add3A_913 : i32 to index
        %get3A_931 = arith.constant 32 : index
        %get3A_932 = tpu.vector_load %arg12[%get3A_930, %get3A_931] {strides = array<i32>} : memref<128x128xf32, #tpu.memory_space<vmem>>, vector<16xf32>,
        %mul3A_933 = vector.broadcast %squeeze3A_909 : f32 to vector<16xf32>
        %mul3A_934 = arith.mulf %get3A_932, %mul3A_933 : vector<16xf32>
        %swap3A_935 = arith.index_cast %add3A_913 : i32 to index
        %swap3A_936 = arith.constant 32 : index
        %swap3A_937 = tpu.vector_load %arg12[%swap3A_935, %swap3A_936] {strides = array<i32>} : memref<128x128xf32, #tpu.memory_space<vmem>>, vector<16xf32>,
        tpu.vector_store %arg12[%swap3A_935, %swap3A_936], %mul3A_934 {strides = array<i32>} : memref<128x128xf32, #tpu.memory_space<vmem>>, vector<16xf32>,
        %get3A_938 = arith.index_cast %add3A_913 : i32 to index
        %get3A_939 = arith.constant 48 : index
        %get3A_940 = tpu.vector_load %arg12[%get3A_938, %get3A_939] {strides = array<i32>} : memref<128x128xf32, #tpu.memory_space<vmem>>, vector<16xf32>,
        %mul3A_941 = vector.broadcast %squeeze3A_909 : f32 to vector<16xf32>
        %mul3A_942 = arith.mulf %get3A_940, %mul3A_941 : vector<16xf32>
        %swap3A_943 = arith.index_cast %add3A_913 : i32 to index
        %swap3A_944 = arith.constant 48 : index
        %swap3A_945 = tpu.vector_load %arg12[%swap3A_943, %swap3A_944] {strides = array<i32>} : memref<128x128xf32, #tpu.memory_space<vmem>>, vector<16xf32>,
        tpu.vector_store %arg12[%swap3A_943, %swap3A_944], %mul3A_942 {strides = array<i32>} : memref<128x128xf32, #tpu.memory_space<vmem>>, vector<16xf32>,
        %get3A_946 = arith.index_cast %add3A_913 : i32 to index
        %get3A_947 = arith.constant 64 : index
        %get3A_948 = tpu.vector_load %arg12[%get3A_946, %get3A_947] {strides = array<i32>} : memref<128x128xf32, #tpu.memory_space<vmem>>, vector<16xf32>,
        %mul3A_949 = vector.broadcast %squeeze3A_909 : f32 to vector<16xf32>
        %mul3A_950 = arith.mulf %get3A_948, %mul3A_949 : vector<16xf32>
        %swap3A_951 = arith.index_cast %add3A_913 : i32 to index
        %swap3A_952 = arith.constant 64 : index
        %swap3A_953 = tpu.vector_load %arg12[%swap3A_951, %swap3A_952] {strides = array<i32>} : memref<128x128xf32, #tpu.memory_space<vmem>>, vector<16xf32>,
        tpu.vector_store %arg12[%swap3A_951, %swap3A_952], %mul3A_950 {strides = array<i32>} : memref<128x128xf32, #tpu.memory_space<vmem>>, vector<16xf32>,
        %get3A_954 = arith.index_cast %add3A_913 : i32 to index
        %get3A_955 = arith.constant 80 : index
        %get3A_956 = tpu.vector_load %arg12[%get3A_954, %get3A_955] {strides = array<i32>} : memref<128x128xf32, #tpu.memory_space<vmem>>, vector<16xf32>,
        %mul3A_957 = vector.broadcast %squeeze3A_909 : f32 to vector<16xf32>
        %mul3A_958 = arith.mulf %get3A_956, %mul3A_957 : vector<16xf32>
        %swap3A_959 = arith.index_cast %add3A_913 : i32 to index
        %swap3A_960 = arith.constant 80 : index
        %swap3A_961 = tpu.vector_load %arg12[%swap3A_959, %swap3A_960] {strides = array<i32>} : memref<128x128xf32, #tpu.memory_space<vmem>>, vector<16xf32>,
        tpu.vector_store %arg12[%swap3A_959, %swap3A_960], %mul3A_958 {strides = array<i32>} : memref<128x128xf32, #tpu.memory_space<vmem>>, vector<16xf32>,
        %get3A_962 = arith.index_cast %add3A_913 : i32 to index
        %get3A_963 = arith.constant 96 : index
        %get3A_964 = tpu.vector_load %arg12[%get3A_962, %get3A_963] {strides = array<i32>} : memref<128x128xf32, #tpu.memory_space<vmem>>, vector<16xf32>,
        %mul3A_965 = vector.broadcast %squeeze3A_909 : f32 to vector<16xf32>
        %mul3A_966 = arith.mulf %get3A_964, %mul3A_965 : vector<16xf32>
        %swap3A_967 = arith.index_cast %add3A_913 : i32 to index
        %swap3A_968 = arith.constant 96 : index
        %swap3A_969 = tpu.vector_load %arg12[%swap3A_967, %swap3A_968] {strides = array<i32>} : memref<128x128xf32, #tpu.memory_space<vmem>>, vector<16xf32>,
        tpu.vector_store %arg12[%swap3A_967, %swap3A_968], %mul3A_966 {strides = array<i32>} : memref<128x128xf32, #tpu.memory_space<vmem>>, vector<16xf32>,
        %get3A_970 = arith.index_cast %add3A_913 : i32 to index
        %get3A_971 = arith.constant 112 : index
        %get3A_972 = tpu.vector_load %arg12[%get3A_970, %get3A_971] {strides = array<i32>} : memref<128x128xf32, #tpu.memory_space<vmem>>, vector<16xf32>,
        %mul3A_973 = vector.broadcast %squeeze3A_909 : f32 to vector<16xf32>
        %mul3A_974 = arith.mulf %get3A_972, %mul3A_973 : vector<16xf32>
        %swap3A_975 = arith.index_cast %add3A_913 : i32 to index
        %swap3A_976 = arith.constant 112 : index
        %swap3A_977 = tpu.vector_load %arg12[%swap3A_975, %swap3A_976] {strides = array<i32>} : memref<128x128xf32, #tpu.memory_space<vmem>>, vector<16xf32>,
        tpu.vector_store %arg12[%swap3A_975, %swap3A_976], %mul3A_974 {strides = array<i32>} : memref<128x128xf32, #tpu.memory_space<vmem>>, vector<16xf32>,
        %slice3A_978 = vector.extract_strided_slice %mul3A_70 {offsets = [13], sizes = [1], strides = [1]} : vector<16xf32> to vector<1xf32>
        %squeeze3A_979 = vector.extract %slice3A_978[0] : f32 from vector<1xf32>
        %mul3A_980 = arith.constant 16 : i32
        %mul3A_981 = arith.muli %scan3A_59, %mul3A_980 : i32
        %add3A_982 = arith.constant 13 : i32
        %add3A_983 = arith.addi %mul3A_981, %add3A_982 : i32
        %get3A_984 = arith.index_cast %add3A_983 : i32 to index
        %get3A_985 = arith.constant 0 : index
        %get3A_986 = tpu.vector_load %arg12[%get3A_984, %get3A_985] {strides = array<i32>} : memref<128x128xf32, #tpu.memory_space<vmem>>, vector<16xf32>,
        %mul3A_987 = vector.broadcast %squeeze3A_979 : f32 to vector<16xf32>
        %mul3A_988 = arith.mulf %get3A_986, %mul3A_987 : vector<16xf32>
        %swap3A_989 = arith.index_cast %add3A_983 : i32 to index
        %swap3A_990 = arith.constant 0 : index
        %swap3A_991 = tpu.vector_load %arg12[%swap3A_989, %swap3A_990] {strides = array<i32>} : memref<128x128xf32, #tpu.memory_space<vmem>>, vector<16xf32>,
        tpu.vector_store %arg12[%swap3A_989, %swap3A_990], %mul3A_988 {strides = array<i32>} : memref<128x128xf32, #tpu.memory_space<vmem>>, vector<16xf32>,
        %get3A_992 = arith.index_cast %add3A_983 : i32 to index
        %get3A_993 = arith.constant 16 : index
        %get3A_994 = tpu.vector_load %arg12[%get3A_992, %get3A_993] {strides = array<i32>} : memref<128x128xf32, #tpu.memory_space<vmem>>, vector<16xf32>,
        %mul3A_995 = vector.broadcast %squeeze3A_979 : f32 to vector<16xf32>
        %mul3A_996 = arith.mulf %get3A_994, %mul3A_995 : vector<16xf32>
        %swap3A_997 = arith.index_cast %add3A_983 : i32 to index
        %swap3A_998 = arith.constant 16 : index
        %swap3A_999 = tpu.vector_load %arg12[%swap3A_997, %swap3A_998] {strides = array<i32>} : memref<128x128xf32, #tpu.memory_space<vmem>>, vector<16xf32>,
        tpu.vector_store %arg12[%swap3A_997, %swap3A_998], %mul3A_996 {strides = array<i32>} : memref<128x128xf32, #tpu.memory_space<vmem>>, vector<16xf32>,
        %get3A_1000 = arith.index_cast %add3A_983 : i32 to index
        %get3A_1001 = arith.constant 32 : index
        %get3A_1002 = tpu.vector_load %arg12[%get3A_1000, %get3A_1001] {strides = array<i32>} : memref<128x128xf32, #tpu.memory_space<vmem>>, vector<16xf32>,
        %mul3A_1003 = vector.broadcast %squeeze3A_979 : f32 to vector<16xf32>
        %mul3A_1004 = arith.mulf %get3A_1002, %mul3A_1003 : vector<16xf32>
        %swap3A_1005 = arith.index_cast %add3A_983 : i32 to index
        %swap3A_1006 = arith.constant 32 : index
        %swap3A_1007 = tpu.vector_load %arg12[%swap3A_1005, %swap3A_1006] {strides = array<i32>} : memref<128x128xf32, #tpu.memory_space<vmem>>, vector<16xf32>,
        tpu.vector_store %arg12[%swap3A_1005, %swap3A_1006], %mul3A_1004 {strides = array<i32>} : memref<128x128xf32, #tpu.memory_space<vmem>>, vector<16xf32>,
        %get3A_1008 = arith.index_cast %add3A_983 : i32 to index
        %get3A_1009 = arith.constant 48 : index
        %get3A_1010 = tpu.vector_load %arg12[%get3A_1008, %get3A_1009] {strides = array<i32>} : memref<128x128xf32, #tpu.memory_space<vmem>>, vector<16xf32>,
        %mul3A_1011 = vector.broadcast %squeeze3A_979 : f32 to vector<16xf32>
        %mul3A_1012 = arith.mulf %get3A_1010, %mul3A_1011 : vector<16xf32>
        %swap3A_1013 = arith.index_cast %add3A_983 : i32 to index
        %swap3A_1014 = arith.constant 48 : index
        %swap3A_1015 = tpu.vector_load %arg12[%swap3A_1013, %swap3A_1014] {strides = array<i32>} : memref<128x128xf32, #tpu.memory_space<vmem>>, vector<16xf32>,
        tpu.vector_store %arg12[%swap3A_1013, %swap3A_1014], %mul3A_1012 {strides = array<i32>} : memref<128x128xf32, #tpu.memory_space<vmem>>, vector<16xf32>,
        %get3A_1016 = arith.index_cast %add3A_983 : i32 to index
        %get3A_1017 = arith.constant 64 : index
        %get3A_1018 = tpu.vector_load %arg12[%get3A_1016, %get3A_1017] {strides = array<i32>} : memref<128x128xf32, #tpu.memory_space<vmem>>, vector<16xf32>,
        %mul3A_1019 = vector.broadcast %squeeze3A_979 : f32 to vector<16xf32>
        %mul3A_1020 = arith.mulf %get3A_1018, %mul3A_1019 : vector<16xf32>
        %swap3A_1021 = arith.index_cast %add3A_983 : i32 to index
        %swap3A_1022 = arith.constant 64 : index
        %swap3A_1023 = tpu.vector_load %arg12[%swap3A_1021, %swap3A_1022] {strides = array<i32>} : memref<128x128xf32, #tpu.memory_space<vmem>>, vector<16xf32>,
        tpu.vector_store %arg12[%swap3A_1021, %swap3A_1022], %mul3A_1020 {strides = array<i32>} : memref<128x128xf32, #tpu.memory_space<vmem>>, vector<16xf32>,
        %get3A_1024 = arith.index_cast %add3A_983 : i32 to index
        %get3A_1025 = arith.constant 80 : index
        %get3A_1026 = tpu.vector_load %arg12[%get3A_1024, %get3A_1025] {strides = array<i32>} : memref<128x128xf32, #tpu.memory_space<vmem>>, vector<16xf32>,
        %mul3A_1027 = vector.broadcast %squeeze3A_979 : f32 to vector<16xf32>
        %mul3A_1028 = arith.mulf %get3A_1026, %mul3A_1027 : vector<16xf32>
        %swap3A_1029 = arith.index_cast %add3A_983 : i32 to index
        %swap3A_1030 = arith.constant 80 : index
        %swap3A_1031 = tpu.vector_load %arg12[%swap3A_1029, %swap3A_1030] {strides = array<i32>} : memref<128x128xf32, #tpu.memory_space<vmem>>, vector<16xf32>,
        tpu.vector_store %arg12[%swap3A_1029, %swap3A_1030], %mul3A_1028 {strides = array<i32>} : memref<128x128xf32, #tpu.memory_space<vmem>>, vector<16xf32>,
        %get3A_1032 = arith.index_cast %add3A_983 : i32 to index
        %get3A_1033 = arith.constant 96 : index
        %get3A_1034 = tpu.vector_load %arg12[%get3A_1032, %get3A_1033] {strides = array<i32>} : memref<128x128xf32, #tpu.memory_space<vmem>>, vector<16xf32>,
        %mul3A_1035 = vector.broadcast %squeeze3A_979 : f32 to vector<16xf32>
        %mul3A_1036 = arith.mulf %get3A_1034, %mul3A_1035 : vector<16xf32>
        %swap3A_1037 = arith.index_cast %add3A_983 : i32 to index
        %swap3A_1038 = arith.constant 96 : index
        %swap3A_1039 = tpu.vector_load %arg12[%swap3A_1037, %swap3A_1038] {strides = array<i32>} : memref<128x128xf32, #tpu.memory_space<vmem>>, vector<16xf32>,
        tpu.vector_store %arg12[%swap3A_1037, %swap3A_1038], %mul3A_1036 {strides = array<i32>} : memref<128x128xf32, #tpu.memory_space<vmem>>, vector<16xf32>,
        %get3A_1040 = arith.index_cast %add3A_983 : i32 to index
        %get3A_1041 = arith.constant 112 : index
        %get3A_1042 = tpu.vector_load %arg12[%get3A_1040, %get3A_1041] {strides = array<i32>} : memref<128x128xf32, #tpu.memory_space<vmem>>, vector<16xf32>,
        %mul3A_1043 = vector.broadcast %squeeze3A_979 : f32 to vector<16xf32>
        %mul3A_1044 = arith.mulf %get3A_1042, %mul3A_1043 : vector<16xf32>
        %swap3A_1045 = arith.index_cast %add3A_983 : i32 to index
        %swap3A_1046 = arith.constant 112 : index
        %swap3A_1047 = tpu.vector_load %arg12[%swap3A_1045, %swap3A_1046] {strides = array<i32>} : memref<128x128xf32, #tpu.memory_space<vmem>>, vector<16xf32>,
        tpu.vector_store %arg12[%swap3A_1045, %swap3A_1046], %mul3A_1044 {strides = array<i32>} : memref<128x128xf32, #tpu.memory_space<vmem>>, vector<16xf32>,
        %slice3A_1048 = vector.extract_strided_slice %mul3A_70 {offsets = [14], sizes = [1], strides = [1]} : vector<16xf32> to vector<1xf32>
        %squeeze3A_1049 = vector.extract %slice3A_1048[0] : f32 from vector<1xf32>
        %mul3A_1050 = arith.constant 16 : i32
        %mul3A_1051 = arith.muli %scan3A_59, %mul3A_1050 : i32
        %add3A_1052 = arith.constant 14 : i32
        %add3A_1053 = arith.addi %mul3A_1051, %add3A_1052 : i32
        %get3A_1054 = arith.index_cast %add3A_1053 : i32 to index
        %get3A_1055 = arith.constant 0 : index
        %get3A_1056 = tpu.vector_load %arg12[%get3A_1054, %get3A_1055] {strides = array<i32>} : memref<128x128xf32, #tpu.memory_space<vmem>>, vector<16xf32>,
        %mul3A_1057 = vector.broadcast %squeeze3A_1049 : f32 to vector<16xf32>
        %mul3A_1058 = arith.mulf %get3A_1056, %mul3A_1057 : vector<16xf32>
        %swap3A_1059 = arith.index_cast %add3A_1053 : i32 to index
        %swap3A_1060 = arith.constant 0 : index
        %swap3A_1061 = tpu.vector_load %arg12[%swap3A_1059, %swap3A_1060] {strides = array<i32>} : memref<128x128xf32, #tpu.memory_space<vmem>>, vector<16xf32>,
        tpu.vector_store %arg12[%swap3A_1059, %swap3A_1060], %mul3A_1058 {strides = array<i32>} : memref<128x128xf32, #tpu.memory_space<vmem>>, vector<16xf32>,
        %get3A_1062 = arith.index_cast %add3A_1053 : i32 to index
        %get3A_1063 = arith.constant 16 : index
        %get3A_1064 = tpu.vector_load %arg12[%get3A_1062, %get3A_1063] {strides = array<i32>} : memref<128x128xf32, #tpu.memory_space<vmem>>, vector<16xf32>,
        %mul3A_1065 = vector.broadcast %squeeze3A_1049 : f32 to vector<16xf32>
        %mul3A_1066 = arith.mulf %get3A_1064, %mul3A_1065 : vector<16xf32>
        %swap3A_1067 = arith.index_cast %add3A_1053 : i32 to index
        %swap3A_1068 = arith.constant 16 : index
        %swap3A_1069 = tpu.vector_load %arg12[%swap3A_1067, %swap3A_1068] {strides = array<i32>} : memref<128x128xf32, #tpu.memory_space<vmem>>, vector<16xf32>,
        tpu.vector_store %arg12[%swap3A_1067, %swap3A_1068], %mul3A_1066 {strides = array<i32>} : memref<128x128xf32, #tpu.memory_space<vmem>>, vector<16xf32>,
        %get3A_1070 = arith.index_cast %add3A_1053 : i32 to index
        %get3A_1071 = arith.constant 32 : index
        %get3A_1072 = tpu.vector_load %arg12[%get3A_1070, %get3A_1071] {strides = array<i32>} : memref<128x128xf32, #tpu.memory_space<vmem>>, vector<16xf32>,
        %mul3A_1073 = vector.broadcast %squeeze3A_1049 : f32 to vector<16xf32>
        %mul3A_1074 = arith.mulf %get3A_1072, %mul3A_1073 : vector<16xf32>
        %swap3A_1075 = arith.index_cast %add3A_1053 : i32 to index
        %swap3A_1076 = arith.constant 32 : index
        %swap3A_1077 = tpu.vector_load %arg12[%swap3A_1075, %swap3A_1076] {strides = array<i32>} : memref<128x128xf32, #tpu.memory_space<vmem>>, vector<16xf32>,
        tpu.vector_store %arg12[%swap3A_1075, %swap3A_1076], %mul3A_1074 {strides = array<i32>} : memref<128x128xf32, #tpu.memory_space<vmem>>, vector<16xf32>,
        %get3A_1078 = arith.index_cast %add3A_1053 : i32 to index
        %get3A_1079 = arith.constant 48 : index
        %get3A_1080 = tpu.vector_load %arg12[%get3A_1078, %get3A_1079] {strides = array<i32>} : memref<128x128xf32, #tpu.memory_space<vmem>>, vector<16xf32>,
        %mul3A_1081 = vector.broadcast %squeeze3A_1049 : f32 to vector<16xf32>
        %mul3A_1082 = arith.mulf %get3A_1080, %mul3A_1081 : vector<16xf32>
        %swap3A_1083 = arith.index_cast %add3A_1053 : i32 to index
        %swap3A_1084 = arith.constant 48 : index
        %swap3A_1085 = tpu.vector_load %arg12[%swap3A_1083, %swap3A_1084] {strides = array<i32>} : memref<128x128xf32, #tpu.memory_space<vmem>>, vector<16xf32>,
        tpu.vector_store %arg12[%swap3A_1083, %swap3A_1084], %mul3A_1082 {strides = array<i32>} : memref<128x128xf32, #tpu.memory_space<vmem>>, vector<16xf32>,
        %get3A_1086 = arith.index_cast %add3A_1053 : i32 to index
        %get3A_1087 = arith.constant 64 : index
        %get3A_1088 = tpu.vector_load %arg12[%get3A_1086, %get3A_1087] {strides = array<i32>} : memref<128x128xf32, #tpu.memory_space<vmem>>, vector<16xf32>,
        %mul3A_1089 = vector.broadcast %squeeze3A_1049 : f32 to vector<16xf32>
        %mul3A_1090 = arith.mulf %get3A_1088, %mul3A_1089 : vector<16xf32>
        %swap3A_1091 = arith.index_cast %add3A_1053 : i32 to index
        %swap3A_1092 = arith.constant 64 : index
        %swap3A_1093 = tpu.vector_load %arg12[%swap3A_1091, %swap3A_1092] {strides = array<i32>} : memref<128x128xf32, #tpu.memory_space<vmem>>, vector<16xf32>,
        tpu.vector_store %arg12[%swap3A_1091, %swap3A_1092], %mul3A_1090 {strides = array<i32>} : memref<128x128xf32, #tpu.memory_space<vmem>>, vector<16xf32>,
        %get3A_1094 = arith.index_cast %add3A_1053 : i32 to index
        %get3A_1095 = arith.constant 80 : index
        %get3A_1096 = tpu.vector_load %arg12[%get3A_1094, %get3A_1095] {strides = array<i32>} : memref<128x128xf32, #tpu.memory_space<vmem>>, vector<16xf32>,
        %mul3A_1097 = vector.broadcast %squeeze3A_1049 : f32 to vector<16xf32>
        %mul3A_1098 = arith.mulf %get3A_1096, %mul3A_1097 : vector<16xf32>
        %swap3A_1099 = arith.index_cast %add3A_1053 : i32 to index
        %swap3A_1100 = arith.constant 80 : index
        %swap3A_1101 = tpu.vector_load %arg12[%swap3A_1099, %swap3A_1100] {strides = array<i32>} : memref<128x128xf32, #tpu.memory_space<vmem>>, vector<16xf32>,
        tpu.vector_store %arg12[%swap3A_1099, %swap3A_1100], %mul3A_1098 {strides = array<i32>} : memref<128x128xf32, #tpu.memory_space<vmem>>, vector<16xf32>,
        %get3A_1102 = arith.index_cast %add3A_1053 : i32 to index
        %get3A_1103 = arith.constant 96 : index
        %get3A_1104 = tpu.vector_load %arg12[%get3A_1102, %get3A_1103] {strides = array<i32>} : memref<128x128xf32, #tpu.memory_space<vmem>>, vector<16xf32>,
        %mul3A_1105 = vector.broadcast %squeeze3A_1049 : f32 to vector<16xf32>
        %mul3A_1106 = arith.mulf %get3A_1104, %mul3A_1105 : vector<16xf32>
        %swap3A_1107 = arith.index_cast %add3A_1053 : i32 to index
        %swap3A_1108 = arith.constant 96 : index
        %swap3A_1109 = tpu.vector_load %arg12[%swap3A_1107, %swap3A_1108] {strides = array<i32>} : memref<128x128xf32, #tpu.memory_space<vmem>>, vector<16xf32>,
        tpu.vector_store %arg12[%swap3A_1107, %swap3A_1108], %mul3A_1106 {strides = array<i32>} : memref<128x128xf32, #tpu.memory_space<vmem>>, vector<16xf32>,
        %get3A_1110 = arith.index_cast %add3A_1053 : i32 to index
        %get3A_1111 = arith.constant 112 : index
        %get3A_1112 = tpu.vector_load %arg12[%get3A_1110, %get3A_1111] {strides = array<i32>} : memref<128x128xf32, #tpu.memory_space<vmem>>, vector<16xf32>,
        %mul3A_1113 = vector.broadcast %squeeze3A_1049 : f32 to vector<16xf32>
        %mul3A_1114 = arith.mulf %get3A_1112, %mul3A_1113 : vector<16xf32>
        %swap3A_1115 = arith.index_cast %add3A_1053 : i32 to index
        %swap3A_1116 = arith.constant 112 : index
        %swap3A_1117 = tpu.vector_load %arg12[%swap3A_1115, %swap3A_1116] {strides = array<i32>} : memref<128x128xf32, #tpu.memory_space<vmem>>, vector<16xf32>,
        tpu.vector_store %arg12[%swap3A_1115, %swap3A_1116], %mul3A_1114 {strides = array<i32>} : memref<128x128xf32, #tpu.memory_space<vmem>>, vector<16xf32>,
        %slice3A_1118 = vector.extract_strided_slice %mul3A_70 {offsets = [15], sizes = [1], strides = [1]} : vector<16xf32> to vector<1xf32>
        %squeeze3A_1119 = vector.extract %slice3A_1118[0] : f32 from vector<1xf32>
        %mul3A_1120 = arith.constant 16 : i32
        %mul3A_1121 = arith.muli %scan3A_59, %mul3A_1120 : i32
        %add3A_1122 = arith.constant 15 : i32
        %add3A_1123 = arith.addi %mul3A_1121, %add3A_1122 : i32
        %get3A_1124 = arith.index_cast %add3A_1123 : i32 to index
        %get3A_1125 = arith.constant 0 : index
        %get3A_1126 = tpu.vector_load %arg12[%get3A_1124, %get3A_1125] {strides = array<i32>} : memref<128x128xf32, #tpu.memory_space<vmem>>, vector<16xf32>,
        %mul3A_1127 = vector.broadcast %squeeze3A_1119 : f32 to vector<16xf32>
        %mul3A_1128 = arith.mulf %get3A_1126, %mul3A_1127 : vector<16xf32>
        %swap3A_1129 = arith.index_cast %add3A_1123 : i32 to index
        %swap3A_1130 = arith.constant 0 : index
        %swap3A_1131 = tpu.vector_load %arg12[%swap3A_1129, %swap3A_1130] {strides = array<i32>} : memref<128x128xf32, #tpu.memory_space<vmem>>, vector<16xf32>,
        tpu.vector_store %arg12[%swap3A_1129, %swap3A_1130], %mul3A_1128 {strides = array<i32>} : memref<128x128xf32, #tpu.memory_space<vmem>>, vector<16xf32>,
        %get3A_1132 = arith.index_cast %add3A_1123 : i32 to index
        %get3A_1133 = arith.constant 16 : index
        %get3A_1134 = tpu.vector_load %arg12[%get3A_1132, %get3A_1133] {strides = array<i32>} : memref<128x128xf32, #tpu.memory_space<vmem>>, vector<16xf32>,
        %mul3A_1135 = vector.broadcast %squeeze3A_1119 : f32 to vector<16xf32>
        %mul3A_1136 = arith.mulf %get3A_1134, %mul3A_1135 : vector<16xf32>
        %swap3A_1137 = arith.index_cast %add3A_1123 : i32 to index
        %swap3A_1138 = arith.constant 16 : index
        %swap3A_1139 = tpu.vector_load %arg12[%swap3A_1137, %swap3A_1138] {strides = array<i32>} : memref<128x128xf32, #tpu.memory_space<vmem>>, vector<16xf32>,
        tpu.vector_store %arg12[%swap3A_1137, %swap3A_1138], %mul3A_1136 {strides = array<i32>} : memref<128x128xf32, #tpu.memory_space<vmem>>, vector<16xf32>,
        %get3A_1140 = arith.index_cast %add3A_1123 : i32 to index
        %get3A_1141 = arith.constant 32 : index
        %get3A_1142 = tpu.vector_load %arg12[%get3A_1140, %get3A_1141] {strides = array<i32>} : memref<128x128xf32, #tpu.memory_space<vmem>>, vector<16xf32>,
        %mul3A_1143 = vector.broadcast %squeeze3A_1119 : f32 to vector<16xf32>
        %mul3A_1144 = arith.mulf %get3A_1142, %mul3A_1143 : vector<16xf32>
        %swap3A_1145 = arith.index_cast %add3A_1123 : i32 to index
        %swap3A_1146 = arith.constant 32 : index
        %swap3A_1147 = tpu.vector_load %arg12[%swap3A_1145, %swap3A_1146] {strides = array<i32>} : memref<128x128xf32, #tpu.memory_space<vmem>>, vector<16xf32>,
        tpu.vector_store %arg12[%swap3A_1145, %swap3A_1146], %mul3A_1144 {strides = array<i32>} : memref<128x128xf32, #tpu.memory_space<vmem>>, vector<16xf32>,
        %get3A_1148 = arith.index_cast %add3A_1123 : i32 to index
        %get3A_1149 = arith.constant 48 : index
        %get3A_1150 = tpu.vector_load %arg12[%get3A_1148, %get3A_1149] {strides = array<i32>} : memref<128x128xf32, #tpu.memory_space<vmem>>, vector<16xf32>,
        %mul3A_1151 = vector.broadcast %squeeze3A_1119 : f32 to vector<16xf32>
        %mul3A_1152 = arith.mulf %get3A_1150, %mul3A_1151 : vector<16xf32>
        %swap3A_1153 = arith.index_cast %add3A_1123 : i32 to index
        %swap3A_1154 = arith.constant 48 : index
        %swap3A_1155 = tpu.vector_load %arg12[%swap3A_1153, %swap3A_1154] {strides = array<i32>} : memref<128x128xf32, #tpu.memory_space<vmem>>, vector<16xf32>,
        tpu.vector_store %arg12[%swap3A_1153, %swap3A_1154], %mul3A_1152 {strides = array<i32>} : memref<128x128xf32, #tpu.memory_space<vmem>>, vector<16xf32>,
        %get3A_1156 = arith.index_cast %add3A_1123 : i32 to index
        %get3A_1157 = arith.constant 64 : index
        %get3A_1158 = tpu.vector_load %arg12[%get3A_1156, %get3A_1157] {strides = array<i32>} : memref<128x128xf32, #tpu.memory_space<vmem>>, vector<16xf32>,
        %mul3A_1159 = vector.broadcast %squeeze3A_1119 : f32 to vector<16xf32>
        %mul3A_1160 = arith.mulf %get3A_1158, %mul3A_1159 : vector<16xf32>
        %swap3A_1161 = arith.index_cast %add3A_1123 : i32 to index
        %swap3A_1162 = arith.constant 64 : index
        %swap3A_1163 = tpu.vector_load %arg12[%swap3A_1161, %swap3A_1162] {strides = array<i32>} : memref<128x128xf32, #tpu.memory_space<vmem>>, vector<16xf32>,
        tpu.vector_store %arg12[%swap3A_1161, %swap3A_1162], %mul3A_1160 {strides = array<i32>} : memref<128x128xf32, #tpu.memory_space<vmem>>, vector<16xf32>,
        %get3A_1164 = arith.index_cast %add3A_1123 : i32 to index
        %get3A_1165 = arith.constant 80 : index
        %get3A_1166 = tpu.vector_load %arg12[%get3A_1164, %get3A_1165] {strides = array<i32>} : memref<128x128xf32, #tpu.memory_space<vmem>>, vector<16xf32>,
        %mul3A_1167 = vector.broadcast %squeeze3A_1119 : f32 to vector<16xf32>
        %mul3A_1168 = arith.mulf %get3A_1166, %mul3A_1167 : vector<16xf32>
        %swap3A_1169 = arith.index_cast %add3A_1123 : i32 to index
        %swap3A_1170 = arith.constant 80 : index
        %swap3A_1171 = tpu.vector_load %arg12[%swap3A_1169, %swap3A_1170] {strides = array<i32>} : memref<128x128xf32, #tpu.memory_space<vmem>>, vector<16xf32>,
        tpu.vector_store %arg12[%swap3A_1169, %swap3A_1170], %mul3A_1168 {strides = array<i32>} : memref<128x128xf32, #tpu.memory_space<vmem>>, vector<16xf32>,
        %get3A_1172 = arith.index_cast %add3A_1123 : i32 to index
        %get3A_1173 = arith.constant 96 : index
        %get3A_1174 = tpu.vector_load %arg12[%get3A_1172, %get3A_1173] {strides = array<i32>} : memref<128x128xf32, #tpu.memory_space<vmem>>, vector<16xf32>,
        %mul3A_1175 = vector.broadcast %squeeze3A_1119 : f32 to vector<16xf32>
        %mul3A_1176 = arith.mulf %get3A_1174, %mul3A_1175 : vector<16xf32>
        %swap3A_1177 = arith.index_cast %add3A_1123 : i32 to index
        %swap3A_1178 = arith.constant 96 : index
        %swap3A_1179 = tpu.vector_load %arg12[%swap3A_1177, %swap3A_1178] {strides = array<i32>} : memref<128x128xf32, #tpu.memory_space<vmem>>, vector<16xf32>,
        tpu.vector_store %arg12[%swap3A_1177, %swap3A_1178], %mul3A_1176 {strides = array<i32>} : memref<128x128xf32, #tpu.memory_space<vmem>>, vector<16xf32>,
        %get3A_1180 = arith.index_cast %add3A_1123 : i32 to index
        %get3A_1181 = arith.constant 112 : index
        %get3A_1182 = tpu.vector_load %arg12[%get3A_1180, %get3A_1181] {strides = array<i32>} : memref<128x128xf32, #tpu.memory_space<vmem>>, vector<16xf32>,
        %mul3A_1183 = vector.broadcast %squeeze3A_1119 : f32 to vector<16xf32>
        %mul3A_1184 = arith.mulf %get3A_1182, %mul3A_1183 : vector<16xf32>
        %swap3A_1185 = arith.index_cast %add3A_1123 : i32 to index
        %swap3A_1186 = arith.constant 112 : index
        %swap3A_1187 = tpu.vector_load %arg12[%swap3A_1185, %swap3A_1186] {strides = array<i32>} : memref<128x128xf32, #tpu.memory_space<vmem>>, vector<16xf32>,
        tpu.vector_store %arg12[%swap3A_1185, %swap3A_1186], %mul3A_1184 {strides = array<i32>} : memref<128x128xf32, #tpu.memory_space<vmem>>, vector<16xf32>,
        %scan3A_1188 = arith.constant 0 : i32
        scf.yield %scan3A_1188 : i32
      }
      %scan3A_57 = arith.constant 8 : i32
      "tpu.region"() ({
        %run_scoped3A_59 = tpu.sem_alloc : memref<!tpu.dma_semaphore, #tpu.memory_space<semaphore_mem>>
        %dma_start3A_60 = arith.constant 0 : i32
        %dma_start3A_61 = arith.constant 0 : i32
        %dma_start3A_62 = tpu.memref_slice %arg13[%dma_start3A_60, %dma_start3A_61] : memref<10240x128xf32, #tpu.memory_space<vmem_shared>> -> memref<10240x128xf32, #tpu.memory_space<vmem_shared>>
        tpu.enqueue_indirect_dma source(%arg12 : memref<128x128xf32, #tpu.memory_space<vmem>>) target(%dma_start3A_62 : memref<10240x128xf32, #tpu.memory_space<vmem_shared>>) offsets(%arg10 : memref<128xi32, #tpu.memory_space<vmem>>) semaphore(%run_scoped3A_59 : memref<!tpu.dma_semaphore, #tpu.memory_space<semaphore_mem>>) {add = true}
        %dma_wait3A_63 = arith.constant 0 : i32
        %dma_wait3A_64 = arith.constant 0 : i32
        %dma_wait3A_65 = tpu.memref_slice %arg13[%dma_wait3A_63, %dma_wait3A_64] : memref<10240x128xf32, #tpu.memory_space<vmem_shared>> -> memref<10240x128xf32, #tpu.memory_space<vmem_shared>>
        tpu.wait_indirect_dma semaphore(%run_scoped3A_59 : memref<!tpu.dma_semaphore, #tpu.memory_space<semaphore_mem>>) src(%arg12 : memref<128x128xf32, #tpu.memory_space<vmem>>) dst(%dma_wait3A_65 : memref<10240x128xf32, #tpu.memory_space<vmem_shared>>)
        tpu.yield
      }) : () -> ()
      %scan3A_58 = arith.constant 0 : i32
      scf.yield %scan3A_58 : i32
    }
    %scan3A_34 = arith.constant 81 : i32
    %barrier3A_35 = arith.constant 0 : index
    tpu.barrier barrier_id(%barrier3A_35)
    %mul3A_36 = arith.constant 640 : i32
    %mul3A_37 = arith.muli %arg1, %mul3A_36 : i32
    %mul3A_38 = arith.constant 640 : i32
    %mul3A_39 = arith.muli %arg1, %mul3A_38 : i32
    "tpu.region"() ({
      %run_scoped3A_40 = tpu.sem_alloc : memref<!tpu.dma_semaphore, #tpu.memory_space<semaphore_mem>>
      %dma_start3A = arith.constant 0 : i32
      %dma_start3A_41 = tpu.memref_slice %arg7[%arg0, %mul3A_39, %dma_start3A] : memref<2x10240x128xf32, #tpu.memory_space<hbm>> -> memref<1x640x128xf32, #tpu.memory_space<hbm>>
      %dma_start3A_42 = tpu.memref_squeeze %dma_start3A_41 : memref<1x640x128xf32, #tpu.memory_space<hbm>> -> memref<640x128xf32, #tpu.memory_space<hbm>>
      %dma_start3A_43 = arith.constant 0 : i32
      %dma_start3A_44 = tpu.memref_slice %arg13[%mul3A_37, %dma_start3A_43] : memref<10240x128xf32, #tpu.memory_space<vmem_shared>> -> memref<640x128xf32, #tpu.memory_space<vmem_shared>>
      tpu.enqueue_dma source(%dma_start3A_44 : memref<640x128xf32, #tpu.memory_space<vmem_shared>>) target(%dma_start3A_42 : memref<640x128xf32, #tpu.memory_space<hbm>>) target_semaphore(%run_scoped3A_40 : memref<!tpu.dma_semaphore, #tpu.memory_space<semaphore_mem>>)
      %dma_wait3A = arith.constant 0 : i32
      %dma_wait3A_45 = tpu.memref_slice %arg7[%arg0, %mul3A_39, %dma_wait3A] : memref<2x10240x128xf32, #tpu.memory_space<hbm>> -> memref<1x640x128xf32, #tpu.memory_space<hbm>>
      %dma_wait3A_46 = tpu.memref_squeeze %dma_wait3A_45 : memref<1x640x128xf32, #tpu.memory_space<hbm>> -> memref<640x128xf32, #tpu.memory_space<hbm>>
      %dma_wait3A_47 = arith.constant 0 : i32
      %dma_wait3A_48 = tpu.memref_slice %arg13[%mul3A_37, %dma_wait3A_47] : memref<10240x128xf32, #tpu.memory_space<vmem_shared>> -> memref<640x128xf32, #tpu.memory_space<vmem_shared>>
      tpu.wait_dma2 semaphore(%run_scoped3A_40 : memref<!tpu.dma_semaphore, #tpu.memory_space<semaphore_mem>>) src(%dma_wait3A_48 : memref<640x128xf32, #tpu.memory_space<vmem_shared>>) dst(%dma_wait3A_46 : memref<640x128xf32, #tpu.memory_space<hbm>>)
      tpu.yield
    }) : () -> ()
    return
  }
}

#map = affine_map<(d0, d1) -> (0, 0)>
#map1 = affine_map<(d0, d1) -> (0)>
#map2 = affine_map<(d0, d1) -> (0, 0, 0)>
module attributes {stable_mosaic.version = 14 : i64} {
  func.func @k(%arg0: i32, %arg1: i32, %arg2: memref<10240x128xf32, #tpu.memory_space<hbm>>, %arg3: memref<1x10240xf32, #tpu.memory_space<hbm>>, %arg4: memref<331776xi32, #tpu.memory_space<hbm>>, %arg5: memref<331776xi32, #tpu.memory_space<hbm>>, %arg6: memref<331776xf32, #tpu.memory_space<hbm>>, %arg7: memref<2x10240x128xf32, #tpu.memory_space<hbm>>, %arg8: memref<10240xf32, #tpu.memory_space<vmem>>, %arg9: memref<128xi32, #tpu.memory_space<vmem>>, %arg10: memref<128xi32, #tpu.memory_space<vmem>>, %arg11: memref<128xf32, #tpu.memory_space<vmem>>, %arg12: memref<128x128xf32, #tpu.memory_space<vmem>>, %arg13: memref<10240x128xf32, #tpu.memory_space<vmem_shared>>, %arg14: memref<!tpu.dma_semaphore, #tpu.memory_space<semaphore_mem>>) attributes {dimension_semantics = [#tpu.dimension_semantics<core_parallel>, #tpu.dimension_semantics<subcore_parallel>], iteration_bounds = array<i64: 2, 16>, scalar_prefetch = 0 : i64, scratch_operands = 7 : i64, tpu.core_type = #tpu.core_type<sc_vector_subcore>, window_params = [{transform_indices = #map}, {transform_indices = #map}, {transform_indices = #map1}, {transform_indices = #map1}, {transform_indices = #map1}, {transform_indices = #map2}]} {
    %mul3A = arith.constant 16 : i32
    %mul3A_0 = arith.muli %arg0, %mul3A : i32
    %add3A = arith.addi %mul3A_0, %arg1 : i32
    %broadcast_in_dim3A = arith.constant 0.000000e+00 : f32
    %broadcast_in_dim3A_1 = vector.broadcast %broadcast_in_dim3A : f32 to vector<16xf32>
    %scan3A = arith.constant 0 : i32
    %scan3A_2 = arith.constant 0 : i32
    %scan3A_3 = arith.constant 128 : i32
    %scan3A_4 = arith.addi %scan3A_2, %scan3A_3 : i32
    %scan3A_5 = arith.constant 1 : i32
    %scan3A_6 = scf.for %scan3A_40 = %scan3A_2 to %scan3A_4 step %scan3A_5 iter_args(%scan3A_41 = %scan3A) -> (i32)  : i32 {
      %swap3A = arith.index_cast %scan3A_40 : i32 to index
      %swap3A_42 = arith.constant 0 : index
      %swap3A_43 = tpu.vector_load %arg12[%swap3A, %swap3A_42] {strides = array<i32>} : memref<128x128xf32, #tpu.memory_space<vmem>>, vector<16xf32>,
      tpu.vector_store %arg12[%swap3A, %swap3A_42], %broadcast_in_dim3A_1 {strides = array<i32>} : memref<128x128xf32, #tpu.memory_space<vmem>>, vector<16xf32>,
      %swap3A_44 = arith.index_cast %scan3A_40 : i32 to index
      %swap3A_45 = arith.constant 16 : index
      %swap3A_46 = tpu.vector_load %arg12[%swap3A_44, %swap3A_45] {strides = array<i32>} : memref<128x128xf32, #tpu.memory_space<vmem>>, vector<16xf32>,
      tpu.vector_store %arg12[%swap3A_44, %swap3A_45], %broadcast_in_dim3A_1 {strides = array<i32>} : memref<128x128xf32, #tpu.memory_space<vmem>>, vector<16xf32>,
      %swap3A_47 = arith.index_cast %scan3A_40 : i32 to index
      %swap3A_48 = arith.constant 32 : index
      %swap3A_49 = tpu.vector_load %arg12[%swap3A_47, %swap3A_48] {strides = array<i32>} : memref<128x128xf32, #tpu.memory_space<vmem>>, vector<16xf32>,
      tpu.vector_store %arg12[%swap3A_47, %swap3A_48], %broadcast_in_dim3A_1 {strides = array<i32>} : memref<128x128xf32, #tpu.memory_space<vmem>>, vector<16xf32>,
      %swap3A_50 = arith.index_cast %scan3A_40 : i32 to index
      %swap3A_51 = arith.constant 48 : index
      %swap3A_52 = tpu.vector_load %arg12[%swap3A_50, %swap3A_51] {strides = array<i32>} : memref<128x128xf32, #tpu.memory_space<vmem>>, vector<16xf32>,
      tpu.vector_store %arg12[%swap3A_50, %swap3A_51], %broadcast_in_dim3A_1 {strides = array<i32>} : memref<128x128xf32, #tpu.memory_space<vmem>>, vector<16xf32>,
      %swap3A_53 = arith.index_cast %scan3A_40 : i32 to index
      %swap3A_54 = arith.constant 64 : index
      %swap3A_55 = tpu.vector_load %arg12[%swap3A_53, %swap3A_54] {strides = array<i32>} : memref<128x128xf32, #tpu.memory_space<vmem>>, vector<16xf32>,
      tpu.vector_store %arg12[%swap3A_53, %swap3A_54], %broadcast_in_dim3A_1 {strides = array<i32>} : memref<128x128xf32, #tpu.memory_space<vmem>>, vector<16xf32>,
      %swap3A_56 = arith.index_cast %scan3A_40 : i32 to index
      %swap3A_57 = arith.constant 80 : index
      %swap3A_58 = tpu.vector_load %arg12[%swap3A_56, %swap3A_57] {strides = array<i32>} : memref<128x128xf32, #tpu.memory_space<vmem>>, vector<16xf32>,
      tpu.vector_store %arg12[%swap3A_56, %swap3A_57], %broadcast_in_dim3A_1 {strides = array<i32>} : memref<128x128xf32, #tpu.memory_space<vmem>>, vector<16xf32>,
      %swap3A_59 = arith.index_cast %scan3A_40 : i32 to index
      %swap3A_60 = arith.constant 96 : index
      %swap3A_61 = tpu.vector_load %arg12[%swap3A_59, %swap3A_60] {strides = array<i32>} : memref<128x128xf32, #tpu.memory_space<vmem>>, vector<16xf32>,
      tpu.vector_store %arg12[%swap3A_59, %swap3A_60], %broadcast_in_dim3A_1 {strides = array<i32>} : memref<128x128xf32, #tpu.memory_space<vmem>>, vector<16xf32>,
      %swap3A_62 = arith.index_cast %scan3A_40 : i32 to index
      %swap3A_63 = arith.constant 112 : index
      %swap3A_64 = tpu.vector_load %arg12[%swap3A_62, %swap3A_63] {strides = array<i32>} : memref<128x128xf32, #tpu.memory_space<vmem>>, vector<16xf32>,
      tpu.vector_store %arg12[%swap3A_62, %swap3A_63], %broadcast_in_dim3A_1 {strides = array<i32>} : memref<128x128xf32, #tpu.memory_space<vmem>>, vector<16xf32>,
      %scan3A_65 = arith.constant 0 : i32
      scf.yield %scan3A_65 : i32
    }
    %scan3A_7 = arith.constant 128 : i32
    %mul3A_8 = arith.constant 640 : i32
    %mul3A_9 = arith.muli %arg1, %mul3A_8 : i32
    %add3A_10 = arith.constant 0 : i32
    %add3A_11 = arith.addi %mul3A_9, %add3A_10 : i32
    "tpu.region"() ({
      %run_scoped3A_40 = tpu.sem_alloc : memref<!tpu.dma_semaphore, #tpu.memory_space<semaphore_mem>>
      %dma_start3A = arith.constant 0 : i32
      %dma_start3A_41 = tpu.memref_slice %arg13[%add3A_11, %dma_start3A] : memref<10240x128xf32, #tpu.memory_space<vmem_shared>> -> memref<128x128xf32, #tpu.memory_space<vmem_shared>>
      %dma_start3A_42 = arith.constant 0 : i32
      %dma_start3A_43 = tpu.memref_slice %arg13[%add3A_11, %dma_start3A_42] : memref<10240x128xf32, #tpu.memory_space<vmem_shared>> -> memref<128x128xf32, #tpu.memory_space<vmem_shared>>
      tpu.enqueue_dma source(%arg12 : memref<128x128xf32, #tpu.memory_space<vmem>>) target(%dma_start3A_43 : memref<128x128xf32, #tpu.memory_space<vmem_shared>>) target_semaphore(%run_scoped3A_40 : memref<!tpu.dma_semaphore, #tpu.memory_space<semaphore_mem>>)
      %dma_wait3A = arith.constant 0 : i32
      %dma_wait3A_44 = tpu.memref_slice %arg13[%add3A_11, %dma_wait3A] : memref<10240x128xf32, #tpu.memory_space<vmem_shared>> -> memref<128x128xf32, #tpu.memory_space<vmem_shared>>
      %dma_wait3A_45 = arith.constant 0 : i32
      %dma_wait3A_46 = tpu.memref_slice %arg13[%add3A_11, %dma_wait3A_45] : memref<10240x128xf32, #tpu.memory_space<vmem_shared>> -> memref<128x128xf32, #tpu.memory_space<vmem_shared>>
      tpu.wait_dma2 semaphore(%run_scoped3A_40 : memref<!tpu.dma_semaphore, #tpu.memory_space<semaphore_mem>>) src(%arg12 : memref<128x128xf32, #tpu.memory_space<vmem>>) dst(%dma_wait3A_46 : memref<128x128xf32, #tpu.memory_space<vmem_shared>>)
      tpu.yield
    }) : () -> ()
    %mul3A_12 = arith.constant 640 : i32
    %mul3A_13 = arith.muli %arg1, %mul3A_12 : i32
    %add3A_14 = arith.constant 128 : i32
    %add3A_15 = arith.addi %mul3A_13, %add3A_14 : i32
    "tpu.region"() ({
      %run_scoped3A_40 = tpu.sem_alloc : memref<!tpu.dma_semaphore, #tpu.memory_space<semaphore_mem>>
      %dma_start3A = arith.constant 0 : i32
      %dma_start3A_41 = tpu.memref_slice %arg13[%add3A_15, %dma_start3A] : memref<10240x128xf32, #tpu.memory_space<vmem_shared>> -> memref<128x128xf32, #tpu.memory_space<vmem_shared>>
      %dma_start3A_42 = arith.constant 0 : i32
      %dma_start3A_43 = tpu.memref_slice %arg13[%add3A_15, %dma_start3A_42] : memref<10240x128xf32, #tpu.memory_space<vmem_shared>> -> memref<128x128xf32, #tpu.memory_space<vmem_shared>>
      tpu.enqueue_dma source(%arg12 : memref<128x128xf32, #tpu.memory_space<vmem>>) target(%dma_start3A_43 : memref<128x128xf32, #tpu.memory_space<vmem_shared>>) target_semaphore(%run_scoped3A_40 : memref<!tpu.dma_semaphore, #tpu.memory_space<semaphore_mem>>)
      %dma_wait3A = arith.constant 0 : i32
      %dma_wait3A_44 = tpu.memref_slice %arg13[%add3A_15, %dma_wait3A] : memref<10240x128xf32, #tpu.memory_space<vmem_shared>> -> memref<128x128xf32, #tpu.memory_space<vmem_shared>>
      %dma_wait3A_45 = arith.constant 0 : i32
      %dma_wait3A_46 = tpu.memref_slice %arg13[%add3A_15, %dma_wait3A_45] : memref<10240x128xf32, #tpu.memory_space<vmem_shared>> -> memref<128x128xf32, #tpu.memory_space<vmem_shared>>
      tpu.wait_dma2 semaphore(%run_scoped3A_40 : memref<!tpu.dma_semaphore, #tpu.memory_space<semaphore_mem>>) src(%arg12 : memref<128x128xf32, #tpu.memory_space<vmem>>) dst(%dma_wait3A_46 : memref<128x128xf32, #tpu.memory_space<vmem_shared>>)
      tpu.yield
    }) : () -> ()
    %mul3A_16 = arith.constant 640 : i32
    %mul3A_17 = arith.muli %arg1, %mul3A_16 : i32
    %add3A_18 = arith.constant 256 : i32
    %add3A_19 = arith.addi %mul3A_17, %add3A_18 : i32
    "tpu.region"() ({
      %run_scoped3A_40 = tpu.sem_alloc : memref<!tpu.dma_semaphore, #tpu.memory_space<semaphore_mem>>
      %dma_start3A = arith.constant 0 : i32
      %dma_start3A_41 = tpu.memref_slice %arg13[%add3A_19, %dma_start3A] : memref<10240x128xf32, #tpu.memory_space<vmem_shared>> -> memref<128x128xf32, #tpu.memory_space<vmem_shared>>
      %dma_start3A_42 = arith.constant 0 : i32
      %dma_start3A_43 = tpu.memref_slice %arg13[%add3A_19, %dma_start3A_42] : memref<10240x128xf32, #tpu.memory_space<vmem_shared>> -> memref<128x128xf32, #tpu.memory_space<vmem_shared>>
      tpu.enqueue_dma source(%arg12 : memref<128x128xf32, #tpu.memory_space<vmem>>) target(%dma_start3A_43 : memref<128x128xf32, #tpu.memory_space<vmem_shared>>) target_semaphore(%run_scoped3A_40 : memref<!tpu.dma_semaphore, #tpu.memory_space<semaphore_mem>>)
      %dma_wait3A = arith.constant 0 : i32
      %dma_wait3A_44 = tpu.memref_slice %arg13[%add3A_19, %dma_wait3A] : memref<10240x128xf32, #tpu.memory_space<vmem_shared>> -> memref<128x128xf32, #tpu.memory_space<vmem_shared>>
      %dma_wait3A_45 = arith.constant 0 : i32
      %dma_wait3A_46 = tpu.memref_slice %arg13[%add3A_19, %dma_wait3A_45] : memref<10240x128xf32, #tpu.memory_space<vmem_shared>> -> memref<128x128xf32, #tpu.memory_space<vmem_shared>>
      tpu.wait_dma2 semaphore(%run_scoped3A_40 : memref<!tpu.dma_semaphore, #tpu.memory_space<semaphore_mem>>) src(%arg12 : memref<128x128xf32, #tpu.memory_space<vmem>>) dst(%dma_wait3A_46 : memref<128x128xf32, #tpu.memory_space<vmem_shared>>)
      tpu.yield
    }) : () -> ()
    %mul3A_20 = arith.constant 640 : i32
    %mul3A_21 = arith.muli %arg1, %mul3A_20 : i32
    %add3A_22 = arith.constant 384 : i32
    %add3A_23 = arith.addi %mul3A_21, %add3A_22 : i32
    "tpu.region"() ({
      %run_scoped3A_40 = tpu.sem_alloc : memref<!tpu.dma_semaphore, #tpu.memory_space<semaphore_mem>>
      %dma_start3A = arith.constant 0 : i32
      %dma_start3A_41 = tpu.memref_slice %arg13[%add3A_23, %dma_start3A] : memref<10240x128xf32, #tpu.memory_space<vmem_shared>> -> memref<128x128xf32, #tpu.memory_space<vmem_shared>>
      %dma_start3A_42 = arith.constant 0 : i32
      %dma_start3A_43 = tpu.memref_slice %arg13[%add3A_23, %dma_start3A_42] : memref<10240x128xf32, #tpu.memory_space<vmem_shared>> -> memref<128x128xf32, #tpu.memory_space<vmem_shared>>
      tpu.enqueue_dma source(%arg12 : memref<128x128xf32, #tpu.memory_space<vmem>>) target(%dma_start3A_43 : memref<128x128xf32, #tpu.memory_space<vmem_shared>>) target_semaphore(%run_scoped3A_40 : memref<!tpu.dma_semaphore, #tpu.memory_space<semaphore_mem>>)
      %dma_wait3A = arith.constant 0 : i32
      %dma_wait3A_44 = tpu.memref_slice %arg13[%add3A_23, %dma_wait3A] : memref<10240x128xf32, #tpu.memory_space<vmem_shared>> -> memref<128x128xf32, #tpu.memory_space<vmem_shared>>
      %dma_wait3A_45 = arith.constant 0 : i32
      %dma_wait3A_46 = tpu.memref_slice %arg13[%add3A_23, %dma_wait3A_45] : memref<10240x128xf32, #tpu.memory_space<vmem_shared>> -> memref<128x128xf32, #tpu.memory_space<vmem_shared>>
      tpu.wait_dma2 semaphore(%run_scoped3A_40 : memref<!tpu.dma_semaphore, #tpu.memory_space<semaphore_mem>>) src(%arg12 : memref<128x128xf32, #tpu.memory_space<vmem>>) dst(%dma_wait3A_46 : memref<128x128xf32, #tpu.memory_space<vmem_shared>>)
      tpu.yield
    }) : () -> ()
    %mul3A_24 = arith.constant 640 : i32
    %mul3A_25 = arith.muli %arg1, %mul3A_24 : i32
    %add3A_26 = arith.constant 512 : i32
    %add3A_27 = arith.addi %mul3A_25, %add3A_26 : i32
    "tpu.region"() ({
      %run_scoped3A_40 = tpu.sem_alloc : memref<!tpu.dma_semaphore, #tpu.memory_space<semaphore_mem>>
      %dma_start3A = arith.constant 0 : i32
      %dma_start3A_41 = tpu.memref_slice %arg13[%add3A_27, %dma_start3A] : memref<10240x128xf32, #tpu.memory_space<vmem_shared>> -> memref<128x128xf32, #tpu.memory_space<vmem_shared>>
      %dma_start3A_42 = arith.constant 0 : i32
      %dma_start3A_43 = tpu.memref_slice %arg13[%add3A_27, %dma_start3A_42] : memref<10240x128xf32, #tpu.memory_space<vmem_shared>> -> memref<128x128xf32, #tpu.memory_space<vmem_shared>>
      tpu.enqueue_dma source(%arg12 : memref<128x128xf32, #tpu.memory_space<vmem>>) target(%dma_start3A_43 : memref<128x128xf32, #tpu.memory_space<vmem_shared>>) target_semaphore(%run_scoped3A_40 : memref<!tpu.dma_semaphore, #tpu.memory_space<semaphore_mem>>)
      %dma_wait3A = arith.constant 0 : i32
      %dma_wait3A_44 = tpu.memref_slice %arg13[%add3A_27, %dma_wait3A] : memref<10240x128xf32, #tpu.memory_space<vmem_shared>> -> memref<128x128xf32, #tpu.memory_space<vmem_shared>>
      %dma_wait3A_45 = arith.constant 0 : i32
      %dma_wait3A_46 = tpu.memref_slice %arg13[%add3A_27, %dma_wait3A_45] : memref<10240x128xf32, #tpu.memory_space<vmem_shared>> -> memref<128x128xf32, #tpu.memory_space<vmem_shared>>
      tpu.wait_dma2 semaphore(%run_scoped3A_40 : memref<!tpu.dma_semaphore, #tpu.memory_space<semaphore_mem>>) src(%arg12 : memref<128x128xf32, #tpu.memory_space<vmem>>) dst(%dma_wait3A_46 : memref<128x128xf32, #tpu.memory_space<vmem_shared>>)
      tpu.yield
    }) : () -> ()
    %run_scoped3A = arith.constant 0 : i32
    "tpu.region"() ({
      %run_scoped3A_40 = tpu.sem_alloc : memref<!tpu.dma_semaphore, #tpu.memory_space<semaphore_mem>>
      %dma_start3A = arith.constant 0 : i32
      %dma_start3A_41 = tpu.memref_slice %arg3[%run_scoped3A, %dma_start3A] : memref<1x10240xf32, #tpu.memory_space<hbm>> -> memref<1x10240xf32, #tpu.memory_space<hbm>>
      %dma_start3A_42 = tpu.memref_squeeze %dma_start3A_41 : memref<1x10240xf32, #tpu.memory_space<hbm>> -> memref<10240xf32, #tpu.memory_space<hbm>>
      %dma_start3A_43 = arith.constant 0 : i32
      %dma_start3A_44 = tpu.memref_slice %arg3[%run_scoped3A, %dma_start3A_43] : memref<1x10240xf32, #tpu.memory_space<hbm>> -> memref<1x10240xf32, #tpu.memory_space<hbm>>
      %dma_start3A_45 = tpu.memref_squeeze %dma_start3A_44 : memref<1x10240xf32, #tpu.memory_space<hbm>> -> memref<10240xf32, #tpu.memory_space<hbm>>
      tpu.enqueue_dma source(%dma_start3A_45 : memref<10240xf32, #tpu.memory_space<hbm>>) target(%arg8 : memref<10240xf32, #tpu.memory_space<vmem>>) target_semaphore(%run_scoped3A_40 : memref<!tpu.dma_semaphore, #tpu.memory_space<semaphore_mem>>)
      %dma_wait3A = arith.constant 0 : i32
      %dma_wait3A_46 = tpu.memref_slice %arg3[%run_scoped3A, %dma_wait3A] : memref<1x10240xf32, #tpu.memory_space<hbm>> -> memref<1x10240xf32, #tpu.memory_space<hbm>>
      %dma_wait3A_47 = tpu.memref_squeeze %dma_wait3A_46 : memref<1x10240xf32, #tpu.memory_space<hbm>> -> memref<10240xf32, #tpu.memory_space<hbm>>
      %dma_wait3A_48 = arith.constant 0 : i32
      %dma_wait3A_49 = tpu.memref_slice %arg3[%run_scoped3A, %dma_wait3A_48] : memref<1x10240xf32, #tpu.memory_space<hbm>> -> memref<1x10240xf32, #tpu.memory_space<hbm>>
      %dma_wait3A_50 = tpu.memref_squeeze %dma_wait3A_49 : memref<1x10240xf32, #tpu.memory_space<hbm>> -> memref<10240xf32, #tpu.memory_space<hbm>>
      tpu.wait_dma2 semaphore(%run_scoped3A_40 : memref<!tpu.dma_semaphore, #tpu.memory_space<semaphore_mem>>) src(%dma_wait3A_50 : memref<10240xf32, #tpu.memory_space<hbm>>) dst(%arg8 : memref<10240xf32, #tpu.memory_space<vmem>>)
      tpu.yield
    }) : () -> ()
    %barrier3A = arith.constant 0 : index
    tpu.barrier barrier_id(%barrier3A)
    %scan3A_28 = arith.constant 0 : i32
    %scan3A_29 = arith.constant 0 : i32
    %scan3A_30 = arith.constant 81 : i32
    %scan3A_31 = arith.addi %scan3A_29, %scan3A_30 : i32
    %scan3A_32 = arith.constant 1 : i32
    %scan3A_33 = scf.for %scan3A_40 = %scan3A_29 to %scan3A_31 step %scan3A_32 iter_args(%scan3A_41 = %scan3A_28) -> (i32)  : i32 {
      %mul3A_42 = arith.constant 81 : i32
      %mul3A_43 = arith.muli %add3A, %mul3A_42 : i32
      %add3A_44 = arith.addi %mul3A_43, %scan3A_40 : i32
      %mul3A_45 = arith.constant 128 : i32
      %mul3A_46 = arith.muli %add3A_44, %mul3A_45 : i32
      "tpu.region"() ({
        %run_scoped3A_59 = tpu.sem_alloc : memref<!tpu.dma_semaphore, #tpu.memory_space<semaphore_mem>>
        %dma_start3A_60 = tpu.memref_slice %arg4[%mul3A_46] : memref<331776xi32, #tpu.memory_space<hbm>> -> memref<128xi32, #tpu.memory_space<hbm>>
        %dma_start3A_61 = tpu.memref_slice %arg4[%mul3A_46] : memref<331776xi32, #tpu.memory_space<hbm>> -> memref<128xi32, #tpu.memory_space<hbm>>
        tpu.enqueue_dma source(%dma_start3A_61 : memref<128xi32, #tpu.memory_space<hbm>>) target(%arg9 : memref<128xi32, #tpu.memory_space<vmem>>) target_semaphore(%run_scoped3A_59 : memref<!tpu.dma_semaphore, #tpu.memory_space<semaphore_mem>>)
        %dma_wait3A_62 = tpu.memref_slice %arg4[%mul3A_46] : memref<331776xi32, #tpu.memory_space<hbm>> -> memref<128xi32, #tpu.memory_space<hbm>>
        %dma_wait3A_63 = tpu.memref_slice %arg4[%mul3A_46] : memref<331776xi32, #tpu.memory_space<hbm>> -> memref<128xi32, #tpu.memory_space<hbm>>
        tpu.wait_dma2 semaphore(%run_scoped3A_59 : memref<!tpu.dma_semaphore, #tpu.memory_space<semaphore_mem>>) src(%dma_wait3A_63 : memref<128xi32, #tpu.memory_space<hbm>>) dst(%arg9 : memref<128xi32, #tpu.memory_space<vmem>>)
        tpu.yield
      }) : () -> ()
      "tpu.region"() ({
        %run_scoped3A_59 = tpu.sem_alloc : memref<!tpu.dma_semaphore, #tpu.memory_space<semaphore_mem>>
        %dma_start3A_60 = tpu.memref_slice %arg5[%mul3A_46] : memref<331776xi32, #tpu.memory_space<hbm>> -> memref<128xi32, #tpu.memory_space<hbm>>
        %dma_start3A_61 = tpu.memref_slice %arg5[%mul3A_46] : memref<331776xi32, #tpu.memory_space<hbm>> -> memref<128xi32, #tpu.memory_space<hbm>>
        tpu.enqueue_dma source(%dma_start3A_61 : memref<128xi32, #tpu.memory_space<hbm>>) target(%arg10 : memref<128xi32, #tpu.memory_space<vmem>>) target_semaphore(%run_scoped3A_59 : memref<!tpu.dma_semaphore, #tpu.memory_space<semaphore_mem>>)
        %dma_wait3A_62 = tpu.memref_slice %arg5[%mul3A_46] : memref<331776xi32, #tpu.memory_space<hbm>> -> memref<128xi32, #tpu.memory_space<hbm>>
        %dma_wait3A_63 = tpu.memref_slice %arg5[%mul3A_46] : memref<331776xi32, #tpu.memory_space<hbm>> -> memref<128xi32, #tpu.memory_space<hbm>>
        tpu.wait_dma2 semaphore(%run_scoped3A_59 : memref<!tpu.dma_semaphore, #tpu.memory_space<semaphore_mem>>) src(%dma_wait3A_63 : memref<128xi32, #tpu.memory_space<hbm>>) dst(%arg10 : memref<128xi32, #tpu.memory_space<vmem>>)
        tpu.yield
      }) : () -> ()
      "tpu.region"() ({
        %run_scoped3A_59 = tpu.sem_alloc : memref<!tpu.dma_semaphore, #tpu.memory_space<semaphore_mem>>
        %dma_start3A_60 = tpu.memref_slice %arg6[%mul3A_46] : memref<331776xf32, #tpu.memory_space<hbm>> -> memref<128xf32, #tpu.memory_space<hbm>>
        %dma_start3A_61 = tpu.memref_slice %arg6[%mul3A_46] : memref<331776xf32, #tpu.memory_space<hbm>> -> memref<128xf32, #tpu.memory_space<hbm>>
        tpu.enqueue_dma source(%dma_start3A_61 : memref<128xf32, #tpu.memory_space<hbm>>) target(%arg11 : memref<128xf32, #tpu.memory_space<vmem>>) target_semaphore(%run_scoped3A_59 : memref<!tpu.dma_semaphore, #tpu.memory_space<semaphore_mem>>)
        %dma_wait3A_62 = tpu.memref_slice %arg6[%mul3A_46] : memref<331776xf32, #tpu.memory_space<hbm>> -> memref<128xf32, #tpu.memory_space<hbm>>
        %dma_wait3A_63 = tpu.memref_slice %arg6[%mul3A_46] : memref<331776xf32, #tpu.memory_space<hbm>> -> memref<128xf32, #tpu.memory_space<hbm>>
        tpu.wait_dma2 semaphore(%run_scoped3A_59 : memref<!tpu.dma_semaphore, #tpu.memory_space<semaphore_mem>>) src(%dma_wait3A_63 : memref<128xf32, #tpu.memory_space<hbm>>) dst(%arg11 : memref<128xf32, #tpu.memory_space<vmem>>)
        tpu.yield
      }) : () -> ()
      %dma_start3A = arith.constant 0 : i32
      %dma_start3A_47 = arith.constant 0 : i32
      %dma_start3A_48 = tpu.memref_slice %arg2[%dma_start3A, %dma_start3A_47] : memref<10240x128xf32, #tpu.memory_space<hbm>> -> memref<10240x128xf32, #tpu.memory_space<hbm>>
      tpu.enqueue_indirect_dma source(%dma_start3A_48 : memref<10240x128xf32, #tpu.memory_space<hbm>>) target(%arg12 : memref<128x128xf32, #tpu.memory_space<vmem>>) offsets(%arg9 : memref<128xi32, #tpu.memory_space<vmem>>) semaphore(%arg14 : memref<!tpu.dma_semaphore, #tpu.memory_space<semaphore_mem>>)
      %dma_wait3A = arith.constant 0 : i32
      %dma_wait3A_49 = arith.constant 0 : i32
      %dma_wait3A_50 = tpu.memref_slice %arg2[%dma_wait3A, %dma_wait3A_49] : memref<10240x128xf32, #tpu.memory_space<hbm>> -> memref<10240x128xf32, #tpu.memory_space<hbm>>
      tpu.wait_indirect_dma semaphore(%arg14 : memref<!tpu.dma_semaphore, #tpu.memory_space<semaphore_mem>>) src(%dma_wait3A_50 : memref<10240x128xf32, #tpu.memory_space<hbm>>) dst(%arg12 : memref<128x128xf32, #tpu.memory_space<vmem>>)
      %scan3A_51 = arith.constant 0 : i32
      %scan3A_52 = arith.constant 0 : i32
      %scan3A_53 = arith.constant 8 : i32
      %scan3A_54 = arith.addi %scan3A_52, %scan3A_53 : i32
      %scan3A_55 = arith.constant 1 : i32
      %scan3A_56 = scf.for %scan3A_59 = %scan3A_52 to %scan3A_54 step %scan3A_55 iter_args(%scan3A_60 = %scan3A_51) -> (i32)  : i32 {
        %mul3A_61 = arith.constant 16 : i32
        %mul3A_62 = arith.muli %scan3A_59, %mul3A_61 : i32
        %get3A = arith.index_cast %mul3A_62 : i32 to index
        %get3A_63 = tpu.vector_load %arg9[%get3A] {strides = array<i32>} : memref<128xi32, #tpu.memory_space<vmem>>, vector<16xi32>,
        %get3A_64 = arith.index_cast %mul3A_62 : i32 to index
        %get3A_65 = tpu.vector_load %arg10[%get3A_64] {strides = array<i32>} : memref<128xi32, #tpu.memory_space<vmem>>, vector<16xi32>,
        %get3A_66 = arith.index_cast %mul3A_62 : i32 to index
        %get3A_67 = tpu.vector_load %arg11[%get3A_66] {strides = array<i32>} : memref<128xf32, #tpu.memory_space<vmem>>, vector<16xf32>,
        %gather3A = tpu.vector_load_idx %arg8[%get3A_63] : memref<10240xf32, #tpu.memory_space<vmem>>[vector<16xi32>], vector<16xf32>,
        %mul3A_68 = arith.mulf %gather3A, %get3A_67 : vector<16xf32>
        %gather3A_69 = tpu.vector_load_idx %arg8[%get3A_65] : memref<10240xf32, #tpu.memory_space<vmem>>[vector<16xi32>], vector<16xf32>,
        %mul3A_70 = arith.mulf %mul3A_68, %gather3A_69 : vector<16xf32>
        %slice3A = vector.extract_strided_slice %mul3A_70 {offsets = [0], sizes = [1], strides = [1]} : vector<16xf32> to vector<1xf32>
        %squeeze3A = vector.extract %slice3A[0] : f32 from vector<1xf32>
        %mul3A_71 = arith.constant 16 : i32
        %mul3A_72 = arith.muli %scan3A_59, %mul3A_71 : i32
        %add3A_73 = arith.constant 0 : i32
        %add3A_74 = arith.addi %mul3A_72, %add3A_73 : i32
        %get3A_75 = arith.index_cast %add3A_74 : i32 to index
        %get3A_76 = arith.constant 0 : index
        %get3A_77 = tpu.vector_load %arg12[%get3A_75, %get3A_76] {strides = array<i32>} : memref<128x128xf32, #tpu.memory_space<vmem>>, vector<16xf32>,
        %mul3A_78 = vector.broadcast %squeeze3A : f32 to vector<16xf32>
        %mul3A_79 = arith.mulf %get3A_77, %mul3A_78 : vector<16xf32>
        %swap3A = arith.index_cast %add3A_74 : i32 to index
        %swap3A_80 = arith.constant 0 : index
        %swap3A_81 = tpu.vector_load %arg12[%swap3A, %swap3A_80] {strides = array<i32>} : memref<128x128xf32, #tpu.memory_space<vmem>>, vector<16xf32>,
        tpu.vector_store %arg12[%swap3A, %swap3A_80], %mul3A_79 {strides = array<i32>} : memref<128x128xf32, #tpu.memory_space<vmem>>, vector<16xf32>,
        %get3A_82 = arith.index_cast %add3A_74 : i32 to index
        %get3A_83 = arith.constant 16 : index
        %get3A_84 = tpu.vector_load %arg12[%get3A_82, %get3A_83] {strides = array<i32>} : memref<128x128xf32, #tpu.memory_space<vmem>>, vector<16xf32>,
        %mul3A_85 = vector.broadcast %squeeze3A : f32 to vector<16xf32>
        %mul3A_86 = arith.mulf %get3A_84, %mul3A_85 : vector<16xf32>
        %swap3A_87 = arith.index_cast %add3A_74 : i32 to index
        %swap3A_88 = arith.constant 16 : index
        %swap3A_89 = tpu.vector_load %arg12[%swap3A_87, %swap3A_88] {strides = array<i32>} : memref<128x128xf32, #tpu.memory_space<vmem>>, vector<16xf32>,
        tpu.vector_store %arg12[%swap3A_87, %swap3A_88], %mul3A_86 {strides = array<i32>} : memref<128x128xf32, #tpu.memory_space<vmem>>, vector<16xf32>,
        %get3A_90 = arith.index_cast %add3A_74 : i32 to index
        %get3A_91 = arith.constant 32 : index
        %get3A_92 = tpu.vector_load %arg12[%get3A_90, %get3A_91] {strides = array<i32>} : memref<128x128xf32, #tpu.memory_space<vmem>>, vector<16xf32>,
        %mul3A_93 = vector.broadcast %squeeze3A : f32 to vector<16xf32>
        %mul3A_94 = arith.mulf %get3A_92, %mul3A_93 : vector<16xf32>
        %swap3A_95 = arith.index_cast %add3A_74 : i32 to index
        %swap3A_96 = arith.constant 32 : index
        %swap3A_97 = tpu.vector_load %arg12[%swap3A_95, %swap3A_96] {strides = array<i32>} : memref<128x128xf32, #tpu.memory_space<vmem>>, vector<16xf32>,
        tpu.vector_store %arg12[%swap3A_95, %swap3A_96], %mul3A_94 {strides = array<i32>} : memref<128x128xf32, #tpu.memory_space<vmem>>, vector<16xf32>,
        %get3A_98 = arith.index_cast %add3A_74 : i32 to index
        %get3A_99 = arith.constant 48 : index
        %get3A_100 = tpu.vector_load %arg12[%get3A_98, %get3A_99] {strides = array<i32>} : memref<128x128xf32, #tpu.memory_space<vmem>>, vector<16xf32>,
        %mul3A_101 = vector.broadcast %squeeze3A : f32 to vector<16xf32>
        %mul3A_102 = arith.mulf %get3A_100, %mul3A_101 : vector<16xf32>
        %swap3A_103 = arith.index_cast %add3A_74 : i32 to index
        %swap3A_104 = arith.constant 48 : index
        %swap3A_105 = tpu.vector_load %arg12[%swap3A_103, %swap3A_104] {strides = array<i32>} : memref<128x128xf32, #tpu.memory_space<vmem>>, vector<16xf32>,
        tpu.vector_store %arg12[%swap3A_103, %swap3A_104], %mul3A_102 {strides = array<i32>} : memref<128x128xf32, #tpu.memory_space<vmem>>, vector<16xf32>,
        %get3A_106 = arith.index_cast %add3A_74 : i32 to index
        %get3A_107 = arith.constant 64 : index
        %get3A_108 = tpu.vector_load %arg12[%get3A_106, %get3A_107] {strides = array<i32>} : memref<128x128xf32, #tpu.memory_space<vmem>>, vector<16xf32>,
        %mul3A_109 = vector.broadcast %squeeze3A : f32 to vector<16xf32>
        %mul3A_110 = arith.mulf %get3A_108, %mul3A_109 : vector<16xf32>
        %swap3A_111 = arith.index_cast %add3A_74 : i32 to index
        %swap3A_112 = arith.constant 64 : index
        %swap3A_113 = tpu.vector_load %arg12[%swap3A_111, %swap3A_112] {strides = array<i32>} : memref<128x128xf32, #tpu.memory_space<vmem>>, vector<16xf32>,
        tpu.vector_store %arg12[%swap3A_111, %swap3A_112], %mul3A_110 {strides = array<i32>} : memref<128x128xf32, #tpu.memory_space<vmem>>, vector<16xf32>,
        %get3A_114 = arith.index_cast %add3A_74 : i32 to index
        %get3A_115 = arith.constant 80 : index
        %get3A_116 = tpu.vector_load %arg12[%get3A_114, %get3A_115] {strides = array<i32>} : memref<128x128xf32, #tpu.memory_space<vmem>>, vector<16xf32>,
        %mul3A_117 = vector.broadcast %squeeze3A : f32 to vector<16xf32>
        %mul3A_118 = arith.mulf %get3A_116, %mul3A_117 : vector<16xf32>
        %swap3A_119 = arith.index_cast %add3A_74 : i32 to index
        %swap3A_120 = arith.constant 80 : index
        %swap3A_121 = tpu.vector_load %arg12[%swap3A_119, %swap3A_120] {strides = array<i32>} : memref<128x128xf32, #tpu.memory_space<vmem>>, vector<16xf32>,
        tpu.vector_store %arg12[%swap3A_119, %swap3A_120], %mul3A_118 {strides = array<i32>} : memref<128x128xf32, #tpu.memory_space<vmem>>, vector<16xf32>,
        %get3A_122 = arith.index_cast %add3A_74 : i32 to index
        %get3A_123 = arith.constant 96 : index
        %get3A_124 = tpu.vector_load %arg12[%get3A_122, %get3A_123] {strides = array<i32>} : memref<128x128xf32, #tpu.memory_space<vmem>>, vector<16xf32>,
        %mul3A_125 = vector.broadcast %squeeze3A : f32 to vector<16xf32>
        %mul3A_126 = arith.mulf %get3A_124, %mul3A_125 : vector<16xf32>
        %swap3A_127 = arith.index_cast %add3A_74 : i32 to index
        %swap3A_128 = arith.constant 96 : index
        %swap3A_129 = tpu.vector_load %arg12[%swap3A_127, %swap3A_128] {strides = array<i32>} : memref<128x128xf32, #tpu.memory_space<vmem>>, vector<16xf32>,
        tpu.vector_store %arg12[%swap3A_127, %swap3A_128], %mul3A_126 {strides = array<i32>} : memref<128x128xf32, #tpu.memory_space<vmem>>, vector<16xf32>,
        %get3A_130 = arith.index_cast %add3A_74 : i32 to index
        %get3A_131 = arith.constant 112 : index
        %get3A_132 = tpu.vector_load %arg12[%get3A_130, %get3A_131] {strides = array<i32>} : memref<128x128xf32, #tpu.memory_space<vmem>>, vector<16xf32>,
        %mul3A_133 = vector.broadcast %squeeze3A : f32 to vector<16xf32>
        %mul3A_134 = arith.mulf %get3A_132, %mul3A_133 : vector<16xf32>
        %swap3A_135 = arith.index_cast %add3A_74 : i32 to index
        %swap3A_136 = arith.constant 112 : index
        %swap3A_137 = tpu.vector_load %arg12[%swap3A_135, %swap3A_136] {strides = array<i32>} : memref<128x128xf32, #tpu.memory_space<vmem>>, vector<16xf32>,
        tpu.vector_store %arg12[%swap3A_135, %swap3A_136], %mul3A_134 {strides = array<i32>} : memref<128x128xf32, #tpu.memory_space<vmem>>, vector<16xf32>,
        %slice3A_138 = vector.extract_strided_slice %mul3A_70 {offsets = [1], sizes = [1], strides = [1]} : vector<16xf32> to vector<1xf32>
        %squeeze3A_139 = vector.extract %slice3A_138[0] : f32 from vector<1xf32>
        %mul3A_140 = arith.constant 16 : i32
        %mul3A_141 = arith.muli %scan3A_59, %mul3A_140 : i32
        %add3A_142 = arith.constant 1 : i32
        %add3A_143 = arith.addi %mul3A_141, %add3A_142 : i32
        %get3A_144 = arith.index_cast %add3A_143 : i32 to index
        %get3A_145 = arith.constant 0 : index
        %get3A_146 = tpu.vector_load %arg12[%get3A_144, %get3A_145] {strides = array<i32>} : memref<128x128xf32, #tpu.memory_space<vmem>>, vector<16xf32>,
        %mul3A_147 = vector.broadcast %squeeze3A_139 : f32 to vector<16xf32>
        %mul3A_148 = arith.mulf %get3A_146, %mul3A_147 : vector<16xf32>
        %swap3A_149 = arith.index_cast %add3A_143 : i32 to index
        %swap3A_150 = arith.constant 0 : index
        %swap3A_151 = tpu.vector_load %arg12[%swap3A_149, %swap3A_150] {strides = array<i32>} : memref<128x128xf32, #tpu.memory_space<vmem>>, vector<16xf32>,
        tpu.vector_store %arg12[%swap3A_149, %swap3A_150], %mul3A_148 {strides = array<i32>} : memref<128x128xf32, #tpu.memory_space<vmem>>, vector<16xf32>,
        %get3A_152 = arith.index_cast %add3A_143 : i32 to index
        %get3A_153 = arith.constant 16 : index
        %get3A_154 = tpu.vector_load %arg12[%get3A_152, %get3A_153] {strides = array<i32>} : memref<128x128xf32, #tpu.memory_space<vmem>>, vector<16xf32>,
        %mul3A_155 = vector.broadcast %squeeze3A_139 : f32 to vector<16xf32>
        %mul3A_156 = arith.mulf %get3A_154, %mul3A_155 : vector<16xf32>
        %swap3A_157 = arith.index_cast %add3A_143 : i32 to index
        %swap3A_158 = arith.constant 16 : index
        %swap3A_159 = tpu.vector_load %arg12[%swap3A_157, %swap3A_158] {strides = array<i32>} : memref<128x128xf32, #tpu.memory_space<vmem>>, vector<16xf32>,
        tpu.vector_store %arg12[%swap3A_157, %swap3A_158], %mul3A_156 {strides = array<i32>} : memref<128x128xf32, #tpu.memory_space<vmem>>, vector<16xf32>,
        %get3A_160 = arith.index_cast %add3A_143 : i32 to index
        %get3A_161 = arith.constant 32 : index
        %get3A_162 = tpu.vector_load %arg12[%get3A_160, %get3A_161] {strides = array<i32>} : memref<128x128xf32, #tpu.memory_space<vmem>>, vector<16xf32>,
        %mul3A_163 = vector.broadcast %squeeze3A_139 : f32 to vector<16xf32>
        %mul3A_164 = arith.mulf %get3A_162, %mul3A_163 : vector<16xf32>
        %swap3A_165 = arith.index_cast %add3A_143 : i32 to index
        %swap3A_166 = arith.constant 32 : index
        %swap3A_167 = tpu.vector_load %arg12[%swap3A_165, %swap3A_166] {strides = array<i32>} : memref<128x128xf32, #tpu.memory_space<vmem>>, vector<16xf32>,
        tpu.vector_store %arg12[%swap3A_165, %swap3A_166], %mul3A_164 {strides = array<i32>} : memref<128x128xf32, #tpu.memory_space<vmem>>, vector<16xf32>,
        %get3A_168 = arith.index_cast %add3A_143 : i32 to index
        %get3A_169 = arith.constant 48 : index
        %get3A_170 = tpu.vector_load %arg12[%get3A_168, %get3A_169] {strides = array<i32>} : memref<128x128xf32, #tpu.memory_space<vmem>>, vector<16xf32>,
        %mul3A_171 = vector.broadcast %squeeze3A_139 : f32 to vector<16xf32>
        %mul3A_172 = arith.mulf %get3A_170, %mul3A_171 : vector<16xf32>
        %swap3A_173 = arith.index_cast %add3A_143 : i32 to index
        %swap3A_174 = arith.constant 48 : index
        %swap3A_175 = tpu.vector_load %arg12[%swap3A_173, %swap3A_174] {strides = array<i32>} : memref<128x128xf32, #tpu.memory_space<vmem>>, vector<16xf32>,
        tpu.vector_store %arg12[%swap3A_173, %swap3A_174], %mul3A_172 {strides = array<i32>} : memref<128x128xf32, #tpu.memory_space<vmem>>, vector<16xf32>,
        %get3A_176 = arith.index_cast %add3A_143 : i32 to index
        %get3A_177 = arith.constant 64 : index
        %get3A_178 = tpu.vector_load %arg12[%get3A_176, %get3A_177] {strides = array<i32>} : memref<128x128xf32, #tpu.memory_space<vmem>>, vector<16xf32>,
        %mul3A_179 = vector.broadcast %squeeze3A_139 : f32 to vector<16xf32>
        %mul3A_180 = arith.mulf %get3A_178, %mul3A_179 : vector<16xf32>
        %swap3A_181 = arith.index_cast %add3A_143 : i32 to index
        %swap3A_182 = arith.constant 64 : index
        %swap3A_183 = tpu.vector_load %arg12[%swap3A_181, %swap3A_182] {strides = array<i32>} : memref<128x128xf32, #tpu.memory_space<vmem>>, vector<16xf32>,
        tpu.vector_store %arg12[%swap3A_181, %swap3A_182], %mul3A_180 {strides = array<i32>} : memref<128x128xf32, #tpu.memory_space<vmem>>, vector<16xf32>,
        %get3A_184 = arith.index_cast %add3A_143 : i32 to index
        %get3A_185 = arith.constant 80 : index
        %get3A_186 = tpu.vector_load %arg12[%get3A_184, %get3A_185] {strides = array<i32>} : memref<128x128xf32, #tpu.memory_space<vmem>>, vector<16xf32>,
        %mul3A_187 = vector.broadcast %squeeze3A_139 : f32 to vector<16xf32>
        %mul3A_188 = arith.mulf %get3A_186, %mul3A_187 : vector<16xf32>
        %swap3A_189 = arith.index_cast %add3A_143 : i32 to index
        %swap3A_190 = arith.constant 80 : index
        %swap3A_191 = tpu.vector_load %arg12[%swap3A_189, %swap3A_190] {strides = array<i32>} : memref<128x128xf32, #tpu.memory_space<vmem>>, vector<16xf32>,
        tpu.vector_store %arg12[%swap3A_189, %swap3A_190], %mul3A_188 {strides = array<i32>} : memref<128x128xf32, #tpu.memory_space<vmem>>, vector<16xf32>,
        %get3A_192 = arith.index_cast %add3A_143 : i32 to index
        %get3A_193 = arith.constant 96 : index
        %get3A_194 = tpu.vector_load %arg12[%get3A_192, %get3A_193] {strides = array<i32>} : memref<128x128xf32, #tpu.memory_space<vmem>>, vector<16xf32>,
        %mul3A_195 = vector.broadcast %squeeze3A_139 : f32 to vector<16xf32>
        %mul3A_196 = arith.mulf %get3A_194, %mul3A_195 : vector<16xf32>
        %swap3A_197 = arith.index_cast %add3A_143 : i32 to index
        %swap3A_198 = arith.constant 96 : index
        %swap3A_199 = tpu.vector_load %arg12[%swap3A_197, %swap3A_198] {strides = array<i32>} : memref<128x128xf32, #tpu.memory_space<vmem>>, vector<16xf32>,
        tpu.vector_store %arg12[%swap3A_197, %swap3A_198], %mul3A_196 {strides = array<i32>} : memref<128x128xf32, #tpu.memory_space<vmem>>, vector<16xf32>,
        %get3A_200 = arith.index_cast %add3A_143 : i32 to index
        %get3A_201 = arith.constant 112 : index
        %get3A_202 = tpu.vector_load %arg12[%get3A_200, %get3A_201] {strides = array<i32>} : memref<128x128xf32, #tpu.memory_space<vmem>>, vector<16xf32>,
        %mul3A_203 = vector.broadcast %squeeze3A_139 : f32 to vector<16xf32>
        %mul3A_204 = arith.mulf %get3A_202, %mul3A_203 : vector<16xf32>
        %swap3A_205 = arith.index_cast %add3A_143 : i32 to index
        %swap3A_206 = arith.constant 112 : index
        %swap3A_207 = tpu.vector_load %arg12[%swap3A_205, %swap3A_206] {strides = array<i32>} : memref<128x128xf32, #tpu.memory_space<vmem>>, vector<16xf32>,
        tpu.vector_store %arg12[%swap3A_205, %swap3A_206], %mul3A_204 {strides = array<i32>} : memref<128x128xf32, #tpu.memory_space<vmem>>, vector<16xf32>,
        %slice3A_208 = vector.extract_strided_slice %mul3A_70 {offsets = [2], sizes = [1], strides = [1]} : vector<16xf32> to vector<1xf32>
        %squeeze3A_209 = vector.extract %slice3A_208[0] : f32 from vector<1xf32>
        %mul3A_210 = arith.constant 16 : i32
        %mul3A_211 = arith.muli %scan3A_59, %mul3A_210 : i32
        %add3A_212 = arith.constant 2 : i32
        %add3A_213 = arith.addi %mul3A_211, %add3A_212 : i32
        %get3A_214 = arith.index_cast %add3A_213 : i32 to index
        %get3A_215 = arith.constant 0 : index
        %get3A_216 = tpu.vector_load %arg12[%get3A_214, %get3A_215] {strides = array<i32>} : memref<128x128xf32, #tpu.memory_space<vmem>>, vector<16xf32>,
        %mul3A_217 = vector.broadcast %squeeze3A_209 : f32 to vector<16xf32>
        %mul3A_218 = arith.mulf %get3A_216, %mul3A_217 : vector<16xf32>
        %swap3A_219 = arith.index_cast %add3A_213 : i32 to index
        %swap3A_220 = arith.constant 0 : index
        %swap3A_221 = tpu.vector_load %arg12[%swap3A_219, %swap3A_220] {strides = array<i32>} : memref<128x128xf32, #tpu.memory_space<vmem>>, vector<16xf32>,
        tpu.vector_store %arg12[%swap3A_219, %swap3A_220], %mul3A_218 {strides = array<i32>} : memref<128x128xf32, #tpu.memory_space<vmem>>, vector<16xf32>,
        %get3A_222 = arith.index_cast %add3A_213 : i32 to index
        %get3A_223 = arith.constant 16 : index
        %get3A_224 = tpu.vector_load %arg12[%get3A_222, %get3A_223] {strides = array<i32>} : memref<128x128xf32, #tpu.memory_space<vmem>>, vector<16xf32>,
        %mul3A_225 = vector.broadcast %squeeze3A_209 : f32 to vector<16xf32>
        %mul3A_226 = arith.mulf %get3A_224, %mul3A_225 : vector<16xf32>
        %swap3A_227 = arith.index_cast %add3A_213 : i32 to index
        %swap3A_228 = arith.constant 16 : index
        %swap3A_229 = tpu.vector_load %arg12[%swap3A_227, %swap3A_228] {strides = array<i32>} : memref<128x128xf32, #tpu.memory_space<vmem>>, vector<16xf32>,
        tpu.vector_store %arg12[%swap3A_227, %swap3A_228], %mul3A_226 {strides = array<i32>} : memref<128x128xf32, #tpu.memory_space<vmem>>, vector<16xf32>,
        %get3A_230 = arith.index_cast %add3A_213 : i32 to index
        %get3A_231 = arith.constant 32 : index
        %get3A_232 = tpu.vector_load %arg12[%get3A_230, %get3A_231] {strides = array<i32>} : memref<128x128xf32, #tpu.memory_space<vmem>>, vector<16xf32>,
        %mul3A_233 = vector.broadcast %squeeze3A_209 : f32 to vector<16xf32>
        %mul3A_234 = arith.mulf %get3A_232, %mul3A_233 : vector<16xf32>
        %swap3A_235 = arith.index_cast %add3A_213 : i32 to index
        %swap3A_236 = arith.constant 32 : index
        %swap3A_237 = tpu.vector_load %arg12[%swap3A_235, %swap3A_236] {strides = array<i32>} : memref<128x128xf32, #tpu.memory_space<vmem>>, vector<16xf32>,
        tpu.vector_store %arg12[%swap3A_235, %swap3A_236], %mul3A_234 {strides = array<i32>} : memref<128x128xf32, #tpu.memory_space<vmem>>, vector<16xf32>,
        %get3A_238 = arith.index_cast %add3A_213 : i32 to index
        %get3A_239 = arith.constant 48 : index
        %get3A_240 = tpu.vector_load %arg12[%get3A_238, %get3A_239] {strides = array<i32>} : memref<128x128xf32, #tpu.memory_space<vmem>>, vector<16xf32>,
        %mul3A_241 = vector.broadcast %squeeze3A_209 : f32 to vector<16xf32>
        %mul3A_242 = arith.mulf %get3A_240, %mul3A_241 : vector<16xf32>
        %swap3A_243 = arith.index_cast %add3A_213 : i32 to index
        %swap3A_244 = arith.constant 48 : index
        %swap3A_245 = tpu.vector_load %arg12[%swap3A_243, %swap3A_244] {strides = array<i32>} : memref<128x128xf32, #tpu.memory_space<vmem>>, vector<16xf32>,
        tpu.vector_store %arg12[%swap3A_243, %swap3A_244], %mul3A_242 {strides = array<i32>} : memref<128x128xf32, #tpu.memory_space<vmem>>, vector<16xf32>,
        %get3A_246 = arith.index_cast %add3A_213 : i32 to index
        %get3A_247 = arith.constant 64 : index
        %get3A_248 = tpu.vector_load %arg12[%get3A_246, %get3A_247] {strides = array<i32>} : memref<128x128xf32, #tpu.memory_space<vmem>>, vector<16xf32>,
        %mul3A_249 = vector.broadcast %squeeze3A_209 : f32 to vector<16xf32>
        %mul3A_250 = arith.mulf %get3A_248, %mul3A_249 : vector<16xf32>
        %swap3A_251 = arith.index_cast %add3A_213 : i32 to index
        %swap3A_252 = arith.constant 64 : index
        %swap3A_253 = tpu.vector_load %arg12[%swap3A_251, %swap3A_252] {strides = array<i32>} : memref<128x128xf32, #tpu.memory_space<vmem>>, vector<16xf32>,
        tpu.vector_store %arg12[%swap3A_251, %swap3A_252], %mul3A_250 {strides = array<i32>} : memref<128x128xf32, #tpu.memory_space<vmem>>, vector<16xf32>,
        %get3A_254 = arith.index_cast %add3A_213 : i32 to index
        %get3A_255 = arith.constant 80 : index
        %get3A_256 = tpu.vector_load %arg12[%get3A_254, %get3A_255] {strides = array<i32>} : memref<128x128xf32, #tpu.memory_space<vmem>>, vector<16xf32>,
        %mul3A_257 = vector.broadcast %squeeze3A_209 : f32 to vector<16xf32>
        %mul3A_258 = arith.mulf %get3A_256, %mul3A_257 : vector<16xf32>
        %swap3A_259 = arith.index_cast %add3A_213 : i32 to index
        %swap3A_260 = arith.constant 80 : index
        %swap3A_261 = tpu.vector_load %arg12[%swap3A_259, %swap3A_260] {strides = array<i32>} : memref<128x128xf32, #tpu.memory_space<vmem>>, vector<16xf32>,
        tpu.vector_store %arg12[%swap3A_259, %swap3A_260], %mul3A_258 {strides = array<i32>} : memref<128x128xf32, #tpu.memory_space<vmem>>, vector<16xf32>,
        %get3A_262 = arith.index_cast %add3A_213 : i32 to index
        %get3A_263 = arith.constant 96 : index
        %get3A_264 = tpu.vector_load %arg12[%get3A_262, %get3A_263] {strides = array<i32>} : memref<128x128xf32, #tpu.memory_space<vmem>>, vector<16xf32>,
        %mul3A_265 = vector.broadcast %squeeze3A_209 : f32 to vector<16xf32>
        %mul3A_266 = arith.mulf %get3A_264, %mul3A_265 : vector<16xf32>
        %swap3A_267 = arith.index_cast %add3A_213 : i32 to index
        %swap3A_268 = arith.constant 96 : index
        %swap3A_269 = tpu.vector_load %arg12[%swap3A_267, %swap3A_268] {strides = array<i32>} : memref<128x128xf32, #tpu.memory_space<vmem>>, vector<16xf32>,
        tpu.vector_store %arg12[%swap3A_267, %swap3A_268], %mul3A_266 {strides = array<i32>} : memref<128x128xf32, #tpu.memory_space<vmem>>, vector<16xf32>,
        %get3A_270 = arith.index_cast %add3A_213 : i32 to index
        %get3A_271 = arith.constant 112 : index
        %get3A_272 = tpu.vector_load %arg12[%get3A_270, %get3A_271] {strides = array<i32>} : memref<128x128xf32, #tpu.memory_space<vmem>>, vector<16xf32>,
        %mul3A_273 = vector.broadcast %squeeze3A_209 : f32 to vector<16xf32>
        %mul3A_274 = arith.mulf %get3A_272, %mul3A_273 : vector<16xf32>
        %swap3A_275 = arith.index_cast %add3A_213 : i32 to index
        %swap3A_276 = arith.constant 112 : index
        %swap3A_277 = tpu.vector_load %arg12[%swap3A_275, %swap3A_276] {strides = array<i32>} : memref<128x128xf32, #tpu.memory_space<vmem>>, vector<16xf32>,
        tpu.vector_store %arg12[%swap3A_275, %swap3A_276], %mul3A_274 {strides = array<i32>} : memref<128x128xf32, #tpu.memory_space<vmem>>, vector<16xf32>,
        %slice3A_278 = vector.extract_strided_slice %mul3A_70 {offsets = [3], sizes = [1], strides = [1]} : vector<16xf32> to vector<1xf32>
        %squeeze3A_279 = vector.extract %slice3A_278[0] : f32 from vector<1xf32>
        %mul3A_280 = arith.constant 16 : i32
        %mul3A_281 = arith.muli %scan3A_59, %mul3A_280 : i32
        %add3A_282 = arith.constant 3 : i32
        %add3A_283 = arith.addi %mul3A_281, %add3A_282 : i32
        %get3A_284 = arith.index_cast %add3A_283 : i32 to index
        %get3A_285 = arith.constant 0 : index
        %get3A_286 = tpu.vector_load %arg12[%get3A_284, %get3A_285] {strides = array<i32>} : memref<128x128xf32, #tpu.memory_space<vmem>>, vector<16xf32>,
        %mul3A_287 = vector.broadcast %squeeze3A_279 : f32 to vector<16xf32>
        %mul3A_288 = arith.mulf %get3A_286, %mul3A_287 : vector<16xf32>
        %swap3A_289 = arith.index_cast %add3A_283 : i32 to index
        %swap3A_290 = arith.constant 0 : index
        %swap3A_291 = tpu.vector_load %arg12[%swap3A_289, %swap3A_290] {strides = array<i32>} : memref<128x128xf32, #tpu.memory_space<vmem>>, vector<16xf32>,
        tpu.vector_store %arg12[%swap3A_289, %swap3A_290], %mul3A_288 {strides = array<i32>} : memref<128x128xf32, #tpu.memory_space<vmem>>, vector<16xf32>,
        %get3A_292 = arith.index_cast %add3A_283 : i32 to index
        %get3A_293 = arith.constant 16 : index
        %get3A_294 = tpu.vector_load %arg12[%get3A_292, %get3A_293] {strides = array<i32>} : memref<128x128xf32, #tpu.memory_space<vmem>>, vector<16xf32>,
        %mul3A_295 = vector.broadcast %squeeze3A_279 : f32 to vector<16xf32>
        %mul3A_296 = arith.mulf %get3A_294, %mul3A_295 : vector<16xf32>
        %swap3A_297 = arith.index_cast %add3A_283 : i32 to index
        %swap3A_298 = arith.constant 16 : index
        %swap3A_299 = tpu.vector_load %arg12[%swap3A_297, %swap3A_298] {strides = array<i32>} : memref<128x128xf32, #tpu.memory_space<vmem>>, vector<16xf32>,
        tpu.vector_store %arg12[%swap3A_297, %swap3A_298], %mul3A_296 {strides = array<i32>} : memref<128x128xf32, #tpu.memory_space<vmem>>, vector<16xf32>,
        %get3A_300 = arith.index_cast %add3A_283 : i32 to index
        %get3A_301 = arith.constant 32 : index
        %get3A_302 = tpu.vector_load %arg12[%get3A_300, %get3A_301] {strides = array<i32>} : memref<128x128xf32, #tpu.memory_space<vmem>>, vector<16xf32>,
        %mul3A_303 = vector.broadcast %squeeze3A_279 : f32 to vector<16xf32>
        %mul3A_304 = arith.mulf %get3A_302, %mul3A_303 : vector<16xf32>
        %swap3A_305 = arith.index_cast %add3A_283 : i32 to index
        %swap3A_306 = arith.constant 32 : index
        %swap3A_307 = tpu.vector_load %arg12[%swap3A_305, %swap3A_306] {strides = array<i32>} : memref<128x128xf32, #tpu.memory_space<vmem>>, vector<16xf32>,
        tpu.vector_store %arg12[%swap3A_305, %swap3A_306], %mul3A_304 {strides = array<i32>} : memref<128x128xf32, #tpu.memory_space<vmem>>, vector<16xf32>,
        %get3A_308 = arith.index_cast %add3A_283 : i32 to index
        %get3A_309 = arith.constant 48 : index
        %get3A_310 = tpu.vector_load %arg12[%get3A_308, %get3A_309] {strides = array<i32>} : memref<128x128xf32, #tpu.memory_space<vmem>>, vector<16xf32>,
        %mul3A_311 = vector.broadcast %squeeze3A_279 : f32 to vector<16xf32>
        %mul3A_312 = arith.mulf %get3A_310, %mul3A_311 : vector<16xf32>
        %swap3A_313 = arith.index_cast %add3A_283 : i32 to index
        %swap3A_314 = arith.constant 48 : index
        %swap3A_315 = tpu.vector_load %arg12[%swap3A_313, %swap3A_314] {strides = array<i32>} : memref<128x128xf32, #tpu.memory_space<vmem>>, vector<16xf32>,
        tpu.vector_store %arg12[%swap3A_313, %swap3A_314], %mul3A_312 {strides = array<i32>} : memref<128x128xf32, #tpu.memory_space<vmem>>, vector<16xf32>,
        %get3A_316 = arith.index_cast %add3A_283 : i32 to index
        %get3A_317 = arith.constant 64 : index
        %get3A_318 = tpu.vector_load %arg12[%get3A_316, %get3A_317] {strides = array<i32>} : memref<128x128xf32, #tpu.memory_space<vmem>>, vector<16xf32>,
        %mul3A_319 = vector.broadcast %squeeze3A_279 : f32 to vector<16xf32>
        %mul3A_320 = arith.mulf %get3A_318, %mul3A_319 : vector<16xf32>
        %swap3A_321 = arith.index_cast %add3A_283 : i32 to index
        %swap3A_322 = arith.constant 64 : index
        %swap3A_323 = tpu.vector_load %arg12[%swap3A_321, %swap3A_322] {strides = array<i32>} : memref<128x128xf32, #tpu.memory_space<vmem>>, vector<16xf32>,
        tpu.vector_store %arg12[%swap3A_321, %swap3A_322], %mul3A_320 {strides = array<i32>} : memref<128x128xf32, #tpu.memory_space<vmem>>, vector<16xf32>,
        %get3A_324 = arith.index_cast %add3A_283 : i32 to index
        %get3A_325 = arith.constant 80 : index
        %get3A_326 = tpu.vector_load %arg12[%get3A_324, %get3A_325] {strides = array<i32>} : memref<128x128xf32, #tpu.memory_space<vmem>>, vector<16xf32>,
        %mul3A_327 = vector.broadcast %squeeze3A_279 : f32 to vector<16xf32>
        %mul3A_328 = arith.mulf %get3A_326, %mul3A_327 : vector<16xf32>
        %swap3A_329 = arith.index_cast %add3A_283 : i32 to index
        %swap3A_330 = arith.constant 80 : index
        %swap3A_331 = tpu.vector_load %arg12[%swap3A_329, %swap3A_330] {strides = array<i32>} : memref<128x128xf32, #tpu.memory_space<vmem>>, vector<16xf32>,
        tpu.vector_store %arg12[%swap3A_329, %swap3A_330], %mul3A_328 {strides = array<i32>} : memref<128x128xf32, #tpu.memory_space<vmem>>, vector<16xf32>,
        %get3A_332 = arith.index_cast %add3A_283 : i32 to index
        %get3A_333 = arith.constant 96 : index
        %get3A_334 = tpu.vector_load %arg12[%get3A_332, %get3A_333] {strides = array<i32>} : memref<128x128xf32, #tpu.memory_space<vmem>>, vector<16xf32>,
        %mul3A_335 = vector.broadcast %squeeze3A_279 : f32 to vector<16xf32>
        %mul3A_336 = arith.mulf %get3A_334, %mul3A_335 : vector<16xf32>
        %swap3A_337 = arith.index_cast %add3A_283 : i32 to index
        %swap3A_338 = arith.constant 96 : index
        %swap3A_339 = tpu.vector_load %arg12[%swap3A_337, %swap3A_338] {strides = array<i32>} : memref<128x128xf32, #tpu.memory_space<vmem>>, vector<16xf32>,
        tpu.vector_store %arg12[%swap3A_337, %swap3A_338], %mul3A_336 {strides = array<i32>} : memref<128x128xf32, #tpu.memory_space<vmem>>, vector<16xf32>,
        %get3A_340 = arith.index_cast %add3A_283 : i32 to index
        %get3A_341 = arith.constant 112 : index
        %get3A_342 = tpu.vector_load %arg12[%get3A_340, %get3A_341] {strides = array<i32>} : memref<128x128xf32, #tpu.memory_space<vmem>>, vector<16xf32>,
        %mul3A_343 = vector.broadcast %squeeze3A_279 : f32 to vector<16xf32>
        %mul3A_344 = arith.mulf %get3A_342, %mul3A_343 : vector<16xf32>
        %swap3A_345 = arith.index_cast %add3A_283 : i32 to index
        %swap3A_346 = arith.constant 112 : index
        %swap3A_347 = tpu.vector_load %arg12[%swap3A_345, %swap3A_346] {strides = array<i32>} : memref<128x128xf32, #tpu.memory_space<vmem>>, vector<16xf32>,
        tpu.vector_store %arg12[%swap3A_345, %swap3A_346], %mul3A_344 {strides = array<i32>} : memref<128x128xf32, #tpu.memory_space<vmem>>, vector<16xf32>,
        %slice3A_348 = vector.extract_strided_slice %mul3A_70 {offsets = [4], sizes = [1], strides = [1]} : vector<16xf32> to vector<1xf32>
        %squeeze3A_349 = vector.extract %slice3A_348[0] : f32 from vector<1xf32>
        %mul3A_350 = arith.constant 16 : i32
        %mul3A_351 = arith.muli %scan3A_59, %mul3A_350 : i32
        %add3A_352 = arith.constant 4 : i32
        %add3A_353 = arith.addi %mul3A_351, %add3A_352 : i32
        %get3A_354 = arith.index_cast %add3A_353 : i32 to index
        %get3A_355 = arith.constant 0 : index
        %get3A_356 = tpu.vector_load %arg12[%get3A_354, %get3A_355] {strides = array<i32>} : memref<128x128xf32, #tpu.memory_space<vmem>>, vector<16xf32>,
        %mul3A_357 = vector.broadcast %squeeze3A_349 : f32 to vector<16xf32>
        %mul3A_358 = arith.mulf %get3A_356, %mul3A_357 : vector<16xf32>
        %swap3A_359 = arith.index_cast %add3A_353 : i32 to index
        %swap3A_360 = arith.constant 0 : index
        %swap3A_361 = tpu.vector_load %arg12[%swap3A_359, %swap3A_360] {strides = array<i32>} : memref<128x128xf32, #tpu.memory_space<vmem>>, vector<16xf32>,
        tpu.vector_store %arg12[%swap3A_359, %swap3A_360], %mul3A_358 {strides = array<i32>} : memref<128x128xf32, #tpu.memory_space<vmem>>, vector<16xf32>,
        %get3A_362 = arith.index_cast %add3A_353 : i32 to index
        %get3A_363 = arith.constant 16 : index
        %get3A_364 = tpu.vector_load %arg12[%get3A_362, %get3A_363] {strides = array<i32>} : memref<128x128xf32, #tpu.memory_space<vmem>>, vector<16xf32>,
        %mul3A_365 = vector.broadcast %squeeze3A_349 : f32 to vector<16xf32>
        %mul3A_366 = arith.mulf %get3A_364, %mul3A_365 : vector<16xf32>
        %swap3A_367 = arith.index_cast %add3A_353 : i32 to index
        %swap3A_368 = arith.constant 16 : index
        %swap3A_369 = tpu.vector_load %arg12[%swap3A_367, %swap3A_368] {strides = array<i32>} : memref<128x128xf32, #tpu.memory_space<vmem>>, vector<16xf32>,
        tpu.vector_store %arg12[%swap3A_367, %swap3A_368], %mul3A_366 {strides = array<i32>} : memref<128x128xf32, #tpu.memory_space<vmem>>, vector<16xf32>,
        %get3A_370 = arith.index_cast %add3A_353 : i32 to index
        %get3A_371 = arith.constant 32 : index
        %get3A_372 = tpu.vector_load %arg12[%get3A_370, %get3A_371] {strides = array<i32>} : memref<128x128xf32, #tpu.memory_space<vmem>>, vector<16xf32>,
        %mul3A_373 = vector.broadcast %squeeze3A_349 : f32 to vector<16xf32>
        %mul3A_374 = arith.mulf %get3A_372, %mul3A_373 : vector<16xf32>
        %swap3A_375 = arith.index_cast %add3A_353 : i32 to index
        %swap3A_376 = arith.constant 32 : index
        %swap3A_377 = tpu.vector_load %arg12[%swap3A_375, %swap3A_376] {strides = array<i32>} : memref<128x128xf32, #tpu.memory_space<vmem>>, vector<16xf32>,
        tpu.vector_store %arg12[%swap3A_375, %swap3A_376], %mul3A_374 {strides = array<i32>} : memref<128x128xf32, #tpu.memory_space<vmem>>, vector<16xf32>,
        %get3A_378 = arith.index_cast %add3A_353 : i32 to index
        %get3A_379 = arith.constant 48 : index
        %get3A_380 = tpu.vector_load %arg12[%get3A_378, %get3A_379] {strides = array<i32>} : memref<128x128xf32, #tpu.memory_space<vmem>>, vector<16xf32>,
        %mul3A_381 = vector.broadcast %squeeze3A_349 : f32 to vector<16xf32>
        %mul3A_382 = arith.mulf %get3A_380, %mul3A_381 : vector<16xf32>
        %swap3A_383 = arith.index_cast %add3A_353 : i32 to index
        %swap3A_384 = arith.constant 48 : index
        %swap3A_385 = tpu.vector_load %arg12[%swap3A_383, %swap3A_384] {strides = array<i32>} : memref<128x128xf32, #tpu.memory_space<vmem>>, vector<16xf32>,
        tpu.vector_store %arg12[%swap3A_383, %swap3A_384], %mul3A_382 {strides = array<i32>} : memref<128x128xf32, #tpu.memory_space<vmem>>, vector<16xf32>,
        %get3A_386 = arith.index_cast %add3A_353 : i32 to index
        %get3A_387 = arith.constant 64 : index
        %get3A_388 = tpu.vector_load %arg12[%get3A_386, %get3A_387] {strides = array<i32>} : memref<128x128xf32, #tpu.memory_space<vmem>>, vector<16xf32>,
        %mul3A_389 = vector.broadcast %squeeze3A_349 : f32 to vector<16xf32>
        %mul3A_390 = arith.mulf %get3A_388, %mul3A_389 : vector<16xf32>
        %swap3A_391 = arith.index_cast %add3A_353 : i32 to index
        %swap3A_392 = arith.constant 64 : index
        %swap3A_393 = tpu.vector_load %arg12[%swap3A_391, %swap3A_392] {strides = array<i32>} : memref<128x128xf32, #tpu.memory_space<vmem>>, vector<16xf32>,
        tpu.vector_store %arg12[%swap3A_391, %swap3A_392], %mul3A_390 {strides = array<i32>} : memref<128x128xf32, #tpu.memory_space<vmem>>, vector<16xf32>,
        %get3A_394 = arith.index_cast %add3A_353 : i32 to index
        %get3A_395 = arith.constant 80 : index
        %get3A_396 = tpu.vector_load %arg12[%get3A_394, %get3A_395] {strides = array<i32>} : memref<128x128xf32, #tpu.memory_space<vmem>>, vector<16xf32>,
        %mul3A_397 = vector.broadcast %squeeze3A_349 : f32 to vector<16xf32>
        %mul3A_398 = arith.mulf %get3A_396, %mul3A_397 : vector<16xf32>
        %swap3A_399 = arith.index_cast %add3A_353 : i32 to index
        %swap3A_400 = arith.constant 80 : index
        %swap3A_401 = tpu.vector_load %arg12[%swap3A_399, %swap3A_400] {strides = array<i32>} : memref<128x128xf32, #tpu.memory_space<vmem>>, vector<16xf32>,
        tpu.vector_store %arg12[%swap3A_399, %swap3A_400], %mul3A_398 {strides = array<i32>} : memref<128x128xf32, #tpu.memory_space<vmem>>, vector<16xf32>,
        %get3A_402 = arith.index_cast %add3A_353 : i32 to index
        %get3A_403 = arith.constant 96 : index
        %get3A_404 = tpu.vector_load %arg12[%get3A_402, %get3A_403] {strides = array<i32>} : memref<128x128xf32, #tpu.memory_space<vmem>>, vector<16xf32>,
        %mul3A_405 = vector.broadcast %squeeze3A_349 : f32 to vector<16xf32>
        %mul3A_406 = arith.mulf %get3A_404, %mul3A_405 : vector<16xf32>
        %swap3A_407 = arith.index_cast %add3A_353 : i32 to index
        %swap3A_408 = arith.constant 96 : index
        %swap3A_409 = tpu.vector_load %arg12[%swap3A_407, %swap3A_408] {strides = array<i32>} : memref<128x128xf32, #tpu.memory_space<vmem>>, vector<16xf32>,
        tpu.vector_store %arg12[%swap3A_407, %swap3A_408], %mul3A_406 {strides = array<i32>} : memref<128x128xf32, #tpu.memory_space<vmem>>, vector<16xf32>,
        %get3A_410 = arith.index_cast %add3A_353 : i32 to index
        %get3A_411 = arith.constant 112 : index
        %get3A_412 = tpu.vector_load %arg12[%get3A_410, %get3A_411] {strides = array<i32>} : memref<128x128xf32, #tpu.memory_space<vmem>>, vector<16xf32>,
        %mul3A_413 = vector.broadcast %squeeze3A_349 : f32 to vector<16xf32>
        %mul3A_414 = arith.mulf %get3A_412, %mul3A_413 : vector<16xf32>
        %swap3A_415 = arith.index_cast %add3A_353 : i32 to index
        %swap3A_416 = arith.constant 112 : index
        %swap3A_417 = tpu.vector_load %arg12[%swap3A_415, %swap3A_416] {strides = array<i32>} : memref<128x128xf32, #tpu.memory_space<vmem>>, vector<16xf32>,
        tpu.vector_store %arg12[%swap3A_415, %swap3A_416], %mul3A_414 {strides = array<i32>} : memref<128x128xf32, #tpu.memory_space<vmem>>, vector<16xf32>,
        %slice3A_418 = vector.extract_strided_slice %mul3A_70 {offsets = [5], sizes = [1], strides = [1]} : vector<16xf32> to vector<1xf32>
        %squeeze3A_419 = vector.extract %slice3A_418[0] : f32 from vector<1xf32>
        %mul3A_420 = arith.constant 16 : i32
        %mul3A_421 = arith.muli %scan3A_59, %mul3A_420 : i32
        %add3A_422 = arith.constant 5 : i32
        %add3A_423 = arith.addi %mul3A_421, %add3A_422 : i32
        %get3A_424 = arith.index_cast %add3A_423 : i32 to index
        %get3A_425 = arith.constant 0 : index
        %get3A_426 = tpu.vector_load %arg12[%get3A_424, %get3A_425] {strides = array<i32>} : memref<128x128xf32, #tpu.memory_space<vmem>>, vector<16xf32>,
        %mul3A_427 = vector.broadcast %squeeze3A_419 : f32 to vector<16xf32>
        %mul3A_428 = arith.mulf %get3A_426, %mul3A_427 : vector<16xf32>
        %swap3A_429 = arith.index_cast %add3A_423 : i32 to index
        %swap3A_430 = arith.constant 0 : index
        %swap3A_431 = tpu.vector_load %arg12[%swap3A_429, %swap3A_430] {strides = array<i32>} : memref<128x128xf32, #tpu.memory_space<vmem>>, vector<16xf32>,
        tpu.vector_store %arg12[%swap3A_429, %swap3A_430], %mul3A_428 {strides = array<i32>} : memref<128x128xf32, #tpu.memory_space<vmem>>, vector<16xf32>,
        %get3A_432 = arith.index_cast %add3A_423 : i32 to index
        %get3A_433 = arith.constant 16 : index
        %get3A_434 = tpu.vector_load %arg12[%get3A_432, %get3A_433] {strides = array<i32>} : memref<128x128xf32, #tpu.memory_space<vmem>>, vector<16xf32>,
        %mul3A_435 = vector.broadcast %squeeze3A_419 : f32 to vector<16xf32>
        %mul3A_436 = arith.mulf %get3A_434, %mul3A_435 : vector<16xf32>
        %swap3A_437 = arith.index_cast %add3A_423 : i32 to index
        %swap3A_438 = arith.constant 16 : index
        %swap3A_439 = tpu.vector_load %arg12[%swap3A_437, %swap3A_438] {strides = array<i32>} : memref<128x128xf32, #tpu.memory_space<vmem>>, vector<16xf32>,
        tpu.vector_store %arg12[%swap3A_437, %swap3A_438], %mul3A_436 {strides = array<i32>} : memref<128x128xf32, #tpu.memory_space<vmem>>, vector<16xf32>,
        %get3A_440 = arith.index_cast %add3A_423 : i32 to index
        %get3A_441 = arith.constant 32 : index
        %get3A_442 = tpu.vector_load %arg12[%get3A_440, %get3A_441] {strides = array<i32>} : memref<128x128xf32, #tpu.memory_space<vmem>>, vector<16xf32>,
        %mul3A_443 = vector.broadcast %squeeze3A_419 : f32 to vector<16xf32>
        %mul3A_444 = arith.mulf %get3A_442, %mul3A_443 : vector<16xf32>
        %swap3A_445 = arith.index_cast %add3A_423 : i32 to index
        %swap3A_446 = arith.constant 32 : index
        %swap3A_447 = tpu.vector_load %arg12[%swap3A_445, %swap3A_446] {strides = array<i32>} : memref<128x128xf32, #tpu.memory_space<vmem>>, vector<16xf32>,
        tpu.vector_store %arg12[%swap3A_445, %swap3A_446], %mul3A_444 {strides = array<i32>} : memref<128x128xf32, #tpu.memory_space<vmem>>, vector<16xf32>,
        %get3A_448 = arith.index_cast %add3A_423 : i32 to index
        %get3A_449 = arith.constant 48 : index
        %get3A_450 = tpu.vector_load %arg12[%get3A_448, %get3A_449] {strides = array<i32>} : memref<128x128xf32, #tpu.memory_space<vmem>>, vector<16xf32>,
        %mul3A_451 = vector.broadcast %squeeze3A_419 : f32 to vector<16xf32>
        %mul3A_452 = arith.mulf %get3A_450, %mul3A_451 : vector<16xf32>
        %swap3A_453 = arith.index_cast %add3A_423 : i32 to index
        %swap3A_454 = arith.constant 48 : index
        %swap3A_455 = tpu.vector_load %arg12[%swap3A_453, %swap3A_454] {strides = array<i32>} : memref<128x128xf32, #tpu.memory_space<vmem>>, vector<16xf32>,
        tpu.vector_store %arg12[%swap3A_453, %swap3A_454], %mul3A_452 {strides = array<i32>} : memref<128x128xf32, #tpu.memory_space<vmem>>, vector<16xf32>,
        %get3A_456 = arith.index_cast %add3A_423 : i32 to index
        %get3A_457 = arith.constant 64 : index
        %get3A_458 = tpu.vector_load %arg12[%get3A_456, %get3A_457] {strides = array<i32>} : memref<128x128xf32, #tpu.memory_space<vmem>>, vector<16xf32>,
        %mul3A_459 = vector.broadcast %squeeze3A_419 : f32 to vector<16xf32>
        %mul3A_460 = arith.mulf %get3A_458, %mul3A_459 : vector<16xf32>
        %swap3A_461 = arith.index_cast %add3A_423 : i32 to index
        %swap3A_462 = arith.constant 64 : index
        %swap3A_463 = tpu.vector_load %arg12[%swap3A_461, %swap3A_462] {strides = array<i32>} : memref<128x128xf32, #tpu.memory_space<vmem>>, vector<16xf32>,
        tpu.vector_store %arg12[%swap3A_461, %swap3A_462], %mul3A_460 {strides = array<i32>} : memref<128x128xf32, #tpu.memory_space<vmem>>, vector<16xf32>,
        %get3A_464 = arith.index_cast %add3A_423 : i32 to index
        %get3A_465 = arith.constant 80 : index
        %get3A_466 = tpu.vector_load %arg12[%get3A_464, %get3A_465] {strides = array<i32>} : memref<128x128xf32, #tpu.memory_space<vmem>>, vector<16xf32>,
        %mul3A_467 = vector.broadcast %squeeze3A_419 : f32 to vector<16xf32>
        %mul3A_468 = arith.mulf %get3A_466, %mul3A_467 : vector<16xf32>
        %swap3A_469 = arith.index_cast %add3A_423 : i32 to index
        %swap3A_470 = arith.constant 80 : index
        %swap3A_471 = tpu.vector_load %arg12[%swap3A_469, %swap3A_470] {strides = array<i32>} : memref<128x128xf32, #tpu.memory_space<vmem>>, vector<16xf32>,
        tpu.vector_store %arg12[%swap3A_469, %swap3A_470], %mul3A_468 {strides = array<i32>} : memref<128x128xf32, #tpu.memory_space<vmem>>, vector<16xf32>,
        %get3A_472 = arith.index_cast %add3A_423 : i32 to index
        %get3A_473 = arith.constant 96 : index
        %get3A_474 = tpu.vector_load %arg12[%get3A_472, %get3A_473] {strides = array<i32>} : memref<128x128xf32, #tpu.memory_space<vmem>>, vector<16xf32>,
        %mul3A_475 = vector.broadcast %squeeze3A_419 : f32 to vector<16xf32>
        %mul3A_476 = arith.mulf %get3A_474, %mul3A_475 : vector<16xf32>
        %swap3A_477 = arith.index_cast %add3A_423 : i32 to index
        %swap3A_478 = arith.constant 96 : index
        %swap3A_479 = tpu.vector_load %arg12[%swap3A_477, %swap3A_478] {strides = array<i32>} : memref<128x128xf32, #tpu.memory_space<vmem>>, vector<16xf32>,
        tpu.vector_store %arg12[%swap3A_477, %swap3A_478], %mul3A_476 {strides = array<i32>} : memref<128x128xf32, #tpu.memory_space<vmem>>, vector<16xf32>,
        %get3A_480 = arith.index_cast %add3A_423 : i32 to index
        %get3A_481 = arith.constant 112 : index
        %get3A_482 = tpu.vector_load %arg12[%get3A_480, %get3A_481] {strides = array<i32>} : memref<128x128xf32, #tpu.memory_space<vmem>>, vector<16xf32>,
        %mul3A_483 = vector.broadcast %squeeze3A_419 : f32 to vector<16xf32>
        %mul3A_484 = arith.mulf %get3A_482, %mul3A_483 : vector<16xf32>
        %swap3A_485 = arith.index_cast %add3A_423 : i32 to index
        %swap3A_486 = arith.constant 112 : index
        %swap3A_487 = tpu.vector_load %arg12[%swap3A_485, %swap3A_486] {strides = array<i32>} : memref<128x128xf32, #tpu.memory_space<vmem>>, vector<16xf32>,
        tpu.vector_store %arg12[%swap3A_485, %swap3A_486], %mul3A_484 {strides = array<i32>} : memref<128x128xf32, #tpu.memory_space<vmem>>, vector<16xf32>,
        %slice3A_488 = vector.extract_strided_slice %mul3A_70 {offsets = [6], sizes = [1], strides = [1]} : vector<16xf32> to vector<1xf32>
        %squeeze3A_489 = vector.extract %slice3A_488[0] : f32 from vector<1xf32>
        %mul3A_490 = arith.constant 16 : i32
        %mul3A_491 = arith.muli %scan3A_59, %mul3A_490 : i32
        %add3A_492 = arith.constant 6 : i32
        %add3A_493 = arith.addi %mul3A_491, %add3A_492 : i32
        %get3A_494 = arith.index_cast %add3A_493 : i32 to index
        %get3A_495 = arith.constant 0 : index
        %get3A_496 = tpu.vector_load %arg12[%get3A_494, %get3A_495] {strides = array<i32>} : memref<128x128xf32, #tpu.memory_space<vmem>>, vector<16xf32>,
        %mul3A_497 = vector.broadcast %squeeze3A_489 : f32 to vector<16xf32>
        %mul3A_498 = arith.mulf %get3A_496, %mul3A_497 : vector<16xf32>
        %swap3A_499 = arith.index_cast %add3A_493 : i32 to index
        %swap3A_500 = arith.constant 0 : index
        %swap3A_501 = tpu.vector_load %arg12[%swap3A_499, %swap3A_500] {strides = array<i32>} : memref<128x128xf32, #tpu.memory_space<vmem>>, vector<16xf32>,
        tpu.vector_store %arg12[%swap3A_499, %swap3A_500], %mul3A_498 {strides = array<i32>} : memref<128x128xf32, #tpu.memory_space<vmem>>, vector<16xf32>,
        %get3A_502 = arith.index_cast %add3A_493 : i32 to index
        %get3A_503 = arith.constant 16 : index
        %get3A_504 = tpu.vector_load %arg12[%get3A_502, %get3A_503] {strides = array<i32>} : memref<128x128xf32, #tpu.memory_space<vmem>>, vector<16xf32>,
        %mul3A_505 = vector.broadcast %squeeze3A_489 : f32 to vector<16xf32>
        %mul3A_506 = arith.mulf %get3A_504, %mul3A_505 : vector<16xf32>
        %swap3A_507 = arith.index_cast %add3A_493 : i32 to index
        %swap3A_508 = arith.constant 16 : index
        %swap3A_509 = tpu.vector_load %arg12[%swap3A_507, %swap3A_508] {strides = array<i32>} : memref<128x128xf32, #tpu.memory_space<vmem>>, vector<16xf32>,
        tpu.vector_store %arg12[%swap3A_507, %swap3A_508], %mul3A_506 {strides = array<i32>} : memref<128x128xf32, #tpu.memory_space<vmem>>, vector<16xf32>,
        %get3A_510 = arith.index_cast %add3A_493 : i32 to index
        %get3A_511 = arith.constant 32 : index
        %get3A_512 = tpu.vector_load %arg12[%get3A_510, %get3A_511] {strides = array<i32>} : memref<128x128xf32, #tpu.memory_space<vmem>>, vector<16xf32>,
        %mul3A_513 = vector.broadcast %squeeze3A_489 : f32 to vector<16xf32>
        %mul3A_514 = arith.mulf %get3A_512, %mul3A_513 : vector<16xf32>
        %swap3A_515 = arith.index_cast %add3A_493 : i32 to index
        %swap3A_516 = arith.constant 32 : index
        %swap3A_517 = tpu.vector_load %arg12[%swap3A_515, %swap3A_516] {strides = array<i32>} : memref<128x128xf32, #tpu.memory_space<vmem>>, vector<16xf32>,
        tpu.vector_store %arg12[%swap3A_515, %swap3A_516], %mul3A_514 {strides = array<i32>} : memref<128x128xf32, #tpu.memory_space<vmem>>, vector<16xf32>,
        %get3A_518 = arith.index_cast %add3A_493 : i32 to index
        %get3A_519 = arith.constant 48 : index
        %get3A_520 = tpu.vector_load %arg12[%get3A_518, %get3A_519] {strides = array<i32>} : memref<128x128xf32, #tpu.memory_space<vmem>>, vector<16xf32>,
        %mul3A_521 = vector.broadcast %squeeze3A_489 : f32 to vector<16xf32>
        %mul3A_522 = arith.mulf %get3A_520, %mul3A_521 : vector<16xf32>
        %swap3A_523 = arith.index_cast %add3A_493 : i32 to index
        %swap3A_524 = arith.constant 48 : index
        %swap3A_525 = tpu.vector_load %arg12[%swap3A_523, %swap3A_524] {strides = array<i32>} : memref<128x128xf32, #tpu.memory_space<vmem>>, vector<16xf32>,
        tpu.vector_store %arg12[%swap3A_523, %swap3A_524], %mul3A_522 {strides = array<i32>} : memref<128x128xf32, #tpu.memory_space<vmem>>, vector<16xf32>,
        %get3A_526 = arith.index_cast %add3A_493 : i32 to index
        %get3A_527 = arith.constant 64 : index
        %get3A_528 = tpu.vector_load %arg12[%get3A_526, %get3A_527] {strides = array<i32>} : memref<128x128xf32, #tpu.memory_space<vmem>>, vector<16xf32>,
        %mul3A_529 = vector.broadcast %squeeze3A_489 : f32 to vector<16xf32>
        %mul3A_530 = arith.mulf %get3A_528, %mul3A_529 : vector<16xf32>
        %swap3A_531 = arith.index_cast %add3A_493 : i32 to index
        %swap3A_532 = arith.constant 64 : index
        %swap3A_533 = tpu.vector_load %arg12[%swap3A_531, %swap3A_532] {strides = array<i32>} : memref<128x128xf32, #tpu.memory_space<vmem>>, vector<16xf32>,
        tpu.vector_store %arg12[%swap3A_531, %swap3A_532], %mul3A_530 {strides = array<i32>} : memref<128x128xf32, #tpu.memory_space<vmem>>, vector<16xf32>,
        %get3A_534 = arith.index_cast %add3A_493 : i32 to index
        %get3A_535 = arith.constant 80 : index
        %get3A_536 = tpu.vector_load %arg12[%get3A_534, %get3A_535] {strides = array<i32>} : memref<128x128xf32, #tpu.memory_space<vmem>>, vector<16xf32>,
        %mul3A_537 = vector.broadcast %squeeze3A_489 : f32 to vector<16xf32>
        %mul3A_538 = arith.mulf %get3A_536, %mul3A_537 : vector<16xf32>
        %swap3A_539 = arith.index_cast %add3A_493 : i32 to index
        %swap3A_540 = arith.constant 80 : index
        %swap3A_541 = tpu.vector_load %arg12[%swap3A_539, %swap3A_540] {strides = array<i32>} : memref<128x128xf32, #tpu.memory_space<vmem>>, vector<16xf32>,
        tpu.vector_store %arg12[%swap3A_539, %swap3A_540], %mul3A_538 {strides = array<i32>} : memref<128x128xf32, #tpu.memory_space<vmem>>, vector<16xf32>,
        %get3A_542 = arith.index_cast %add3A_493 : i32 to index
        %get3A_543 = arith.constant 96 : index
        %get3A_544 = tpu.vector_load %arg12[%get3A_542, %get3A_543] {strides = array<i32>} : memref<128x128xf32, #tpu.memory_space<vmem>>, vector<16xf32>,
        %mul3A_545 = vector.broadcast %squeeze3A_489 : f32 to vector<16xf32>
        %mul3A_546 = arith.mulf %get3A_544, %mul3A_545 : vector<16xf32>
        %swap3A_547 = arith.index_cast %add3A_493 : i32 to index
        %swap3A_548 = arith.constant 96 : index
        %swap3A_549 = tpu.vector_load %arg12[%swap3A_547, %swap3A_548] {strides = array<i32>} : memref<128x128xf32, #tpu.memory_space<vmem>>, vector<16xf32>,
        tpu.vector_store %arg12[%swap3A_547, %swap3A_548], %mul3A_546 {strides = array<i32>} : memref<128x128xf32, #tpu.memory_space<vmem>>, vector<16xf32>,
        %get3A_550 = arith.index_cast %add3A_493 : i32 to index
        %get3A_551 = arith.constant 112 : index
        %get3A_552 = tpu.vector_load %arg12[%get3A_550, %get3A_551] {strides = array<i32>} : memref<128x128xf32, #tpu.memory_space<vmem>>, vector<16xf32>,
        %mul3A_553 = vector.broadcast %squeeze3A_489 : f32 to vector<16xf32>
        %mul3A_554 = arith.mulf %get3A_552, %mul3A_553 : vector<16xf32>
        %swap3A_555 = arith.index_cast %add3A_493 : i32 to index
        %swap3A_556 = arith.constant 112 : index
        %swap3A_557 = tpu.vector_load %arg12[%swap3A_555, %swap3A_556] {strides = array<i32>} : memref<128x128xf32, #tpu.memory_space<vmem>>, vector<16xf32>,
        tpu.vector_store %arg12[%swap3A_555, %swap3A_556], %mul3A_554 {strides = array<i32>} : memref<128x128xf32, #tpu.memory_space<vmem>>, vector<16xf32>,
        %slice3A_558 = vector.extract_strided_slice %mul3A_70 {offsets = [7], sizes = [1], strides = [1]} : vector<16xf32> to vector<1xf32>
        %squeeze3A_559 = vector.extract %slice3A_558[0] : f32 from vector<1xf32>
        %mul3A_560 = arith.constant 16 : i32
        %mul3A_561 = arith.muli %scan3A_59, %mul3A_560 : i32
        %add3A_562 = arith.constant 7 : i32
        %add3A_563 = arith.addi %mul3A_561, %add3A_562 : i32
        %get3A_564 = arith.index_cast %add3A_563 : i32 to index
        %get3A_565 = arith.constant 0 : index
        %get3A_566 = tpu.vector_load %arg12[%get3A_564, %get3A_565] {strides = array<i32>} : memref<128x128xf32, #tpu.memory_space<vmem>>, vector<16xf32>,
        %mul3A_567 = vector.broadcast %squeeze3A_559 : f32 to vector<16xf32>
        %mul3A_568 = arith.mulf %get3A_566, %mul3A_567 : vector<16xf32>
        %swap3A_569 = arith.index_cast %add3A_563 : i32 to index
        %swap3A_570 = arith.constant 0 : index
        %swap3A_571 = tpu.vector_load %arg12[%swap3A_569, %swap3A_570] {strides = array<i32>} : memref<128x128xf32, #tpu.memory_space<vmem>>, vector<16xf32>,
        tpu.vector_store %arg12[%swap3A_569, %swap3A_570], %mul3A_568 {strides = array<i32>} : memref<128x128xf32, #tpu.memory_space<vmem>>, vector<16xf32>,
        %get3A_572 = arith.index_cast %add3A_563 : i32 to index
        %get3A_573 = arith.constant 16 : index
        %get3A_574 = tpu.vector_load %arg12[%get3A_572, %get3A_573] {strides = array<i32>} : memref<128x128xf32, #tpu.memory_space<vmem>>, vector<16xf32>,
        %mul3A_575 = vector.broadcast %squeeze3A_559 : f32 to vector<16xf32>
        %mul3A_576 = arith.mulf %get3A_574, %mul3A_575 : vector<16xf32>
        %swap3A_577 = arith.index_cast %add3A_563 : i32 to index
        %swap3A_578 = arith.constant 16 : index
        %swap3A_579 = tpu.vector_load %arg12[%swap3A_577, %swap3A_578] {strides = array<i32>} : memref<128x128xf32, #tpu.memory_space<vmem>>, vector<16xf32>,
        tpu.vector_store %arg12[%swap3A_577, %swap3A_578], %mul3A_576 {strides = array<i32>} : memref<128x128xf32, #tpu.memory_space<vmem>>, vector<16xf32>,
        %get3A_580 = arith.index_cast %add3A_563 : i32 to index
        %get3A_581 = arith.constant 32 : index
        %get3A_582 = tpu.vector_load %arg12[%get3A_580, %get3A_581] {strides = array<i32>} : memref<128x128xf32, #tpu.memory_space<vmem>>, vector<16xf32>,
        %mul3A_583 = vector.broadcast %squeeze3A_559 : f32 to vector<16xf32>
        %mul3A_584 = arith.mulf %get3A_582, %mul3A_583 : vector<16xf32>
        %swap3A_585 = arith.index_cast %add3A_563 : i32 to index
        %swap3A_586 = arith.constant 32 : index
        %swap3A_587 = tpu.vector_load %arg12[%swap3A_585, %swap3A_586] {strides = array<i32>} : memref<128x128xf32, #tpu.memory_space<vmem>>, vector<16xf32>,
        tpu.vector_store %arg12[%swap3A_585, %swap3A_586], %mul3A_584 {strides = array<i32>} : memref<128x128xf32, #tpu.memory_space<vmem>>, vector<16xf32>,
        %get3A_588 = arith.index_cast %add3A_563 : i32 to index
        %get3A_589 = arith.constant 48 : index
        %get3A_590 = tpu.vector_load %arg12[%get3A_588, %get3A_589] {strides = array<i32>} : memref<128x128xf32, #tpu.memory_space<vmem>>, vector<16xf32>,
        %mul3A_591 = vector.broadcast %squeeze3A_559 : f32 to vector<16xf32>
        %mul3A_592 = arith.mulf %get3A_590, %mul3A_591 : vector<16xf32>
        %swap3A_593 = arith.index_cast %add3A_563 : i32 to index
        %swap3A_594 = arith.constant 48 : index
        %swap3A_595 = tpu.vector_load %arg12[%swap3A_593, %swap3A_594] {strides = array<i32>} : memref<128x128xf32, #tpu.memory_space<vmem>>, vector<16xf32>,
        tpu.vector_store %arg12[%swap3A_593, %swap3A_594], %mul3A_592 {strides = array<i32>} : memref<128x128xf32, #tpu.memory_space<vmem>>, vector<16xf32>,
        %get3A_596 = arith.index_cast %add3A_563 : i32 to index
        %get3A_597 = arith.constant 64 : index
        %get3A_598 = tpu.vector_load %arg12[%get3A_596, %get3A_597] {strides = array<i32>} : memref<128x128xf32, #tpu.memory_space<vmem>>, vector<16xf32>,
        %mul3A_599 = vector.broadcast %squeeze3A_559 : f32 to vector<16xf32>
        %mul3A_600 = arith.mulf %get3A_598, %mul3A_599 : vector<16xf32>
        %swap3A_601 = arith.index_cast %add3A_563 : i32 to index
        %swap3A_602 = arith.constant 64 : index
        %swap3A_603 = tpu.vector_load %arg12[%swap3A_601, %swap3A_602] {strides = array<i32>} : memref<128x128xf32, #tpu.memory_space<vmem>>, vector<16xf32>,
        tpu.vector_store %arg12[%swap3A_601, %swap3A_602], %mul3A_600 {strides = array<i32>} : memref<128x128xf32, #tpu.memory_space<vmem>>, vector<16xf32>,
        %get3A_604 = arith.index_cast %add3A_563 : i32 to index
        %get3A_605 = arith.constant 80 : index
        %get3A_606 = tpu.vector_load %arg12[%get3A_604, %get3A_605] {strides = array<i32>} : memref<128x128xf32, #tpu.memory_space<vmem>>, vector<16xf32>,
        %mul3A_607 = vector.broadcast %squeeze3A_559 : f32 to vector<16xf32>
        %mul3A_608 = arith.mulf %get3A_606, %mul3A_607 : vector<16xf32>
        %swap3A_609 = arith.index_cast %add3A_563 : i32 to index
        %swap3A_610 = arith.constant 80 : index
        %swap3A_611 = tpu.vector_load %arg12[%swap3A_609, %swap3A_610] {strides = array<i32>} : memref<128x128xf32, #tpu.memory_space<vmem>>, vector<16xf32>,
        tpu.vector_store %arg12[%swap3A_609, %swap3A_610], %mul3A_608 {strides = array<i32>} : memref<128x128xf32, #tpu.memory_space<vmem>>, vector<16xf32>,
        %get3A_612 = arith.index_cast %add3A_563 : i32 to index
        %get3A_613 = arith.constant 96 : index
        %get3A_614 = tpu.vector_load %arg12[%get3A_612, %get3A_613] {strides = array<i32>} : memref<128x128xf32, #tpu.memory_space<vmem>>, vector<16xf32>,
        %mul3A_615 = vector.broadcast %squeeze3A_559 : f32 to vector<16xf32>
        %mul3A_616 = arith.mulf %get3A_614, %mul3A_615 : vector<16xf32>
        %swap3A_617 = arith.index_cast %add3A_563 : i32 to index
        %swap3A_618 = arith.constant 96 : index
        %swap3A_619 = tpu.vector_load %arg12[%swap3A_617, %swap3A_618] {strides = array<i32>} : memref<128x128xf32, #tpu.memory_space<vmem>>, vector<16xf32>,
        tpu.vector_store %arg12[%swap3A_617, %swap3A_618], %mul3A_616 {strides = array<i32>} : memref<128x128xf32, #tpu.memory_space<vmem>>, vector<16xf32>,
        %get3A_620 = arith.index_cast %add3A_563 : i32 to index
        %get3A_621 = arith.constant 112 : index
        %get3A_622 = tpu.vector_load %arg12[%get3A_620, %get3A_621] {strides = array<i32>} : memref<128x128xf32, #tpu.memory_space<vmem>>, vector<16xf32>,
        %mul3A_623 = vector.broadcast %squeeze3A_559 : f32 to vector<16xf32>
        %mul3A_624 = arith.mulf %get3A_622, %mul3A_623 : vector<16xf32>
        %swap3A_625 = arith.index_cast %add3A_563 : i32 to index
        %swap3A_626 = arith.constant 112 : index
        %swap3A_627 = tpu.vector_load %arg12[%swap3A_625, %swap3A_626] {strides = array<i32>} : memref<128x128xf32, #tpu.memory_space<vmem>>, vector<16xf32>,
        tpu.vector_store %arg12[%swap3A_625, %swap3A_626], %mul3A_624 {strides = array<i32>} : memref<128x128xf32, #tpu.memory_space<vmem>>, vector<16xf32>,
        %slice3A_628 = vector.extract_strided_slice %mul3A_70 {offsets = [8], sizes = [1], strides = [1]} : vector<16xf32> to vector<1xf32>
        %squeeze3A_629 = vector.extract %slice3A_628[0] : f32 from vector<1xf32>
        %mul3A_630 = arith.constant 16 : i32
        %mul3A_631 = arith.muli %scan3A_59, %mul3A_630 : i32
        %add3A_632 = arith.constant 8 : i32
        %add3A_633 = arith.addi %mul3A_631, %add3A_632 : i32
        %get3A_634 = arith.index_cast %add3A_633 : i32 to index
        %get3A_635 = arith.constant 0 : index
        %get3A_636 = tpu.vector_load %arg12[%get3A_634, %get3A_635] {strides = array<i32>} : memref<128x128xf32, #tpu.memory_space<vmem>>, vector<16xf32>,
        %mul3A_637 = vector.broadcast %squeeze3A_629 : f32 to vector<16xf32>
        %mul3A_638 = arith.mulf %get3A_636, %mul3A_637 : vector<16xf32>
        %swap3A_639 = arith.index_cast %add3A_633 : i32 to index
        %swap3A_640 = arith.constant 0 : index
        %swap3A_641 = tpu.vector_load %arg12[%swap3A_639, %swap3A_640] {strides = array<i32>} : memref<128x128xf32, #tpu.memory_space<vmem>>, vector<16xf32>,
        tpu.vector_store %arg12[%swap3A_639, %swap3A_640], %mul3A_638 {strides = array<i32>} : memref<128x128xf32, #tpu.memory_space<vmem>>, vector<16xf32>,
        %get3A_642 = arith.index_cast %add3A_633 : i32 to index
        %get3A_643 = arith.constant 16 : index
        %get3A_644 = tpu.vector_load %arg12[%get3A_642, %get3A_643] {strides = array<i32>} : memref<128x128xf32, #tpu.memory_space<vmem>>, vector<16xf32>,
        %mul3A_645 = vector.broadcast %squeeze3A_629 : f32 to vector<16xf32>
        %mul3A_646 = arith.mulf %get3A_644, %mul3A_645 : vector<16xf32>
        %swap3A_647 = arith.index_cast %add3A_633 : i32 to index
        %swap3A_648 = arith.constant 16 : index
        %swap3A_649 = tpu.vector_load %arg12[%swap3A_647, %swap3A_648] {strides = array<i32>} : memref<128x128xf32, #tpu.memory_space<vmem>>, vector<16xf32>,
        tpu.vector_store %arg12[%swap3A_647, %swap3A_648], %mul3A_646 {strides = array<i32>} : memref<128x128xf32, #tpu.memory_space<vmem>>, vector<16xf32>,
        %get3A_650 = arith.index_cast %add3A_633 : i32 to index
        %get3A_651 = arith.constant 32 : index
        %get3A_652 = tpu.vector_load %arg12[%get3A_650, %get3A_651] {strides = array<i32>} : memref<128x128xf32, #tpu.memory_space<vmem>>, vector<16xf32>,
        %mul3A_653 = vector.broadcast %squeeze3A_629 : f32 to vector<16xf32>
        %mul3A_654 = arith.mulf %get3A_652, %mul3A_653 : vector<16xf32>
        %swap3A_655 = arith.index_cast %add3A_633 : i32 to index
        %swap3A_656 = arith.constant 32 : index
        %swap3A_657 = tpu.vector_load %arg12[%swap3A_655, %swap3A_656] {strides = array<i32>} : memref<128x128xf32, #tpu.memory_space<vmem>>, vector<16xf32>,
        tpu.vector_store %arg12[%swap3A_655, %swap3A_656], %mul3A_654 {strides = array<i32>} : memref<128x128xf32, #tpu.memory_space<vmem>>, vector<16xf32>,
        %get3A_658 = arith.index_cast %add3A_633 : i32 to index
        %get3A_659 = arith.constant 48 : index
        %get3A_660 = tpu.vector_load %arg12[%get3A_658, %get3A_659] {strides = array<i32>} : memref<128x128xf32, #tpu.memory_space<vmem>>, vector<16xf32>,
        %mul3A_661 = vector.broadcast %squeeze3A_629 : f32 to vector<16xf32>
        %mul3A_662 = arith.mulf %get3A_660, %mul3A_661 : vector<16xf32>
        %swap3A_663 = arith.index_cast %add3A_633 : i32 to index
        %swap3A_664 = arith.constant 48 : index
        %swap3A_665 = tpu.vector_load %arg12[%swap3A_663, %swap3A_664] {strides = array<i32>} : memref<128x128xf32, #tpu.memory_space<vmem>>, vector<16xf32>,
        tpu.vector_store %arg12[%swap3A_663, %swap3A_664], %mul3A_662 {strides = array<i32>} : memref<128x128xf32, #tpu.memory_space<vmem>>, vector<16xf32>,
        %get3A_666 = arith.index_cast %add3A_633 : i32 to index
        %get3A_667 = arith.constant 64 : index
        %get3A_668 = tpu.vector_load %arg12[%get3A_666, %get3A_667] {strides = array<i32>} : memref<128x128xf32, #tpu.memory_space<vmem>>, vector<16xf32>,
        %mul3A_669 = vector.broadcast %squeeze3A_629 : f32 to vector<16xf32>
        %mul3A_670 = arith.mulf %get3A_668, %mul3A_669 : vector<16xf32>
        %swap3A_671 = arith.index_cast %add3A_633 : i32 to index
        %swap3A_672 = arith.constant 64 : index
        %swap3A_673 = tpu.vector_load %arg12[%swap3A_671, %swap3A_672] {strides = array<i32>} : memref<128x128xf32, #tpu.memory_space<vmem>>, vector<16xf32>,
        tpu.vector_store %arg12[%swap3A_671, %swap3A_672], %mul3A_670 {strides = array<i32>} : memref<128x128xf32, #tpu.memory_space<vmem>>, vector<16xf32>,
        %get3A_674 = arith.index_cast %add3A_633 : i32 to index
        %get3A_675 = arith.constant 80 : index
        %get3A_676 = tpu.vector_load %arg12[%get3A_674, %get3A_675] {strides = array<i32>} : memref<128x128xf32, #tpu.memory_space<vmem>>, vector<16xf32>,
        %mul3A_677 = vector.broadcast %squeeze3A_629 : f32 to vector<16xf32>
        %mul3A_678 = arith.mulf %get3A_676, %mul3A_677 : vector<16xf32>
        %swap3A_679 = arith.index_cast %add3A_633 : i32 to index
        %swap3A_680 = arith.constant 80 : index
        %swap3A_681 = tpu.vector_load %arg12[%swap3A_679, %swap3A_680] {strides = array<i32>} : memref<128x128xf32, #tpu.memory_space<vmem>>, vector<16xf32>,
        tpu.vector_store %arg12[%swap3A_679, %swap3A_680], %mul3A_678 {strides = array<i32>} : memref<128x128xf32, #tpu.memory_space<vmem>>, vector<16xf32>,
        %get3A_682 = arith.index_cast %add3A_633 : i32 to index
        %get3A_683 = arith.constant 96 : index
        %get3A_684 = tpu.vector_load %arg12[%get3A_682, %get3A_683] {strides = array<i32>} : memref<128x128xf32, #tpu.memory_space<vmem>>, vector<16xf32>,
        %mul3A_685 = vector.broadcast %squeeze3A_629 : f32 to vector<16xf32>
        %mul3A_686 = arith.mulf %get3A_684, %mul3A_685 : vector<16xf32>
        %swap3A_687 = arith.index_cast %add3A_633 : i32 to index
        %swap3A_688 = arith.constant 96 : index
        %swap3A_689 = tpu.vector_load %arg12[%swap3A_687, %swap3A_688] {strides = array<i32>} : memref<128x128xf32, #tpu.memory_space<vmem>>, vector<16xf32>,
        tpu.vector_store %arg12[%swap3A_687, %swap3A_688], %mul3A_686 {strides = array<i32>} : memref<128x128xf32, #tpu.memory_space<vmem>>, vector<16xf32>,
        %get3A_690 = arith.index_cast %add3A_633 : i32 to index
        %get3A_691 = arith.constant 112 : index
        %get3A_692 = tpu.vector_load %arg12[%get3A_690, %get3A_691] {strides = array<i32>} : memref<128x128xf32, #tpu.memory_space<vmem>>, vector<16xf32>,
        %mul3A_693 = vector.broadcast %squeeze3A_629 : f32 to vector<16xf32>
        %mul3A_694 = arith.mulf %get3A_692, %mul3A_693 : vector<16xf32>
        %swap3A_695 = arith.index_cast %add3A_633 : i32 to index
        %swap3A_696 = arith.constant 112 : index
        %swap3A_697 = tpu.vector_load %arg12[%swap3A_695, %swap3A_696] {strides = array<i32>} : memref<128x128xf32, #tpu.memory_space<vmem>>, vector<16xf32>,
        tpu.vector_store %arg12[%swap3A_695, %swap3A_696], %mul3A_694 {strides = array<i32>} : memref<128x128xf32, #tpu.memory_space<vmem>>, vector<16xf32>,
        %slice3A_698 = vector.extract_strided_slice %mul3A_70 {offsets = [9], sizes = [1], strides = [1]} : vector<16xf32> to vector<1xf32>
        %squeeze3A_699 = vector.extract %slice3A_698[0] : f32 from vector<1xf32>
        %mul3A_700 = arith.constant 16 : i32
        %mul3A_701 = arith.muli %scan3A_59, %mul3A_700 : i32
        %add3A_702 = arith.constant 9 : i32
        %add3A_703 = arith.addi %mul3A_701, %add3A_702 : i32
        %get3A_704 = arith.index_cast %add3A_703 : i32 to index
        %get3A_705 = arith.constant 0 : index
        %get3A_706 = tpu.vector_load %arg12[%get3A_704, %get3A_705] {strides = array<i32>} : memref<128x128xf32, #tpu.memory_space<vmem>>, vector<16xf32>,
        %mul3A_707 = vector.broadcast %squeeze3A_699 : f32 to vector<16xf32>
        %mul3A_708 = arith.mulf %get3A_706, %mul3A_707 : vector<16xf32>
        %swap3A_709 = arith.index_cast %add3A_703 : i32 to index
        %swap3A_710 = arith.constant 0 : index
        %swap3A_711 = tpu.vector_load %arg12[%swap3A_709, %swap3A_710] {strides = array<i32>} : memref<128x128xf32, #tpu.memory_space<vmem>>, vector<16xf32>,
        tpu.vector_store %arg12[%swap3A_709, %swap3A_710], %mul3A_708 {strides = array<i32>} : memref<128x128xf32, #tpu.memory_space<vmem>>, vector<16xf32>,
        %get3A_712 = arith.index_cast %add3A_703 : i32 to index
        %get3A_713 = arith.constant 16 : index
        %get3A_714 = tpu.vector_load %arg12[%get3A_712, %get3A_713] {strides = array<i32>} : memref<128x128xf32, #tpu.memory_space<vmem>>, vector<16xf32>,
        %mul3A_715 = vector.broadcast %squeeze3A_699 : f32 to vector<16xf32>
        %mul3A_716 = arith.mulf %get3A_714, %mul3A_715 : vector<16xf32>
        %swap3A_717 = arith.index_cast %add3A_703 : i32 to index
        %swap3A_718 = arith.constant 16 : index
        %swap3A_719 = tpu.vector_load %arg12[%swap3A_717, %swap3A_718] {strides = array<i32>} : memref<128x128xf32, #tpu.memory_space<vmem>>, vector<16xf32>,
        tpu.vector_store %arg12[%swap3A_717, %swap3A_718], %mul3A_716 {strides = array<i32>} : memref<128x128xf32, #tpu.memory_space<vmem>>, vector<16xf32>,
        %get3A_720 = arith.index_cast %add3A_703 : i32 to index
        %get3A_721 = arith.constant 32 : index
        %get3A_722 = tpu.vector_load %arg12[%get3A_720, %get3A_721] {strides = array<i32>} : memref<128x128xf32, #tpu.memory_space<vmem>>, vector<16xf32>,
        %mul3A_723 = vector.broadcast %squeeze3A_699 : f32 to vector<16xf32>
        %mul3A_724 = arith.mulf %get3A_722, %mul3A_723 : vector<16xf32>
        %swap3A_725 = arith.index_cast %add3A_703 : i32 to index
        %swap3A_726 = arith.constant 32 : index
        %swap3A_727 = tpu.vector_load %arg12[%swap3A_725, %swap3A_726] {strides = array<i32>} : memref<128x128xf32, #tpu.memory_space<vmem>>, vector<16xf32>,
        tpu.vector_store %arg12[%swap3A_725, %swap3A_726], %mul3A_724 {strides = array<i32>} : memref<128x128xf32, #tpu.memory_space<vmem>>, vector<16xf32>,
        %get3A_728 = arith.index_cast %add3A_703 : i32 to index
        %get3A_729 = arith.constant 48 : index
        %get3A_730 = tpu.vector_load %arg12[%get3A_728, %get3A_729] {strides = array<i32>} : memref<128x128xf32, #tpu.memory_space<vmem>>, vector<16xf32>,
        %mul3A_731 = vector.broadcast %squeeze3A_699 : f32 to vector<16xf32>
        %mul3A_732 = arith.mulf %get3A_730, %mul3A_731 : vector<16xf32>
        %swap3A_733 = arith.index_cast %add3A_703 : i32 to index
        %swap3A_734 = arith.constant 48 : index
        %swap3A_735 = tpu.vector_load %arg12[%swap3A_733, %swap3A_734] {strides = array<i32>} : memref<128x128xf32, #tpu.memory_space<vmem>>, vector<16xf32>,
        tpu.vector_store %arg12[%swap3A_733, %swap3A_734], %mul3A_732 {strides = array<i32>} : memref<128x128xf32, #tpu.memory_space<vmem>>, vector<16xf32>,
        %get3A_736 = arith.index_cast %add3A_703 : i32 to index
        %get3A_737 = arith.constant 64 : index
        %get3A_738 = tpu.vector_load %arg12[%get3A_736, %get3A_737] {strides = array<i32>} : memref<128x128xf32, #tpu.memory_space<vmem>>, vector<16xf32>,
        %mul3A_739 = vector.broadcast %squeeze3A_699 : f32 to vector<16xf32>
        %mul3A_740 = arith.mulf %get3A_738, %mul3A_739 : vector<16xf32>
        %swap3A_741 = arith.index_cast %add3A_703 : i32 to index
        %swap3A_742 = arith.constant 64 : index
        %swap3A_743 = tpu.vector_load %arg12[%swap3A_741, %swap3A_742] {strides = array<i32>} : memref<128x128xf32, #tpu.memory_space<vmem>>, vector<16xf32>,
        tpu.vector_store %arg12[%swap3A_741, %swap3A_742], %mul3A_740 {strides = array<i32>} : memref<128x128xf32, #tpu.memory_space<vmem>>, vector<16xf32>,
        %get3A_744 = arith.index_cast %add3A_703 : i32 to index
        %get3A_745 = arith.constant 80 : index
        %get3A_746 = tpu.vector_load %arg12[%get3A_744, %get3A_745] {strides = array<i32>} : memref<128x128xf32, #tpu.memory_space<vmem>>, vector<16xf32>,
        %mul3A_747 = vector.broadcast %squeeze3A_699 : f32 to vector<16xf32>
        %mul3A_748 = arith.mulf %get3A_746, %mul3A_747 : vector<16xf32>
        %swap3A_749 = arith.index_cast %add3A_703 : i32 to index
        %swap3A_750 = arith.constant 80 : index
        %swap3A_751 = tpu.vector_load %arg12[%swap3A_749, %swap3A_750] {strides = array<i32>} : memref<128x128xf32, #tpu.memory_space<vmem>>, vector<16xf32>,
        tpu.vector_store %arg12[%swap3A_749, %swap3A_750], %mul3A_748 {strides = array<i32>} : memref<128x128xf32, #tpu.memory_space<vmem>>, vector<16xf32>,
        %get3A_752 = arith.index_cast %add3A_703 : i32 to index
        %get3A_753 = arith.constant 96 : index
        %get3A_754 = tpu.vector_load %arg12[%get3A_752, %get3A_753] {strides = array<i32>} : memref<128x128xf32, #tpu.memory_space<vmem>>, vector<16xf32>,
        %mul3A_755 = vector.broadcast %squeeze3A_699 : f32 to vector<16xf32>
        %mul3A_756 = arith.mulf %get3A_754, %mul3A_755 : vector<16xf32>
        %swap3A_757 = arith.index_cast %add3A_703 : i32 to index
        %swap3A_758 = arith.constant 96 : index
        %swap3A_759 = tpu.vector_load %arg12[%swap3A_757, %swap3A_758] {strides = array<i32>} : memref<128x128xf32, #tpu.memory_space<vmem>>, vector<16xf32>,
        tpu.vector_store %arg12[%swap3A_757, %swap3A_758], %mul3A_756 {strides = array<i32>} : memref<128x128xf32, #tpu.memory_space<vmem>>, vector<16xf32>,
        %get3A_760 = arith.index_cast %add3A_703 : i32 to index
        %get3A_761 = arith.constant 112 : index
        %get3A_762 = tpu.vector_load %arg12[%get3A_760, %get3A_761] {strides = array<i32>} : memref<128x128xf32, #tpu.memory_space<vmem>>, vector<16xf32>,
        %mul3A_763 = vector.broadcast %squeeze3A_699 : f32 to vector<16xf32>
        %mul3A_764 = arith.mulf %get3A_762, %mul3A_763 : vector<16xf32>
        %swap3A_765 = arith.index_cast %add3A_703 : i32 to index
        %swap3A_766 = arith.constant 112 : index
        %swap3A_767 = tpu.vector_load %arg12[%swap3A_765, %swap3A_766] {strides = array<i32>} : memref<128x128xf32, #tpu.memory_space<vmem>>, vector<16xf32>,
        tpu.vector_store %arg12[%swap3A_765, %swap3A_766], %mul3A_764 {strides = array<i32>} : memref<128x128xf32, #tpu.memory_space<vmem>>, vector<16xf32>,
        %slice3A_768 = vector.extract_strided_slice %mul3A_70 {offsets = [10], sizes = [1], strides = [1]} : vector<16xf32> to vector<1xf32>
        %squeeze3A_769 = vector.extract %slice3A_768[0] : f32 from vector<1xf32>
        %mul3A_770 = arith.constant 16 : i32
        %mul3A_771 = arith.muli %scan3A_59, %mul3A_770 : i32
        %add3A_772 = arith.constant 10 : i32
        %add3A_773 = arith.addi %mul3A_771, %add3A_772 : i32
        %get3A_774 = arith.index_cast %add3A_773 : i32 to index
        %get3A_775 = arith.constant 0 : index
        %get3A_776 = tpu.vector_load %arg12[%get3A_774, %get3A_775] {strides = array<i32>} : memref<128x128xf32, #tpu.memory_space<vmem>>, vector<16xf32>,
        %mul3A_777 = vector.broadcast %squeeze3A_769 : f32 to vector<16xf32>
        %mul3A_778 = arith.mulf %get3A_776, %mul3A_777 : vector<16xf32>
        %swap3A_779 = arith.index_cast %add3A_773 : i32 to index
        %swap3A_780 = arith.constant 0 : index
        %swap3A_781 = tpu.vector_load %arg12[%swap3A_779, %swap3A_780] {strides = array<i32>} : memref<128x128xf32, #tpu.memory_space<vmem>>, vector<16xf32>,
        tpu.vector_store %arg12[%swap3A_779, %swap3A_780], %mul3A_778 {strides = array<i32>} : memref<128x128xf32, #tpu.memory_space<vmem>>, vector<16xf32>,
        %get3A_782 = arith.index_cast %add3A_773 : i32 to index
        %get3A_783 = arith.constant 16 : index
        %get3A_784 = tpu.vector_load %arg12[%get3A_782, %get3A_783] {strides = array<i32>} : memref<128x128xf32, #tpu.memory_space<vmem>>, vector<16xf32>,
        %mul3A_785 = vector.broadcast %squeeze3A_769 : f32 to vector<16xf32>
        %mul3A_786 = arith.mulf %get3A_784, %mul3A_785 : vector<16xf32>
        %swap3A_787 = arith.index_cast %add3A_773 : i32 to index
        %swap3A_788 = arith.constant 16 : index
        %swap3A_789 = tpu.vector_load %arg12[%swap3A_787, %swap3A_788] {strides = array<i32>} : memref<128x128xf32, #tpu.memory_space<vmem>>, vector<16xf32>,
        tpu.vector_store %arg12[%swap3A_787, %swap3A_788], %mul3A_786 {strides = array<i32>} : memref<128x128xf32, #tpu.memory_space<vmem>>, vector<16xf32>,
        %get3A_790 = arith.index_cast %add3A_773 : i32 to index
        %get3A_791 = arith.constant 32 : index
        %get3A_792 = tpu.vector_load %arg12[%get3A_790, %get3A_791] {strides = array<i32>} : memref<128x128xf32, #tpu.memory_space<vmem>>, vector<16xf32>,
        %mul3A_793 = vector.broadcast %squeeze3A_769 : f32 to vector<16xf32>
        %mul3A_794 = arith.mulf %get3A_792, %mul3A_793 : vector<16xf32>
        %swap3A_795 = arith.index_cast %add3A_773 : i32 to index
        %swap3A_796 = arith.constant 32 : index
        %swap3A_797 = tpu.vector_load %arg12[%swap3A_795, %swap3A_796] {strides = array<i32>} : memref<128x128xf32, #tpu.memory_space<vmem>>, vector<16xf32>,
        tpu.vector_store %arg12[%swap3A_795, %swap3A_796], %mul3A_794 {strides = array<i32>} : memref<128x128xf32, #tpu.memory_space<vmem>>, vector<16xf32>,
        %get3A_798 = arith.index_cast %add3A_773 : i32 to index
        %get3A_799 = arith.constant 48 : index
        %get3A_800 = tpu.vector_load %arg12[%get3A_798, %get3A_799] {strides = array<i32>} : memref<128x128xf32, #tpu.memory_space<vmem>>, vector<16xf32>,
        %mul3A_801 = vector.broadcast %squeeze3A_769 : f32 to vector<16xf32>
        %mul3A_802 = arith.mulf %get3A_800, %mul3A_801 : vector<16xf32>
        %swap3A_803 = arith.index_cast %add3A_773 : i32 to index
        %swap3A_804 = arith.constant 48 : index
        %swap3A_805 = tpu.vector_load %arg12[%swap3A_803, %swap3A_804] {strides = array<i32>} : memref<128x128xf32, #tpu.memory_space<vmem>>, vector<16xf32>,
        tpu.vector_store %arg12[%swap3A_803, %swap3A_804], %mul3A_802 {strides = array<i32>} : memref<128x128xf32, #tpu.memory_space<vmem>>, vector<16xf32>,
        %get3A_806 = arith.index_cast %add3A_773 : i32 to index
        %get3A_807 = arith.constant 64 : index
        %get3A_808 = tpu.vector_load %arg12[%get3A_806, %get3A_807] {strides = array<i32>} : memref<128x128xf32, #tpu.memory_space<vmem>>, vector<16xf32>,
        %mul3A_809 = vector.broadcast %squeeze3A_769 : f32 to vector<16xf32>
        %mul3A_810 = arith.mulf %get3A_808, %mul3A_809 : vector<16xf32>
        %swap3A_811 = arith.index_cast %add3A_773 : i32 to index
        %swap3A_812 = arith.constant 64 : index
        %swap3A_813 = tpu.vector_load %arg12[%swap3A_811, %swap3A_812] {strides = array<i32>} : memref<128x128xf32, #tpu.memory_space<vmem>>, vector<16xf32>,
        tpu.vector_store %arg12[%swap3A_811, %swap3A_812], %mul3A_810 {strides = array<i32>} : memref<128x128xf32, #tpu.memory_space<vmem>>, vector<16xf32>,
        %get3A_814 = arith.index_cast %add3A_773 : i32 to index
        %get3A_815 = arith.constant 80 : index
        %get3A_816 = tpu.vector_load %arg12[%get3A_814, %get3A_815] {strides = array<i32>} : memref<128x128xf32, #tpu.memory_space<vmem>>, vector<16xf32>,
        %mul3A_817 = vector.broadcast %squeeze3A_769 : f32 to vector<16xf32>
        %mul3A_818 = arith.mulf %get3A_816, %mul3A_817 : vector<16xf32>
        %swap3A_819 = arith.index_cast %add3A_773 : i32 to index
        %swap3A_820 = arith.constant 80 : index
        %swap3A_821 = tpu.vector_load %arg12[%swap3A_819, %swap3A_820] {strides = array<i32>} : memref<128x128xf32, #tpu.memory_space<vmem>>, vector<16xf32>,
        tpu.vector_store %arg12[%swap3A_819, %swap3A_820], %mul3A_818 {strides = array<i32>} : memref<128x128xf32, #tpu.memory_space<vmem>>, vector<16xf32>,
        %get3A_822 = arith.index_cast %add3A_773 : i32 to index
        %get3A_823 = arith.constant 96 : index
        %get3A_824 = tpu.vector_load %arg12[%get3A_822, %get3A_823] {strides = array<i32>} : memref<128x128xf32, #tpu.memory_space<vmem>>, vector<16xf32>,
        %mul3A_825 = vector.broadcast %squeeze3A_769 : f32 to vector<16xf32>
        %mul3A_826 = arith.mulf %get3A_824, %mul3A_825 : vector<16xf32>
        %swap3A_827 = arith.index_cast %add3A_773 : i32 to index
        %swap3A_828 = arith.constant 96 : index
        %swap3A_829 = tpu.vector_load %arg12[%swap3A_827, %swap3A_828] {strides = array<i32>} : memref<128x128xf32, #tpu.memory_space<vmem>>, vector<16xf32>,
        tpu.vector_store %arg12[%swap3A_827, %swap3A_828], %mul3A_826 {strides = array<i32>} : memref<128x128xf32, #tpu.memory_space<vmem>>, vector<16xf32>,
        %get3A_830 = arith.index_cast %add3A_773 : i32 to index
        %get3A_831 = arith.constant 112 : index
        %get3A_832 = tpu.vector_load %arg12[%get3A_830, %get3A_831] {strides = array<i32>} : memref<128x128xf32, #tpu.memory_space<vmem>>, vector<16xf32>,
        %mul3A_833 = vector.broadcast %squeeze3A_769 : f32 to vector<16xf32>
        %mul3A_834 = arith.mulf %get3A_832, %mul3A_833 : vector<16xf32>
        %swap3A_835 = arith.index_cast %add3A_773 : i32 to index
        %swap3A_836 = arith.constant 112 : index
        %swap3A_837 = tpu.vector_load %arg12[%swap3A_835, %swap3A_836] {strides = array<i32>} : memref<128x128xf32, #tpu.memory_space<vmem>>, vector<16xf32>,
        tpu.vector_store %arg12[%swap3A_835, %swap3A_836], %mul3A_834 {strides = array<i32>} : memref<128x128xf32, #tpu.memory_space<vmem>>, vector<16xf32>,
        %slice3A_838 = vector.extract_strided_slice %mul3A_70 {offsets = [11], sizes = [1], strides = [1]} : vector<16xf32> to vector<1xf32>
        %squeeze3A_839 = vector.extract %slice3A_838[0] : f32 from vector<1xf32>
        %mul3A_840 = arith.constant 16 : i32
        %mul3A_841 = arith.muli %scan3A_59, %mul3A_840 : i32
        %add3A_842 = arith.constant 11 : i32
        %add3A_843 = arith.addi %mul3A_841, %add3A_842 : i32
        %get3A_844 = arith.index_cast %add3A_843 : i32 to index
        %get3A_845 = arith.constant 0 : index
        %get3A_846 = tpu.vector_load %arg12[%get3A_844, %get3A_845] {strides = array<i32>} : memref<128x128xf32, #tpu.memory_space<vmem>>, vector<16xf32>,
        %mul3A_847 = vector.broadcast %squeeze3A_839 : f32 to vector<16xf32>
        %mul3A_848 = arith.mulf %get3A_846, %mul3A_847 : vector<16xf32>
        %swap3A_849 = arith.index_cast %add3A_843 : i32 to index
        %swap3A_850 = arith.constant 0 : index
        %swap3A_851 = tpu.vector_load %arg12[%swap3A_849, %swap3A_850] {strides = array<i32>} : memref<128x128xf32, #tpu.memory_space<vmem>>, vector<16xf32>,
        tpu.vector_store %arg12[%swap3A_849, %swap3A_850], %mul3A_848 {strides = array<i32>} : memref<128x128xf32, #tpu.memory_space<vmem>>, vector<16xf32>,
        %get3A_852 = arith.index_cast %add3A_843 : i32 to index
        %get3A_853 = arith.constant 16 : index
        %get3A_854 = tpu.vector_load %arg12[%get3A_852, %get3A_853] {strides = array<i32>} : memref<128x128xf32, #tpu.memory_space<vmem>>, vector<16xf32>,
        %mul3A_855 = vector.broadcast %squeeze3A_839 : f32 to vector<16xf32>
        %mul3A_856 = arith.mulf %get3A_854, %mul3A_855 : vector<16xf32>
        %swap3A_857 = arith.index_cast %add3A_843 : i32 to index
        %swap3A_858 = arith.constant 16 : index
        %swap3A_859 = tpu.vector_load %arg12[%swap3A_857, %swap3A_858] {strides = array<i32>} : memref<128x128xf32, #tpu.memory_space<vmem>>, vector<16xf32>,
        tpu.vector_store %arg12[%swap3A_857, %swap3A_858], %mul3A_856 {strides = array<i32>} : memref<128x128xf32, #tpu.memory_space<vmem>>, vector<16xf32>,
        %get3A_860 = arith.index_cast %add3A_843 : i32 to index
        %get3A_861 = arith.constant 32 : index
        %get3A_862 = tpu.vector_load %arg12[%get3A_860, %get3A_861] {strides = array<i32>} : memref<128x128xf32, #tpu.memory_space<vmem>>, vector<16xf32>,
        %mul3A_863 = vector.broadcast %squeeze3A_839 : f32 to vector<16xf32>
        %mul3A_864 = arith.mulf %get3A_862, %mul3A_863 : vector<16xf32>
        %swap3A_865 = arith.index_cast %add3A_843 : i32 to index
        %swap3A_866 = arith.constant 32 : index
        %swap3A_867 = tpu.vector_load %arg12[%swap3A_865, %swap3A_866] {strides = array<i32>} : memref<128x128xf32, #tpu.memory_space<vmem>>, vector<16xf32>,
        tpu.vector_store %arg12[%swap3A_865, %swap3A_866], %mul3A_864 {strides = array<i32>} : memref<128x128xf32, #tpu.memory_space<vmem>>, vector<16xf32>,
        %get3A_868 = arith.index_cast %add3A_843 : i32 to index
        %get3A_869 = arith.constant 48 : index
        %get3A_870 = tpu.vector_load %arg12[%get3A_868, %get3A_869] {strides = array<i32>} : memref<128x128xf32, #tpu.memory_space<vmem>>, vector<16xf32>,
        %mul3A_871 = vector.broadcast %squeeze3A_839 : f32 to vector<16xf32>
        %mul3A_872 = arith.mulf %get3A_870, %mul3A_871 : vector<16xf32>
        %swap3A_873 = arith.index_cast %add3A_843 : i32 to index
        %swap3A_874 = arith.constant 48 : index
        %swap3A_875 = tpu.vector_load %arg12[%swap3A_873, %swap3A_874] {strides = array<i32>} : memref<128x128xf32, #tpu.memory_space<vmem>>, vector<16xf32>,
        tpu.vector_store %arg12[%swap3A_873, %swap3A_874], %mul3A_872 {strides = array<i32>} : memref<128x128xf32, #tpu.memory_space<vmem>>, vector<16xf32>,
        %get3A_876 = arith.index_cast %add3A_843 : i32 to index
        %get3A_877 = arith.constant 64 : index
        %get3A_878 = tpu.vector_load %arg12[%get3A_876, %get3A_877] {strides = array<i32>} : memref<128x128xf32, #tpu.memory_space<vmem>>, vector<16xf32>,
        %mul3A_879 = vector.broadcast %squeeze3A_839 : f32 to vector<16xf32>
        %mul3A_880 = arith.mulf %get3A_878, %mul3A_879 : vector<16xf32>
        %swap3A_881 = arith.index_cast %add3A_843 : i32 to index
        %swap3A_882 = arith.constant 64 : index
        %swap3A_883 = tpu.vector_load %arg12[%swap3A_881, %swap3A_882] {strides = array<i32>} : memref<128x128xf32, #tpu.memory_space<vmem>>, vector<16xf32>,
        tpu.vector_store %arg12[%swap3A_881, %swap3A_882], %mul3A_880 {strides = array<i32>} : memref<128x128xf32, #tpu.memory_space<vmem>>, vector<16xf32>,
        %get3A_884 = arith.index_cast %add3A_843 : i32 to index
        %get3A_885 = arith.constant 80 : index
        %get3A_886 = tpu.vector_load %arg12[%get3A_884, %get3A_885] {strides = array<i32>} : memref<128x128xf32, #tpu.memory_space<vmem>>, vector<16xf32>,
        %mul3A_887 = vector.broadcast %squeeze3A_839 : f32 to vector<16xf32>
        %mul3A_888 = arith.mulf %get3A_886, %mul3A_887 : vector<16xf32>
        %swap3A_889 = arith.index_cast %add3A_843 : i32 to index
        %swap3A_890 = arith.constant 80 : index
        %swap3A_891 = tpu.vector_load %arg12[%swap3A_889, %swap3A_890] {strides = array<i32>} : memref<128x128xf32, #tpu.memory_space<vmem>>, vector<16xf32>,
        tpu.vector_store %arg12[%swap3A_889, %swap3A_890], %mul3A_888 {strides = array<i32>} : memref<128x128xf32, #tpu.memory_space<vmem>>, vector<16xf32>,
        %get3A_892 = arith.index_cast %add3A_843 : i32 to index
        %get3A_893 = arith.constant 96 : index
        %get3A_894 = tpu.vector_load %arg12[%get3A_892, %get3A_893] {strides = array<i32>} : memref<128x128xf32, #tpu.memory_space<vmem>>, vector<16xf32>,
        %mul3A_895 = vector.broadcast %squeeze3A_839 : f32 to vector<16xf32>
        %mul3A_896 = arith.mulf %get3A_894, %mul3A_895 : vector<16xf32>
        %swap3A_897 = arith.index_cast %add3A_843 : i32 to index
        %swap3A_898 = arith.constant 96 : index
        %swap3A_899 = tpu.vector_load %arg12[%swap3A_897, %swap3A_898] {strides = array<i32>} : memref<128x128xf32, #tpu.memory_space<vmem>>, vector<16xf32>,
        tpu.vector_store %arg12[%swap3A_897, %swap3A_898], %mul3A_896 {strides = array<i32>} : memref<128x128xf32, #tpu.memory_space<vmem>>, vector<16xf32>,
        %get3A_900 = arith.index_cast %add3A_843 : i32 to index
        %get3A_901 = arith.constant 112 : index
        %get3A_902 = tpu.vector_load %arg12[%get3A_900, %get3A_901] {strides = array<i32>} : memref<128x128xf32, #tpu.memory_space<vmem>>, vector<16xf32>,
        %mul3A_903 = vector.broadcast %squeeze3A_839 : f32 to vector<16xf32>
        %mul3A_904 = arith.mulf %get3A_902, %mul3A_903 : vector<16xf32>
        %swap3A_905 = arith.index_cast %add3A_843 : i32 to index
        %swap3A_906 = arith.constant 112 : index
        %swap3A_907 = tpu.vector_load %arg12[%swap3A_905, %swap3A_906] {strides = array<i32>} : memref<128x128xf32, #tpu.memory_space<vmem>>, vector<16xf32>,
        tpu.vector_store %arg12[%swap3A_905, %swap3A_906], %mul3A_904 {strides = array<i32>} : memref<128x128xf32, #tpu.memory_space<vmem>>, vector<16xf32>,
        %slice3A_908 = vector.extract_strided_slice %mul3A_70 {offsets = [12], sizes = [1], strides = [1]} : vector<16xf32> to vector<1xf32>
        %squeeze3A_909 = vector.extract %slice3A_908[0] : f32 from vector<1xf32>
        %mul3A_910 = arith.constant 16 : i32
        %mul3A_911 = arith.muli %scan3A_59, %mul3A_910 : i32
        %add3A_912 = arith.constant 12 : i32
        %add3A_913 = arith.addi %mul3A_911, %add3A_912 : i32
        %get3A_914 = arith.index_cast %add3A_913 : i32 to index
        %get3A_915 = arith.constant 0 : index
        %get3A_916 = tpu.vector_load %arg12[%get3A_914, %get3A_915] {strides = array<i32>} : memref<128x128xf32, #tpu.memory_space<vmem>>, vector<16xf32>,
        %mul3A_917 = vector.broadcast %squeeze3A_909 : f32 to vector<16xf32>
        %mul3A_918 = arith.mulf %get3A_916, %mul3A_917 : vector<16xf32>
        %swap3A_919 = arith.index_cast %add3A_913 : i32 to index
        %swap3A_920 = arith.constant 0 : index
        %swap3A_921 = tpu.vector_load %arg12[%swap3A_919, %swap3A_920] {strides = array<i32>} : memref<128x128xf32, #tpu.memory_space<vmem>>, vector<16xf32>,
        tpu.vector_store %arg12[%swap3A_919, %swap3A_920], %mul3A_918 {strides = array<i32>} : memref<128x128xf32, #tpu.memory_space<vmem>>, vector<16xf32>,
        %get3A_922 = arith.index_cast %add3A_913 : i32 to index
        %get3A_923 = arith.constant 16 : index
        %get3A_924 = tpu.vector_load %arg12[%get3A_922, %get3A_923] {strides = array<i32>} : memref<128x128xf32, #tpu.memory_space<vmem>>, vector<16xf32>,
        %mul3A_925 = vector.broadcast %squeeze3A_909 : f32 to vector<16xf32>
        %mul3A_926 = arith.mulf %get3A_924, %mul3A_925 : vector<16xf32>
        %swap3A_927 = arith.index_cast %add3A_913 : i32 to index
        %swap3A_928 = arith.constant 16 : index
        %swap3A_929 = tpu.vector_load %arg12[%swap3A_927, %swap3A_928] {strides = array<i32>} : memref<128x128xf32, #tpu.memory_space<vmem>>, vector<16xf32>,
        tpu.vector_store %arg12[%swap3A_927, %swap3A_928], %mul3A_926 {strides = array<i32>} : memref<128x128xf32, #tpu.memory_space<vmem>>, vector<16xf32>,
        %get3A_930 = arith.index_cast %add3A_913 : i32 to index
        %get3A_931 = arith.constant 32 : index
        %get3A_932 = tpu.vector_load %arg12[%get3A_930, %get3A_931] {strides = array<i32>} : memref<128x128xf32, #tpu.memory_space<vmem>>, vector<16xf32>,
        %mul3A_933 = vector.broadcast %squeeze3A_909 : f32 to vector<16xf32>
        %mul3A_934 = arith.mulf %get3A_932, %mul3A_933 : vector<16xf32>
        %swap3A_935 = arith.index_cast %add3A_913 : i32 to index
        %swap3A_936 = arith.constant 32 : index
        %swap3A_937 = tpu.vector_load %arg12[%swap3A_935, %swap3A_936] {strides = array<i32>} : memref<128x128xf32, #tpu.memory_space<vmem>>, vector<16xf32>,
        tpu.vector_store %arg12[%swap3A_935, %swap3A_936], %mul3A_934 {strides = array<i32>} : memref<128x128xf32, #tpu.memory_space<vmem>>, vector<16xf32>,
        %get3A_938 = arith.index_cast %add3A_913 : i32 to index
        %get3A_939 = arith.constant 48 : index
        %get3A_940 = tpu.vector_load %arg12[%get3A_938, %get3A_939] {strides = array<i32>} : memref<128x128xf32, #tpu.memory_space<vmem>>, vector<16xf32>,
        %mul3A_941 = vector.broadcast %squeeze3A_909 : f32 to vector<16xf32>
        %mul3A_942 = arith.mulf %get3A_940, %mul3A_941 : vector<16xf32>
        %swap3A_943 = arith.index_cast %add3A_913 : i32 to index
        %swap3A_944 = arith.constant 48 : index
        %swap3A_945 = tpu.vector_load %arg12[%swap3A_943, %swap3A_944] {strides = array<i32>} : memref<128x128xf32, #tpu.memory_space<vmem>>, vector<16xf32>,
        tpu.vector_store %arg12[%swap3A_943, %swap3A_944], %mul3A_942 {strides = array<i32>} : memref<128x128xf32, #tpu.memory_space<vmem>>, vector<16xf32>,
        %get3A_946 = arith.index_cast %add3A_913 : i32 to index
        %get3A_947 = arith.constant 64 : index
        %get3A_948 = tpu.vector_load %arg12[%get3A_946, %get3A_947] {strides = array<i32>} : memref<128x128xf32, #tpu.memory_space<vmem>>, vector<16xf32>,
        %mul3A_949 = vector.broadcast %squeeze3A_909 : f32 to vector<16xf32>
        %mul3A_950 = arith.mulf %get3A_948, %mul3A_949 : vector<16xf32>
        %swap3A_951 = arith.index_cast %add3A_913 : i32 to index
        %swap3A_952 = arith.constant 64 : index
        %swap3A_953 = tpu.vector_load %arg12[%swap3A_951, %swap3A_952] {strides = array<i32>} : memref<128x128xf32, #tpu.memory_space<vmem>>, vector<16xf32>,
        tpu.vector_store %arg12[%swap3A_951, %swap3A_952], %mul3A_950 {strides = array<i32>} : memref<128x128xf32, #tpu.memory_space<vmem>>, vector<16xf32>,
        %get3A_954 = arith.index_cast %add3A_913 : i32 to index
        %get3A_955 = arith.constant 80 : index
        %get3A_956 = tpu.vector_load %arg12[%get3A_954, %get3A_955] {strides = array<i32>} : memref<128x128xf32, #tpu.memory_space<vmem>>, vector<16xf32>,
        %mul3A_957 = vector.broadcast %squeeze3A_909 : f32 to vector<16xf32>
        %mul3A_958 = arith.mulf %get3A_956, %mul3A_957 : vector<16xf32>
        %swap3A_959 = arith.index_cast %add3A_913 : i32 to index
        %swap3A_960 = arith.constant 80 : index
        %swap3A_961 = tpu.vector_load %arg12[%swap3A_959, %swap3A_960] {strides = array<i32>} : memref<128x128xf32, #tpu.memory_space<vmem>>, vector<16xf32>,
        tpu.vector_store %arg12[%swap3A_959, %swap3A_960], %mul3A_958 {strides = array<i32>} : memref<128x128xf32, #tpu.memory_space<vmem>>, vector<16xf32>,
        %get3A_962 = arith.index_cast %add3A_913 : i32 to index
        %get3A_963 = arith.constant 96 : index
        %get3A_964 = tpu.vector_load %arg12[%get3A_962, %get3A_963] {strides = array<i32>} : memref<128x128xf32, #tpu.memory_space<vmem>>, vector<16xf32>,
        %mul3A_965 = vector.broadcast %squeeze3A_909 : f32 to vector<16xf32>
        %mul3A_966 = arith.mulf %get3A_964, %mul3A_965 : vector<16xf32>
        %swap3A_967 = arith.index_cast %add3A_913 : i32 to index
        %swap3A_968 = arith.constant 96 : index
        %swap3A_969 = tpu.vector_load %arg12[%swap3A_967, %swap3A_968] {strides = array<i32>} : memref<128x128xf32, #tpu.memory_space<vmem>>, vector<16xf32>,
        tpu.vector_store %arg12[%swap3A_967, %swap3A_968], %mul3A_966 {strides = array<i32>} : memref<128x128xf32, #tpu.memory_space<vmem>>, vector<16xf32>,
        %get3A_970 = arith.index_cast %add3A_913 : i32 to index
        %get3A_971 = arith.constant 112 : index
        %get3A_972 = tpu.vector_load %arg12[%get3A_970, %get3A_971] {strides = array<i32>} : memref<128x128xf32, #tpu.memory_space<vmem>>, vector<16xf32>,
        %mul3A_973 = vector.broadcast %squeeze3A_909 : f32 to vector<16xf32>
        %mul3A_974 = arith.mulf %get3A_972, %mul3A_973 : vector<16xf32>
        %swap3A_975 = arith.index_cast %add3A_913 : i32 to index
        %swap3A_976 = arith.constant 112 : index
        %swap3A_977 = tpu.vector_load %arg12[%swap3A_975, %swap3A_976] {strides = array<i32>} : memref<128x128xf32, #tpu.memory_space<vmem>>, vector<16xf32>,
        tpu.vector_store %arg12[%swap3A_975, %swap3A_976], %mul3A_974 {strides = array<i32>} : memref<128x128xf32, #tpu.memory_space<vmem>>, vector<16xf32>,
        %slice3A_978 = vector.extract_strided_slice %mul3A_70 {offsets = [13], sizes = [1], strides = [1]} : vector<16xf32> to vector<1xf32>
        %squeeze3A_979 = vector.extract %slice3A_978[0] : f32 from vector<1xf32>
        %mul3A_980 = arith.constant 16 : i32
        %mul3A_981 = arith.muli %scan3A_59, %mul3A_980 : i32
        %add3A_982 = arith.constant 13 : i32
        %add3A_983 = arith.addi %mul3A_981, %add3A_982 : i32
        %get3A_984 = arith.index_cast %add3A_983 : i32 to index
        %get3A_985 = arith.constant 0 : index
        %get3A_986 = tpu.vector_load %arg12[%get3A_984, %get3A_985] {strides = array<i32>} : memref<128x128xf32, #tpu.memory_space<vmem>>, vector<16xf32>,
        %mul3A_987 = vector.broadcast %squeeze3A_979 : f32 to vector<16xf32>
        %mul3A_988 = arith.mulf %get3A_986, %mul3A_987 : vector<16xf32>
        %swap3A_989 = arith.index_cast %add3A_983 : i32 to index
        %swap3A_990 = arith.constant 0 : index
        %swap3A_991 = tpu.vector_load %arg12[%swap3A_989, %swap3A_990] {strides = array<i32>} : memref<128x128xf32, #tpu.memory_space<vmem>>, vector<16xf32>,
        tpu.vector_store %arg12[%swap3A_989, %swap3A_990], %mul3A_988 {strides = array<i32>} : memref<128x128xf32, #tpu.memory_space<vmem>>, vector<16xf32>,
        %get3A_992 = arith.index_cast %add3A_983 : i32 to index
        %get3A_993 = arith.constant 16 : index
        %get3A_994 = tpu.vector_load %arg12[%get3A_992, %get3A_993] {strides = array<i32>} : memref<128x128xf32, #tpu.memory_space<vmem>>, vector<16xf32>,
        %mul3A_995 = vector.broadcast %squeeze3A_979 : f32 to vector<16xf32>
        %mul3A_996 = arith.mulf %get3A_994, %mul3A_995 : vector<16xf32>
        %swap3A_997 = arith.index_cast %add3A_983 : i32 to index
        %swap3A_998 = arith.constant 16 : index
        %swap3A_999 = tpu.vector_load %arg12[%swap3A_997, %swap3A_998] {strides = array<i32>} : memref<128x128xf32, #tpu.memory_space<vmem>>, vector<16xf32>,
        tpu.vector_store %arg12[%swap3A_997, %swap3A_998], %mul3A_996 {strides = array<i32>} : memref<128x128xf32, #tpu.memory_space<vmem>>, vector<16xf32>,
        %get3A_1000 = arith.index_cast %add3A_983 : i32 to index
        %get3A_1001 = arith.constant 32 : index
        %get3A_1002 = tpu.vector_load %arg12[%get3A_1000, %get3A_1001] {strides = array<i32>} : memref<128x128xf32, #tpu.memory_space<vmem>>, vector<16xf32>,
        %mul3A_1003 = vector.broadcast %squeeze3A_979 : f32 to vector<16xf32>
        %mul3A_1004 = arith.mulf %get3A_1002, %mul3A_1003 : vector<16xf32>
        %swap3A_1005 = arith.index_cast %add3A_983 : i32 to index
        %swap3A_1006 = arith.constant 32 : index
        %swap3A_1007 = tpu.vector_load %arg12[%swap3A_1005, %swap3A_1006] {strides = array<i32>} : memref<128x128xf32, #tpu.memory_space<vmem>>, vector<16xf32>,
        tpu.vector_store %arg12[%swap3A_1005, %swap3A_1006], %mul3A_1004 {strides = array<i32>} : memref<128x128xf32, #tpu.memory_space<vmem>>, vector<16xf32>,
        %get3A_1008 = arith.index_cast %add3A_983 : i32 to index
        %get3A_1009 = arith.constant 48 : index
        %get3A_1010 = tpu.vector_load %arg12[%get3A_1008, %get3A_1009] {strides = array<i32>} : memref<128x128xf32, #tpu.memory_space<vmem>>, vector<16xf32>,
        %mul3A_1011 = vector.broadcast %squeeze3A_979 : f32 to vector<16xf32>
        %mul3A_1012 = arith.mulf %get3A_1010, %mul3A_1011 : vector<16xf32>
        %swap3A_1013 = arith.index_cast %add3A_983 : i32 to index
        %swap3A_1014 = arith.constant 48 : index
        %swap3A_1015 = tpu.vector_load %arg12[%swap3A_1013, %swap3A_1014] {strides = array<i32>} : memref<128x128xf32, #tpu.memory_space<vmem>>, vector<16xf32>,
        tpu.vector_store %arg12[%swap3A_1013, %swap3A_1014], %mul3A_1012 {strides = array<i32>} : memref<128x128xf32, #tpu.memory_space<vmem>>, vector<16xf32>,
        %get3A_1016 = arith.index_cast %add3A_983 : i32 to index
        %get3A_1017 = arith.constant 64 : index
        %get3A_1018 = tpu.vector_load %arg12[%get3A_1016, %get3A_1017] {strides = array<i32>} : memref<128x128xf32, #tpu.memory_space<vmem>>, vector<16xf32>,
        %mul3A_1019 = vector.broadcast %squeeze3A_979 : f32 to vector<16xf32>
        %mul3A_1020 = arith.mulf %get3A_1018, %mul3A_1019 : vector<16xf32>
        %swap3A_1021 = arith.index_cast %add3A_983 : i32 to index
        %swap3A_1022 = arith.constant 64 : index
        %swap3A_1023 = tpu.vector_load %arg12[%swap3A_1021, %swap3A_1022] {strides = array<i32>} : memref<128x128xf32, #tpu.memory_space<vmem>>, vector<16xf32>,
        tpu.vector_store %arg12[%swap3A_1021, %swap3A_1022], %mul3A_1020 {strides = array<i32>} : memref<128x128xf32, #tpu.memory_space<vmem>>, vector<16xf32>,
        %get3A_1024 = arith.index_cast %add3A_983 : i32 to index
        %get3A_1025 = arith.constant 80 : index
        %get3A_1026 = tpu.vector_load %arg12[%get3A_1024, %get3A_1025] {strides = array<i32>} : memref<128x128xf32, #tpu.memory_space<vmem>>, vector<16xf32>,
        %mul3A_1027 = vector.broadcast %squeeze3A_979 : f32 to vector<16xf32>
        %mul3A_1028 = arith.mulf %get3A_1026, %mul3A_1027 : vector<16xf32>
        %swap3A_1029 = arith.index_cast %add3A_983 : i32 to index
        %swap3A_1030 = arith.constant 80 : index
        %swap3A_1031 = tpu.vector_load %arg12[%swap3A_1029, %swap3A_1030] {strides = array<i32>} : memref<128x128xf32, #tpu.memory_space<vmem>>, vector<16xf32>,
        tpu.vector_store %arg12[%swap3A_1029, %swap3A_1030], %mul3A_1028 {strides = array<i32>} : memref<128x128xf32, #tpu.memory_space<vmem>>, vector<16xf32>,
        %get3A_1032 = arith.index_cast %add3A_983 : i32 to index
        %get3A_1033 = arith.constant 96 : index
        %get3A_1034 = tpu.vector_load %arg12[%get3A_1032, %get3A_1033] {strides = array<i32>} : memref<128x128xf32, #tpu.memory_space<vmem>>, vector<16xf32>,
        %mul3A_1035 = vector.broadcast %squeeze3A_979 : f32 to vector<16xf32>
        %mul3A_1036 = arith.mulf %get3A_1034, %mul3A_1035 : vector<16xf32>
        %swap3A_1037 = arith.index_cast %add3A_983 : i32 to index
        %swap3A_1038 = arith.constant 96 : index
        %swap3A_1039 = tpu.vector_load %arg12[%swap3A_1037, %swap3A_1038] {strides = array<i32>} : memref<128x128xf32, #tpu.memory_space<vmem>>, vector<16xf32>,
        tpu.vector_store %arg12[%swap3A_1037, %swap3A_1038], %mul3A_1036 {strides = array<i32>} : memref<128x128xf32, #tpu.memory_space<vmem>>, vector<16xf32>,
        %get3A_1040 = arith.index_cast %add3A_983 : i32 to index
        %get3A_1041 = arith.constant 112 : index
        %get3A_1042 = tpu.vector_load %arg12[%get3A_1040, %get3A_1041] {strides = array<i32>} : memref<128x128xf32, #tpu.memory_space<vmem>>, vector<16xf32>,
        %mul3A_1043 = vector.broadcast %squeeze3A_979 : f32 to vector<16xf32>
        %mul3A_1044 = arith.mulf %get3A_1042, %mul3A_1043 : vector<16xf32>
        %swap3A_1045 = arith.index_cast %add3A_983 : i32 to index
        %swap3A_1046 = arith.constant 112 : index
        %swap3A_1047 = tpu.vector_load %arg12[%swap3A_1045, %swap3A_1046] {strides = array<i32>} : memref<128x128xf32, #tpu.memory_space<vmem>>, vector<16xf32>,
        tpu.vector_store %arg12[%swap3A_1045, %swap3A_1046], %mul3A_1044 {strides = array<i32>} : memref<128x128xf32, #tpu.memory_space<vmem>>, vector<16xf32>,
        %slice3A_1048 = vector.extract_strided_slice %mul3A_70 {offsets = [14], sizes = [1], strides = [1]} : vector<16xf32> to vector<1xf32>
        %squeeze3A_1049 = vector.extract %slice3A_1048[0] : f32 from vector<1xf32>
        %mul3A_1050 = arith.constant 16 : i32
        %mul3A_1051 = arith.muli %scan3A_59, %mul3A_1050 : i32
        %add3A_1052 = arith.constant 14 : i32
        %add3A_1053 = arith.addi %mul3A_1051, %add3A_1052 : i32
        %get3A_1054 = arith.index_cast %add3A_1053 : i32 to index
        %get3A_1055 = arith.constant 0 : index
        %get3A_1056 = tpu.vector_load %arg12[%get3A_1054, %get3A_1055] {strides = array<i32>} : memref<128x128xf32, #tpu.memory_space<vmem>>, vector<16xf32>,
        %mul3A_1057 = vector.broadcast %squeeze3A_1049 : f32 to vector<16xf32>
        %mul3A_1058 = arith.mulf %get3A_1056, %mul3A_1057 : vector<16xf32>
        %swap3A_1059 = arith.index_cast %add3A_1053 : i32 to index
        %swap3A_1060 = arith.constant 0 : index
        %swap3A_1061 = tpu.vector_load %arg12[%swap3A_1059, %swap3A_1060] {strides = array<i32>} : memref<128x128xf32, #tpu.memory_space<vmem>>, vector<16xf32>,
        tpu.vector_store %arg12[%swap3A_1059, %swap3A_1060], %mul3A_1058 {strides = array<i32>} : memref<128x128xf32, #tpu.memory_space<vmem>>, vector<16xf32>,
        %get3A_1062 = arith.index_cast %add3A_1053 : i32 to index
        %get3A_1063 = arith.constant 16 : index
        %get3A_1064 = tpu.vector_load %arg12[%get3A_1062, %get3A_1063] {strides = array<i32>} : memref<128x128xf32, #tpu.memory_space<vmem>>, vector<16xf32>,
        %mul3A_1065 = vector.broadcast %squeeze3A_1049 : f32 to vector<16xf32>
        %mul3A_1066 = arith.mulf %get3A_1064, %mul3A_1065 : vector<16xf32>
        %swap3A_1067 = arith.index_cast %add3A_1053 : i32 to index
        %swap3A_1068 = arith.constant 16 : index
        %swap3A_1069 = tpu.vector_load %arg12[%swap3A_1067, %swap3A_1068] {strides = array<i32>} : memref<128x128xf32, #tpu.memory_space<vmem>>, vector<16xf32>,
        tpu.vector_store %arg12[%swap3A_1067, %swap3A_1068], %mul3A_1066 {strides = array<i32>} : memref<128x128xf32, #tpu.memory_space<vmem>>, vector<16xf32>,
        %get3A_1070 = arith.index_cast %add3A_1053 : i32 to index
        %get3A_1071 = arith.constant 32 : index
        %get3A_1072 = tpu.vector_load %arg12[%get3A_1070, %get3A_1071] {strides = array<i32>} : memref<128x128xf32, #tpu.memory_space<vmem>>, vector<16xf32>,
        %mul3A_1073 = vector.broadcast %squeeze3A_1049 : f32 to vector<16xf32>
        %mul3A_1074 = arith.mulf %get3A_1072, %mul3A_1073 : vector<16xf32>
        %swap3A_1075 = arith.index_cast %add3A_1053 : i32 to index
        %swap3A_1076 = arith.constant 32 : index
        %swap3A_1077 = tpu.vector_load %arg12[%swap3A_1075, %swap3A_1076] {strides = array<i32>} : memref<128x128xf32, #tpu.memory_space<vmem>>, vector<16xf32>,
        tpu.vector_store %arg12[%swap3A_1075, %swap3A_1076], %mul3A_1074 {strides = array<i32>} : memref<128x128xf32, #tpu.memory_space<vmem>>, vector<16xf32>,
        %get3A_1078 = arith.index_cast %add3A_1053 : i32 to index
        %get3A_1079 = arith.constant 48 : index
        %get3A_1080 = tpu.vector_load %arg12[%get3A_1078, %get3A_1079] {strides = array<i32>} : memref<128x128xf32, #tpu.memory_space<vmem>>, vector<16xf32>,
        %mul3A_1081 = vector.broadcast %squeeze3A_1049 : f32 to vector<16xf32>
        %mul3A_1082 = arith.mulf %get3A_1080, %mul3A_1081 : vector<16xf32>
        %swap3A_1083 = arith.index_cast %add3A_1053 : i32 to index
        %swap3A_1084 = arith.constant 48 : index
        %swap3A_1085 = tpu.vector_load %arg12[%swap3A_1083, %swap3A_1084] {strides = array<i32>} : memref<128x128xf32, #tpu.memory_space<vmem>>, vector<16xf32>,
        tpu.vector_store %arg12[%swap3A_1083, %swap3A_1084], %mul3A_1082 {strides = array<i32>} : memref<128x128xf32, #tpu.memory_space<vmem>>, vector<16xf32>,
        %get3A_1086 = arith.index_cast %add3A_1053 : i32 to index
        %get3A_1087 = arith.constant 64 : index
        %get3A_1088 = tpu.vector_load %arg12[%get3A_1086, %get3A_1087] {strides = array<i32>} : memref<128x128xf32, #tpu.memory_space<vmem>>, vector<16xf32>,
        %mul3A_1089 = vector.broadcast %squeeze3A_1049 : f32 to vector<16xf32>
        %mul3A_1090 = arith.mulf %get3A_1088, %mul3A_1089 : vector<16xf32>
        %swap3A_1091 = arith.index_cast %add3A_1053 : i32 to index
        %swap3A_1092 = arith.constant 64 : index
        %swap3A_1093 = tpu.vector_load %arg12[%swap3A_1091, %swap3A_1092] {strides = array<i32>} : memref<128x128xf32, #tpu.memory_space<vmem>>, vector<16xf32>,
        tpu.vector_store %arg12[%swap3A_1091, %swap3A_1092], %mul3A_1090 {strides = array<i32>} : memref<128x128xf32, #tpu.memory_space<vmem>>, vector<16xf32>,
        %get3A_1094 = arith.index_cast %add3A_1053 : i32 to index
        %get3A_1095 = arith.constant 80 : index
        %get3A_1096 = tpu.vector_load %arg12[%get3A_1094, %get3A_1095] {strides = array<i32>} : memref<128x128xf32, #tpu.memory_space<vmem>>, vector<16xf32>,
        %mul3A_1097 = vector.broadcast %squeeze3A_1049 : f32 to vector<16xf32>
        %mul3A_1098 = arith.mulf %get3A_1096, %mul3A_1097 : vector<16xf32>
        %swap3A_1099 = arith.index_cast %add3A_1053 : i32 to index
        %swap3A_1100 = arith.constant 80 : index
        %swap3A_1101 = tpu.vector_load %arg12[%swap3A_1099, %swap3A_1100] {strides = array<i32>} : memref<128x128xf32, #tpu.memory_space<vmem>>, vector<16xf32>,
        tpu.vector_store %arg12[%swap3A_1099, %swap3A_1100], %mul3A_1098 {strides = array<i32>} : memref<128x128xf32, #tpu.memory_space<vmem>>, vector<16xf32>,
        %get3A_1102 = arith.index_cast %add3A_1053 : i32 to index
        %get3A_1103 = arith.constant 96 : index
        %get3A_1104 = tpu.vector_load %arg12[%get3A_1102, %get3A_1103] {strides = array<i32>} : memref<128x128xf32, #tpu.memory_space<vmem>>, vector<16xf32>,
        %mul3A_1105 = vector.broadcast %squeeze3A_1049 : f32 to vector<16xf32>
        %mul3A_1106 = arith.mulf %get3A_1104, %mul3A_1105 : vector<16xf32>
        %swap3A_1107 = arith.index_cast %add3A_1053 : i32 to index
        %swap3A_1108 = arith.constant 96 : index
        %swap3A_1109 = tpu.vector_load %arg12[%swap3A_1107, %swap3A_1108] {strides = array<i32>} : memref<128x128xf32, #tpu.memory_space<vmem>>, vector<16xf32>,
        tpu.vector_store %arg12[%swap3A_1107, %swap3A_1108], %mul3A_1106 {strides = array<i32>} : memref<128x128xf32, #tpu.memory_space<vmem>>, vector<16xf32>,
        %get3A_1110 = arith.index_cast %add3A_1053 : i32 to index
        %get3A_1111 = arith.constant 112 : index
        %get3A_1112 = tpu.vector_load %arg12[%get3A_1110, %get3A_1111] {strides = array<i32>} : memref<128x128xf32, #tpu.memory_space<vmem>>, vector<16xf32>,
        %mul3A_1113 = vector.broadcast %squeeze3A_1049 : f32 to vector<16xf32>
        %mul3A_1114 = arith.mulf %get3A_1112, %mul3A_1113 : vector<16xf32>
        %swap3A_1115 = arith.index_cast %add3A_1053 : i32 to index
        %swap3A_1116 = arith.constant 112 : index
        %swap3A_1117 = tpu.vector_load %arg12[%swap3A_1115, %swap3A_1116] {strides = array<i32>} : memref<128x128xf32, #tpu.memory_space<vmem>>, vector<16xf32>,
        tpu.vector_store %arg12[%swap3A_1115, %swap3A_1116], %mul3A_1114 {strides = array<i32>} : memref<128x128xf32, #tpu.memory_space<vmem>>, vector<16xf32>,
        %slice3A_1118 = vector.extract_strided_slice %mul3A_70 {offsets = [15], sizes = [1], strides = [1]} : vector<16xf32> to vector<1xf32>
        %squeeze3A_1119 = vector.extract %slice3A_1118[0] : f32 from vector<1xf32>
        %mul3A_1120 = arith.constant 16 : i32
        %mul3A_1121 = arith.muli %scan3A_59, %mul3A_1120 : i32
        %add3A_1122 = arith.constant 15 : i32
        %add3A_1123 = arith.addi %mul3A_1121, %add3A_1122 : i32
        %get3A_1124 = arith.index_cast %add3A_1123 : i32 to index
        %get3A_1125 = arith.constant 0 : index
        %get3A_1126 = tpu.vector_load %arg12[%get3A_1124, %get3A_1125] {strides = array<i32>} : memref<128x128xf32, #tpu.memory_space<vmem>>, vector<16xf32>,
        %mul3A_1127 = vector.broadcast %squeeze3A_1119 : f32 to vector<16xf32>
        %mul3A_1128 = arith.mulf %get3A_1126, %mul3A_1127 : vector<16xf32>
        %swap3A_1129 = arith.index_cast %add3A_1123 : i32 to index
        %swap3A_1130 = arith.constant 0 : index
        %swap3A_1131 = tpu.vector_load %arg12[%swap3A_1129, %swap3A_1130] {strides = array<i32>} : memref<128x128xf32, #tpu.memory_space<vmem>>, vector<16xf32>,
        tpu.vector_store %arg12[%swap3A_1129, %swap3A_1130], %mul3A_1128 {strides = array<i32>} : memref<128x128xf32, #tpu.memory_space<vmem>>, vector<16xf32>,
        %get3A_1132 = arith.index_cast %add3A_1123 : i32 to index
        %get3A_1133 = arith.constant 16 : index
        %get3A_1134 = tpu.vector_load %arg12[%get3A_1132, %get3A_1133] {strides = array<i32>} : memref<128x128xf32, #tpu.memory_space<vmem>>, vector<16xf32>,
        %mul3A_1135 = vector.broadcast %squeeze3A_1119 : f32 to vector<16xf32>
        %mul3A_1136 = arith.mulf %get3A_1134, %mul3A_1135 : vector<16xf32>
        %swap3A_1137 = arith.index_cast %add3A_1123 : i32 to index
        %swap3A_1138 = arith.constant 16 : index
        %swap3A_1139 = tpu.vector_load %arg12[%swap3A_1137, %swap3A_1138] {strides = array<i32>} : memref<128x128xf32, #tpu.memory_space<vmem>>, vector<16xf32>,
        tpu.vector_store %arg12[%swap3A_1137, %swap3A_1138], %mul3A_1136 {strides = array<i32>} : memref<128x128xf32, #tpu.memory_space<vmem>>, vector<16xf32>,
        %get3A_1140 = arith.index_cast %add3A_1123 : i32 to index
        %get3A_1141 = arith.constant 32 : index
        %get3A_1142 = tpu.vector_load %arg12[%get3A_1140, %get3A_1141] {strides = array<i32>} : memref<128x128xf32, #tpu.memory_space<vmem>>, vector<16xf32>,
        %mul3A_1143 = vector.broadcast %squeeze3A_1119 : f32 to vector<16xf32>
        %mul3A_1144 = arith.mulf %get3A_1142, %mul3A_1143 : vector<16xf32>
        %swap3A_1145 = arith.index_cast %add3A_1123 : i32 to index
        %swap3A_1146 = arith.constant 32 : index
        %swap3A_1147 = tpu.vector_load %arg12[%swap3A_1145, %swap3A_1146] {strides = array<i32>} : memref<128x128xf32, #tpu.memory_space<vmem>>, vector<16xf32>,
        tpu.vector_store %arg12[%swap3A_1145, %swap3A_1146], %mul3A_1144 {strides = array<i32>} : memref<128x128xf32, #tpu.memory_space<vmem>>, vector<16xf32>,
        %get3A_1148 = arith.index_cast %add3A_1123 : i32 to index
        %get3A_1149 = arith.constant 48 : index
        %get3A_1150 = tpu.vector_load %arg12[%get3A_1148, %get3A_1149] {strides = array<i32>} : memref<128x128xf32, #tpu.memory_space<vmem>>, vector<16xf32>,
        %mul3A_1151 = vector.broadcast %squeeze3A_1119 : f32 to vector<16xf32>
        %mul3A_1152 = arith.mulf %get3A_1150, %mul3A_1151 : vector<16xf32>
        %swap3A_1153 = arith.index_cast %add3A_1123 : i32 to index
        %swap3A_1154 = arith.constant 48 : index
        %swap3A_1155 = tpu.vector_load %arg12[%swap3A_1153, %swap3A_1154] {strides = array<i32>} : memref<128x128xf32, #tpu.memory_space<vmem>>, vector<16xf32>,
        tpu.vector_store %arg12[%swap3A_1153, %swap3A_1154], %mul3A_1152 {strides = array<i32>} : memref<128x128xf32, #tpu.memory_space<vmem>>, vector<16xf32>,
        %get3A_1156 = arith.index_cast %add3A_1123 : i32 to index
        %get3A_1157 = arith.constant 64 : index
        %get3A_1158 = tpu.vector_load %arg12[%get3A_1156, %get3A_1157] {strides = array<i32>} : memref<128x128xf32, #tpu.memory_space<vmem>>, vector<16xf32>,
        %mul3A_1159 = vector.broadcast %squeeze3A_1119 : f32 to vector<16xf32>
        %mul3A_1160 = arith.mulf %get3A_1158, %mul3A_1159 : vector<16xf32>
        %swap3A_1161 = arith.index_cast %add3A_1123 : i32 to index
        %swap3A_1162 = arith.constant 64 : index
        %swap3A_1163 = tpu.vector_load %arg12[%swap3A_1161, %swap3A_1162] {strides = array<i32>} : memref<128x128xf32, #tpu.memory_space<vmem>>, vector<16xf32>,
        tpu.vector_store %arg12[%swap3A_1161, %swap3A_1162], %mul3A_1160 {strides = array<i32>} : memref<128x128xf32, #tpu.memory_space<vmem>>, vector<16xf32>,
        %get3A_1164 = arith.index_cast %add3A_1123 : i32 to index
        %get3A_1165 = arith.constant 80 : index
        %get3A_1166 = tpu.vector_load %arg12[%get3A_1164, %get3A_1165] {strides = array<i32>} : memref<128x128xf32, #tpu.memory_space<vmem>>, vector<16xf32>,
        %mul3A_1167 = vector.broadcast %squeeze3A_1119 : f32 to vector<16xf32>
        %mul3A_1168 = arith.mulf %get3A_1166, %mul3A_1167 : vector<16xf32>
        %swap3A_1169 = arith.index_cast %add3A_1123 : i32 to index
        %swap3A_1170 = arith.constant 80 : index
        %swap3A_1171 = tpu.vector_load %arg12[%swap3A_1169, %swap3A_1170] {strides = array<i32>} : memref<128x128xf32, #tpu.memory_space<vmem>>, vector<16xf32>,
        tpu.vector_store %arg12[%swap3A_1169, %swap3A_1170], %mul3A_1168 {strides = array<i32>} : memref<128x128xf32, #tpu.memory_space<vmem>>, vector<16xf32>,
        %get3A_1172 = arith.index_cast %add3A_1123 : i32 to index
        %get3A_1173 = arith.constant 96 : index
        %get3A_1174 = tpu.vector_load %arg12[%get3A_1172, %get3A_1173] {strides = array<i32>} : memref<128x128xf32, #tpu.memory_space<vmem>>, vector<16xf32>,
        %mul3A_1175 = vector.broadcast %squeeze3A_1119 : f32 to vector<16xf32>
        %mul3A_1176 = arith.mulf %get3A_1174, %mul3A_1175 : vector<16xf32>
        %swap3A_1177 = arith.index_cast %add3A_1123 : i32 to index
        %swap3A_1178 = arith.constant 96 : index
        %swap3A_1179 = tpu.vector_load %arg12[%swap3A_1177, %swap3A_1178] {strides = array<i32>} : memref<128x128xf32, #tpu.memory_space<vmem>>, vector<16xf32>,
        tpu.vector_store %arg12[%swap3A_1177, %swap3A_1178], %mul3A_1176 {strides = array<i32>} : memref<128x128xf32, #tpu.memory_space<vmem>>, vector<16xf32>,
        %get3A_1180 = arith.index_cast %add3A_1123 : i32 to index
        %get3A_1181 = arith.constant 112 : index
        %get3A_1182 = tpu.vector_load %arg12[%get3A_1180, %get3A_1181] {strides = array<i32>} : memref<128x128xf32, #tpu.memory_space<vmem>>, vector<16xf32>,
        %mul3A_1183 = vector.broadcast %squeeze3A_1119 : f32 to vector<16xf32>
        %mul3A_1184 = arith.mulf %get3A_1182, %mul3A_1183 : vector<16xf32>
        %swap3A_1185 = arith.index_cast %add3A_1123 : i32 to index
        %swap3A_1186 = arith.constant 112 : index
        %swap3A_1187 = tpu.vector_load %arg12[%swap3A_1185, %swap3A_1186] {strides = array<i32>} : memref<128x128xf32, #tpu.memory_space<vmem>>, vector<16xf32>,
        tpu.vector_store %arg12[%swap3A_1185, %swap3A_1186], %mul3A_1184 {strides = array<i32>} : memref<128x128xf32, #tpu.memory_space<vmem>>, vector<16xf32>,
        %scan3A_1188 = arith.constant 0 : i32
        scf.yield %scan3A_1188 : i32
      }
      %scan3A_57 = arith.constant 8 : i32
      "tpu.region"() ({
        %run_scoped3A_59 = tpu.sem_alloc : memref<!tpu.dma_semaphore, #tpu.memory_space<semaphore_mem>>
        %dma_start3A_60 = arith.constant 0 : i32
        %dma_start3A_61 = arith.constant 0 : i32
        %dma_start3A_62 = tpu.memref_slice %arg13[%dma_start3A_60, %dma_start3A_61] : memref<10240x128xf32, #tpu.memory_space<vmem_shared>> -> memref<10240x128xf32, #tpu.memory_space<vmem_shared>>
        tpu.enqueue_indirect_dma source(%arg12 : memref<128x128xf32, #tpu.memory_space<vmem>>) target(%dma_start3A_62 : memref<10240x128xf32, #tpu.memory_space<vmem_shared>>) offsets(%arg10 : memref<128xi32, #tpu.memory_space<vmem>>) semaphore(%run_scoped3A_59 : memref<!tpu.dma_semaphore, #tpu.memory_space<semaphore_mem>>) {add = true}
        %dma_wait3A_63 = arith.constant 0 : i32
        %dma_wait3A_64 = arith.constant 0 : i32
        %dma_wait3A_65 = tpu.memref_slice %arg13[%dma_wait3A_63, %dma_wait3A_64] : memref<10240x128xf32, #tpu.memory_space<vmem_shared>> -> memref<10240x128xf32, #tpu.memory_space<vmem_shared>>
        tpu.wait_indirect_dma semaphore(%run_scoped3A_59 : memref<!tpu.dma_semaphore, #tpu.memory_space<semaphore_mem>>) src(%arg12 : memref<128x128xf32, #tpu.memory_space<vmem>>) dst(%dma_wait3A_65 : memref<10240x128xf32, #tpu.memory_space<vmem_shared>>)
        tpu.yield
      }) : () -> ()
      %scan3A_58 = arith.constant 0 : i32
      scf.yield %scan3A_58 : i32
    }
    %scan3A_34 = arith.constant 81 : i32
    %barrier3A_35 = arith.constant 0 : index
    tpu.barrier barrier_id(%barrier3A_35)
    %mul3A_36 = arith.constant 640 : i32
    %mul3A_37 = arith.muli %arg1, %mul3A_36 : i32
    %mul3A_38 = arith.constant 640 : i32
    %mul3A_39 = arith.muli %arg1, %mul3A_38 : i32
    "tpu.region"() ({
      %run_scoped3A_40 = tpu.sem_alloc : memref<!tpu.dma_semaphore, #tpu.memory_space<semaphore_mem>>
      %dma_start3A = arith.constant 0 : i32
      %dma_start3A_41 = tpu.memref_slice %arg7[%arg0, %mul3A_39, %dma_start3A] : memref<2x10240x128xf32, #tpu.memory_space<hbm>> -> memref<1x640x128xf32, #tpu.memory_space<hbm>>
      %dma_start3A_42 = tpu.memref_squeeze %dma_start3A_41 : memref<1x640x128xf32, #tpu.memory_space<hbm>> -> memref<640x128xf32, #tpu.memory_space<hbm>>
      %dma_start3A_43 = arith.constant 0 : i32
      %dma_start3A_44 = tpu.memref_slice %arg13[%mul3A_37, %dma_start3A_43] : memref<10240x128xf32, #tpu.memory_space<vmem_shared>> -> memref<640x128xf32, #tpu.memory_space<vmem_shared>>
      tpu.enqueue_dma source(%dma_start3A_44 : memref<640x128xf32, #tpu.memory_space<vmem_shared>>) target(%dma_start3A_42 : memref<640x128xf32, #tpu.memory_space<hbm>>) target_semaphore(%run_scoped3A_40 : memref<!tpu.dma_semaphore, #tpu.memory_space<semaphore_mem>>)
      %dma_wait3A = arith.constant 0 : i32
      %dma_wait3A_45 = tpu.memref_slice %arg7[%arg0, %mul3A_39, %dma_wait3A] : memref<2x10240x128xf32, #tpu.memory_space<hbm>> -> memref<1x640x128xf32, #tpu.memory_space<hbm>>
      %dma_wait3A_46 = tpu.memref_squeeze %dma_wait3A_45 : memref<1x640x128xf32, #tpu.memory_space<hbm>> -> memref<640x128xf32, #tpu.memory_space<hbm>>
      %dma_wait3A_47 = arith.constant 0 : i32
      %dma_wait3A_48 = tpu.memref_slice %arg13[%mul3A_37, %dma_wait3A_47] : memref<10240x128xf32, #tpu.memory_space<vmem_shared>> -> memref<640x128xf32, #tpu.memory_space<vmem_shared>>
      tpu.wait_dma2 semaphore(%run_scoped3A_40 : memref<!tpu.dma_semaphore, #tpu.memory_space<semaphore_mem>>) src(%dma_wait3A_48 : memref<640x128xf32, #tpu.memory_space<vmem_shared>>) dst(%dma_wait3A_46 : memref<640x128xf32, #tpu.memory_space<hbm>>)
      tpu.yield
    }) : () -> ()
    return
  }
}

module attributes {stable_mosaic.version = 14 : i64} {
  func.func @body(%arg0: i32, %arg1: memref<1024x128xf32, #tpu.memory_space<vmem>>, %arg2: memref<128x128xf32, #tpu.memory_space<vmem>>, %arg3: memref<1024x128xf32, #tpu.memory_space<vmem>>) attributes {dimension_semantics = [#tpu.dimension_semantics<arbitrary>], iteration_bounds = array<i64: 10>, scalar_prefetch = 0 : i64, scratch_operands = 0 : i64, tpu.core_type = #tpu.core_type<tc>, window_params = [{transform_indices = @transform_0, window_bounds = array<i64: 1024, 128>}, {pipeline_mode = #tpu.pipeline_mode<synchronous>, transform_indices = @transform_1, window_bounds = array<i64: 128, 128>}, {transform_indices = @transform_2, window_bounds = array<i64: 1024, 128>}]} {
    %get3A = arith.constant 0 : index
    %get3A_0 = arith.constant 0 : index
    %get3A_1 = vector.load %arg1[%get3A, %get3A_0] : memref<1024x128xf32, #tpu.memory_space<vmem>>, vector<1024x128xf32>
    %get3A_2 = arith.constant 0 : index
    %get3A_3 = arith.constant 0 : index
    %get3A_4 = vector.load %arg2[%get3A_2, %get3A_3] : memref<128x128xf32, #tpu.memory_space<vmem>>, vector<128x128xf32>
    %dot_general3A = arith.constant dense<0.000000e+00> : vector<1024x128xf32>
    %dot_general3A_5 = tpu.matmul %get3A_1, %get3A_4, %dot_general3A {dimension_numbers = #tpu.dot_dimension_numbers<[1], [0], [0], [1], [0, 0, 1, 1], [], []>, transpose_lhs_hint = false} : vector<1024x128xf32>, vector<128x128xf32>, vector<1024x128xf32> -> vector<1024x128xf32>
    %swap3A = arith.constant 0 : index
    %swap3A_6 = arith.constant 0 : index
    %swap3A_7 = vector.load %arg3[%swap3A, %swap3A_6] : memref<1024x128xf32, #tpu.memory_space<vmem>>, vector<1024x128xf32>
    tpu.vector_store %arg3[%swap3A, %swap3A_6], %dot_general3A_5 {strides = array<i32>} : memref<1024x128xf32, #tpu.memory_space<vmem>>, vector<1024x128xf32>,
    return
  }
  func.func @transform_0(%arg0: i32) -> (i32, i32) {
    %c0_i32 = arith.constant 0 : i32
    %c0_i32_0 = arith.constant 0 : i32
    return %arg0, %c0_i32 : i32, i32
  }
  func.func @transform_1(%arg0: i32) -> (i32, i32) {
    %c0_i32 = arith.constant 0 : i32
    %c0_i32_0 = arith.constant 0 : i32
    %c0_i32_1 = arith.constant 0 : i32
    return %c0_i32, %c0_i32_0 : i32, i32
  }
  func.func @transform_2(%arg0: i32) -> (i32, i32) {
    %c0_i32 = arith.constant 0 : i32
    %c0_i32_0 = arith.constant 0 : i32
    return %arg0, %c0_i32 : i32, i32
  }
}

module attributes {stable_mosaic.version = 14 : i64} {
  func.func @body(%arg0: memref<2x10240x16xf32, #tpu.memory_space<vmem>>, %arg1: memref<1x10240xf32, #tpu.memory_space<vmem>>) attributes {dimension_semantics = [], scalar_prefetch = 0 : i64, scratch_operands = 0 : i64, tpu.core_type = #tpu.core_type<tc>} {
    %get3A = arith.constant 0 : index
    %get3A_0 = arith.constant 0 : index
    %get3A_1 = arith.constant 0 : index
    %get3A_2 = vector.load %arg0[%get3A, %get3A_0, %get3A_1] : memref<2x10240x16xf32, #tpu.memory_space<vmem>>, vector<2x10240x16xf32>
    %slice3A = vector.extract_strided_slice %get3A_2 {offsets = [0, 0, 0], sizes = [1, 10240, 1], strides = [1, 1, 1]} : vector<2x10240x16xf32> to vector<1x10240x1xf32>
    %squeeze3A = vector.shape_cast %slice3A : vector<1x10240x1xf32> to vector<10240xf32>
    %slice3A_3 = vector.extract_strided_slice %get3A_2 {offsets = [1, 0, 0], sizes = [1, 10240, 1], strides = [1, 1, 1]} : vector<2x10240x16xf32> to vector<1x10240x1xf32>
    %squeeze3A_4 = vector.shape_cast %slice3A_3 : vector<1x10240x1xf32> to vector<10240xf32>
    %add3A = arith.addf %squeeze3A, %squeeze3A_4 : vector<10240xf32>
    %reshape3A = vector.shape_cast %add3A : vector<10240xf32> to vector<1x10240xf32>
    %gt3A = arith.constant 0.000000e+00 : f32
    %gt3A_5 = vector.broadcast %gt3A : f32 to vector<1x10240xf32>
    %gt3A_6 = arith.cmpf ogt, %reshape3A, %gt3A_5 : vector<1x10240xf32>
    %max3A = arith.constant 9.99999996E-13 : f32
    %max3A_7 = vector.broadcast %max3A : f32 to vector<1x10240xf32>
    %max3A_8 = arith.maximumf %reshape3A, %max3A_7 : vector<1x10240xf32>
    %rsqrt3A = math.rsqrt %max3A_8 : vector<1x10240xf32>
    %jit3A = arith.constant 0.000000e+00 : f32
    %broadcast_in_dim3A = vector.broadcast %jit3A : f32 to vector<1x10240xf32>
    %select_n3A = arith.select %gt3A_6, %rsqrt3A, %broadcast_in_dim3A : vector<1x10240xi1>, vector<1x10240xf32>
    %swap3A = arith.constant 0 : index
    %swap3A_9 = arith.constant 0 : index
    %swap3A_10 = vector.load %arg1[%swap3A, %swap3A_9] : memref<1x10240xf32, #tpu.memory_space<vmem>>, vector<1x10240xf32>
    tpu.vector_store %arg1[%swap3A, %swap3A_9], %select_n3A {strides = array<i32>} : memref<1x10240xf32, #tpu.memory_space<vmem>>, vector<1x10240xf32>,
    return
  }
}

module attributes {stable_mosaic.version = 14 : i64} {
  func.func @body(%arg0: i32, %arg1: memref<1024x128xf32, #tpu.memory_space<vmem>>, %arg2: memref<1024x128xf32, #tpu.memory_space<vmem>>, %arg3: memref<1x128xf32, #tpu.memory_space<vmem>>, %arg4: memref<128x128xf32, #tpu.memory_space<vmem>>, %arg5: memref<1024x128xf32, #tpu.memory_space<vmem>>, %arg6: memref<1024x128xf32, #tpu.memory_space<vmem>>) attributes {dimension_semantics = [#tpu.dimension_semantics<arbitrary>], iteration_bounds = array<i64: 10>, scalar_prefetch = 0 : i64, scratch_operands = 0 : i64, tpu.core_type = #tpu.core_type<tc>, window_params = [{transform_indices = @transform_0, window_bounds = array<i64: 1024, 128>}, {transform_indices = @transform_1, window_bounds = array<i64: 1024, 128>}, {pipeline_mode = #tpu.pipeline_mode<synchronous>, transform_indices = @transform_2, window_bounds = array<i64: 1, 128>}, {pipeline_mode = #tpu.pipeline_mode<synchronous>, transform_indices = @transform_3, window_bounds = array<i64: 128, 128>}, {transform_indices = @transform_4, window_bounds = array<i64: 1024, 128>}, {transform_indices = @transform_5, window_bounds = array<i64: 1024, 128>}]} {
    %get3A = arith.constant 0 : index
    %get3A_0 = arith.constant 0 : index
    %get3A_1 = vector.load %arg1[%get3A, %get3A_0] : memref<1024x128xf32, #tpu.memory_space<vmem>>, vector<1024x128xf32>
    %get3A_2 = arith.constant 0 : index
    %get3A_3 = arith.constant 0 : index
    %get3A_4 = vector.load %arg2[%get3A_2, %get3A_3] : memref<1024x128xf32, #tpu.memory_space<vmem>>, vector<1024x128xf32>
    %add3A = arith.addf %get3A_1, %get3A_4 : vector<1024x128xf32>
    %get3A_5 = arith.constant 0 : index
    %get3A_6 = arith.constant 0 : index
    %get3A_7 = vector.load %arg3[%get3A_5, %get3A_6] : memref<1x128xf32, #tpu.memory_space<vmem>>, vector<1x128xf32>
    %add3A_8 = vector.broadcast %get3A_7 : vector<1x128xf32> to vector<1024x128xf32>
    %add3A_9 = arith.addf %add3A, %add3A_8 : vector<1024x128xf32>
    %swap3A = arith.constant 0 : index
    %swap3A_10 = arith.constant 0 : index
    %swap3A_11 = vector.load %arg5[%swap3A, %swap3A_10] : memref<1024x128xf32, #tpu.memory_space<vmem>>, vector<1024x128xf32>
    tpu.vector_store %arg5[%swap3A, %swap3A_10], %add3A_9 {strides = array<i32>} : memref<1024x128xf32, #tpu.memory_space<vmem>>, vector<1024x128xf32>,
    %max3A = arith.constant 0.000000e+00 : f32
    %max3A_12 = vector.broadcast %max3A : f32 to vector<1024x128xf32>
    %max3A_13 = arith.maximumf %add3A_9, %max3A_12 : vector<1024x128xf32>
    %get3A_14 = arith.constant 0 : index
    %get3A_15 = arith.constant 0 : index
    %get3A_16 = vector.load %arg4[%get3A_14, %get3A_15] : memref<128x128xf32, #tpu.memory_space<vmem>>, vector<128x128xf32>
    %dot_general3A = arith.constant dense<0.000000e+00> : vector<1024x128xf32>
    %dot_general3A_17 = tpu.matmul %max3A_13, %get3A_16, %dot_general3A {dimension_numbers = #tpu.dot_dimension_numbers<[1], [0], [0], [1], [0, 0, 1, 1], [], []>, transpose_lhs_hint = false} : vector<1024x128xf32>, vector<128x128xf32>, vector<1024x128xf32> -> vector<1024x128xf32>
    %swap3A_18 = arith.constant 0 : index
    %swap3A_19 = arith.constant 0 : index
    %swap3A_20 = vector.load %arg6[%swap3A_18, %swap3A_19] : memref<1024x128xf32, #tpu.memory_space<vmem>>, vector<1024x128xf32>
    tpu.vector_store %arg6[%swap3A_18, %swap3A_19], %dot_general3A_17 {strides = array<i32>} : memref<1024x128xf32, #tpu.memory_space<vmem>>, vector<1024x128xf32>,
    return
  }
  func.func @transform_0(%arg0: i32) -> (i32, i32) {
    %c0_i32 = arith.constant 0 : i32
    %c0_i32_0 = arith.constant 0 : i32
    return %arg0, %c0_i32 : i32, i32
  }
  func.func @transform_1(%arg0: i32) -> (i32, i32) {
    %c0_i32 = arith.constant 0 : i32
    %c0_i32_0 = arith.constant 0 : i32
    return %arg0, %c0_i32 : i32, i32
  }
  func.func @transform_2(%arg0: i32) -> (i32, i32) {
    %c0_i32 = arith.constant 0 : i32
    %c0_i32_0 = arith.constant 0 : i32
    %c0_i32_1 = arith.constant 0 : i32
    return %c0_i32, %c0_i32_0 : i32, i32
  }
  func.func @transform_3(%arg0: i32) -> (i32, i32) {
    %c0_i32 = arith.constant 0 : i32
    %c0_i32_0 = arith.constant 0 : i32
    %c0_i32_1 = arith.constant 0 : i32
    return %c0_i32, %c0_i32_0 : i32, i32
  }
  func.func @transform_4(%arg0: i32) -> (i32, i32) {
    %c0_i32 = arith.constant 0 : i32
    %c0_i32_0 = arith.constant 0 : i32
    return %arg0, %c0_i32 : i32, i32
  }
  func.func @transform_5(%arg0: i32) -> (i32, i32) {
    %c0_i32 = arith.constant 0 : i32
    %c0_i32_0 = arith.constant 0 : i32
    return %arg0, %c0_i32 : i32, i32
  }
}

module attributes {stable_mosaic.version = 14 : i64} {
  func.func @body(%arg0: i32, %arg1: memref<1024x128xf32, #tpu.memory_space<vmem>>, %arg2: memref<1024x128xf32, #tpu.memory_space<vmem>>, %arg3: memref<1x128xf32, #tpu.memory_space<vmem>>, %arg4: memref<1024x128xf32, #tpu.memory_space<vmem>>) attributes {dimension_semantics = [#tpu.dimension_semantics<arbitrary>], iteration_bounds = array<i64: 10>, scalar_prefetch = 0 : i64, scratch_operands = 0 : i64, tpu.core_type = #tpu.core_type<tc>, window_params = [{transform_indices = @transform_0, window_bounds = array<i64: 1024, 128>}, {transform_indices = @transform_1, window_bounds = array<i64: 1024, 128>}, {pipeline_mode = #tpu.pipeline_mode<synchronous>, transform_indices = @transform_2, window_bounds = array<i64: 1, 128>}, {transform_indices = @transform_3, window_bounds = array<i64: 1024, 128>}]} {
    %get3A = arith.constant 0 : index
    %get3A_0 = arith.constant 0 : index
    %get3A_1 = vector.load %arg1[%get3A, %get3A_0] : memref<1024x128xf32, #tpu.memory_space<vmem>>, vector<1024x128xf32>
    %get3A_2 = arith.constant 0 : index
    %get3A_3 = arith.constant 0 : index
    %get3A_4 = vector.load %arg2[%get3A_2, %get3A_3] : memref<1024x128xf32, #tpu.memory_space<vmem>>, vector<1024x128xf32>
    %add3A = arith.addf %get3A_1, %get3A_4 : vector<1024x128xf32>
    %get3A_5 = arith.constant 0 : index
    %get3A_6 = arith.constant 0 : index
    %get3A_7 = vector.load %arg3[%get3A_5, %get3A_6] : memref<1x128xf32, #tpu.memory_space<vmem>>, vector<1x128xf32>
    %add3A_8 = vector.broadcast %get3A_7 : vector<1x128xf32> to vector<1024x128xf32>
    %add3A_9 = arith.addf %add3A, %add3A_8 : vector<1024x128xf32>
    %swap3A = arith.constant 0 : index
    %swap3A_10 = arith.constant 0 : index
    %swap3A_11 = vector.load %arg4[%swap3A, %swap3A_10] : memref<1024x128xf32, #tpu.memory_space<vmem>>, vector<1024x128xf32>
    tpu.vector_store %arg4[%swap3A, %swap3A_10], %add3A_9 {strides = array<i32>} : memref<1024x128xf32, #tpu.memory_space<vmem>>, vector<1024x128xf32>,
    return
  }
  func.func @transform_0(%arg0: i32) -> (i32, i32) {
    %c0_i32 = arith.constant 0 : i32
    %c0_i32_0 = arith.constant 0 : i32
    return %arg0, %c0_i32 : i32, i32
  }
  func.func @transform_1(%arg0: i32) -> (i32, i32) {
    %c0_i32 = arith.constant 0 : i32
    %c0_i32_0 = arith.constant 0 : i32
    return %arg0, %c0_i32 : i32, i32
  }
  func.func @transform_2(%arg0: i32) -> (i32, i32) {
    %c0_i32 = arith.constant 0 : i32
    %c0_i32_0 = arith.constant 0 : i32
    %c0_i32_1 = arith.constant 0 : i32
    return %c0_i32, %c0_i32_0 : i32, i32
  }
  func.func @transform_3(%arg0: i32) -> (i32, i32) {
    %c0_i32 = arith.constant 0 : i32
    %c0_i32_0 = arith.constant 0 : i32
    return %arg0, %c0_i32 : i32, i32
  }
}

</mosaic_0001>

<sc_bundles>
// kernel: kernel.12.cloned.1.call-start
scs
__scs_entry_jumppad:
0x0: {  	(pc) =	sbr.rel $0x88, $3  }
0x1: {  	(tag) =	ssettag $0x0;
	lr =	simm.s32 $0x1  }
0x2: {  	[smem:$0x3F9A] =	sst lr;
	_ =	strace $0xD0000000  }
0x3: {  	_ = 	snop  }
0x4: {  	_ = 	snop  }
0x5: {  	_ = 	snop  }
0x6: {  	_ = 	snop  }
0x7: {  	_ = 	snop  }
__scs_overlays_trampoline_lowered:
0x8: {  	[smem:$0x3FA9] =	sst s0  }
0x9: {  	[smem:$0x3FAA] =	sst s1  }
0xa: {  	[smem:$0x3FAB] =	sst s2  }
0xb: {  	[smem:$0x3FAC] =	sst s3  }
0xc: {  	[smem:$0x3FAD] =	sst s4  }
0xd: {  	[smem:$0x3FAE] =	sst s5  }
0xe: {  	[smem:$0x3FAF] =	sst s6  }
0xf: {  	[smem:$0x3FB0] =	sst s7  }
0x10: {  	[smem:$0x3FB1] =	sst s8  }
0x11: {  	[smem:$0x3FB2] =	sst s9;
	s0 =	simm.s32 @!p0 $0x0  }
0x12: {  	s1 =	sld [smem:$0x3F98];
	s0 =	simm.s32 @p0 $0x1  }
0x13: {  	[smem:$0x3FB3] =	sst s0;
	s0 =	simm.s32 @!p1 $0x0  }
0x14: {  	s2 =	sld [smem:$0x3F97];
	s0 =	simm.s32 @p1 $0x1  }
0x15: {  	[smem:$0x3FB4] =	sst s0;
	s0 =	simm.s32 @!p2 $0x0  }
0x16: {  	s3 =	sld [smem:$0x3FDB];
	s0 =	simm.s32 @p2 $0x1  }
0x17: {  	s4 =	simm.s32 $0x1BF5;
	[smem:$0x3FB6] =	sst s0  }
0x18: {  	s0 =	sld [smem:$0x3F99];
	_ =	swait.ge [sflag:s4], $0x0  }
0x19: {  	s7 =	sld [smem:$0x3F9A]  }
0x1a: {  	s8 =	sadd.s32 $0xFFFFE003, lr  }
0x1b: {  	s9 =	sadd.s32 $0xFFFFFEF7, lr;
	s5 =	simm.s32 $0xFFFFFFFF;
	p2 =	slt.u32 s8, $0xFFFFF086  }
0x1c: {  	p1 =	slt.u32 s9, $0xF7A;
	s5 =	simm.s32 @!p2 $0x0  }
0x1d: {  	s5 =	simm.s32 @p1 $0x1;
	p0 =	seq.s32 s7, s2  }
0x1e: {  	s7 =	smul.u32 @!p0 $0xF7A, s2;
	p2 =	seq.s32 @!p0 s5, $0x0  }
0x1f: {  	s9 =	smul.u32 $0xF7A, s1;
	s8 =	simm.s32 @!p0 $0x1BF5;
	p2 =	por !p2, p0  }
0x20: {  	[sflag:s8] =	ssyncset.s32 @!p0 $0xFFFFF086;
	s6 =	sadd.s32 @!p0 s3, s7;
	s7 =	simm.s32 @!p0 $0x108  }
0x21: {  	s3 =	sadd.s32 s3, s9;
	s6 =	sadd.s32 @!p0 $0x88, s6;
	s7 =	simm.s32 @p2 $0x1082  }
0x22: {  	[simem:s7], [sflag:s8] =	dma.local @!p0 [hbm:s6], $0xF7A  }
0x23: {  	s9 =	sor.u32 $0xD0000000, s2;
	s6 =	simm.s32 $0x108;
	_ =	swait.ge @!p0 [sflag:s8], $0x0  }
0x24: {  	s3 =	sadd.s32 $0x88, s3;
	s6 =	simm.s32 @!p1 $0x1082;
	[sflag:s4] =	ssyncset.s32 $0xFFFFF086  }
0x25: {  	[simem:s6], [sflag:s4] =	dma.local [hbm:s3], $0xF7A  }
0x26: {  	[smem:$0x3F9A] =	sst s1;
	(tag) =	ssettag s2;
	_ =	strace s9  }
0x27: {  	s1 =	sld [smem:$0x3FAA]  }
0x28: {  	s2 =	sld [smem:$0x3FAB]  }
0x29: {  	s4 =	sld [smem:$0x3FAD]  }
0x2a: {  	p0 =	seq.s32 s5, $0x0;
	s5 =	sld [smem:$0x3FAE]  }
0x2b: {  	s6 =	sld [smem:$0x3FAF]  }
0x2c: {  	s7 =	sld [smem:$0x3FB0]  }
0x2d: {  	s3 =	simm.s32 $0x108;
	s8 =	sld [smem:$0x3FB1]  }
0x2e: {  	s3 =	simm.s32 @!p0 $0x1082;
	s9 =	sld [smem:$0x3FB2]  }
0x2f: {  	lr =	sadd.s32 s0, s3;
	s0 =	sld [smem:$0x3FA9]  }
0x30: {  	s3 =	sld [smem:$0x3FAC]  }
0x31: {  	[smem:$0x3FB5] =	sst s10  }
0x32: {  	s10 =	sld [smem:$0x3FB3];
	_ =	sdelay $0x3  }
0x33: {  	p0 =	seq.s32 s10, $0x1;
	s10 =	sld [smem:$0x3FB5];
	_ =	sdelay $0x3  }
0x34: {  	[smem:$0x3FB5] =	sst s10  }
0x35: {  	s10 =	sld [smem:$0x3FB4];
	_ =	sdelay $0x3  }
0x36: {  	p1 =	seq.s32 s10, $0x1;
	s10 =	sld [smem:$0x3FB5];
	_ =	sdelay $0x3  }
0x37: {  	[smem:$0x3FB5] =	sst s10  }
0x38: {  	s10 =	sld [smem:$0x3FB6]  }
0x39: {  	_ = 	snop;
	(pc) =	sbr.ind lr, $3  }
0x3a: {  	_ = 	snop  }
0x3b: {  	_ = 	snop  }
0x3c: {  	p2 =	seq.s32 s10, $0x1;
	s10 =	sld [smem:$0x3FB5]  }
0x3d: {  	_ =	shalt  }
0x3e: {  	_ =	shalt  }
0x3f: {  	_ =	shalt  }
0x40: {  	_ =	shalt  }
0x41: {  	_ =	shalt  }
0x42: {  	_ =	shalt  }
0x43: {  	_ =	shalt  }
0x44: {  	_ =	shalt  }
0x45: {  	_ =	shalt  }
0x46: {  	_ =	shalt  }
0x47: {  	_ =	shalt  }
0x48: {  	_ =	shalt  }
0x49: {  	_ =	shalt  }
0x4a: {  	_ =	shalt  }
0x4b: {  	_ =	shalt  }
0x4c: {  	_ =	shalt  }
0x4d: {  	_ =	shalt  }
0x4e: {  	_ =	shalt  }
0x4f: {  	_ =	shalt  }
0x50: {  	_ =	shalt  }
0x51: {  	_ =	shalt  }
0x52: {  	_ =	shalt  }
0x53: {  	_ =	shalt  }
0x54: {  	_ =	shalt  }
0x55: {  	_ =	shalt  }
0x56: {  	_ =	shalt  }
0x57: {  	_ =	shalt  }
0x58: {  	_ =	shalt  }
0x59: {  	_ =	shalt  }
0x5a: {  	_ =	shalt  }
0x5b: {  	_ =	shalt  }
0x5c: {  	_ =	shalt  }
0x5d: {  	_ =	shalt  }
0x5e: {  	_ =	shalt  }
0x5f: {  	_ =	shalt  }
0x60: {  	_ =	shalt  }
0x61: {  	_ =	shalt  }
0x62: {  	_ =	shalt  }
0x63: {  	_ =	shalt  }
0x64: {  	_ =	shalt  }
0x65: {  	_ =	shalt  }
0x66: {  	_ =	shalt  }
0x67: {  	_ =	shalt  }
0x68: {  	_ =	shalt  }
0x69: {  	_ =	shalt  }
0x6a: {  	_ =	shalt  }
0x6b: {  	_ =	shalt  }
0x6c: {  	_ =	shalt  }
0x6d: {  	_ =	shalt  }
0x6e: {  	_ =	shalt  }
0x6f: {  	_ =	shalt  }
0x70: {  	_ =	shalt  }
0x71: {  	_ =	shalt  }
0x72: {  	_ =	shalt  }
0x73: {  	_ =	shalt  }
0x74: {  	_ =	shalt  }
0x75: {  	_ =	shalt  }
0x76: {  	_ =	shalt  }
0x77: {  	_ =	shalt  }
0x78: {  	_ =	shalt  }
0x79: {  	_ =	shalt  }
0x7a: {  	_ =	shalt  }
0x7b: {  	_ =	shalt  }
0x7c: {  	_ =	shalt  }
0x7d: {  	_ =	shalt  }
0x7e: {  	_ =	shalt  }
0x7f: {  	_ =	shalt  }
0x80: {  	_ =	shalt  }
0x81: {  	_ =	shalt  }
0x82: {  	_ =	shalt  }
0x83: {  	_ =	shalt  }
0x84: {  	_ =	shalt  }
0x85: {  	_ =	shalt  }
0x86: {  	_ =	shalt  }
0x87: {  	_ =	shalt  }
.Lfunc_end0:
.L_simem_size_0:
called_computation.1_lowered:
.L_overlay_start_0:
0x88: {  	s2 =	sld [smem:$0x3FD9]  }
0x89: {  	s3 =	sld [smem:$0x3FFE];
	_ =	sdelay $0x1  }
0x8a: {  	s1 =	srdreg.scid  }
0x8b: {  	s0 =	sand.u32 $0x1, s1  }
0x8c: {  	s14 =	sshll.u32 s0, $0xA;
	s2 =	sadd.s32 s3, s2  }
0x8d: {  	s2 =	sadd.s32 s2, s14  }
0x8e: {  	[smem:$0x3FC1] =	sst s2  }
0x8f: {  	_ = 	snop  }
0x90: {  	s2 =	sld [smem:$0x3FD0];
	_ =	sdelay $0x2  }
0x91: {  	s15 =	simm.s32 $0xA;
	s4 =	simm.s32 $0x10  }
0x92: {  	[smem:s4], [sflag:s15] =	dma.local [hbm:s2], $0x1  }
0x93: {  	_ =	swait.eq [sflag:s15], $0x1  }
0x94: {  	[sflag:s15] =	ssyncset.done $0x0  }
0x95: {  	[sflag:s15] =	ssyncadd.s32 $0xFFFFFFFF  }
0x96: {  	s16 =	sld [smem:$0x10];
	(tm) =	ssettm $0x1  }
0x97: {  	s17 =	sld [smem:$0x3FFB];
	_ =	sdelay $0x3  }
0x98: {  	_ =	strace s17  }
0x99: {  	s3 =	sld [smem:$0x3FFC];
	_ =	sdelay $0x3  }
0x9a: {  	_ =	strace s3  }
0x9b: {  	s3 =	sld [smem:$0x3FFD];
	_ =	sdelay $0x3  }
0x9c: {  	_ =	strace s3  }
0x9d: {  	_ =	strace $0x8FFFFFFF  }
0x9e: {  	s18 =	sld [smem:$0x3FDB];
	_ =	sdelay $0x1  }
0x9f: {  	s19 =	simm.s32 $_scs_section_size  }
0xa0: {  	s5 =	simm.s32 $_size__tile_overlayer_lowered;
	s6 =	simm.s32 $_tile_overlayer_lowered  }
0xa1: {  	s22 =	simm.s32 $0x1BFF;
	s21 =	sshll.u32 s6, $0x1;
	s3 =	sadd.s32 s19, s18  }
0xa2: {  	s7 =	simm.s32 $0x0;
	s20 =	sshll.u32 s5, $0x1;
	s5 =	sadd.s32 s21, s3  }
0xa3: {  	[timem:s7], [sflag:s22] =	dma.local [hbm:s5], s20  }
0xa4: {  	_ =	swait.ge [sflag:s22], s20  }
0xa5: {  	s4 =	ssub.s32 $0x0, s20;
	[sflag:s22] =	ssyncset.done $0x0  }
0xa6: {  	[sflag:s22] =	ssyncadd.s32 s4;
	_ =	sdelay $0x1  }
0xa7: {  	s23 =	simm.s32 $0x1B8B  }
0xa8: {  	_ =	swait.ge [sflag:s23], $0x1  }
0xa9: {  	[sflag:s23] =	ssyncset.done $0x0  }
0xaa: {  	s25 =	simm.s32 $0x1B8E;
	s24 =	sld [smem:$0x3FFE];
	[sflag:s23] =	ssyncadd.s32 $0xFFFFFFFF  }
0xab: {  	s26 =	simm.s32 $execute0_lowered;
	[smem:$0x3FD2] =	sst s25  }
0xac: {  	s5 =	sshll.u32 s26, $0x1;
	_ =	strace $0x80000049;
	[dreg:$0x1] =	wrdreg $0xFFFFFFFF  }
0xad: {  	s28 =	simm.s32 $_size_execute0_lowered;
	s3 =	sadd.s32 s3, s5;
	[dreg:$0x0] =	wrdreg $0x0  }
0xae: {  	s5 =	sshll.u32 s28, $0x1;
	[dreg:$0x2] =	wrdreg s3  }
0xaf: {  	[dreg:$0x3] =	wrdreg s5  }
0xb0: {  	[dreg:$0x4] =	wrdreg $0xC0  }
0xb1: {  	_ =	task [dreg:s7], $0x5FFFF  }
0xb2: {  	[dreg:$0x1] =	wrdreg $0xFFFFFFFF  }
0xb3: {  	[dreg:$0x0] =	wrdreg $0x60  }
0xb4: {  	[dreg:$0x2] =	wrdreg s24  }
0xb5: {  	[dreg:$0x3] =	wrdreg s16  }
0xb6: {  	[dreg:$0x4] =	wrdreg $0x69800  }
0xb7: {  	[dreg:$0x5] =	wrdreg $0x9  }
0xb8: {  	_ =	task.clear_ibuf [dreg:s7], $0x6FFFF;
	_ =	strace $0x90000049  }
0xb9: {  	s29 =	simm.s32 $0x9;
	_ =	strace $0x8000004B  }
0xba: {  	_ =	swait.ge [sflag:s29], $0x1  }
0xbb: {  	[sflag:s29] =	ssyncadd.s32 $0xFFFFFFFF  }
0xbc: {  	_ =	strace $0x9000004B  }
0xbd: {  	_ =	sfence  }
0xbe: {  	s30 =	sld [smem:$0x0];
	_ =	sdelay $0x2  }
0xbf: {  	s31 =	sshll.u32 s1, $0xD;
	s1 =	sshrl.u32 s1, $0x2  }
0xc0: {  	s3 =	sand.u32 $0x4000, s31;
	s1 =	sadd.s32 s1, s30  }
0xc1: {  	s0 =	sor.u32 s3, s0;
	s1 =	sshll.u32 s1, $0x11  }
0xc2: {  	s0 =	sor.u32 s1, s0  }
0xc3: {  	s0 =	sadd.s32 $0x8F2B, s0  }
0xc4: {  	[sflag:s0] =	ssyncadd.remote.s32 $0x1  }
0xc5: {  	_ =	sfence.sel $0xFFFF  }
0xc6: {  	[dreg:$0x0] =	wrdreg $0xFFFFFFFF;
	(pc) =	sbr.abs _section_cstart, $3  }
0xc7: {  	[dreg:$0x1] =	wrdreg $0xFFFFFFFF  }
0xc8: {  	_ =	task.clear_ibuf [dreg:s7], $0x2FFFF;
	_ =	strace $0x9FFFFFFF  }
0xc9: {  	(tm) =	ssettm $0x7FFFFFFF  }
tec
execute0_lowered:
.L_overlay_start_1:
0x0: {  	(tag) =	ssettag $0x1  }
0x1: {  	s9 =	rddreg [dreg:$0x0]  }
0x2: {  	s2 =	rddreg [dreg:$0x1]  }
0x3: {  	s3 =	rddreg [dreg:$0x2]  }
0x4: {  	s0 =	rddreg [dreg:$0x3]  }
0x5: {  	s5 =	srdreg.scid;
	s1 =	stileid.u32;
	s4 =	simm.s32 $0x0  }
0x6: {  	s17 =	simm.s32 $0x2980;
	s18 =	simm.s32 $0x2;
	s19 =	simm.s32 $0x2800  }
0x7: {  	s20 =	simm.s32 $0x2880;
	s21 =	simm.s32 $0x2900;
	s22 =	simm.s32 $0x80  }
0x8: {  	s23 =	simm.s32 $0x1;
	s24 =	simm.s32 $0x0;
	s10 =	sand.u32 $0x1, s5  }
0x9: {  	s11 =	smul.u32 $0x14000, s1;
	[smem:$0x7FF] =	sst s4;
	s5 =	sadd.s32 $0x16800, s9  }
0xa: {  	s6 =	sadd.s32 $0x3E800, s9;
	s7 =	sadd.s32 $0xC600, s9;
	s14 =	smul.u32 $0x50000, s1  }
0xb: {  	s8 =	smul.u32 $0x140000, s10;
	_ =	strace $0x8000004A;
	s13 =	ssub.s32 $0x2, s10  }
0xc: {  	s28 =	sshll.u32 s10, $0x4;
	s26 =	sshrl.u32 s13, $0x1;
	s29 =	sshrl.u32 s14, $0x2  }
0xd: {  	s30 =	sor.u32 s1, s28;
	s8 =	sadd.s32 s11, s8;
	s16 =	ssub.s32 s13, s26  }
0xe: {  	s31 =	sadd.s32 s29, s3;
	s14 =	smul.u32 $0x51, s30;
	s12 =	sshrl.u32 s8, $0x3  }
0xf: {  	s8 =	sadd.s32 $0x2400, s9;
	s10 =	sadd.s32 $0x4000, s31;
	s13 =	sadd.s32 $0x10000, s31  }
0x10: {  	s16 =	smax.u32 s16, $0x1;
	s15 =	sadd.s32 s12, s9;
	s9 =	sadd.s32 s11, s3  }
0x11: {  	v0 =	vimm.f32 $0.0e+00;
	s11 =	sadd.s32 $0x8000, s31;
	s12 =	sadd.s32 $0xC000, s31;
	s15 =	sadd.s32 $0x3EE00, s15  }
.LBB2_1:
0x12: {  	s25 =	simm.s32 $0x0;
	s26 =	simm.s32 $0x200  }
.LBB2_2:
0x13: {  	p0 =	sne.s32 s26, $0xFE00;
	[tilespmem:s25+$0x29F0] =	vst v0  }
0x14: {  	[tilespmem:s25+$0x2980] =	vst v0  }
0x15: {  	[tilespmem:s25+$0x2990] =	vst v0  }
.Ltmp0:
0x16: {  	[tilespmem:s25+$0x29A0] =	vst v0;
	(pc) =	sbr.rel @p0 .LBB2_2-.Ltmp0, $4  }
0x17: {  	[tilespmem:s25+$0x29B0] =	vst v0  }
0x18: {  	[tilespmem:s25+$0x29C0] =	vst v0  }
0x19: {  	[tilespmem:s25+$0x29D0] =	vst v0  }
0x1a: {  	[tilespmem:s25+$0x29E0] =	vst v0;
	s25 =	sshra.s32 s26, $0x2;
	s26 =	sadd.s32 $0x200, s26  }
0x1b: {  	[tilespmem:s25+$0x29F0] =	vst v0  }
0x1c: {  	[tilespmem:s25+$0x2980] =	vst v0  }
0x1d: {  	[tilespmem:s25+$0x2990] =	vst v0  }
0x1e: {  	[tilespmem:s25+$0x29A0] =	vst v0  }
0x1f: {  	[tilespmem:s25+$0x29B0] =	vst v0  }
0x20: {  	[tilespmem:s25+$0x29C0] =	vst v0  }
0x21: {  	[tilespmem:s25+$0x29D0] =	vst v0  }
0x22: {  	[tilespmem:s25+$0x29E0] =	vst v0  }
0x23: {  	[spmem:s9] =	stream.linear.scatter [tilespmem:s17], [sflag:$0x2], $0x4000, $0x38;
	[tilespmem:$0x1A980] =	vst v63  }
0x24: {  	_ =	swait.ge [sflag:s18], $0x4000  }
0x25: {  	[sflag:s18] =	ssyncset.done $0x0  }
0x26: {  	[sflag:s18] =	ssyncadd.s32 $0xFFFFC000  }
0x27: {  	[spmem:s10] =	stream.linear.scatter [tilespmem:s17], [sflag:$0x2], $0x4000, $0x38;
	[tilespmem:$0x1A980] =	vst v63  }
0x28: {  	_ =	swait.ge [sflag:s18], $0x4000  }
0x29: {  	[sflag:s18] =	ssyncset.done $0x0  }
0x2a: {  	[sflag:s18] =	ssyncadd.s32 $0xFFFFC000  }
0x2b: {  	[spmem:s11] =	stream.linear.scatter [tilespmem:s17], [sflag:$0x2], $0x4000, $0x38;
	[tilespmem:$0x1A980] =	vst v63  }
0x2c: {  	_ =	swait.ge [sflag:s18], $0x4000  }
0x2d: {  	[sflag:s18] =	ssyncset.done $0x0  }
0x2e: {  	[sflag:s18] =	ssyncadd.s32 $0xFFFFC000  }
0x2f: {  	[spmem:s12] =	stream.linear.scatter [tilespmem:s17], [sflag:$0x2], $0x4000, $0x38;
	[tilespmem:$0x1A980] =	vst v63  }
0x30: {  	_ =	swait.ge [sflag:s18], $0x4000  }
0x31: {  	[sflag:s18] =	ssyncset.done $0x0  }
0x32: {  	[sflag:s18] =	ssyncadd.s32 $0xFFFFC000  }
0x33: {  	[spmem:s13] =	stream.linear.scatter [tilespmem:s17], [sflag:$0x2], $0x4000, $0x38;
	[tilespmem:$0x1A980] =	vst v63  }
0x34: {  	_ =	swait.ge [sflag:s18], $0x4000  }
0x35: {  	[sflag:s18] =	ssyncset.done $0x0  }
0x36: {  	s25 =	simm.s32 $0x0;
	[sflag:s18] =	ssyncadd.s32 $0xFFFFC000  }
0x37: {  	[tilespmem:s25], [sflag:$0x2] =	stream.linear.gather [hbm4b:s6+s25], $0x2800, $0x38;
	[tilespmem:$0x1A980] =	vst v63  }
0x38: {  	_ =	swait.ge [sflag:s18], $0x2800  }
0x39: {  	[sflag:s18] =	ssyncset.done $0x0  }
0x3a: {  	[sflag:s18] =	ssyncadd.s32 $0xFFFFD800  }
0x3b: {  	s26 =	simm.s32 $0x0;
	[bflag:$0x0] =	sbarrier.arrive $0xFFFF  }
.LBB2_4:
0x3c: {  	s28 =	sadd.s32 s14, s26  }
0x3d: {  	s28 =	sshll.u32 s28, $0x4  }
0x3e: {  	s29 =	sadd.s32 s7, s28  }
0x3f: {  	[tilespmem:s19], [sflag:$0x2] =	stream.linear.gather [hbm4b:s29+s25], $0x80, $0x38;
	[tilespmem:$0x1A980] =	vst v63  }
0x40: {  	_ =	swait.ge [sflag:s18], $0x80  }
0x41: {  	[sflag:s18] =	ssyncset.done $0x0  }
0x42: {  	s31 =	sadd.s32 s2, s28;
	[sflag:s18] =	ssyncadd.s32 $0xFFFFFF80  }
0x43: {  	[tilespmem:s20], [sflag:$0x2] =	stream.linear.gather [hbm4b:s31+s25], $0x80, $0x38;
	[tilespmem:$0x1A980] =	vst v63  }
0x44: {  	_ =	swait.ge [sflag:s18], $0x80  }
0x45: {  	[sflag:s18] =	ssyncset.done $0x0  }
0x46: {  	s28 =	sadd.s32 s8, s28;
	[sflag:s18] =	ssyncadd.s32 $0xFFFFFF80  }
0x47: {  	[tilespmem:s21], [sflag:$0x2] =	stream.linear.gather [hbm4b:s28+s25], $0x80, $0x38;
	[tilespmem:$0x1A980] =	vst v63  }
0x48: {  	_ =	swait.ge [sflag:s18], $0x80  }
0x49: {  	[sflag:s18] =	ssyncset.done $0x0  }
0x4a: {  	[sflag:s18] =	ssyncadd.s32 $0xFFFFFF80  }
0x4b: {  	[tilespmem:s17], [sflag:$0x1] =	stream.indirect.gather [hbm4b:s5+s22], $0x80, s19, s22, $0xb8;
	[tilespmem:$0x1A980] =	vst v63  }
0x4c: {  	_ =	swait.ge [sflag:s23], $0x4000  }
0x4d: {  	[sflag:s23] =	ssyncset.done $0x0  }
0x4e: {  	s28 =	simm.s32 $0x0;
	[sflag:s23] =	ssyncadd.s32 $0xFFFFC000  }
.LBB2_5:
0x4f: {  	s29 =	sshll.u32 s28, $0x4  }
0x50: {  	v1 =	vld [tilespmem:s29+$0x2800];
	_ =	sdelay $0x1  }
0x51: {  	v2 =	vld [tilespmem:s29+$0x2880];
	_ =	sdelay $0x4  }
0x52: {  	v3 =	vld [tilespmem:s29+$0x2900]  }
0x53: {  	v1 =	vld.idx.msk [tilespmem:v1+s4+$0x0], $0xffff;
	_ =	sdelay $0x1  }
0x54: {  	v2 =	vld.idx.msk [tilespmem:v2+s4+$0x0], $0xffff;
	_ =	sdelay $0x1  }
0x55: {  	s31 =	sshll.u32 s28, $0xB  }
0x56: {  	s29 =	sand.u32 $0x3FFFF800, s31;
	v1 =	vmul.f32 v1, v3  }
0x57: {  	v3 =	vld [tilespmem:s29+$0x2980]  }
0x58: {  	v1 =	vmul.f32 v2, v1;
	v2 =	vld [tilespmem:s29+$0x2990]  }
0x59: {  	v4 =	vld [tilespmem:s29+$0x29A0]  }
0x5a: {  	v6 =	vld [tilespmem:s29+$0x29B0];
	v5 =	vbroadcast v1, $0x0  }
0x5b: {  	v7 =	vld [tilespmem:s29+$0x29C0]  }
0x5c: {  	v8 =	vld [tilespmem:s29+$0x29D0];
	v3 =	vmul.f32 v5, v3  }
0x5d: {  	v9 =	vld [tilespmem:s29+$0x29E0];
	v2 =	vmul.f32 v2, v5  }
0x5e: {  	v34 =	vld [tilespmem:s29+$0x29F0];
	[tilespmem:s29+$0x2980] =	vst v3;
	v3 =	vmul.f32 v4, v5  }
0x5f: {  	v35 =	vld [tilespmem:s29+$0x2A00];
	[tilespmem:s29+$0x2990] =	vst v2;
	v2 =	vmul.f32 v6, v5  }
0x60: {  	v36 =	vld [tilespmem:s29+$0x2A10];
	[tilespmem:s29+$0x29A0] =	vst v3;
	v3 =	vmul.f32 v7, v5  }
0x61: {  	v37 =	vld [tilespmem:s29+$0x2A20];
	[tilespmem:s29+$0x29B0] =	vst v2;
	v2 =	vmul.f32 v8, v5  }
0x62: {  	v10 =	vld [tilespmem:s29+$0x2A30];
	v38 =	vbroadcast v1, $0x1;
	[tilespmem:s29+$0x29C0] =	vst v3;
	v3 =	vmul.f32 v9, v5  }
0x63: {  	v39 =	vld [tilespmem:s29+$0x2A40];
	[tilespmem:s29+$0x29D0] =	vst v2;
	v2 =	vmul.f32 v34, v5  }
0x64: {  	v40 =	vld [tilespmem:s29+$0x2A50];
	[tilespmem:s29+$0x29E0] =	vst v3;
	v3 =	vmul.f32 v35, v38  }
0x65: {  	v41 =	vld [tilespmem:s29+$0x2A60];
	[tilespmem:s29+$0x29F0] =	vst v2;
	v2 =	vmul.f32 v36, v38  }
0x66: {  	v42 =	vld [tilespmem:s29+$0x2A70];
	[tilespmem:s29+$0x2A00] =	vst v3;
	v3 =	vmul.f32 v37, v38  }
0x67: {  	v43 =	vld [tilespmem:s29+$0x2A80];
	[tilespmem:s29+$0x2A10] =	vst v2;
	v2 =	vmul.f32 v10, v38  }
0x68: {  	v44 =	vld [tilespmem:s29+$0x2A90];
	[tilespmem:s29+$0x2A20] =	vst v3;
	v3 =	vmul.f32 v39, v38  }
0x69: {  	v45 =	vld [tilespmem:s29+$0x2AA0];
	[tilespmem:s29+$0x2A30] =	vst v2;
	v2 =	vmul.f32 v40, v38  }
0x6a: {  	v47 =	vld [tilespmem:s29+$0x2AB0];
	v46 =	vbroadcast v1, $0x2;
	[tilespmem:s29+$0x2A40] =	vst v3;
	v3 =	vmul.f32 v41, v38  }
0x6b: {  	v48 =	vld [tilespmem:s29+$0x2AC0];
	[tilespmem:s29+$0x2A50] =	vst v2;
	v2 =	vmul.f32 v42, v38  }
0x6c: {  	v49 =	vld [tilespmem:s29+$0x2AD0];
	[tilespmem:s29+$0x2A60] =	vst v3;
	v3 =	vmul.f32 v43, v46  }
0x6d: {  	v50 =	vld [tilespmem:s29+$0x2AE0];
	[tilespmem:s29+$0x2A70] =	vst v2;
	v2 =	vmul.f32 v44, v46  }
0x6e: {  	v51 =	vld [tilespmem:s29+$0x2AF0];
	[tilespmem:s29+$0x2A80] =	vst v3;
	v3 =	vmul.f32 v45, v46  }
0x6f: {  	v52 =	vld [tilespmem:s29+$0x2B00];
	[tilespmem:s29+$0x2A90] =	vst v2;
	v2 =	vmul.f32 v47, v46  }
0x70: {  	v53 =	vld [tilespmem:s29+$0x2B10];
	[tilespmem:s29+$0x2AA0] =	vst v3;
	v3 =	vmul.f32 v48, v46  }
0x71: {  	v54 =	vld [tilespmem:s29+$0x2B20];
	[tilespmem:s29+$0x2AB0] =	vst v2;
	v2 =	vmul.f32 v49, v46  }
0x72: {  	v56 =	vld [tilespmem:s29+$0x2B30];
	v55 =	vbroadcast v1, $0x3;
	[tilespmem:s29+$0x2AC0] =	vst v3;
	v3 =	vmul.f32 v50, v46  }
0x73: {  	v57 =	vld [tilespmem:s29+$0x2B40];
	[tilespmem:s29+$0x2AD0] =	vst v2;
	v2 =	vmul.f32 v51, v46  }
0x74: {  	v58 =	vld [tilespmem:s29+$0x2B50];
	[tilespmem:s29+$0x2AE0] =	vst v3;
	v3 =	vmul.f32 v52, v55  }
0x75: {  	v59 =	vld [tilespmem:s29+$0x2B60];
	[tilespmem:s29+$0x2AF0] =	vst v2;
	v2 =	vmul.f32 v53, v55  }
0x76: {  	v60 =	vld [tilespmem:s29+$0x2B70];
	[tilespmem:s29+$0x2B00] =	vst v3;
	v3 =	vmul.f32 v54, v55  }
0x77: {  	v61 =	vld [tilespmem:s29+$0x2B80];
	[tilespmem:s29+$0x2B10] =	vst v2;
	v2 =	vmul.f32 v56, v55  }
0x78: {  	v62 =	vld [tilespmem:s29+$0x2B90];
	[tilespmem:s29+$0x2B20] =	vst v3;
	v3 =	vmul.f32 v57, v55  }
0x79: {  	v63 =	vld [tilespmem:s29+$0x2BA0];
	[tilespmem:s29+$0x2B30] =	vst v2;
	v2 =	vmul.f32 v58, v55  }
0x7a: {  	v13 =	vld [tilespmem:s29+$0x2BB0];
	v12 =	vbroadcast v1, $0x4;
	[tilespmem:s29+$0x2B40] =	vst v3;
	v3 =	vmul.f32 v59, v55  }
0x7b: {  	v14 =	vld [tilespmem:s29+$0x2BC0];
	[tilespmem:s29+$0x2B50] =	vst v2;
	v2 =	vmul.f32 v60, v55  }
0x7c: {  	v15 =	vld [tilespmem:s29+$0x2BD0];
	[tilespmem:s29+$0x2B60] =	vst v3;
	v3 =	vmul.f32 v61, v12  }
0x7d: {  	v16 =	vld [tilespmem:s29+$0x2BE0];
	[tilespmem:s29+$0x2B70] =	vst v2;
	v2 =	vmul.f32 v62, v12  }
0x7e: {  	v17 =	vld [tilespmem:s29+$0x2BF0];
	[tilespmem:s29+$0x2B80] =	vst v3;
	v3 =	vmul.f32 v63, v12  }
0x7f: {  	v18 =	vld [tilespmem:s29+$0x2C00];
	[tilespmem:s29+$0x2B90] =	vst v2;
	v2 =	vmul.f32 v13, v12  }
0x80: {  	v19 =	vld [tilespmem:s29+$0x2C10];
	[tilespmem:s29+$0x2BA0] =	vst v3;
	v3 =	vmul.f32 v14, v12  }
0x81: {  	v20 =	vld [tilespmem:s29+$0x2C20];
	[tilespmem:s29+$0x2BB0] =	vst v2;
	v2 =	vmul.f32 v15, v12  }
0x82: {  	v22 =	vld [tilespmem:s29+$0x2C30];
	v21 =	vbroadcast v1, $0x5;
	[tilespmem:s29+$0x2BC0] =	vst v3;
	v3 =	vmul.f32 v16, v12  }
0x83: {  	v23 =	vld [tilespmem:s29+$0x2C40];
	[tilespmem:s29+$0x2BD0] =	vst v2;
	v2 =	vmul.f32 v17, v12  }
0x84: {  	v24 =	vld [tilespmem:s29+$0x2C50];
	[tilespmem:s29+$0x2BE0] =	vst v3;
	v3 =	vmul.f32 v18, v21  }
0x85: {  	v25 =	vld [tilespmem:s29+$0x2C60];
	[tilespmem:s29+$0x2BF0] =	vst v2;
	v2 =	vmul.f32 v19, v21  }
0x86: {  	v26 =	vld [tilespmem:s29+$0x2C70];
	[tilespmem:s29+$0x2C00] =	vst v3;
	v3 =	vmul.f32 v20, v21  }
0x87: {  	v27 =	vld [tilespmem:s29+$0x2C80];
	[tilespmem:s29+$0x2C10] =	vst v2;
	v2 =	vmul.f32 v22, v21  }
0x88: {  	v28 =	vld [tilespmem:s29+$0x2C90];
	[tilespmem:s29+$0x2C20] =	vst v3;
	v3 =	vmul.f32 v23, v21  }
0x89: {  	v29 =	vld [tilespmem:s29+$0x2CA0];
	[tilespmem:s29+$0x2C30] =	vst v2;
	v2 =	vmul.f32 v24, v21  }
0x8a: {  	v31 =	vld [tilespmem:s29+$0x2CB0];
	v30 =	vbroadcast v1, $0x6;
	[tilespmem:s29+$0x2C40] =	vst v3;
	v3 =	vmul.f32 v25, v21  }
0x8b: {  	v32 =	vld [tilespmem:s29+$0x2CC0];
	[tilespmem:s29+$0x2C50] =	vst v2;
	v2 =	vmul.f32 v26, v21  }
0x8c: {  	v33 =	vld [tilespmem:s29+$0x2CD0];
	[tilespmem:s29+$0x2C60] =	vst v3;
	v3 =	vmul.f32 v27, v30  }
0x8d: {  	v34 =	vld [tilespmem:s29+$0x2CE0];
	[tilespmem:s29+$0x2C70] =	vst v2;
	v2 =	vmul.f32 v28, v30  }
0x8e: {  	v35 =	vld [tilespmem:s29+$0x2CF0];
	[tilespmem:s29+$0x2C80] =	vst v3;
	v3 =	vmul.f32 v29, v30  }
0x8f: {  	v36 =	vld [tilespmem:s29+$0x2D00];
	[tilespmem:s29+$0x2C90] =	vst v2;
	v2 =	vmul.f32 v31, v30  }
0x90: {  	v37 =	vld [tilespmem:s29+$0x2D10];
	[tilespmem:s29+$0x2CA0] =	vst v3;
	v3 =	vmul.f32 v32, v30  }
0x91: {  	v38 =	vld [tilespmem:s29+$0x2D20];
	[tilespmem:s29+$0x2CB0] =	vst v2;
	v2 =	vmul.f32 v33, v30  }
0x92: {  	v39 =	vbroadcast v1, $0x7;
	v40 =	vld [tilespmem:s29+$0x2D30];
	[tilespmem:s29+$0x2CC0] =	vst v3;
	v3 =	vmul.f32 v34, v30  }
0x93: {  	v41 =	vld [tilespmem:s29+$0x2D40];
	[tilespmem:s29+$0x2CD0] =	vst v2;
	v2 =	vmul.f32 v35, v30  }
0x94: {  	v42 =	vld [tilespmem:s29+$0x2D50];
	[tilespmem:s29+$0x2CE0] =	vst v3;
	v3 =	vmul.f32 v36, v39  }
0x95: {  	v43 =	vld [tilespmem:s29+$0x2D60];
	[tilespmem:s29+$0x2CF0] =	vst v2;
	v2 =	vmul.f32 v37, v39  }
0x96: {  	v44 =	vld [tilespmem:s29+$0x2D70];
	[tilespmem:s29+$0x2D00] =	vst v3;
	v3 =	vmul.f32 v38, v39  }
0x97: {  	v45 =	vld [tilespmem:s29+$0x2D80];
	[tilespmem:s29+$0x2D10] =	vst v2;
	v2 =	vmul.f32 v40, v39  }
0x98: {  	v46 =	vld [tilespmem:s29+$0x2D90];
	[tilespmem:s29+$0x2D20] =	vst v3;
	v3 =	vmul.f32 v41, v39  }
0x99: {  	v47 =	vld [tilespmem:s29+$0x2DA0];
	[tilespmem:s29+$0x2D30] =	vst v2;
	v2 =	vmul.f32 v42, v39  }
0x9a: {  	v48 =	vbroadcast v1, $0x8;
	v49 =	vld [tilespmem:s29+$0x2DB0];
	[tilespmem:s29+$0x2D40] =	vst v3;
	v3 =	vmul.f32 v43, v39  }
0x9b: {  	v50 =	vld [tilespmem:s29+$0x2DC0];
	[tilespmem:s29+$0x2D50] =	vst v2;
	v2 =	vmul.f32 v44, v39  }
0x9c: {  	v51 =	vld [tilespmem:s29+$0x2DD0];
	[tilespmem:s29+$0x2D60] =	vst v3;
	v3 =	vmul.f32 v45, v48  }
0x9d: {  	v52 =	vld [tilespmem:s29+$0x2DE0];
	[tilespmem:s29+$0x2D70] =	vst v2;
	v2 =	vmul.f32 v46, v48  }
0x9e: {  	v53 =	vld [tilespmem:s29+$0x2DF0];
	[tilespmem:s29+$0x2D80] =	vst v3;
	v3 =	vmul.f32 v47, v48  }
0x9f: {  	v54 =	vld [tilespmem:s29+$0x2E00];
	[tilespmem:s29+$0x2D90] =	vst v2;
	v2 =	vmul.f32 v49, v48  }
0xa0: {  	v55 =	vld [tilespmem:s29+$0x2E10];
	[tilespmem:s29+$0x2DA0] =	vst v3;
	v3 =	vmul.f32 v50, v48  }
0xa1: {  	v56 =	vld [tilespmem:s29+$0x2E20];
	[tilespmem:s29+$0x2DB0] =	vst v2;
	v2 =	vmul.f32 v51, v48  }
0xa2: {  	v57 =	vbroadcast v1, $0x9;
	v58 =	vld [tilespmem:s29+$0x2E30];
	[tilespmem:s29+$0x2DC0] =	vst v3;
	v3 =	vmul.f32 v52, v48  }
0xa3: {  	v59 =	vld [tilespmem:s29+$0x2E40];
	[tilespmem:s29+$0x2DD0] =	vst v2;
	v2 =	vmul.f32 v53, v48  }
0xa4: {  	v60 =	vld [tilespmem:s29+$0x2E50];
	[tilespmem:s29+$0x2DE0] =	vst v3;
	v3 =	vmul.f32 v54, v57  }
0xa5: {  	v61 =	vld [tilespmem:s29+$0x2E60];
	[tilespmem:s29+$0x2DF0] =	vst v2;
	v2 =	vmul.f32 v55, v57  }
0xa6: {  	v62 =	vld [tilespmem:s29+$0x2E70];
	[tilespmem:s29+$0x2E00] =	vst v3;
	v3 =	vmul.f32 v56, v57  }
0xa7: {  	v63 =	vld [tilespmem:s29+$0x2E80];
	[tilespmem:s29+$0x2E10] =	vst v2;
	v2 =	vmul.f32 v58, v57  }
0xa8: {  	v12 =	vld [tilespmem:s29+$0x2E90];
	[tilespmem:s29+$0x2E20] =	vst v3;
	v3 =	vmul.f32 v59, v57  }
0xa9: {  	v13 =	vld [tilespmem:s29+$0x2EA0];
	[tilespmem:s29+$0x2E30] =	vst v2;
	v2 =	vmul.f32 v60, v57  }
0xaa: {  	v14 =	vbroadcast v1, $0xA;
	v15 =	vld [tilespmem:s29+$0x2EB0];
	[tilespmem:s29+$0x2E40] =	vst v3;
	v3 =	vmul.f32 v61, v57  }
0xab: {  	v16 =	vld [tilespmem:s29+$0x2EC0];
	[tilespmem:s29+$0x2E50] =	vst v2;
	v2 =	vmul.f32 v62, v57  }
0xac: {  	v17 =	vld [tilespmem:s29+$0x2ED0];
	[tilespmem:s29+$0x2E60] =	vst v3;
	v3 =	vmul.f32 v63, v14  }
0xad: {  	v18 =	vld [tilespmem:s29+$0x2EE0];
	[tilespmem:s29+$0x2E70] =	vst v2;
	v2 =	vmul.f32 v12, v14  }
0xae: {  	v19 =	vld [tilespmem:s29+$0x2EF0];
	[tilespmem:s29+$0x2E80] =	vst v3;
	v3 =	vmul.f32 v13, v14  }
0xaf: {  	v20 =	vld [tilespmem:s29+$0x2F00];
	[tilespmem:s29+$0x2E90] =	vst v2;
	v2 =	vmul.f32 v15, v14  }
0xb0: {  	v21 =	vld [tilespmem:s29+$0x2F10];
	[tilespmem:s29+$0x2EA0] =	vst v3;
	v3 =	vmul.f32 v16, v14  }
0xb1: {  	v22 =	vld [tilespmem:s29+$0x2F20];
	[tilespmem:s29+$0x2EB0] =	vst v2;
	v2 =	vmul.f32 v17, v14  }
0xb2: {  	v23 =	vbroadcast v1, $0xB;
	v24 =	vld [tilespmem:s29+$0x2F30];
	[tilespmem:s29+$0x2EC0] =	vst v3;
	v3 =	vmul.f32 v18, v14  }
0xb3: {  	v25 =	vld [tilespmem:s29+$0x2F40];
	[tilespmem:s29+$0x2ED0] =	vst v2;
	v2 =	vmul.f32 v19, v14  }
0xb4: {  	v26 =	vld [tilespmem:s29+$0x2F50];
	[tilespmem:s29+$0x2EE0] =	vst v3;
	v3 =	vmul.f32 v20, v23  }
0xb5: {  	v27 =	vld [tilespmem:s29+$0x2F60];
	[tilespmem:s29+$0x2EF0] =	vst v2;
	v2 =	vmul.f32 v21, v23  }
0xb6: {  	v28 =	vld [tilespmem:s29+$0x2F70];
	[tilespmem:s29+$0x2F00] =	vst v3;
	v3 =	vmul.f32 v22, v23  }
0xb7: {  	v29 =	vld [tilespmem:s29+$0x2F80];
	[tilespmem:s29+$0x2F10] =	vst v2;
	v2 =	vmul.f32 v24, v23  }
0xb8: {  	v30 =	vld [tilespmem:s29+$0x2F90];
	[tilespmem:s29+$0x2F20] =	vst v3;
	v3 =	vmul.f32 v25, v23  }
0xb9: {  	v31 =	vld [tilespmem:s29+$0x2FA0];
	[tilespmem:s29+$0x2F30] =	vst v2;
	v2 =	vmul.f32 v26, v23  }
0xba: {  	v32 =	vbroadcast v1, $0xC;
	v33 =	vld [tilespmem:s29+$0x2FB0];
	[tilespmem:s29+$0x2F40] =	vst v3;
	v3 =	vmul.f32 v27, v23  }
0xbb: {  	v34 =	vld [tilespmem:s29+$0x2FC0];
	[tilespmem:s29+$0x2F50] =	vst v2;
	v2 =	vmul.f32 v28, v23  }
0xbc: {  	v35 =	vld [tilespmem:s29+$0x2FD0];
	[tilespmem:s29+$0x2F60] =	vst v3;
	v3 =	vmul.f32 v29, v32  }
0xbd: {  	v36 =	vld [tilespmem:s29+$0x2FE0];
	[tilespmem:s29+$0x2F70] =	vst v2;
	v2 =	vmul.f32 v30, v32  }
0xbe: {  	v37 =	vld [tilespmem:s29+$0x2FF0];
	[tilespmem:s29+$0x2F80] =	vst v3;
	v3 =	vmul.f32 v31, v32  }
0xbf: {  	v38 =	vld [tilespmem:s29+$0x3000];
	[tilespmem:s29+$0x2F90] =	vst v2;
	v2 =	vmul.f32 v33, v32  }
0xc0: {  	v39 =	vld [tilespmem:s29+$0x3010];
	[tilespmem:s29+$0x2FA0] =	vst v3;
	v3 =	vmul.f32 v34, v32  }
0xc1: {  	v40 =	vld [tilespmem:s29+$0x3020];
	[tilespmem:s29+$0x2FB0] =	vst v2;
	v2 =	vmul.f32 v35, v32  }
0xc2: {  	v41 =	vbroadcast v1, $0xD;
	v42 =	vld [tilespmem:s29+$0x3030];
	[tilespmem:s29+$0x2FC0] =	vst v3;
	v3 =	vmul.f32 v36, v32  }
0xc3: {  	v43 =	vld [tilespmem:s29+$0x3040];
	[tilespmem:s29+$0x2FD0] =	vst v2;
	v2 =	vmul.f32 v37, v32  }
0xc4: {  	v44 =	vld [tilespmem:s29+$0x3050];
	[tilespmem:s29+$0x2FE0] =	vst v3;
	v3 =	vmul.f32 v38, v41  }
0xc5: {  	v45 =	vld [tilespmem:s29+$0x3060];
	[tilespmem:s29+$0x2FF0] =	vst v2;
	v2 =	vmul.f32 v39, v41  }
0xc6: {  	v46 =	vld [tilespmem:s29+$0x3070];
	[tilespmem:s29+$0x3000] =	vst v3;
	v3 =	vmul.f32 v40, v41  }
0xc7: {  	v47 =	vld [tilespmem:s29+$0x3080];
	[tilespmem:s29+$0x3010] =	vst v2;
	v2 =	vmul.f32 v42, v41  }
0xc8: {  	v48 =	vld [tilespmem:s29+$0x3090];
	[tilespmem:s29+$0x3020] =	vst v3;
	v3 =	vmul.f32 v43, v41  }
0xc9: {  	v49 =	vld [tilespmem:s29+$0x30A0];
	[tilespmem:s29+$0x3030] =	vst v2;
	v2 =	vmul.f32 v44, v41  }
0xca: {  	v50 =	vbroadcast v1, $0xE;
	v51 =	vld [tilespmem:s29+$0x30B0];
	[tilespmem:s29+$0x3040] =	vst v3;
	v3 =	vmul.f32 v45, v41  }
0xcb: {  	v52 =	vld [tilespmem:s29+$0x30C0];
	[tilespmem:s29+$0x3050] =	vst v2;
	v2 =	vmul.f32 v46, v41  }
0xcc: {  	v53 =	vld [tilespmem:s29+$0x30D0];
	[tilespmem:s29+$0x3060] =	vst v3;
	v3 =	vmul.f32 v47, v50  }
0xcd: {  	v54 =	vld [tilespmem:s29+$0x30E0];
	[tilespmem:s29+$0x3070] =	vst v2;
	v2 =	vmul.f32 v48, v50  }
0xce: {  	v55 =	vld [tilespmem:s29+$0x30F0];
	[tilespmem:s29+$0x3080] =	vst v3;
	v3 =	vmul.f32 v49, v50  }
0xcf: {  	v56 =	vld [tilespmem:s29+$0x3100];
	[tilespmem:s29+$0x3090] =	vst v2;
	v2 =	vmul.f32 v51, v50  }
0xd0: {  	v57 =	vld [tilespmem:s29+$0x3110];
	[tilespmem:s29+$0x30A0] =	vst v3;
	v3 =	vmul.f32 v52, v50  }
0xd1: {  	v58 =	vld [tilespmem:s29+$0x3120];
	[tilespmem:s29+$0x30B0] =	vst v2;
	v2 =	vmul.f32 v53, v50  }
0xd2: {  	v1 =	vbroadcast v1, $0xF;
	v59 =	vld [tilespmem:s29+$0x3130];
	[tilespmem:s29+$0x30C0] =	vst v3;
	v3 =	vmul.f32 v54, v50  }
0xd3: {  	v60 =	vld [tilespmem:s29+$0x3140];
	[tilespmem:s29+$0x30D0] =	vst v2;
	v2 =	vmul.f32 v55, v50  }
0xd4: {  	v61 =	vld [tilespmem:s29+$0x3150];
	[tilespmem:s29+$0x30E0] =	vst v3;
	v3 =	vmul.f32 v56, v1  }
0xd5: {  	v62 =	vld [tilespmem:s29+$0x3160];
	[tilespmem:s29+$0x30F0] =	vst v2;
	v2 =	vmul.f32 v57, v1  }
0xd6: {  	v63 =	vld [tilespmem:s29+$0x3170];
	[tilespmem:s29+$0x3100] =	vst v3;
	v3 =	vmul.f32 v58, v1  }
0xd7: {  	[tilespmem:s29+$0x3110] =	vst v2;
	v2 =	vmul.f32 v59, v1  }
0xd8: {  	p0 =	sne.s32 s28, $0x7;
	[tilespmem:s29+$0x3120] =	vst v3;
	v3 =	vmul.f32 v60, v1  }
.Ltmp1:
0xd9: {  	[tilespmem:s29+$0x3130] =	vst v2;
	v2 =	vmul.f32 v61, v1;
	(pc) =	sbr.rel @p0 .LBB2_5-.Ltmp1, $4  }
0xda: {  	[tilespmem:s29+$0x3140] =	vst v3;
	v3 =	vmul.f32 v62, v1  }
0xdb: {  	v1 =	vmul.f32 v63, v1;
	[tilespmem:s29+$0x3150] =	vst v2  }
0xdc: {  	[tilespmem:s29+$0x3160] =	vst v3  }
0xdd: {  	s28 =	sadd.s32 $0x1, s28;
	[tilespmem:s29+$0x3170] =	vst v1  }
0xde: {  	s26 =	sadd.s32 $0x1, s26  }
0xdf: {  	p0 =	sne.s32 s26, $0x51  }
.Ltmp2:
0xe0: {  	_ = 	snop;
	(pc) =	sbr.rel @p0 .LBB2_4-.Ltmp2, $4  }
0xe1: {  	[spmem:s3] =	stream.indirect.scatter.add.f32 [tilespmem:s17], [sflag:$0x2], $0x80, s20, s22, $0xb8;
	[tilespmem:$0x1A980] =	vst v63  }
0xe2: {  	_ =	swait.ge [sflag:s18], $0x4000  }
0xe3: {  	[sflag:s18] =	ssyncset.done $0x0  }
0xe4: {  	[sflag:s18] =	ssyncadd.s32 $0xFFFFC000  }
0xe5: {  	s24 =	sadd.s32 $0x1, s24  }
0xe6: {  	s25 =	sshll.u32 s1, $0x6;
	[bflag:$0x0] =	sbarrier.arrive $0xFFFF;
	p0 =	sne.s32 s24, s16  }
.Ltmp3:
0xe7: {  	s26 =	sshrl.u32 s9, $0x3;
	s25 =	sor.u32 $0x1C02, s25;
	(pc) =	sbr.rel @p0 .LBB2_1-.Ltmp3, $4  }
0xe8: {  	[hbm:s15], [sflag:s25] =	dma.local [spmem:s26], $0x2800  }
0xe9: {  	_ =	swait.ge [sflag:s18], $0x2800  }
0xea: {  	[sflag:s18] =	ssyncset.done $0x0  }
0xeb: {  	[sflag:s18] =	ssyncadd.s32 $0xFFFFD800  }
0xec: {  	_ =	sfence.sel $0x180000  }
0xed: {  	[bflag:$0x0] =	sbarrier.arrive $0xFFFF  }
0xee: {  	p0 =	sne.s32 s1, $0x0;
	_ =	strace $0x9000004A  }
0xef: {  	s0 =	sadd.s32 @!p0 $0x100000, s0;
	[bflag:$0x2] =	sbarrier.arrive $0xFFFF  }
0xf0: {  	[sflag:s0] =	ssyncadd.tile.s32 @!p0 $0x1;
	_ =	shalt  }
.Lfunc_end2:
_tile_overlayer_lowered:
.L_overlay_start_2:
0xf1: {  	(tag) =	ssettag $0x2  }
0xf2: {  	s0 =	rddreg [dreg:$0x0];
	s2 =	stileid.u32  }
0xf3: {  	s1 =	rddreg [dreg:$0x1];
	p0 =	sne.s32 s2, $0x0  }
0xf4: {  	s3 =	rddreg [dreg:$0x2];
	[bflag:$0x3] =	sbarrier.arrive $0xFFFF;
	s2 =	simm.s32 @!p0 $0x1C02  }
0xf5: {  	[timem:s3], [sflag:s2] =	dma.local @!p0 [hbm:s0], s1  }
0xf6: {  	s0 =	simm.s32 @!p0 $0x2  }
0xf7: {  	_ =	swait.ge @!p0 [sflag:s0], s1  }
0xf8: {  	s1 =	ssub.s32 @!p0 $0x0, s1;
	[sflag:s0] =	ssyncset.done @!p0 $0x0  }
0xf9: {  	[sflag:s0] =	ssyncadd.s32 @!p0 s1  }
0xfa: {  	[bflag:$0x3] =	sbarrier.arrive $0xFFFF  }
0xfb: {  	_ =	shalt  }

// kernel: kernel.15.cloned.1.call-start
scs
__scs_entry_jumppad:
0x0: {  	(pc) =	sbr.rel $0x88, $3  }
0x1: {  	(tag) =	ssettag $0x0;
	lr =	simm.s32 $0x1  }
0x2: {  	[smem:$0x3F9A] =	sst lr;
	_ =	strace $0xD0000000  }
0x3: {  	_ = 	snop  }
0x4: {  	_ = 	snop  }
0x5: {  	_ = 	snop  }
0x6: {  	_ = 	snop  }
0x7: {  	_ = 	snop  }
__scs_overlays_trampoline_lowered:
0x8: {  	[smem:$0x3FA9] =	sst s0  }
0x9: {  	[smem:$0x3FAA] =	sst s1  }
0xa: {  	[smem:$0x3FAB] =	sst s2  }
0xb: {  	[smem:$0x3FAC] =	sst s3  }
0xc: {  	[smem:$0x3FAD] =	sst s4  }
0xd: {  	[smem:$0x3FAE] =	sst s5  }
0xe: {  	[smem:$0x3FAF] =	sst s6  }
0xf: {  	[smem:$0x3FB0] =	sst s7  }
0x10: {  	[smem:$0x3FB1] =	sst s8  }
0x11: {  	[smem:$0x3FB2] =	sst s9;
	s0 =	simm.s32 @!p0 $0x0  }
0x12: {  	s1 =	sld [smem:$0x3F98];
	s0 =	simm.s32 @p0 $0x1  }
0x13: {  	[smem:$0x3FB3] =	sst s0;
	s0 =	simm.s32 @!p1 $0x0  }
0x14: {  	s2 =	sld [smem:$0x3F97];
	s0 =	simm.s32 @p1 $0x1  }
0x15: {  	[smem:$0x3FB4] =	sst s0;
	s0 =	simm.s32 @!p2 $0x0  }
0x16: {  	s3 =	sld [smem:$0x3FDB];
	s0 =	simm.s32 @p2 $0x1  }
0x17: {  	s4 =	simm.s32 $0x1BF5;
	[smem:$0x3FB6] =	sst s0  }
0x18: {  	s0 =	sld [smem:$0x3F99];
	_ =	swait.ge [sflag:s4], $0x0  }
0x19: {  	s7 =	sld [smem:$0x3F9A]  }
0x1a: {  	s8 =	sadd.s32 $0xFFFFE003, lr  }
0x1b: {  	s9 =	sadd.s32 $0xFFFFFEF7, lr;
	s5 =	simm.s32 $0xFFFFFFFF;
	p2 =	slt.u32 s8, $0xFFFFF086  }
0x1c: {  	p1 =	slt.u32 s9, $0xF7A;
	s5 =	simm.s32 @!p2 $0x0  }
0x1d: {  	s5 =	simm.s32 @p1 $0x1;
	p0 =	seq.s32 s7, s2  }
0x1e: {  	s7 =	smul.u32 @!p0 $0xF7A, s2;
	p2 =	seq.s32 @!p0 s5, $0x0  }
0x1f: {  	s9 =	smul.u32 $0xF7A, s1;
	s8 =	simm.s32 @!p0 $0x1BF5;
	p2 =	por !p2, p0  }
0x20: {  	[sflag:s8] =	ssyncset.s32 @!p0 $0xFFFFF086;
	s6 =	sadd.s32 @!p0 s3, s7;
	s7 =	simm.s32 @!p0 $0x108  }
0x21: {  	s3 =	sadd.s32 s3, s9;
	s6 =	sadd.s32 @!p0 $0x88, s6;
	s7 =	simm.s32 @p2 $0x1082  }
0x22: {  	[simem:s7], [sflag:s8] =	dma.local @!p0 [hbm:s6], $0xF7A  }
0x23: {  	s9 =	sor.u32 $0xD0000000, s2;
	s6 =	simm.s32 $0x108;
	_ =	swait.ge @!p0 [sflag:s8], $0x0  }
0x24: {  	s3 =	sadd.s32 $0x88, s3;
	s6 =	simm.s32 @!p1 $0x1082;
	[sflag:s4] =	ssyncset.s32 $0xFFFFF086  }
0x25: {  	[simem:s6], [sflag:s4] =	dma.local [hbm:s3], $0xF7A  }
0x26: {  	[smem:$0x3F9A] =	sst s1;
	(tag) =	ssettag s2;
	_ =	strace s9  }
0x27: {  	s1 =	sld [smem:$0x3FAA]  }
0x28: {  	s2 =	sld [smem:$0x3FAB]  }
0x29: {  	s4 =	sld [smem:$0x3FAD]  }
0x2a: {  	p0 =	seq.s32 s5, $0x0;
	s5 =	sld [smem:$0x3FAE]  }
0x2b: {  	s6 =	sld [smem:$0x3FAF]  }
0x2c: {  	s7 =	sld [smem:$0x3FB0]  }
0x2d: {  	s3 =	simm.s32 $0x108;
	s8 =	sld [smem:$0x3FB1]  }
0x2e: {  	s3 =	simm.s32 @!p0 $0x1082;
	s9 =	sld [smem:$0x3FB2]  }
0x2f: {  	lr =	sadd.s32 s0, s3;
	s0 =	sld [smem:$0x3FA9]  }
0x30: {  	s3 =	sld [smem:$0x3FAC]  }
0x31: {  	[smem:$0x3FB5] =	sst s10  }
0x32: {  	s10 =	sld [smem:$0x3FB3];
	_ =	sdelay $0x3  }
0x33: {  	p0 =	seq.s32 s10, $0x1;
	s10 =	sld [smem:$0x3FB5];
	_ =	sdelay $0x3  }
0x34: {  	[smem:$0x3FB5] =	sst s10  }
0x35: {  	s10 =	sld [smem:$0x3FB4];
	_ =	sdelay $0x3  }
0x36: {  	p1 =	seq.s32 s10, $0x1;
	s10 =	sld [smem:$0x3FB5];
	_ =	sdelay $0x3  }
0x37: {  	[smem:$0x3FB5] =	sst s10  }
0x38: {  	s10 =	sld [smem:$0x3FB6]  }
0x39: {  	_ = 	snop;
	(pc) =	sbr.ind lr, $3  }
0x3a: {  	_ = 	snop  }
0x3b: {  	_ = 	snop  }
0x3c: {  	p2 =	seq.s32 s10, $0x1;
	s10 =	sld [smem:$0x3FB5]  }
0x3d: {  	_ =	shalt  }
0x3e: {  	_ =	shalt  }
0x3f: {  	_ =	shalt  }
0x40: {  	_ =	shalt  }
0x41: {  	_ =	shalt  }
0x42: {  	_ =	shalt  }
0x43: {  	_ =	shalt  }
0x44: {  	_ =	shalt  }
0x45: {  	_ =	shalt  }
0x46: {  	_ =	shalt  }
0x47: {  	_ =	shalt  }
0x48: {  	_ =	shalt  }
0x49: {  	_ =	shalt  }
0x4a: {  	_ =	shalt  }
0x4b: {  	_ =	shalt  }
0x4c: {  	_ =	shalt  }
0x4d: {  	_ =	shalt  }
0x4e: {  	_ =	shalt  }
0x4f: {  	_ =	shalt  }
0x50: {  	_ =	shalt  }
0x51: {  	_ =	shalt  }
0x52: {  	_ =	shalt  }
0x53: {  	_ =	shalt  }
0x54: {  	_ =	shalt  }
0x55: {  	_ =	shalt  }
0x56: {  	_ =	shalt  }
0x57: {  	_ =	shalt  }
0x58: {  	_ =	shalt  }
0x59: {  	_ =	shalt  }
0x5a: {  	_ =	shalt  }
0x5b: {  	_ =	shalt  }
0x5c: {  	_ =	shalt  }
0x5d: {  	_ =	shalt  }
0x5e: {  	_ =	shalt  }
0x5f: {  	_ =	shalt  }
0x60: {  	_ =	shalt  }
0x61: {  	_ =	shalt  }
0x62: {  	_ =	shalt  }
0x63: {  	_ =	shalt  }
0x64: {  	_ =	shalt  }
0x65: {  	_ =	shalt  }
0x66: {  	_ =	shalt  }
0x67: {  	_ =	shalt  }
0x68: {  	_ =	shalt  }
0x69: {  	_ =	shalt  }
0x6a: {  	_ =	shalt  }
0x6b: {  	_ =	shalt  }
0x6c: {  	_ =	shalt  }
0x6d: {  	_ =	shalt  }
0x6e: {  	_ =	shalt  }
0x6f: {  	_ =	shalt  }
0x70: {  	_ =	shalt  }
0x71: {  	_ =	shalt  }
0x72: {  	_ =	shalt  }
0x73: {  	_ =	shalt  }
0x74: {  	_ =	shalt  }
0x75: {  	_ =	shalt  }
0x76: {  	_ =	shalt  }
0x77: {  	_ =	shalt  }
0x78: {  	_ =	shalt  }
0x79: {  	_ =	shalt  }
0x7a: {  	_ =	shalt  }
0x7b: {  	_ =	shalt  }
0x7c: {  	_ =	shalt  }
0x7d: {  	_ =	shalt  }
0x7e: {  	_ =	shalt  }
0x7f: {  	_ =	shalt  }
0x80: {  	_ =	shalt  }
0x81: {  	_ =	shalt  }
0x82: {  	_ =	shalt  }
0x83: {  	_ =	shalt  }
0x84: {  	_ =	shalt  }
0x85: {  	_ =	shalt  }
0x86: {  	_ =	shalt  }
0x87: {  	_ =	shalt  }
.Lfunc_end0:
.L_simem_size_0:
called_computation.2_lowered:
.L_overlay_start_0:
0x88: {  	s2 =	sld [smem:$0x3FD9]  }
0x89: {  	s3 =	sld [smem:$0x3FFE];
	_ =	sdelay $0x1  }
0x8a: {  	s1 =	srdreg.scid  }
0x8b: {  	s0 =	sand.u32 $0x1, s1  }
0x8c: {  	s14 =	sshll.u32 s0, $0xA;
	s2 =	sadd.s32 s3, s2  }
0x8d: {  	s2 =	sadd.s32 s2, s14  }
0x8e: {  	[smem:$0x3FC1] =	sst s2  }
0x8f: {  	_ = 	snop  }
0x90: {  	s2 =	sld [smem:$0x3FD0];
	_ =	sdelay $0x2  }
0x91: {  	s15 =	simm.s32 $0xA;
	s4 =	simm.s32 $0x10  }
0x92: {  	[smem:s4], [sflag:s15] =	dma.local [hbm:s2], $0x1  }
0x93: {  	_ =	swait.eq [sflag:s15], $0x1  }
0x94: {  	[sflag:s15] =	ssyncset.done $0x0  }
0x95: {  	[sflag:s15] =	ssyncadd.s32 $0xFFFFFFFF  }
0x96: {  	s16 =	sld [smem:$0x10];
	(tm) =	ssettm $0x1  }
0x97: {  	s17 =	sld [smem:$0x3FFB];
	_ =	sdelay $0x3  }
0x98: {  	_ =	strace s17  }
0x99: {  	s3 =	sld [smem:$0x3FFC];
	_ =	sdelay $0x3  }
0x9a: {  	_ =	strace s3  }
0x9b: {  	s3 =	sld [smem:$0x3FFD];
	_ =	sdelay $0x3  }
0x9c: {  	_ =	strace s3  }
0x9d: {  	_ =	strace $0x8FFFFFFF  }
0x9e: {  	s18 =	sld [smem:$0x3FDB];
	_ =	sdelay $0x1  }
0x9f: {  	s19 =	simm.s32 $_scs_section_size  }
0xa0: {  	s5 =	simm.s32 $_size__tile_overlayer_lowered;
	s6 =	simm.s32 $_tile_overlayer_lowered  }
0xa1: {  	s22 =	simm.s32 $0x1BFF;
	s21 =	sshll.u32 s6, $0x1;
	s3 =	sadd.s32 s19, s18  }
0xa2: {  	s7 =	simm.s32 $0x0;
	s20 =	sshll.u32 s5, $0x1;
	s5 =	sadd.s32 s21, s3  }
0xa3: {  	[timem:s7], [sflag:s22] =	dma.local [hbm:s5], s20  }
0xa4: {  	_ =	swait.ge [sflag:s22], s20  }
0xa5: {  	s4 =	ssub.s32 $0x0, s20;
	[sflag:s22] =	ssyncset.done $0x0  }
0xa6: {  	[sflag:s22] =	ssyncadd.s32 s4;
	_ =	sdelay $0x1  }
0xa7: {  	s23 =	simm.s32 $0x1B8B  }
0xa8: {  	_ =	swait.ge [sflag:s23], $0x1  }
0xa9: {  	[sflag:s23] =	ssyncset.done $0x0  }
0xaa: {  	s25 =	simm.s32 $0x1B8E;
	s24 =	sld [smem:$0x3FFE];
	[sflag:s23] =	ssyncadd.s32 $0xFFFFFFFF  }
0xab: {  	s26 =	simm.s32 $execute0_lowered;
	[smem:$0x3FD2] =	sst s25  }
0xac: {  	s5 =	sshll.u32 s26, $0x1;
	_ =	strace $0x8000004C;
	[dreg:$0x1] =	wrdreg $0xFFFFFFFF  }
0xad: {  	s28 =	simm.s32 $_size_execute0_lowered;
	s3 =	sadd.s32 s3, s5;
	[dreg:$0x0] =	wrdreg $0x0  }
0xae: {  	s5 =	sshll.u32 s28, $0x1;
	[dreg:$0x2] =	wrdreg s3  }
0xaf: {  	[dreg:$0x3] =	wrdreg s5  }
0xb0: {  	[dreg:$0x4] =	wrdreg $0xC0  }
0xb1: {  	_ =	task [dreg:s7], $0x5FFFF  }
0xb2: {  	[dreg:$0x1] =	wrdreg $0xFFFFFFFF  }
0xb3: {  	[dreg:$0x0] =	wrdreg $0x60  }
0xb4: {  	[dreg:$0x2] =	wrdreg s24  }
0xb5: {  	[dreg:$0x3] =	wrdreg s16  }
0xb6: {  	[dreg:$0x4] =	wrdreg $0x69800  }
0xb7: {  	[dreg:$0x5] =	wrdreg $0x9  }
0xb8: {  	_ =	task.clear_ibuf [dreg:s7], $0x6FFFF;
	_ =	strace $0x9000004C  }
0xb9: {  	s29 =	simm.s32 $0x9;
	_ =	strace $0x8000004E  }
0xba: {  	_ =	swait.ge [sflag:s29], $0x1  }
0xbb: {  	[sflag:s29] =	ssyncadd.s32 $0xFFFFFFFF  }
0xbc: {  	_ =	strace $0x9000004E  }
0xbd: {  	_ =	sfence  }
0xbe: {  	s30 =	sld [smem:$0x0];
	_ =	sdelay $0x2  }
0xbf: {  	s31 =	sshll.u32 s1, $0xD;
	s1 =	sshrl.u32 s1, $0x2  }
0xc0: {  	s3 =	sand.u32 $0x4000, s31;
	s1 =	sadd.s32 s1, s30  }
0xc1: {  	s0 =	sor.u32 s3, s0;
	s1 =	sshll.u32 s1, $0x11  }
0xc2: {  	s0 =	sor.u32 s1, s0  }
0xc3: {  	s0 =	sadd.s32 $0x8F2B, s0  }
0xc4: {  	[sflag:s0] =	ssyncadd.remote.s32 $0x1  }
0xc5: {  	_ =	sfence.sel $0xFFFF  }
0xc6: {  	[dreg:$0x0] =	wrdreg $0xFFFFFFFF;
	(pc) =	sbr.abs _section_cstart, $3  }
0xc7: {  	[dreg:$0x1] =	wrdreg $0xFFFFFFFF  }
0xc8: {  	_ =	task.clear_ibuf [dreg:s7], $0x2FFFF;
	_ =	strace $0x9FFFFFFF  }
0xc9: {  	(tm) =	ssettm $0x7FFFFFFF  }
tec
execute0_lowered:
.L_overlay_start_1:
0x0: {  	(tag) =	ssettag $0x1  }
0x1: {  	s9 =	rddreg [dreg:$0x0]  }
0x2: {  	s2 =	rddreg [dreg:$0x1]  }
0x3: {  	s3 =	rddreg [dreg:$0x2]  }
0x4: {  	s0 =	rddreg [dreg:$0x3]  }
0x5: {  	s5 =	srdreg.scid;
	s1 =	stileid.u32;
	s4 =	simm.s32 $0x0  }
0x6: {  	s17 =	simm.s32 $0x2980;
	s18 =	simm.s32 $0x2;
	s19 =	simm.s32 $0x2800  }
0x7: {  	s20 =	simm.s32 $0x2880;
	s21 =	simm.s32 $0x2900;
	s22 =	simm.s32 $0x80  }
0x8: {  	s23 =	simm.s32 $0x1;
	s24 =	simm.s32 $0x0;
	s10 =	sand.u32 $0x1, s5  }
0x9: {  	s11 =	smul.u32 $0x14000, s1;
	[smem:$0x7FF] =	sst s4;
	s5 =	sadd.s32 $0x16800, s9  }
0xa: {  	s6 =	sadd.s32 $0x3E800, s9;
	s7 =	sadd.s32 $0xC600, s9;
	s14 =	smul.u32 $0x50000, s1  }
0xb: {  	s8 =	smul.u32 $0x140000, s10;
	_ =	strace $0x8000004D;
	s13 =	ssub.s32 $0x2, s10  }
0xc: {  	s28 =	sshll.u32 s10, $0x4;
	s26 =	sshrl.u32 s13, $0x1;
	s29 =	sshrl.u32 s14, $0x2  }
0xd: {  	s30 =	sor.u32 s1, s28;
	s8 =	sadd.s32 s11, s8;
	s16 =	ssub.s32 s13, s26  }
0xe: {  	s31 =	sadd.s32 s29, s3;
	s14 =	smul.u32 $0x51, s30;
	s12 =	sshrl.u32 s8, $0x3  }
0xf: {  	s8 =	sadd.s32 $0x2400, s9;
	s10 =	sadd.s32 $0x4000, s31;
	s13 =	sadd.s32 $0x10000, s31  }
0x10: {  	s16 =	smax.u32 s16, $0x1;
	s15 =	sadd.s32 s12, s9;
	s9 =	sadd.s32 s11, s3  }
0x11: {  	v0 =	vimm.f32 $0.0e+00;
	s11 =	sadd.s32 $0x8000, s31;
	s12 =	sadd.s32 $0xC000, s31;
	s15 =	sadd.s32 $0x3EE00, s15  }
.LBB2_1:
0x12: {  	s25 =	simm.s32 $0x0;
	s26 =	simm.s32 $0x200  }
.LBB2_2:
0x13: {  	p0 =	sne.s32 s26, $0xFE00;
	[tilespmem:s25+$0x29F0] =	vst v0  }
0x14: {  	[tilespmem:s25+$0x2980] =	vst v0  }
0x15: {  	[tilespmem:s25+$0x2990] =	vst v0  }
.Ltmp0:
0x16: {  	[tilespmem:s25+$0x29A0] =	vst v0;
	(pc) =	sbr.rel @p0 .LBB2_2-.Ltmp0, $4  }
0x17: {  	[tilespmem:s25+$0x29B0] =	vst v0  }
0x18: {  	[tilespmem:s25+$0x29C0] =	vst v0  }
0x19: {  	[tilespmem:s25+$0x29D0] =	vst v0  }
0x1a: {  	[tilespmem:s25+$0x29E0] =	vst v0;
	s25 =	sshra.s32 s26, $0x2;
	s26 =	sadd.s32 $0x200, s26  }
0x1b: {  	[tilespmem:s25+$0x29F0] =	vst v0  }
0x1c: {  	[tilespmem:s25+$0x2980] =	vst v0  }
0x1d: {  	[tilespmem:s25+$0x2990] =	vst v0  }
0x1e: {  	[tilespmem:s25+$0x29A0] =	vst v0  }
0x1f: {  	[tilespmem:s25+$0x29B0] =	vst v0  }
0x20: {  	[tilespmem:s25+$0x29C0] =	vst v0  }
0x21: {  	[tilespmem:s25+$0x29D0] =	vst v0  }
0x22: {  	[tilespmem:s25+$0x29E0] =	vst v0  }
0x23: {  	[spmem:s9] =	stream.linear.scatter [tilespmem:s17], [sflag:$0x2], $0x4000, $0x38;
	[tilespmem:$0x1A980] =	vst v63  }
0x24: {  	_ =	swait.ge [sflag:s18], $0x4000  }
0x25: {  	[sflag:s18] =	ssyncset.done $0x0  }
0x26: {  	[sflag:s18] =	ssyncadd.s32 $0xFFFFC000  }
0x27: {  	[spmem:s10] =	stream.linear.scatter [tilespmem:s17], [sflag:$0x2], $0x4000, $0x38;
	[tilespmem:$0x1A980] =	vst v63  }
0x28: {  	_ =	swait.ge [sflag:s18], $0x4000  }
0x29: {  	[sflag:s18] =	ssyncset.done $0x0  }
0x2a: {  	[sflag:s18] =	ssyncadd.s32 $0xFFFFC000  }
0x2b: {  	[spmem:s11] =	stream.linear.scatter [tilespmem:s17], [sflag:$0x2], $0x4000, $0x38;
	[tilespmem:$0x1A980] =	vst v63  }
0x2c: {  	_ =	swait.ge [sflag:s18], $0x4000  }
0x2d: {  	[sflag:s18] =	ssyncset.done $0x0  }
0x2e: {  	[sflag:s18] =	ssyncadd.s32 $0xFFFFC000  }
0x2f: {  	[spmem:s12] =	stream.linear.scatter [tilespmem:s17], [sflag:$0x2], $0x4000, $0x38;
	[tilespmem:$0x1A980] =	vst v63  }
0x30: {  	_ =	swait.ge [sflag:s18], $0x4000  }
0x31: {  	[sflag:s18] =	ssyncset.done $0x0  }
0x32: {  	[sflag:s18] =	ssyncadd.s32 $0xFFFFC000  }
0x33: {  	[spmem:s13] =	stream.linear.scatter [tilespmem:s17], [sflag:$0x2], $0x4000, $0x38;
	[tilespmem:$0x1A980] =	vst v63  }
0x34: {  	_ =	swait.ge [sflag:s18], $0x4000  }
0x35: {  	[sflag:s18] =	ssyncset.done $0x0  }
0x36: {  	s25 =	simm.s32 $0x0;
	[sflag:s18] =	ssyncadd.s32 $0xFFFFC000  }
0x37: {  	[tilespmem:s25], [sflag:$0x2] =	stream.linear.gather [hbm4b:s6+s25], $0x2800, $0x38;
	[tilespmem:$0x1A980] =	vst v63  }
0x38: {  	_ =	swait.ge [sflag:s18], $0x2800  }
0x39: {  	[sflag:s18] =	ssyncset.done $0x0  }
0x3a: {  	[sflag:s18] =	ssyncadd.s32 $0xFFFFD800  }
0x3b: {  	s26 =	simm.s32 $0x0;
	[bflag:$0x0] =	sbarrier.arrive $0xFFFF  }
.LBB2_4:
0x3c: {  	s28 =	sadd.s32 s14, s26  }
0x3d: {  	s28 =	sshll.u32 s28, $0x4  }
0x3e: {  	s29 =	sadd.s32 s7, s28  }
0x3f: {  	[tilespmem:s19], [sflag:$0x2] =	stream.linear.gather [hbm4b:s29+s25], $0x80, $0x38;
	[tilespmem:$0x1A980] =	vst v63  }
0x40: {  	_ =	swait.ge [sflag:s18], $0x80  }
0x41: {  	[sflag:s18] =	ssyncset.done $0x0  }
0x42: {  	s31 =	sadd.s32 s2, s28;
	[sflag:s18] =	ssyncadd.s32 $0xFFFFFF80  }
0x43: {  	[tilespmem:s20], [sflag:$0x2] =	stream.linear.gather [hbm4b:s31+s25], $0x80, $0x38;
	[tilespmem:$0x1A980] =	vst v63  }
0x44: {  	_ =	swait.ge [sflag:s18], $0x80  }
0x45: {  	[sflag:s18] =	ssyncset.done $0x0  }
0x46: {  	s28 =	sadd.s32 s8, s28;
	[sflag:s18] =	ssyncadd.s32 $0xFFFFFF80  }
0x47: {  	[tilespmem:s21], [sflag:$0x2] =	stream.linear.gather [hbm4b:s28+s25], $0x80, $0x38;
	[tilespmem:$0x1A980] =	vst v63  }
0x48: {  	_ =	swait.ge [sflag:s18], $0x80  }
0x49: {  	[sflag:s18] =	ssyncset.done $0x0  }
0x4a: {  	[sflag:s18] =	ssyncadd.s32 $0xFFFFFF80  }
0x4b: {  	[tilespmem:s17], [sflag:$0x1] =	stream.indirect.gather [hbm4b:s5+s22], $0x80, s19, s22, $0xb8;
	[tilespmem:$0x1A980] =	vst v63  }
0x4c: {  	_ =	swait.ge [sflag:s23], $0x4000  }
0x4d: {  	[sflag:s23] =	ssyncset.done $0x0  }
0x4e: {  	s28 =	simm.s32 $0x0;
	[sflag:s23] =	ssyncadd.s32 $0xFFFFC000  }
.LBB2_5:
0x4f: {  	s29 =	sshll.u32 s28, $0x4  }
0x50: {  	v1 =	vld [tilespmem:s29+$0x2800];
	_ =	sdelay $0x1  }
0x51: {  	v2 =	vld [tilespmem:s29+$0x2880];
	_ =	sdelay $0x4  }
0x52: {  	v3 =	vld [tilespmem:s29+$0x2900]  }
0x53: {  	v1 =	vld.idx.msk [tilespmem:v1+s4+$0x0], $0xffff;
	_ =	sdelay $0x1  }
0x54: {  	v2 =	vld.idx.msk [tilespmem:v2+s4+$0x0], $0xffff;
	_ =	sdelay $0x1  }
0x55: {  	s31 =	sshll.u32 s28, $0xB  }
0x56: {  	s29 =	sand.u32 $0x3FFFF800, s31;
	v1 =	vmul.f32 v1, v3  }
0x57: {  	v3 =	vld [tilespmem:s29+$0x2980]  }
0x58: {  	v1 =	vmul.f32 v2, v1;
	v2 =	vld [tilespmem:s29+$0x2990]  }
0x59: {  	v4 =	vld [tilespmem:s29+$0x29A0]  }
0x5a: {  	v6 =	vld [tilespmem:s29+$0x29B0];
	v5 =	vbroadcast v1, $0x0  }
0x5b: {  	v7 =	vld [tilespmem:s29+$0x29C0]  }
0x5c: {  	v8 =	vld [tilespmem:s29+$0x29D0];
	v3 =	vmul.f32 v5, v3  }
0x5d: {  	v9 =	vld [tilespmem:s29+$0x29E0];
	v2 =	vmul.f32 v2, v5  }
0x5e: {  	v34 =	vld [tilespmem:s29+$0x29F0];
	[tilespmem:s29+$0x2980] =	vst v3;
	v3 =	vmul.f32 v4, v5  }
0x5f: {  	v35 =	vld [tilespmem:s29+$0x2A00];
	[tilespmem:s29+$0x2990] =	vst v2;
	v2 =	vmul.f32 v6, v5  }
0x60: {  	v36 =	vld [tilespmem:s29+$0x2A10];
	[tilespmem:s29+$0x29A0] =	vst v3;
	v3 =	vmul.f32 v7, v5  }
0x61: {  	v37 =	vld [tilespmem:s29+$0x2A20];
	[tilespmem:s29+$0x29B0] =	vst v2;
	v2 =	vmul.f32 v8, v5  }
0x62: {  	v10 =	vld [tilespmem:s29+$0x2A30];
	v38 =	vbroadcast v1, $0x1;
	[tilespmem:s29+$0x29C0] =	vst v3;
	v3 =	vmul.f32 v9, v5  }
0x63: {  	v39 =	vld [tilespmem:s29+$0x2A40];
	[tilespmem:s29+$0x29D0] =	vst v2;
	v2 =	vmul.f32 v34, v5  }
0x64: {  	v40 =	vld [tilespmem:s29+$0x2A50];
	[tilespmem:s29+$0x29E0] =	vst v3;
	v3 =	vmul.f32 v35, v38  }
0x65: {  	v41 =	vld [tilespmem:s29+$0x2A60];
	[tilespmem:s29+$0x29F0] =	vst v2;
	v2 =	vmul.f32 v36, v38  }
0x66: {  	v42 =	vld [tilespmem:s29+$0x2A70];
	[tilespmem:s29+$0x2A00] =	vst v3;
	v3 =	vmul.f32 v37, v38  }
0x67: {  	v43 =	vld [tilespmem:s29+$0x2A80];
	[tilespmem:s29+$0x2A10] =	vst v2;
	v2 =	vmul.f32 v10, v38  }
0x68: {  	v44 =	vld [tilespmem:s29+$0x2A90];
	[tilespmem:s29+$0x2A20] =	vst v3;
	v3 =	vmul.f32 v39, v38  }
0x69: {  	v45 =	vld [tilespmem:s29+$0x2AA0];
	[tilespmem:s29+$0x2A30] =	vst v2;
	v2 =	vmul.f32 v40, v38  }
0x6a: {  	v47 =	vld [tilespmem:s29+$0x2AB0];
	v46 =	vbroadcast v1, $0x2;
	[tilespmem:s29+$0x2A40] =	vst v3;
	v3 =	vmul.f32 v41, v38  }
0x6b: {  	v48 =	vld [tilespmem:s29+$0x2AC0];
	[tilespmem:s29+$0x2A50] =	vst v2;
	v2 =	vmul.f32 v42, v38  }
0x6c: {  	v49 =	vld [tilespmem:s29+$0x2AD0];
	[tilespmem:s29+$0x2A60] =	vst v3;
	v3 =	vmul.f32 v43, v46  }
0x6d: {  	v50 =	vld [tilespmem:s29+$0x2AE0];
	[tilespmem:s29+$0x2A70] =	vst v2;
	v2 =	vmul.f32 v44, v46  }
0x6e: {  	v51 =	vld [tilespmem:s29+$0x2AF0];
	[tilespmem:s29+$0x2A80] =	vst v3;
	v3 =	vmul.f32 v45, v46  }
0x6f: {  	v52 =	vld [tilespmem:s29+$0x2B00];
	[tilespmem:s29+$0x2A90] =	vst v2;
	v2 =	vmul.f32 v47, v46  }
0x70: {  	v53 =	vld [tilespmem:s29+$0x2B10];
	[tilespmem:s29+$0x2AA0] =	vst v3;
	v3 =	vmul.f32 v48, v46  }
0x71: {  	v54 =	vld [tilespmem:s29+$0x2B20];
	[tilespmem:s29+$0x2AB0] =	vst v2;
	v2 =	vmul.f32 v49, v46  }
0x72: {  	v56 =	vld [tilespmem:s29+$0x2B30];
	v55 =	vbroadcast v1, $0x3;
	[tilespmem:s29+$0x2AC0] =	vst v3;
	v3 =	vmul.f32 v50, v46  }
0x73: {  	v57 =	vld [tilespmem:s29+$0x2B40];
	[tilespmem:s29+$0x2AD0] =	vst v2;
	v2 =	vmul.f32 v51, v46  }
0x74: {  	v58 =	vld [tilespmem:s29+$0x2B50];
	[tilespmem:s29+$0x2AE0] =	vst v3;
	v3 =	vmul.f32 v52, v55  }
0x75: {  	v59 =	vld [tilespmem:s29+$0x2B60];
	[tilespmem:s29+$0x2AF0] =	vst v2;
	v2 =	vmul.f32 v53, v55  }
0x76: {  	v60 =	vld [tilespmem:s29+$0x2B70];
	[tilespmem:s29+$0x2B00] =	vst v3;
	v3 =	vmul.f32 v54, v55  }
0x77: {  	v61 =	vld [tilespmem:s29+$0x2B80];
	[tilespmem:s29+$0x2B10] =	vst v2;
	v2 =	vmul.f32 v56, v55  }
0x78: {  	v62 =	vld [tilespmem:s29+$0x2B90];
	[tilespmem:s29+$0x2B20] =	vst v3;
	v3 =	vmul.f32 v57, v55  }
0x79: {  	v63 =	vld [tilespmem:s29+$0x2BA0];
	[tilespmem:s29+$0x2B30] =	vst v2;
	v2 =	vmul.f32 v58, v55  }
0x7a: {  	v13 =	vld [tilespmem:s29+$0x2BB0];
	v12 =	vbroadcast v1, $0x4;
	[tilespmem:s29+$0x2B40] =	vst v3;
	v3 =	vmul.f32 v59, v55  }
0x7b: {  	v14 =	vld [tilespmem:s29+$0x2BC0];
	[tilespmem:s29+$0x2B50] =	vst v2;
	v2 =	vmul.f32 v60, v55  }
0x7c: {  	v15 =	vld [tilespmem:s29+$0x2BD0];
	[tilespmem:s29+$0x2B60] =	vst v3;
	v3 =	vmul.f32 v61, v12  }
0x7d: {  	v16 =	vld [tilespmem:s29+$0x2BE0];
	[tilespmem:s29+$0x2B70] =	vst v2;
	v2 =	vmul.f32 v62, v12  }
0x7e: {  	v17 =	vld [tilespmem:s29+$0x2BF0];
	[tilespmem:s29+$0x2B80] =	vst v3;
	v3 =	vmul.f32 v63, v12  }
0x7f: {  	v18 =	vld [tilespmem:s29+$0x2C00];
	[tilespmem:s29+$0x2B90] =	vst v2;
	v2 =	vmul.f32 v13, v12  }
0x80: {  	v19 =	vld [tilespmem:s29+$0x2C10];
	[tilespmem:s29+$0x2BA0] =	vst v3;
	v3 =	vmul.f32 v14, v12  }
0x81: {  	v20 =	vld [tilespmem:s29+$0x2C20];
	[tilespmem:s29+$0x2BB0] =	vst v2;
	v2 =	vmul.f32 v15, v12  }
0x82: {  	v22 =	vld [tilespmem:s29+$0x2C30];
	v21 =	vbroadcast v1, $0x5;
	[tilespmem:s29+$0x2BC0] =	vst v3;
	v3 =	vmul.f32 v16, v12  }
0x83: {  	v23 =	vld [tilespmem:s29+$0x2C40];
	[tilespmem:s29+$0x2BD0] =	vst v2;
	v2 =	vmul.f32 v17, v12  }
0x84: {  	v24 =	vld [tilespmem:s29+$0x2C50];
	[tilespmem:s29+$0x2BE0] =	vst v3;
	v3 =	vmul.f32 v18, v21  }
0x85: {  	v25 =	vld [tilespmem:s29+$0x2C60];
	[tilespmem:s29+$0x2BF0] =	vst v2;
	v2 =	vmul.f32 v19, v21  }
0x86: {  	v26 =	vld [tilespmem:s29+$0x2C70];
	[tilespmem:s29+$0x2C00] =	vst v3;
	v3 =	vmul.f32 v20, v21  }
0x87: {  	v27 =	vld [tilespmem:s29+$0x2C80];
	[tilespmem:s29+$0x2C10] =	vst v2;
	v2 =	vmul.f32 v22, v21  }
0x88: {  	v28 =	vld [tilespmem:s29+$0x2C90];
	[tilespmem:s29+$0x2C20] =	vst v3;
	v3 =	vmul.f32 v23, v21  }
0x89: {  	v29 =	vld [tilespmem:s29+$0x2CA0];
	[tilespmem:s29+$0x2C30] =	vst v2;
	v2 =	vmul.f32 v24, v21  }
0x8a: {  	v31 =	vld [tilespmem:s29+$0x2CB0];
	v30 =	vbroadcast v1, $0x6;
	[tilespmem:s29+$0x2C40] =	vst v3;
	v3 =	vmul.f32 v25, v21  }
0x8b: {  	v32 =	vld [tilespmem:s29+$0x2CC0];
	[tilespmem:s29+$0x2C50] =	vst v2;
	v2 =	vmul.f32 v26, v21  }
0x8c: {  	v33 =	vld [tilespmem:s29+$0x2CD0];
	[tilespmem:s29+$0x2C60] =	vst v3;
	v3 =	vmul.f32 v27, v30  }
0x8d: {  	v34 =	vld [tilespmem:s29+$0x2CE0];
	[tilespmem:s29+$0x2C70] =	vst v2;
	v2 =	vmul.f32 v28, v30  }
0x8e: {  	v35 =	vld [tilespmem:s29+$0x2CF0];
	[tilespmem:s29+$0x2C80] =	vst v3;
	v3 =	vmul.f32 v29, v30  }
0x8f: {  	v36 =	vld [tilespmem:s29+$0x2D00];
	[tilespmem:s29+$0x2C90] =	vst v2;
	v2 =	vmul.f32 v31, v30  }
0x90: {  	v37 =	vld [tilespmem:s29+$0x2D10];
	[tilespmem:s29+$0x2CA0] =	vst v3;
	v3 =	vmul.f32 v32, v30  }
0x91: {  	v38 =	vld [tilespmem:s29+$0x2D20];
	[tilespmem:s29+$0x2CB0] =	vst v2;
	v2 =	vmul.f32 v33, v30  }
0x92: {  	v39 =	vbroadcast v1, $0x7;
	v40 =	vld [tilespmem:s29+$0x2D30];
	[tilespmem:s29+$0x2CC0] =	vst v3;
	v3 =	vmul.f32 v34, v30  }
0x93: {  	v41 =	vld [tilespmem:s29+$0x2D40];
	[tilespmem:s29+$0x2CD0] =	vst v2;
	v2 =	vmul.f32 v35, v30  }
0x94: {  	v42 =	vld [tilespmem:s29+$0x2D50];
	[tilespmem:s29+$0x2CE0] =	vst v3;
	v3 =	vmul.f32 v36, v39  }
0x95: {  	v43 =	vld [tilespmem:s29+$0x2D60];
	[tilespmem:s29+$0x2CF0] =	vst v2;
	v2 =	vmul.f32 v37, v39  }
0x96: {  	v44 =	vld [tilespmem:s29+$0x2D70];
	[tilespmem:s29+$0x2D00] =	vst v3;
	v3 =	vmul.f32 v38, v39  }
0x97: {  	v45 =	vld [tilespmem:s29+$0x2D80];
	[tilespmem:s29+$0x2D10] =	vst v2;
	v2 =	vmul.f32 v40, v39  }
0x98: {  	v46 =	vld [tilespmem:s29+$0x2D90];
	[tilespmem:s29+$0x2D20] =	vst v3;
	v3 =	vmul.f32 v41, v39  }
0x99: {  	v47 =	vld [tilespmem:s29+$0x2DA0];
	[tilespmem:s29+$0x2D30] =	vst v2;
	v2 =	vmul.f32 v42, v39  }
0x9a: {  	v48 =	vbroadcast v1, $0x8;
	v49 =	vld [tilespmem:s29+$0x2DB0];
	[tilespmem:s29+$0x2D40] =	vst v3;
	v3 =	vmul.f32 v43, v39  }
0x9b: {  	v50 =	vld [tilespmem:s29+$0x2DC0];
	[tilespmem:s29+$0x2D50] =	vst v2;
	v2 =	vmul.f32 v44, v39  }
0x9c: {  	v51 =	vld [tilespmem:s29+$0x2DD0];
	[tilespmem:s29+$0x2D60] =	vst v3;
	v3 =	vmul.f32 v45, v48  }
0x9d: {  	v52 =	vld [tilespmem:s29+$0x2DE0];
	[tilespmem:s29+$0x2D70] =	vst v2;
	v2 =	vmul.f32 v46, v48  }
0x9e: {  	v53 =	vld [tilespmem:s29+$0x2DF0];
	[tilespmem:s29+$0x2D80] =	vst v3;
	v3 =	vmul.f32 v47, v48  }
0x9f: {  	v54 =	vld [tilespmem:s29+$0x2E00];
	[tilespmem:s29+$0x2D90] =	vst v2;
	v2 =	vmul.f32 v49, v48  }
0xa0: {  	v55 =	vld [tilespmem:s29+$0x2E10];
	[tilespmem:s29+$0x2DA0] =	vst v3;
	v3 =	vmul.f32 v50, v48  }
0xa1: {  	v56 =	vld [tilespmem:s29+$0x2E20];
	[tilespmem:s29+$0x2DB0] =	vst v2;
	v2 =	vmul.f32 v51, v48  }
0xa2: {  	v57 =	vbroadcast v1, $0x9;
	v58 =	vld [tilespmem:s29+$0x2E30];
	[tilespmem:s29+$0x2DC0] =	vst v3;
	v3 =	vmul.f32 v52, v48  }
0xa3: {  	v59 =	vld [tilespmem:s29+$0x2E40];
	[tilespmem:s29+$0x2DD0] =	vst v2;
	v2 =	vmul.f32 v53, v48  }
0xa4: {  	v60 =	vld [tilespmem:s29+$0x2E50];
	[tilespmem:s29+$0x2DE0] =	vst v3;
	v3 =	vmul.f32 v54, v57  }
0xa5: {  	v61 =	vld [tilespmem:s29+$0x2E60];
	[tilespmem:s29+$0x2DF0] =	vst v2;
	v2 =	vmul.f32 v55, v57  }
0xa6: {  	v62 =	vld [tilespmem:s29+$0x2E70];
	[tilespmem:s29+$0x2E00] =	vst v3;
	v3 =	vmul.f32 v56, v57  }
0xa7: {  	v63 =	vld [tilespmem:s29+$0x2E80];
	[tilespmem:s29+$0x2E10] =	vst v2;
	v2 =	vmul.f32 v58, v57  }
0xa8: {  	v12 =	vld [tilespmem:s29+$0x2E90];
	[tilespmem:s29+$0x2E20] =	vst v3;
	v3 =	vmul.f32 v59, v57  }
0xa9: {  	v13 =	vld [tilespmem:s29+$0x2EA0];
	[tilespmem:s29+$0x2E30] =	vst v2;
	v2 =	vmul.f32 v60, v57  }
0xaa: {  	v14 =	vbroadcast v1, $0xA;
	v15 =	vld [tilespmem:s29+$0x2EB0];
	[tilespmem:s29+$0x2E40] =	vst v3;
	v3 =	vmul.f32 v61, v57  }
0xab: {  	v16 =	vld [tilespmem:s29+$0x2EC0];
	[tilespmem:s29+$0x2E50] =	vst v2;
	v2 =	vmul.f32 v62, v57  }
0xac: {  	v17 =	vld [tilespmem:s29+$0x2ED0];
	[tilespmem:s29+$0x2E60] =	vst v3;
	v3 =	vmul.f32 v63, v14  }
0xad: {  	v18 =	vld [tilespmem:s29+$0x2EE0];
	[tilespmem:s29+$0x2E70] =	vst v2;
	v2 =	vmul.f32 v12, v14  }
0xae: {  	v19 =	vld [tilespmem:s29+$0x2EF0];
	[tilespmem:s29+$0x2E80] =	vst v3;
	v3 =	vmul.f32 v13, v14  }
0xaf: {  	v20 =	vld [tilespmem:s29+$0x2F00];
	[tilespmem:s29+$0x2E90] =	vst v2;
	v2 =	vmul.f32 v15, v14  }
0xb0: {  	v21 =	vld [tilespmem:s29+$0x2F10];
	[tilespmem:s29+$0x2EA0] =	vst v3;
	v3 =	vmul.f32 v16, v14  }
0xb1: {  	v22 =	vld [tilespmem:s29+$0x2F20];
	[tilespmem:s29+$0x2EB0] =	vst v2;
	v2 =	vmul.f32 v17, v14  }
0xb2: {  	v23 =	vbroadcast v1, $0xB;
	v24 =	vld [tilespmem:s29+$0x2F30];
	[tilespmem:s29+$0x2EC0] =	vst v3;
	v3 =	vmul.f32 v18, v14  }
0xb3: {  	v25 =	vld [tilespmem:s29+$0x2F40];
	[tilespmem:s29+$0x2ED0] =	vst v2;
	v2 =	vmul.f32 v19, v14  }
0xb4: {  	v26 =	vld [tilespmem:s29+$0x2F50];
	[tilespmem:s29+$0x2EE0] =	vst v3;
	v3 =	vmul.f32 v20, v23  }
0xb5: {  	v27 =	vld [tilespmem:s29+$0x2F60];
	[tilespmem:s29+$0x2EF0] =	vst v2;
	v2 =	vmul.f32 v21, v23  }
0xb6: {  	v28 =	vld [tilespmem:s29+$0x2F70];
	[tilespmem:s29+$0x2F00] =	vst v3;
	v3 =	vmul.f32 v22, v23  }
0xb7: {  	v29 =	vld [tilespmem:s29+$0x2F80];
	[tilespmem:s29+$0x2F10] =	vst v2;
	v2 =	vmul.f32 v24, v23  }
0xb8: {  	v30 =	vld [tilespmem:s29+$0x2F90];
	[tilespmem:s29+$0x2F20] =	vst v3;
	v3 =	vmul.f32 v25, v23  }
0xb9: {  	v31 =	vld [tilespmem:s29+$0x2FA0];
	[tilespmem:s29+$0x2F30] =	vst v2;
	v2 =	vmul.f32 v26, v23  }
0xba: {  	v32 =	vbroadcast v1, $0xC;
	v33 =	vld [tilespmem:s29+$0x2FB0];
	[tilespmem:s29+$0x2F40] =	vst v3;
	v3 =	vmul.f32 v27, v23  }
0xbb: {  	v34 =	vld [tilespmem:s29+$0x2FC0];
	[tilespmem:s29+$0x2F50] =	vst v2;
	v2 =	vmul.f32 v28, v23  }
0xbc: {  	v35 =	vld [tilespmem:s29+$0x2FD0];
	[tilespmem:s29+$0x2F60] =	vst v3;
	v3 =	vmul.f32 v29, v32  }
0xbd: {  	v36 =	vld [tilespmem:s29+$0x2FE0];
	[tilespmem:s29+$0x2F70] =	vst v2;
	v2 =	vmul.f32 v30, v32  }
0xbe: {  	v37 =	vld [tilespmem:s29+$0x2FF0];
	[tilespmem:s29+$0x2F80] =	vst v3;
	v3 =	vmul.f32 v31, v32  }
0xbf: {  	v38 =	vld [tilespmem:s29+$0x3000];
	[tilespmem:s29+$0x2F90] =	vst v2;
	v2 =	vmul.f32 v33, v32  }
0xc0: {  	v39 =	vld [tilespmem:s29+$0x3010];
	[tilespmem:s29+$0x2FA0] =	vst v3;
	v3 =	vmul.f32 v34, v32  }
0xc1: {  	v40 =	vld [tilespmem:s29+$0x3020];
	[tilespmem:s29+$0x2FB0] =	vst v2;
	v2 =	vmul.f32 v35, v32  }
0xc2: {  	v41 =	vbroadcast v1, $0xD;
	v42 =	vld [tilespmem:s29+$0x3030];
	[tilespmem:s29+$0x2FC0] =	vst v3;
	v3 =	vmul.f32 v36, v32  }
0xc3: {  	v43 =	vld [tilespmem:s29+$0x3040];
	[tilespmem:s29+$0x2FD0] =	vst v2;
	v2 =	vmul.f32 v37, v32  }
0xc4: {  	v44 =	vld [tilespmem:s29+$0x3050];
	[tilespmem:s29+$0x2FE0] =	vst v3;
	v3 =	vmul.f32 v38, v41  }
0xc5: {  	v45 =	vld [tilespmem:s29+$0x3060];
	[tilespmem:s29+$0x2FF0] =	vst v2;
	v2 =	vmul.f32 v39, v41  }
0xc6: {  	v46 =	vld [tilespmem:s29+$0x3070];
	[tilespmem:s29+$0x3000] =	vst v3;
	v3 =	vmul.f32 v40, v41  }
0xc7: {  	v47 =	vld [tilespmem:s29+$0x3080];
	[tilespmem:s29+$0x3010] =	vst v2;
	v2 =	vmul.f32 v42, v41  }
0xc8: {  	v48 =	vld [tilespmem:s29+$0x3090];
	[tilespmem:s29+$0x3020] =	vst v3;
	v3 =	vmul.f32 v43, v41  }
0xc9: {  	v49 =	vld [tilespmem:s29+$0x30A0];
	[tilespmem:s29+$0x3030] =	vst v2;
	v2 =	vmul.f32 v44, v41  }
0xca: {  	v50 =	vbroadcast v1, $0xE;
	v51 =	vld [tilespmem:s29+$0x30B0];
	[tilespmem:s29+$0x3040] =	vst v3;
	v3 =	vmul.f32 v45, v41  }
0xcb: {  	v52 =	vld [tilespmem:s29+$0x30C0];
	[tilespmem:s29+$0x3050] =	vst v2;
	v2 =	vmul.f32 v46, v41  }
0xcc: {  	v53 =	vld [tilespmem:s29+$0x30D0];
	[tilespmem:s29+$0x3060] =	vst v3;
	v3 =	vmul.f32 v47, v50  }
0xcd: {  	v54 =	vld [tilespmem:s29+$0x30E0];
	[tilespmem:s29+$0x3070] =	vst v2;
	v2 =	vmul.f32 v48, v50  }
0xce: {  	v55 =	vld [tilespmem:s29+$0x30F0];
	[tilespmem:s29+$0x3080] =	vst v3;
	v3 =	vmul.f32 v49, v50  }
0xcf: {  	v56 =	vld [tilespmem:s29+$0x3100];
	[tilespmem:s29+$0x3090] =	vst v2;
	v2 =	vmul.f32 v51, v50  }
0xd0: {  	v57 =	vld [tilespmem:s29+$0x3110];
	[tilespmem:s29+$0x30A0] =	vst v3;
	v3 =	vmul.f32 v52, v50  }
0xd1: {  	v58 =	vld [tilespmem:s29+$0x3120];
	[tilespmem:s29+$0x30B0] =	vst v2;
	v2 =	vmul.f32 v53, v50  }
0xd2: {  	v1 =	vbroadcast v1, $0xF;
	v59 =	vld [tilespmem:s29+$0x3130];
	[tilespmem:s29+$0x30C0] =	vst v3;
	v3 =	vmul.f32 v54, v50  }
0xd3: {  	v60 =	vld [tilespmem:s29+$0x3140];
	[tilespmem:s29+$0x30D0] =	vst v2;
	v2 =	vmul.f32 v55, v50  }
0xd4: {  	v61 =	vld [tilespmem:s29+$0x3150];
	[tilespmem:s29+$0x30E0] =	vst v3;
	v3 =	vmul.f32 v56, v1  }
0xd5: {  	v62 =	vld [tilespmem:s29+$0x3160];
	[tilespmem:s29+$0x30F0] =	vst v2;
	v2 =	vmul.f32 v57, v1  }
0xd6: {  	v63 =	vld [tilespmem:s29+$0x3170];
	[tilespmem:s29+$0x3100] =	vst v3;
	v3 =	vmul.f32 v58, v1  }
0xd7: {  	[tilespmem:s29+$0x3110] =	vst v2;
	v2 =	vmul.f32 v59, v1  }
0xd8: {  	p0 =	sne.s32 s28, $0x7;
	[tilespmem:s29+$0x3120] =	vst v3;
	v3 =	vmul.f32 v60, v1  }
.Ltmp1:
0xd9: {  	[tilespmem:s29+$0x3130] =	vst v2;
	v2 =	vmul.f32 v61, v1;
	(pc) =	sbr.rel @p0 .LBB2_5-.Ltmp1, $4  }
0xda: {  	[tilespmem:s29+$0x3140] =	vst v3;
	v3 =	vmul.f32 v62, v1  }
0xdb: {  	v1 =	vmul.f32 v63, v1;
	[tilespmem:s29+$0x3150] =	vst v2  }
0xdc: {  	[tilespmem:s29+$0x3160] =	vst v3  }
0xdd: {  	s28 =	sadd.s32 $0x1, s28;
	[tilespmem:s29+$0x3170] =	vst v1  }
0xde: {  	s26 =	sadd.s32 $0x1, s26  }
0xdf: {  	p0 =	sne.s32 s26, $0x51  }
.Ltmp2:
0xe0: {  	_ = 	snop;
	(pc) =	sbr.rel @p0 .LBB2_4-.Ltmp2, $4  }
0xe1: {  	[spmem:s3] =	stream.indirect.scatter.add.f32 [tilespmem:s17], [sflag:$0x2], $0x80, s20, s22, $0xb8;
	[tilespmem:$0x1A980] =	vst v63  }
0xe2: {  	_ =	swait.ge [sflag:s18], $0x4000  }
0xe3: {  	[sflag:s18] =	ssyncset.done $0x0  }
0xe4: {  	[sflag:s18] =	ssyncadd.s32 $0xFFFFC000  }
0xe5: {  	s24 =	sadd.s32 $0x1, s24  }
0xe6: {  	s25 =	sshll.u32 s1, $0x6;
	[bflag:$0x0] =	sbarrier.arrive $0xFFFF;
	p0 =	sne.s32 s24, s16  }
.Ltmp3:
0xe7: {  	s26 =	sshrl.u32 s9, $0x3;
	s25 =	sor.u32 $0x1C02, s25;
	(pc) =	sbr.rel @p0 .LBB2_1-.Ltmp3, $4  }
0xe8: {  	[hbm:s15], [sflag:s25] =	dma.local [spmem:s26], $0x2800  }
0xe9: {  	_ =	swait.ge [sflag:s18], $0x2800  }
0xea: {  	[sflag:s18] =	ssyncset.done $0x0  }
0xeb: {  	[sflag:s18] =	ssyncadd.s32 $0xFFFFD800  }
0xec: {  	_ =	sfence.sel $0x180000  }
0xed: {  	[bflag:$0x0] =	sbarrier.arrive $0xFFFF  }
0xee: {  	p0 =	sne.s32 s1, $0x0;
	_ =	strace $0x9000004D  }
0xef: {  	s0 =	sadd.s32 @!p0 $0x100000, s0;
	[bflag:$0x2] =	sbarrier.arrive $0xFFFF  }
0xf0: {  	[sflag:s0] =	ssyncadd.tile.s32 @!p0 $0x1;
	_ =	shalt  }
.Lfunc_end2:
_tile_overlayer_lowered:
.L_overlay_start_2:
0xf1: {  	(tag) =	ssettag $0x2  }
0xf2: {  	s0 =	rddreg [dreg:$0x0];
	s2 =	stileid.u32  }
0xf3: {  	s1 =	rddreg [dreg:$0x1];
	p0 =	sne.s32 s2, $0x0  }
0xf4: {  	s3 =	rddreg [dreg:$0x2];
	[bflag:$0x3] =	sbarrier.arrive $0xFFFF;
	s2 =	simm.s32 @!p0 $0x1C02  }
0xf5: {  	[timem:s3], [sflag:s2] =	dma.local @!p0 [hbm:s0], s1  }
0xf6: {  	s0 =	simm.s32 @!p0 $0x2  }
0xf7: {  	_ =	swait.ge @!p0 [sflag:s0], s1  }
0xf8: {  	s1 =	ssub.s32 @!p0 $0x0, s1;
	[sflag:s0] =	ssyncset.done @!p0 $0x0  }
0xf9: {  	[sflag:s0] =	ssyncadd.s32 @!p0 s1  }
0xfa: {  	[bflag:$0x3] =	sbarrier.arrive $0xFFFF  }
0xfb: {  	_ =	shalt  }

// kernel: kernel.9.cloned.1.call-start
scs
__scs_entry_jumppad:
0x0: {  	(pc) =	sbr.rel $0x88, $3  }
0x1: {  	(tag) =	ssettag $0x0;
	lr =	simm.s32 $0x1  }
0x2: {  	[smem:$0x3F9A] =	sst lr;
	_ =	strace $0xD0000000  }
0x3: {  	_ = 	snop  }
0x4: {  	_ = 	snop  }
0x5: {  	_ = 	snop  }
0x6: {  	_ = 	snop  }
0x7: {  	_ = 	snop  }
__scs_overlays_trampoline_lowered:
0x8: {  	[smem:$0x3FA9] =	sst s0  }
0x9: {  	[smem:$0x3FAA] =	sst s1  }
0xa: {  	[smem:$0x3FAB] =	sst s2  }
0xb: {  	[smem:$0x3FAC] =	sst s3  }
0xc: {  	[smem:$0x3FAD] =	sst s4  }
0xd: {  	[smem:$0x3FAE] =	sst s5  }
0xe: {  	[smem:$0x3FAF] =	sst s6  }
0xf: {  	[smem:$0x3FB0] =	sst s7  }
0x10: {  	[smem:$0x3FB1] =	sst s8  }
0x11: {  	[smem:$0x3FB2] =	sst s9;
	s0 =	simm.s32 @!p0 $0x0  }
0x12: {  	s1 =	sld [smem:$0x3F98];
	s0 =	simm.s32 @p0 $0x1  }
0x13: {  	[smem:$0x3FB3] =	sst s0;
	s0 =	simm.s32 @!p1 $0x0  }
0x14: {  	s2 =	sld [smem:$0x3F97];
	s0 =	simm.s32 @p1 $0x1  }
0x15: {  	[smem:$0x3FB4] =	sst s0;
	s0 =	simm.s32 @!p2 $0x0  }
0x16: {  	s3 =	sld [smem:$0x3FDB];
	s0 =	simm.s32 @p2 $0x1  }
0x17: {  	s4 =	simm.s32 $0x1BF5;
	[smem:$0x3FB6] =	sst s0  }
0x18: {  	s0 =	sld [smem:$0x3F99];
	_ =	swait.ge [sflag:s4], $0x0  }
0x19: {  	s7 =	sld [smem:$0x3F9A]  }
0x1a: {  	s8 =	sadd.s32 $0xFFFFE003, lr  }
0x1b: {  	s9 =	sadd.s32 $0xFFFFFEF7, lr;
	s5 =	simm.s32 $0xFFFFFFFF;
	p2 =	slt.u32 s8, $0xFFFFF086  }
0x1c: {  	p1 =	slt.u32 s9, $0xF7A;
	s5 =	simm.s32 @!p2 $0x0  }
0x1d: {  	s5 =	simm.s32 @p1 $0x1;
	p0 =	seq.s32 s7, s2  }
0x1e: {  	s7 =	smul.u32 @!p0 $0xF7A, s2;
	p2 =	seq.s32 @!p0 s5, $0x0  }
0x1f: {  	s9 =	smul.u32 $0xF7A, s1;
	s8 =	simm.s32 @!p0 $0x1BF5;
	p2 =	por !p2, p0  }
0x20: {  	[sflag:s8] =	ssyncset.s32 @!p0 $0xFFFFF086;
	s6 =	sadd.s32 @!p0 s3, s7;
	s7 =	simm.s32 @!p0 $0x108  }
0x21: {  	s3 =	sadd.s32 s3, s9;
	s6 =	sadd.s32 @!p0 $0x88, s6;
	s7 =	simm.s32 @p2 $0x1082  }
0x22: {  	[simem:s7], [sflag:s8] =	dma.local @!p0 [hbm:s6], $0xF7A  }
0x23: {  	s9 =	sor.u32 $0xD0000000, s2;
	s6 =	simm.s32 $0x108;
	_ =	swait.ge @!p0 [sflag:s8], $0x0  }
0x24: {  	s3 =	sadd.s32 $0x88, s3;
	s6 =	simm.s32 @!p1 $0x1082;
	[sflag:s4] =	ssyncset.s32 $0xFFFFF086  }
0x25: {  	[simem:s6], [sflag:s4] =	dma.local [hbm:s3], $0xF7A  }
0x26: {  	[smem:$0x3F9A] =	sst s1;
	(tag) =	ssettag s2;
	_ =	strace s9  }
0x27: {  	s1 =	sld [smem:$0x3FAA]  }
0x28: {  	s2 =	sld [smem:$0x3FAB]  }
0x29: {  	s4 =	sld [smem:$0x3FAD]  }
0x2a: {  	p0 =	seq.s32 s5, $0x0;
	s5 =	sld [smem:$0x3FAE]  }
0x2b: {  	s6 =	sld [smem:$0x3FAF]  }
0x2c: {  	s7 =	sld [smem:$0x3FB0]  }
0x2d: {  	s3 =	simm.s32 $0x108;
	s8 =	sld [smem:$0x3FB1]  }
0x2e: {  	s3 =	simm.s32 @!p0 $0x1082;
	s9 =	sld [smem:$0x3FB2]  }
0x2f: {  	lr =	sadd.s32 s0, s3;
	s0 =	sld [smem:$0x3FA9]  }
0x30: {  	s3 =	sld [smem:$0x3FAC]  }
0x31: {  	[smem:$0x3FB5] =	sst s10  }
0x32: {  	s10 =	sld [smem:$0x3FB3];
	_ =	sdelay $0x3  }
0x33: {  	p0 =	seq.s32 s10, $0x1;
	s10 =	sld [smem:$0x3FB5];
	_ =	sdelay $0x3  }
0x34: {  	[smem:$0x3FB5] =	sst s10  }
0x35: {  	s10 =	sld [smem:$0x3FB4];
	_ =	sdelay $0x3  }
0x36: {  	p1 =	seq.s32 s10, $0x1;
	s10 =	sld [smem:$0x3FB5];
	_ =	sdelay $0x3  }
0x37: {  	[smem:$0x3FB5] =	sst s10  }
0x38: {  	s10 =	sld [smem:$0x3FB6]  }
0x39: {  	_ = 	snop;
	(pc) =	sbr.ind lr, $3  }
0x3a: {  	_ = 	snop  }
0x3b: {  	_ = 	snop  }
0x3c: {  	p2 =	seq.s32 s10, $0x1;
	s10 =	sld [smem:$0x3FB5]  }
0x3d: {  	_ =	shalt  }
0x3e: {  	_ =	shalt  }
0x3f: {  	_ =	shalt  }
0x40: {  	_ =	shalt  }
0x41: {  	_ =	shalt  }
0x42: {  	_ =	shalt  }
0x43: {  	_ =	shalt  }
0x44: {  	_ =	shalt  }
0x45: {  	_ =	shalt  }
0x46: {  	_ =	shalt  }
0x47: {  	_ =	shalt  }
0x48: {  	_ =	shalt  }
0x49: {  	_ =	shalt  }
0x4a: {  	_ =	shalt  }
0x4b: {  	_ =	shalt  }
0x4c: {  	_ =	shalt  }
0x4d: {  	_ =	shalt  }
0x4e: {  	_ =	shalt  }
0x4f: {  	_ =	shalt  }
0x50: {  	_ =	shalt  }
0x51: {  	_ =	shalt  }
0x52: {  	_ =	shalt  }
0x53: {  	_ =	shalt  }
0x54: {  	_ =	shalt  }
0x55: {  	_ =	shalt  }
0x56: {  	_ =	shalt  }
0x57: {  	_ =	shalt  }
0x58: {  	_ =	shalt  }
0x59: {  	_ =	shalt  }
0x5a: {  	_ =	shalt  }
0x5b: {  	_ =	shalt  }
0x5c: {  	_ =	shalt  }
0x5d: {  	_ =	shalt  }
0x5e: {  	_ =	shalt  }
0x5f: {  	_ =	shalt  }
0x60: {  	_ =	shalt  }
0x61: {  	_ =	shalt  }
0x62: {  	_ =	shalt  }
0x63: {  	_ =	shalt  }
0x64: {  	_ =	shalt  }
0x65: {  	_ =	shalt  }
0x66: {  	_ =	shalt  }
0x67: {  	_ =	shalt  }
0x68: {  	_ =	shalt  }
0x69: {  	_ =	shalt  }
0x6a: {  	_ =	shalt  }
0x6b: {  	_ =	shalt  }
0x6c: {  	_ =	shalt  }
0x6d: {  	_ =	shalt  }
0x6e: {  	_ =	shalt  }
0x6f: {  	_ =	shalt  }
0x70: {  	_ =	shalt  }
0x71: {  	_ =	shalt  }
0x72: {  	_ =	shalt  }
0x73: {  	_ =	shalt  }
0x74: {  	_ =	shalt  }
0x75: {  	_ =	shalt  }
0x76: {  	_ =	shalt  }
0x77: {  	_ =	shalt  }
0x78: {  	_ =	shalt  }
0x79: {  	_ =	shalt  }
0x7a: {  	_ =	shalt  }
0x7b: {  	_ =	shalt  }
0x7c: {  	_ =	shalt  }
0x7d: {  	_ =	shalt  }
0x7e: {  	_ =	shalt  }
0x7f: {  	_ =	shalt  }
0x80: {  	_ =	shalt  }
0x81: {  	_ =	shalt  }
0x82: {  	_ =	shalt  }
0x83: {  	_ =	shalt  }
0x84: {  	_ =	shalt  }
0x85: {  	_ =	shalt  }
0x86: {  	_ =	shalt  }
0x87: {  	_ =	shalt  }
.Lfunc_end0:
.L_simem_size_0:
called_computation_lowered:
.L_overlay_start_0:
0x88: {  	s2 =	sld [smem:$0x3FD9]  }
0x89: {  	s3 =	sld [smem:$0x3FFE];
	_ =	sdelay $0x1  }
0x8a: {  	s1 =	srdreg.scid  }
0x8b: {  	s0 =	sand.u32 $0x1, s1  }
0x8c: {  	s14 =	sshll.u32 s0, $0xA;
	s2 =	sadd.s32 s3, s2  }
0x8d: {  	s2 =	sadd.s32 s2, s14  }
0x8e: {  	[smem:$0x3FC1] =	sst s2  }
0x8f: {  	_ = 	snop  }
0x90: {  	s2 =	sld [smem:$0x3FD0];
	_ =	sdelay $0x2  }
0x91: {  	s15 =	simm.s32 $0xA;
	s4 =	simm.s32 $0x10  }
0x92: {  	[smem:s4], [sflag:s15] =	dma.local [hbm:s2], $0x1  }
0x93: {  	_ =	swait.eq [sflag:s15], $0x1  }
0x94: {  	[sflag:s15] =	ssyncset.done $0x0  }
0x95: {  	s16 =	sld [smem:$0x10];
	[sflag:s15] =	ssyncadd.s32 $0xFFFFFFFF  }
0x96: {  	s17 =	sld [smem:$0x11];
	(tm) =	ssettm $0x1  }
0x97: {  	s18 =	sld [smem:$0x3FFB];
	_ =	sdelay $0x3  }
0x98: {  	_ =	strace s18  }
0x99: {  	s4 =	sld [smem:$0x3FFC];
	_ =	sdelay $0x3  }
0x9a: {  	_ =	strace s4  }
0x9b: {  	s4 =	sld [smem:$0x3FFD];
	_ =	sdelay $0x3  }
0x9c: {  	_ =	strace s4  }
0x9d: {  	_ =	strace $0x8FFFFFFF  }
0x9e: {  	s19 =	sld [smem:$0x3FDB];
	_ =	sdelay $0x1  }
0x9f: {  	s5 =	simm.s32 $_scs_section_size  }
0xa0: {  	s6 =	simm.s32 $_size__tile_overlayer_lowered;
	s7 =	simm.s32 $_tile_overlayer_lowered  }
0xa1: {  	s22 =	simm.s32 $0x1BFF;
	s21 =	sshll.u32 s7, $0x1;
	s4 =	sadd.s32 s5, s19  }
0xa2: {  	s8 =	simm.s32 $0x0;
	s20 =	sshll.u32 s6, $0x1;
	s6 =	sadd.s32 s21, s4  }
0xa3: {  	[timem:s8], [sflag:s22] =	dma.local [hbm:s6], s20  }
0xa4: {  	_ =	swait.ge [sflag:s22], s20  }
0xa5: {  	s5 =	ssub.s32 $0x0, s20;
	[sflag:s22] =	ssyncset.done $0x0  }
0xa6: {  	[sflag:s22] =	ssyncadd.s32 s5;
	_ =	sdelay $0x1  }
0xa7: {  	s23 =	simm.s32 $0x1B8B  }
0xa8: {  	_ =	swait.ge [sflag:s23], $0x1  }
0xa9: {  	[sflag:s23] =	ssyncset.done $0x0  }
0xaa: {  	s25 =	simm.s32 $0x1B8E;
	s24 =	sld [smem:$0x3FFE];
	[sflag:s23] =	ssyncadd.s32 $0xFFFFFFFF  }
0xab: {  	s26 =	simm.s32 $execute0_lowered;
	[smem:$0x3FD2] =	sst s25  }
0xac: {  	s6 =	sshll.u32 s26, $0x1;
	_ =	strace $0x80000046;
	[dreg:$0x1] =	wrdreg $0xFFFFFFFF  }
0xad: {  	s28 =	simm.s32 $_size_execute0_lowered;
	s4 =	sadd.s32 s4, s6;
	[dreg:$0x0] =	wrdreg $0x0  }
0xae: {  	s6 =	sshll.u32 s28, $0x1;
	[dreg:$0x2] =	wrdreg s4  }
0xaf: {  	[dreg:$0x3] =	wrdreg s6  }
0xb0: {  	[dreg:$0x4] =	wrdreg $0xC0  }
0xb1: {  	_ =	task [dreg:s8], $0x5FFFF  }
0xb2: {  	[dreg:$0x1] =	wrdreg $0xFFFFFFFF  }
0xb3: {  	[dreg:$0x0] =	wrdreg $0x60  }
0xb4: {  	[dreg:$0x2] =	wrdreg s16  }
0xb5: {  	[dreg:$0x3] =	wrdreg s24  }
0xb6: {  	[dreg:$0x4] =	wrdreg s17  }
0xb7: {  	[dreg:$0x5] =	wrdreg $0x31000  }
0xb8: {  	[dreg:$0x6] =	wrdreg $0x9  }
0xb9: {  	_ =	task.clear_ibuf [dreg:s8], $0x7FFFF;
	_ =	strace $0x90000046  }
0xba: {  	s29 =	simm.s32 $0x9;
	_ =	strace $0x80000048  }
0xbb: {  	_ =	swait.ge [sflag:s29], $0x1  }
0xbc: {  	[sflag:s29] =	ssyncadd.s32 $0xFFFFFFFF  }
0xbd: {  	_ =	strace $0x90000048  }
0xbe: {  	_ =	sfence  }
0xbf: {  	s30 =	sld [smem:$0x0];
	_ =	sdelay $0x2  }
0xc0: {  	s31 =	sshll.u32 s1, $0xD;
	s1 =	sshrl.u32 s1, $0x2  }
0xc1: {  	s3 =	sand.u32 $0x4000, s31;
	s1 =	sadd.s32 s1, s30  }
0xc2: {  	s0 =	sor.u32 s3, s0;
	s1 =	sshll.u32 s1, $0x11  }
0xc3: {  	s0 =	sor.u32 s1, s0  }
0xc4: {  	s0 =	sadd.s32 $0x8F2B, s0  }
0xc5: {  	[sflag:s0] =	ssyncadd.remote.s32 $0x1  }
0xc6: {  	_ =	sfence.sel $0xFFFF  }
0xc7: {  	[dreg:$0x0] =	wrdreg $0xFFFFFFFF;
	(pc) =	sbr.abs _section_cstart, $3  }
0xc8: {  	[dreg:$0x1] =	wrdreg $0xFFFFFFFF  }
0xc9: {  	_ =	task.clear_ibuf [dreg:s8], $0x2FFFF;
	_ =	strace $0x9FFFFFFF  }
0xca: {  	(tm) =	ssettm $0x7FFFFFFF  }
0xcb: {  	_ =	shalt  }
tec
execute0_lowered:
.L_overlay_start_1:
0x0: {  	(tag) =	ssettag $0x1  }
0x1: {  	s1 =	rddreg [dreg:$0x0]  }
0x2: {  	s5 =	rddreg [dreg:$0x1]  }
0x3: {  	s8 =	rddreg [dreg:$0x2]  }
0x4: {  	s3 =	rddreg [dreg:$0x3]  }
0x5: {  	s0 =	rddreg [dreg:$0x4];
	s6 =	srdreg.scid  }
0x6: {  	s2 =	stileid.u32;
	s4 =	simm.s32 $0x0;
	s12 =	simm.s32 $0x80  }
0x7: {  	s13 =	simm.s32 $0x100;
	s16 =	simm.s32 $0x0;
	s6 =	sand.u32 $0x1, s6  }
0x8: {  	s7 =	smul.u32 $0x2800, s2;
	[smem:$0x7FF] =	sst s4;
	s5 =	sadd.s32 $0x2400, s5  }
0x9: {  	s14 =	sshll.u32 s2, $0x6;
	s9 =	smul.u32 $0x28000, s6;
	_ =	strace $0x80000047  }
0xa: {  	s10 =	ssub.s32 $0x2, s6;
	s6 =	sshll.u32 s6, $0x4;
	s14 =	sor.u32 $0x1C01, s14  }
0xb: {  	s11 =	sshrl.u32 s10, $0x1;
	s31 =	sor.u32 s2, s6;
	s6 =	sadd.s32 s7, s3  }
0xc: {  	s9 =	sadd.s32 s7, s9;
	s10 =	ssub.s32 s10, s11;
	s7 =	smul.u32 $0x51, s31  }
0xd: {  	s11 =	simm.s32 $0x1;
	s15 =	sshrl.u32 s6, $0x3;
	s9 =	sshrl.u32 s9, $0x3  }
0xe: {  	v0 =	vimm.f32 $0.0e+00;
	s8 =	sadd.s32 s8, s9;
	s9 =	smax.u32 s10, $0x1;
	s10 =	simm.s32 $0x900  }
.LBB2_1:
0xf: {  	s17 =	simm.s32 $0x40;
	s18 =	simm.s32 $0x0  }
.LBB2_2:
0x10: {  	p0 =	sne.s32 s17, $0x9FC0;
	[tilespmem:s18+$0x900] =	vst v0;
	s18 =	smov.u32 s17;
	s17 =	sadd.s32 $0x40, s17  }
.Ltmp0:
0x11: {  	(pc) =	sbr.rel @p0 .LBB2_2-.Ltmp0, $2  }
0x12: {  	_ =	sdelay $0x2  }
0x13: {  	s18 =	sshra.s32 s18, $0x2  }
0x14: {  	[tilespmem:s18+$0x900] =	vst v0  }
0x15: {  	[spmem:s6] =	stream.linear.scatter [tilespmem:s10], [sflag:$0x1], $0x2800, $0x38;
	[tilespmem:$0x5900] =	vst v63  }
0x16: {  	_ =	swait.ge [sflag:s11], $0x2800  }
0x17: {  	[sflag:s11] =	ssyncset.done $0x0  }
0x18: {  	[sflag:s11] =	ssyncadd.s32 $0xFFFFD800  }
0x19: {  	s17 =	simm.s32 $0x0;
	s18 =	simm.s32 $0x0;
	[bflag:$0x0] =	sbarrier.arrive $0xFFFF  }
.LBB2_4:
0x1a: {  	s19 =	sadd.s32 s7, s18  }
0x1b: {  	s19 =	sshll.u32 s19, $0x4  }
0x1c: {  	s20 =	sadd.s32 s1, s19  }
0x1d: {  	[tilespmem:s17], [sflag:$0x1] =	stream.linear.gather [hbm4b:s20+s17], $0x80, $0x38;
	[tilespmem:$0x5900] =	vst v63  }
0x1e: {  	_ =	swait.ge [sflag:s11], $0x80  }
0x1f: {  	[sflag:s11] =	ssyncset.done $0x0  }
0x20: {  	s19 =	sadd.s32 s5, s19;
	[sflag:s11] =	ssyncadd.s32 $0xFFFFFF80  }
0x21: {  	[tilespmem:s12], [sflag:$0x1] =	stream.linear.gather [hbm4b:s19+s17], $0x80, $0x38;
	[tilespmem:$0x5900] =	vst v63  }
0x22: {  	_ =	swait.ge [sflag:s11], $0x80  }
0x23: {  	[sflag:s11] =	ssyncset.done $0x0  }
0x24: {  	s31 =	simm.s32 $0x0;
	[sflag:s11] =	ssyncadd.s32 $0xFFFFFF80  }
0x25: {  	v1 =	vld [tilespmem:s31+$0x80];
	_ =	sdelay $0x4  }
0x26: {  	v2 =	vbroadcast v1, $0x0  }
0x27: {  	s19 =	simm.s32 $0x180;
	v3 =	vbroadcast v1, $0x1  }
0x28: {  	v4 =	vbroadcast v1, $0x2;
	[tilespmem:s19+$0xFFFFFF80] =	vst v2  }
0x29: {  	v60 =	vbroadcast v1, $0x5;
	[tilespmem:s19+$0xFFFFFF90] =	vst v3  }
0x2a: {  	v61 =	vbroadcast v1, $0x8;
	[tilespmem:s19+$0xFFFFFFA0] =	vst v4  }
0x2b: {  	v62 =	vbroadcast v1, $0xB;
	[tilespmem:s19+$0xFFFFFFD0] =	vst v60  }
0x2c: {  	v63 =	vbroadcast v1, $0xE;
	[tilespmem:s19+$0x0] =	vst v61  }
0x2d: {  	v2 =	vbroadcast v1, $0x3;
	[tilespmem:s19+$0x30] =	vst v62  }
0x2e: {  	v3 =	vbroadcast v1, $0x4;
	[tilespmem:s19+$0x60] =	vst v63  }
0x2f: {  	[tilespmem:s19+$0xFFFFFFB0] =	vst v2;
	v2 =	vbroadcast v1, $0x6  }
0x30: {  	[tilespmem:s19+$0xFFFFFFC0] =	vst v3;
	v3 =	vbroadcast v1, $0x7  }
0x31: {  	[tilespmem:s19+$0xFFFFFFE0] =	vst v2;
	v2 =	vbroadcast v1, $0x9  }
0x32: {  	[tilespmem:s19+$0xFFFFFFF0] =	vst v3;
	v3 =	vbroadcast v1, $0xA  }
0x33: {  	[tilespmem:s19+$0x10] =	vst v2;
	v2 =	vbroadcast v1, $0xC  }
0x34: {  	[tilespmem:s19+$0x20] =	vst v3;
	v3 =	vbroadcast v1, $0xD  }
0x35: {  	v1 =	vbroadcast v1, $0xF;
	[tilespmem:s19+$0x40] =	vst v2  }
0x36: {  	[tilespmem:s19+$0x50] =	vst v3  }
0x37: {  	s21 =	simm.s32 $0x10;
	s20 =	simm.s32 $0x80;
	[tilespmem:s19+$0x70] =	vst v1  }
.LBB2_5:
0x38: {  	p0 =	sne.s32 s20, $0x1C0;
	v1 =	vld [tilespmem:s21+$0x80];
	_ =	sdelay $0x4  }
0x39: {  	v2 =	vbroadcast v1, $0x0;
	v3 =	vbroadcast v1, $0x1  }
0x3a: {  	s19 =	sadd.s32 $0x100, s19;
	v4 =	vbroadcast v1, $0x2;
	v5 =	vbroadcast v1, $0x3  }
0x3b: {  	v6 =	vbroadcast v1, $0x5;
	[tilespmem:s19+$0xFFFFFF80] =	vst v2;
	v2 =	vbroadcast v1, $0x4  }
0x3c: {  	v7 =	vbroadcast v1, $0x7;
	[tilespmem:s19+$0xFFFFFF90] =	vst v3;
	v3 =	vbroadcast v1, $0x6  }
0x3d: {  	v8 =	vbroadcast v1, $0x9;
	[tilespmem:s19+$0xFFFFFFA0] =	vst v4;
	v4 =	vbroadcast v1, $0x8  }
0x3e: {  	v9 =	vbroadcast v1, $0xB;
	[tilespmem:s19+$0xFFFFFFB0] =	vst v5;
	v5 =	vbroadcast v1, $0xA  }
0x3f: {  	v10 =	vbroadcast v1, $0xD;
	[tilespmem:s19+$0xFFFFFFC0] =	vst v2;
	v2 =	vbroadcast v1, $0xC  }
0x40: {  	[tilespmem:s19+$0xFFFFFFD0] =	vst v6;
	v6 =	vbroadcast v1, $0xE;
	v1 =	vbroadcast v1, $0xF  }
0x41: {  	[tilespmem:s19+$0xFFFFFFE0] =	vst v3  }
0x42: {  	[tilespmem:s19+$0xFFFFFFF0] =	vst v7  }
0x43: {  	[tilespmem:s19+$0x0] =	vst v4  }
0x44: {  	[tilespmem:s19+$0x10] =	vst v8  }
0x45: {  	[tilespmem:s19+$0x20] =	vst v5  }
.Ltmp1:
0x46: {  	[tilespmem:s19+$0x30] =	vst v9;
	(pc) =	sbr.rel @p0 .LBB2_5-.Ltmp1, $4  }
0x47: {  	[tilespmem:s19+$0x40] =	vst v2  }
0x48: {  	[tilespmem:s19+$0x50] =	vst v10  }
0x49: {  	[tilespmem:s19+$0x60] =	vst v6  }
0x4a: {  	s21 =	sshra.s32 s20, $0x2;
	s20 =	sadd.s32 $0x40, s20;
	[tilespmem:s19+$0x70] =	vst v1  }
0x4b: {  	v1 =	vld [tilespmem:s21+$0x80];
	_ =	sdelay $0x4  }
0x4c: {  	v2 =	vbroadcast v1, $0x0  }
0x4d: {  	s19 =	sadd.s32 $0x100, s19;
	v3 =	vbroadcast v1, $0x1  }
0x4e: {  	v4 =	vbroadcast v1, $0x2;
	[tilespmem:s19+$0xFFFFFF80] =	vst v2  }
0x4f: {  	v60 =	vbroadcast v1, $0x5;
	[tilespmem:s19+$0xFFFFFF90] =	vst v3  }
0x50: {  	v61 =	vbroadcast v1, $0x8;
	[tilespmem:s19+$0xFFFFFFA0] =	vst v4  }
0x51: {  	v62 =	vbroadcast v1, $0xB;
	[tilespmem:s19+$0xFFFFFFD0] =	vst v60  }
0x52: {  	v63 =	vbroadcast v1, $0xE;
	[tilespmem:s19+$0x0] =	vst v61  }
0x53: {  	v2 =	vbroadcast v1, $0x3;
	[tilespmem:s19+$0x30] =	vst v62  }
0x54: {  	v3 =	vbroadcast v1, $0x4;
	[tilespmem:s19+$0x60] =	vst v63  }
0x55: {  	[tilespmem:s19+$0xFFFFFFB0] =	vst v2;
	v2 =	vbroadcast v1, $0x6  }
0x56: {  	[tilespmem:s19+$0xFFFFFFC0] =	vst v3;
	v3 =	vbroadcast v1, $0x7  }
0x57: {  	[tilespmem:s19+$0xFFFFFFE0] =	vst v2;
	v2 =	vbroadcast v1, $0x9  }
0x58: {  	[tilespmem:s19+$0xFFFFFFF0] =	vst v3;
	v3 =	vbroadcast v1, $0xA  }
0x59: {  	[tilespmem:s19+$0x10] =	vst v2;
	v2 =	vbroadcast v1, $0xC  }
0x5a: {  	[tilespmem:s19+$0x20] =	vst v3;
	v3 =	vbroadcast v1, $0xD  }
0x5b: {  	s18 =	sadd.s32 $0x1, s18;
	v1 =	vbroadcast v1, $0xF;
	[tilespmem:s19+$0x40] =	vst v2  }
0x5c: {  	p0 =	sne.s32 s18, $0x51;
	[tilespmem:s19+$0x50] =	vst v3  }
.Ltmp2:
0x5d: {  	[tilespmem:s19+$0x70] =	vst v1;
	(pc) =	sbr.rel @p0 .LBB2_4-.Ltmp2, $4  }
0x5e: {  	[spmem:s3] =	stream.indirect.scatter.add.f32 [tilespmem:s13], [sflag:$0x1], $0x10, s4, s12, $0xb8;
	[tilespmem:$0x5900] =	vst v63  }
0x5f: {  	_ =	swait.ge [sflag:s11], $0x800  }
0x60: {  	[sflag:s11] =	ssyncset.done $0x0  }
0x61: {  	[sflag:s11] =	ssyncadd.s32 $0xFFFFF800  }
0x62: {  	s16 =	sadd.s32 $0x1, s16  }
0x63: {  	p0 =	sne.s32 s16, s9  }
.Ltmp3:
0x64: {  	[bflag:$0x0] =	sbarrier.arrive $0xFFFF;
	(pc) =	sbr.rel @p0 .LBB2_1-.Ltmp3, $4  }
0x65: {  	[hbm:s8], [sflag:s14] =	dma.local [spmem:s15], $0x500  }
0x66: {  	_ =	swait.ge [sflag:s11], $0x500  }
0x67: {  	[sflag:s11] =	ssyncset.done $0x0  }
0x68: {  	[sflag:s11] =	ssyncadd.s32 $0xFFFFFB00  }
0x69: {  	_ =	sfence.sel $0x180000  }
0x6a: {  	[bflag:$0x0] =	sbarrier.arrive $0xFFFF  }
0x6b: {  	p0 =	sne.s32 s2, $0x0;
	_ =	strace $0x90000047  }
0x6c: {  	s0 =	sadd.s32 @!p0 $0x100000, s0;
	[bflag:$0x2] =	sbarrier.arrive $0xFFFF  }
0x6d: {  	[sflag:s0] =	ssyncadd.tile.s32 @!p0 $0x1;
	_ =	shalt  }
.Lfunc_end2:
_tile_overlayer_lowered:
.L_overlay_start_2:
0x6e: {  	(tag) =	ssettag $0x2  }
0x6f: {  	s0 =	rddreg [dreg:$0x0];
	s2 =	stileid.u32  }
0x70: {  	s1 =	rddreg [dreg:$0x1];
	p0 =	sne.s32 s2, $0x0  }
0x71: {  	s3 =	rddreg [dreg:$0x2];
	[bflag:$0x3] =	sbarrier.arrive $0xFFFF;
	s2 =	simm.s32 @!p0 $0x1C01  }
0x72: {  	[timem:s3], [sflag:s2] =	dma.local @!p0 [hbm:s0], s1  }
0x73: {  	s0 =	simm.s32 @!p0 $0x1  }
0x74: {  	_ =	swait.ge @!p0 [sflag:s0], s1  }
0x75: {  	s1 =	ssub.s32 @!p0 $0x0, s1;
	[sflag:s0] =	ssyncset.done @!p0 $0x0  }
0x76: {  	[sflag:s0] =	ssyncadd.s32 @!p0 s1  }
0x77: {  	[bflag:$0x3] =	sbarrier.arrive $0xFFFF  }
0x78: {  	_ =	shalt  }

</sc_bundles>
